<compile_context>
chip_gen: v7x
topology: tpu7x:2x2x1
jax: 0.10.2.dev20260603
libtpu: 0.0.44.dev20260713+nightly
codegen_flags: <defaults>
</compile_context>

<pallas_src>
import functools

import jax
import jax.numpy as jnp
from jax import lax
from jax.experimental import pallas as pl
from jax.experimental.pallas import tpu as pltpu
from jax.experimental.pallas import tpu_sc as plsc

HIDDEN = 1024
KEY_DIM = 64
MAX_MEM = 16384
T_LEN = 8
K = 8
NS = 16
L = 16
ROWS_PER_SUB = MAX_MEM // NS
GROUPS = ROWS_PER_SUB // L
GT = 8
NGT = GROUPS // GT
W_PER_SUB = KEY_DIM // NS
HCH = HIDDEN // L
KCHUNKS = 4
CROWS = ROWS_PER_SUB // KCHUNKS

_MESH = plsc.VectorSubcoreMesh(core_axis_name="c", subcore_axis_name="s")


@functools.partial(
    pl.kernel,
    out_type=jax.ShapeDtypeStruct((K, T_LEN, HIDDEN), jnp.float32),
    mesh=_MESH,
    compiler_params=pltpu.CompilerParams(needs_layout_passes=False),
    scratch_types=[
        pltpu.VMEM((HIDDEN,), jnp.float32),
        pltpu.VMEM((W_PER_SUB * HIDDEN,), jnp.float32),
        pltpu.VMEM((ROWS_PER_SUB * KEY_DIM,), jnp.float32),
        pltpu.VMEM((L,), jnp.float32),
        pltpu.VMEM((NS * L,), jnp.float32),
        pltpu.VMEM((KEY_DIM * L,), jnp.float32),
        pltpu.VMEM((NS * L,), jnp.float32),
        pltpu.VMEM((NS * L,), jnp.int32),
        pltpu.VMEM((L,), jnp.int32),
        pltpu.VMEM((8 * L,), jnp.int32),
        pltpu.VMEM((1, T_LEN, HIDDEN), jnp.float32),
        pltpu.VMEM_SHARED((NS * L,), jnp.float32),
        pltpu.VMEM_SHARED((NS * L,), jnp.float32),
        pltpu.VMEM_SHARED((NS * L,), jnp.int32),
        [pltpu.SemaphoreType.DMA] * KCHUNKS,
        pltpu.SemaphoreType.DMA,
    ],
)
def _retrieve(q_hbm, keys_hbm, vals_hbm, w_hbm, out_hbm,
              q_v, w_v, keys_v, tmpf_v, qkm_v, bq_v, candv_v, candi_v,
              tmpi_v, idx8_v, row_v, qk_spmem, candv_spmem, candi_spmem,
              sem_keys, sem_row):
    cid = lax.axis_index("c")
    sid = lax.axis_index("s")
    lanes = lax.iota(jnp.int32, L)
    zero16f = jnp.zeros((L,), jnp.float32)
    neg_inf = jnp.full((L,), -jnp.inf, jnp.float32)

    with jax.named_scope("stage_in"):
        pltpu.sync_copy(q_hbm, q_v)
        pltpu.sync_copy(w_hbm.at[pl.ds(sid * (W_PER_SUB * HIDDEN),
                                       W_PER_SUB * HIDDEN)], w_v)
        key_cps = [
            pltpu.async_copy(
                keys_hbm.at[pl.ds((sid * ROWS_PER_SUB + c * CROWS) * KEY_DIM,
                                  CROWS * KEY_DIM)],
                keys_v.at[pl.ds(c * CROWS * KEY_DIM, CROWS * KEY_DIM)],
                sem_keys[c])
            for c in range(KCHUNKS)
        ]

    with jax.named_scope("proj"):
        accs = [zero16f] * W_PER_SUB
        for h in range(HCH):
            qv = q_v[pl.ds(h * L, L)]
            for j in range(W_PER_SUB):
                accs[j] = accs[j] + w_v[pl.ds(j * HIDDEN + h * L, L)] * qv
        myvec = zero16f
        for j in range(W_PER_SUB):
            acc = accs[j]
            for s in (8, 4, 2, 1):
                tmpf_v[...] = acc
                acc = acc + plsc.load_gather(tmpf_v, [lanes ^ s])
            myvec = jnp.where(lanes == j, acc, myvec)
        tmpf_v[...] = myvec
        pltpu.sync_copy(tmpf_v, qk_spmem.at[pl.ds(sid * L, L)])
        plsc.subcore_barrier()
        pltpu.sync_copy(qk_spmem, qkm_v)

        def bq_body(d, _):
            qpos = (d // W_PER_SUB) * L + (d % W_PER_SUB)
            bq_v[pl.ds(d * L, L)] = plsc.load_gather(qkm_v, [lanes * 0 + qpos])
            return 0
        lax.fori_loop(0, KEY_DIM, bq_body, 0)

    def merge_sorted_desc(sv, si, rv, ri):
        take = sv > rv
        hv = jnp.where(take, sv, rv)
        hi = jnp.where(take, si, ri)
        nrv, nri = plsc.sort_key_val(hv, hi, descending=False)
        tmpf_v[...] = nrv
        nmin = plsc.load_gather(tmpf_v, [lanes * 0])
        return nrv, nri, nmin

    def maybe_merge(vals, idxs, rv, ri, rmin):
        sv, si = plsc.sort_key_val(vals, idxs, descending=True)
        return merge_sorted_desc(sv, si, rv, ri)

    def gt_body(gt, carry):
        rv, ri, rmin = carry

        def d_body(dh, accs_t):
            accs_l = list(accs_t)
            for u in range(4):
                d = dh * 4 + u
                bv = bq_v[pl.ds(d * L, L)]
                colv = lanes * KEY_DIM + d
                for gg in range(GT):
                    kv = plsc.load_gather(
                        keys_v, [colv + (gt * GT + gg) * (L * KEY_DIM)])
                    accs_l[gg] = accs_l[gg] + kv * bv
            return tuple(accs_l)
        accs = lax.fori_loop(0, KEY_DIM // 4, d_body,
                             tuple([zero16f] * GT))
        for gg in range(GT):
            gidx = sid * ROWS_PER_SUB + (gt * GT + gg) * L + lanes
            rv, ri, rmin = maybe_merge(accs[gg], gidx, rv, ri, rmin)
        return (rv, ri, rmin)

    with jax.named_scope("sims"):
        carry = (neg_inf, jnp.zeros((L,), jnp.int32), neg_inf)
        gt_per_chunk = NGT // KCHUNKS
        for c in range(KCHUNKS):
            key_cps[c].wait()
            carry = lax.fori_loop(c * gt_per_chunk, (c + 1) * gt_per_chunk,
                                  gt_body, carry)
        rv, ri, _ = carry

    with jax.named_scope("merge"):
        tmpf_v[...] = rv
        tmpi_v[...] = ri
        pltpu.sync_copy(tmpf_v, candv_spmem.at[pl.ds(sid * L, L)])
        pltpu.sync_copy(tmpi_v, candi_spmem.at[pl.ds(sid * L, L)])
        plsc.subcore_barrier()

    @pl.when(sid < K // 2)
    def _():
        with jax.named_scope("gather"):
            pltpu.sync_copy(candv_spmem, candv_v)
            pltpu.sync_copy(candi_spmem, candi_v)

            def m_body(t, carry):
                mrv, mri, mmin = carry
                sv = jnp.flip(candv_v[pl.ds(t * L, L)], 0)
                si = jnp.flip(candi_v[pl.ds(t * L, L)], 0)
                return merge_sorted_desc(sv, si, mrv, mri)

            mrv, mri, _ = lax.fori_loop(
                0, NS, m_body, (neg_inf, jnp.zeros((L,), jnp.int32), neg_inf))

            best = jnp.flip(mri, 0)
            tmpi_v[...] = best
            plsc.store_scatter(idx8_v, [lanes * 8], best)

            k_out = cid * (K // 2) + sid
            pltpu.async_copy(vals_hbm.at[idx8_v.at[pl.ds(k_out * 8, 1)]],
                             row_v, sem_row).wait()
            pltpu.sync_copy(row_v, out_hbm.at[pl.ds(k_out, 1)])


def kernel(query_hidden, keys, values, W_key, top_k):
    del top_k
    return _retrieve(query_hidden, keys.reshape(-1), values,
                     W_key.reshape(-1))

# --- scband reference (transcript-rebuilt; emitter-appended) ---
"""Pipeline reference for scband-episodic-memory-bank-5291399708742 (READ-ONLY COPY).

The authoritative reference and input builder live on the scoring server;
editing this copy changes nothing except your own understanding.
"""

import jax, jax.numpy as jnp
import numpy as np

HIDDEN = 1024
KEY_DIM = 64
MAX_MEM = 16384
T_LEN = 8
TOP_K = 8


def _l2_normalize(x, axis=-1, eps=1e-12):
    n = jnp.linalg.norm(x, axis=axis, keepdims=True)
    return x / jnp.maximum(n, eps)


def setup_inputs(seed: int = 0) -> dict:
    key = jax.random.key(seed)
    k1, k2, k3, k4 = jax.random.split(key, 4)
    query_hidden = jax.random.normal(k1, (HIDDEN,), dtype=jnp.float32)
    # Stored keys are produced by encode_key at store() time, hence L2-normalized.
    keys = jax.random.normal(k2, (MAX_MEM, KEY_DIM), dtype=jnp.float32)
    keys = _l2_normalize(keys, axis=-1)
    values = jax.random.normal(k3, (MAX_MEM, T_LEN, HIDDEN), dtype=jnp.float32)
    # nn.Linear(hidden_size, key_dim, bias=False) weight: (key_dim, hidden_size)
    W_key = jax.random.normal(k4, (KEY_DIM, HIDDEN), dtype=jnp.float32) * (1.0 / np.sqrt(HIDDEN))
    return {
        'query_hidden': query_hidden,
        'keys': keys,
        'values': values,
        'W_key': W_key,
        'top_k': TOP_K,
    }


def reference(query_hidden, keys, values, W_key, top_k):
    # encode_key: project query hidden state into key space, L2-normalize
    h = query_hidden.reshape(-1, W_key.shape[1])          # (1, D)
    qk = h @ W_key.T                                       # (1, key_dim)
    qk = _l2_normalize(qk, axis=-1)
    query_key = qk.squeeze(0)                              # (key_dim,)
    # cosine similarity against all stored (normalized) keys
    sims = keys @ query_key                                # (M,)
    _, top_indices = jax.lax.top_k(sims, TOP_K)            # (K,)
    top_indices = top_indices + jnp.asarray(top_k - top_k, dtype=top_indices.dtype)
    # gather the retrieved value sequences -> stacked (K, T, D)
    retrieved = jnp.take(values, top_indices, axis=0)
    return retrieved

if __name__ == "__main__":
    import jax
    _d = setup_inputs()
    print(jax.jit(kernel)(*tuple(_d.values())))

</pallas_src>

<mosaic_0001>
#map = affine_map<(d0, d1) -> (0)>
#map1 = affine_map<(d0, d1) -> (0, 0, 0)>
module attributes {stable_mosaic.version = 14 : i64} {
  func.func @_retrieve(%arg0: i32, %arg1: i32, %arg2: memref<1024xf32, #tpu.memory_space<hbm>>, %arg3: memref<1048576xf32, #tpu.memory_space<hbm>>, %arg4: memref<16384x8x1024xf32, #tpu.memory_space<hbm>>, %arg5: memref<65536xf32, #tpu.memory_space<hbm>>, %arg6: memref<8x8x1024xf32, #tpu.memory_space<hbm>>, %arg7: memref<1024xf32, #tpu.memory_space<vmem>>, %arg8: memref<4096xf32, #tpu.memory_space<vmem>>, %arg9: memref<65536xf32, #tpu.memory_space<vmem>>, %arg10: memref<16xf32, #tpu.memory_space<vmem>>, %arg11: memref<256xf32, #tpu.memory_space<vmem>>, %arg12: memref<1024xf32, #tpu.memory_space<vmem>>, %arg13: memref<256xf32, #tpu.memory_space<vmem>>, %arg14: memref<256xi32, #tpu.memory_space<vmem>>, %arg15: memref<16xi32, #tpu.memory_space<vmem>>, %arg16: memref<128xi32, #tpu.memory_space<vmem>>, %arg17: memref<1x8x1024xf32, #tpu.memory_space<vmem>>, %arg18: memref<256xf32, #tpu.memory_space<vmem_shared>>, %arg19: memref<256xf32, #tpu.memory_space<vmem_shared>>, %arg20: memref<256xi32, #tpu.memory_space<vmem_shared>>, %arg21: memref<!tpu.dma_semaphore, #tpu.memory_space<semaphore_mem>>, %arg22: memref<!tpu.dma_semaphore, #tpu.memory_space<semaphore_mem>>, %arg23: memref<!tpu.dma_semaphore, #tpu.memory_space<semaphore_mem>>, %arg24: memref<!tpu.dma_semaphore, #tpu.memory_space<semaphore_mem>>, %arg25: memref<!tpu.dma_semaphore, #tpu.memory_space<semaphore_mem>>) attributes {dimension_semantics = [#tpu.dimension_semantics<core_parallel>, #tpu.dimension_semantics<subcore_parallel>], iteration_bounds = array<i64: 2, 16>, scalar_prefetch = 0 : i64, scratch_operands = 19 : i64, tpu.core_type = #tpu.core_type<sc_vector_subcore>, window_params = [{transform_indices = #map}, {transform_indices = #map}, {transform_indices = #map1}, {transform_indices = #map}, {transform_indices = #map1}]} {
    %iota3A = tpu.iota {dimensions = array<i32: 0>} : vector<16xi32>
    %broadcast_in_dim3A = arith.constant 0.000000e+00 : f32
    %broadcast_in_dim3A_0 = vector.broadcast %broadcast_in_dim3A : f32 to vector<16xf32>
    %broadcast_in_dim3A_1 = arith.constant 0xFF800000 : f32
    %broadcast_in_dim3A_2 = vector.broadcast %broadcast_in_dim3A_1 : f32 to vector<16xf32>
    "tpu.trace_start"() <{level = 10 : i32, message = "stage_in"}> : () -> ()
    "tpu.region"() ({
      %run_scoped3A = tpu.sem_alloc : memref<!tpu.dma_semaphore, #tpu.memory_space<semaphore_mem>>
      tpu.enqueue_dma source(%arg2 : memref<1024xf32, #tpu.memory_space<hbm>>) target(%arg7 : memref<1024xf32, #tpu.memory_space<vmem>>) target_semaphore(%run_scoped3A : memref<!tpu.dma_semaphore, #tpu.memory_space<semaphore_mem>>)
      tpu.wait_dma2 semaphore(%run_scoped3A : memref<!tpu.dma_semaphore, #tpu.memory_space<semaphore_mem>>) src(%arg2 : memref<1024xf32, #tpu.memory_space<hbm>>) dst(%arg7 : memref<1024xf32, #tpu.memory_space<vmem>>)
      tpu.yield
    }) : () -> ()
    %mul3A = arith.constant 4096 : i32
    %mul3A_3 = arith.muli %arg1, %mul3A : i32
    "tpu.region"() ({
      %run_scoped3A = tpu.sem_alloc : memref<!tpu.dma_semaphore, #tpu.memory_space<semaphore_mem>>
      %dma_start3A_1394 = tpu.memref_slice %arg5[%mul3A_3] : memref<65536xf32, #tpu.memory_space<hbm>> -> memref<4096xf32, #tpu.memory_space<hbm>>
      %dma_start3A_1395 = tpu.memref_slice %arg5[%mul3A_3] : memref<65536xf32, #tpu.memory_space<hbm>> -> memref<4096xf32, #tpu.memory_space<hbm>>
      tpu.enqueue_dma source(%dma_start3A_1395 : memref<4096xf32, #tpu.memory_space<hbm>>) target(%arg8 : memref<4096xf32, #tpu.memory_space<vmem>>) target_semaphore(%run_scoped3A : memref<!tpu.dma_semaphore, #tpu.memory_space<semaphore_mem>>)
      %dma_wait3A_1396 = tpu.memref_slice %arg5[%mul3A_3] : memref<65536xf32, #tpu.memory_space<hbm>> -> memref<4096xf32, #tpu.memory_space<hbm>>
      %dma_wait3A_1397 = tpu.memref_slice %arg5[%mul3A_3] : memref<65536xf32, #tpu.memory_space<hbm>> -> memref<4096xf32, #tpu.memory_space<hbm>>
      tpu.wait_dma2 semaphore(%run_scoped3A : memref<!tpu.dma_semaphore, #tpu.memory_space<semaphore_mem>>) src(%dma_wait3A_1397 : memref<4096xf32, #tpu.memory_space<hbm>>) dst(%arg8 : memref<4096xf32, #tpu.memory_space<vmem>>)
      tpu.yield
    }) : () -> ()
    %mul3A_4 = arith.constant 1024 : i32
    %mul3A_5 = arith.muli %arg1, %mul3A_4 : i32
    %add3A = arith.constant 0 : i32
    %add3A_6 = arith.addi %mul3A_5, %add3A : i32
    %mul3A_7 = arith.constant 64 : i32
    %mul3A_8 = arith.muli %add3A_6, %mul3A_7 : i32
    %dma_start3A = arith.constant 0 : i32
    %dma_start3A_9 = tpu.memref_slice %arg9[%dma_start3A] : memref<65536xf32, #tpu.memory_space<vmem>> -> memref<16384xf32, #tpu.memory_space<vmem>>
    %dma_start3A_10 = tpu.memref_slice %arg3[%mul3A_8] : memref<1048576xf32, #tpu.memory_space<hbm>> -> memref<16384xf32, #tpu.memory_space<hbm>>
    %dma_start3A_11 = arith.constant 0 : i32
    %dma_start3A_12 = tpu.memref_slice %arg9[%dma_start3A_11] : memref<65536xf32, #tpu.memory_space<vmem>> -> memref<16384xf32, #tpu.memory_space<vmem>>
    %dma_start3A_13 = tpu.memref_slice %arg3[%mul3A_8] : memref<1048576xf32, #tpu.memory_space<hbm>> -> memref<16384xf32, #tpu.memory_space<hbm>>
    tpu.enqueue_dma source(%dma_start3A_13 : memref<16384xf32, #tpu.memory_space<hbm>>) target(%dma_start3A_12 : memref<16384xf32, #tpu.memory_space<vmem>>) target_semaphore(%arg21 : memref<!tpu.dma_semaphore, #tpu.memory_space<semaphore_mem>>)
    %mul3A_14 = arith.constant 1024 : i32
    %mul3A_15 = arith.muli %arg1, %mul3A_14 : i32
    %add3A_16 = arith.constant 256 : i32
    %add3A_17 = arith.addi %mul3A_15, %add3A_16 : i32
    %mul3A_18 = arith.constant 64 : i32
    %mul3A_19 = arith.muli %add3A_17, %mul3A_18 : i32
    %dma_start3A_20 = arith.constant 16384 : i32
    %dma_start3A_21 = tpu.memref_slice %arg9[%dma_start3A_20] : memref<65536xf32, #tpu.memory_space<vmem>> -> memref<16384xf32, #tpu.memory_space<vmem>>
    %dma_start3A_22 = tpu.memref_slice %arg3[%mul3A_19] : memref<1048576xf32, #tpu.memory_space<hbm>> -> memref<16384xf32, #tpu.memory_space<hbm>>
    %dma_start3A_23 = arith.constant 16384 : i32
    %dma_start3A_24 = tpu.memref_slice %arg9[%dma_start3A_23] : memref<65536xf32, #tpu.memory_space<vmem>> -> memref<16384xf32, #tpu.memory_space<vmem>>
    %dma_start3A_25 = tpu.memref_slice %arg3[%mul3A_19] : memref<1048576xf32, #tpu.memory_space<hbm>> -> memref<16384xf32, #tpu.memory_space<hbm>>
    tpu.enqueue_dma source(%dma_start3A_25 : memref<16384xf32, #tpu.memory_space<hbm>>) target(%dma_start3A_24 : memref<16384xf32, #tpu.memory_space<vmem>>) target_semaphore(%arg22 : memref<!tpu.dma_semaphore, #tpu.memory_space<semaphore_mem>>)
    %mul3A_26 = arith.constant 1024 : i32
    %mul3A_27 = arith.muli %arg1, %mul3A_26 : i32
    %add3A_28 = arith.constant 512 : i32
    %add3A_29 = arith.addi %mul3A_27, %add3A_28 : i32
    %mul3A_30 = arith.constant 64 : i32
    %mul3A_31 = arith.muli %add3A_29, %mul3A_30 : i32
    %dma_start3A_32 = arith.constant 32768 : i32
    %dma_start3A_33 = tpu.memref_slice %arg9[%dma_start3A_32] : memref<65536xf32, #tpu.memory_space<vmem>> -> memref<16384xf32, #tpu.memory_space<vmem>>
    %dma_start3A_34 = tpu.memref_slice %arg3[%mul3A_31] : memref<1048576xf32, #tpu.memory_space<hbm>> -> memref<16384xf32, #tpu.memory_space<hbm>>
    %dma_start3A_35 = arith.constant 32768 : i32
    %dma_start3A_36 = tpu.memref_slice %arg9[%dma_start3A_35] : memref<65536xf32, #tpu.memory_space<vmem>> -> memref<16384xf32, #tpu.memory_space<vmem>>
    %dma_start3A_37 = tpu.memref_slice %arg3[%mul3A_31] : memref<1048576xf32, #tpu.memory_space<hbm>> -> memref<16384xf32, #tpu.memory_space<hbm>>
    tpu.enqueue_dma source(%dma_start3A_37 : memref<16384xf32, #tpu.memory_space<hbm>>) target(%dma_start3A_36 : memref<16384xf32, #tpu.memory_space<vmem>>) target_semaphore(%arg23 : memref<!tpu.dma_semaphore, #tpu.memory_space<semaphore_mem>>)
    %mul3A_38 = arith.constant 1024 : i32
    %mul3A_39 = arith.muli %arg1, %mul3A_38 : i32
    %add3A_40 = arith.constant 768 : i32
    %add3A_41 = arith.addi %mul3A_39, %add3A_40 : i32
    %mul3A_42 = arith.constant 64 : i32
    %mul3A_43 = arith.muli %add3A_41, %mul3A_42 : i32
    %dma_start3A_44 = arith.constant 49152 : i32
    %dma_start3A_45 = tpu.memref_slice %arg9[%dma_start3A_44] : memref<65536xf32, #tpu.memory_space<vmem>> -> memref<16384xf32, #tpu.memory_space<vmem>>
    %dma_start3A_46 = tpu.memref_slice %arg3[%mul3A_43] : memref<1048576xf32, #tpu.memory_space<hbm>> -> memref<16384xf32, #tpu.memory_space<hbm>>
    %dma_start3A_47 = arith.constant 49152 : i32
    %dma_start3A_48 = tpu.memref_slice %arg9[%dma_start3A_47] : memref<65536xf32, #tpu.memory_space<vmem>> -> memref<16384xf32, #tpu.memory_space<vmem>>
    %dma_start3A_49 = tpu.memref_slice %arg3[%mul3A_43] : memref<1048576xf32, #tpu.memory_space<hbm>> -> memref<16384xf32, #tpu.memory_space<hbm>>
    tpu.enqueue_dma source(%dma_start3A_49 : memref<16384xf32, #tpu.memory_space<hbm>>) target(%dma_start3A_48 : memref<16384xf32, #tpu.memory_space<vmem>>) target_semaphore(%arg24 : memref<!tpu.dma_semaphore, #tpu.memory_space<semaphore_mem>>)
    "tpu.trace_stop"() : () -> ()
    "tpu.trace_start"() <{level = 10 : i32, message = "proj"}> : () -> ()
    %get3A = arith.constant 0 : index
    %get3A_50 = tpu.vector_load %arg7[%get3A] {strides = array<i32>} : memref<1024xf32, #tpu.memory_space<vmem>>, vector<16xf32>,
    %get3A_51 = arith.constant 0 : index
    %get3A_52 = tpu.vector_load %arg8[%get3A_51] {strides = array<i32>} : memref<4096xf32, #tpu.memory_space<vmem>>, vector<16xf32>,
    %mul3A_53 = arith.mulf %get3A_52, %get3A_50 : vector<16xf32>
    %add3A_54 = arith.addf %broadcast_in_dim3A_0, %mul3A_53 : vector<16xf32>
    %get3A_55 = arith.constant 1024 : index
    %get3A_56 = tpu.vector_load %arg8[%get3A_55] {strides = array<i32>} : memref<4096xf32, #tpu.memory_space<vmem>>, vector<16xf32>,
    %mul3A_57 = arith.mulf %get3A_56, %get3A_50 : vector<16xf32>
    %add3A_58 = arith.addf %broadcast_in_dim3A_0, %mul3A_57 : vector<16xf32>
    %get3A_59 = arith.constant 2048 : index
    %get3A_60 = tpu.vector_load %arg8[%get3A_59] {strides = array<i32>} : memref<4096xf32, #tpu.memory_space<vmem>>, vector<16xf32>,
    %mul3A_61 = arith.mulf %get3A_60, %get3A_50 : vector<16xf32>
    %add3A_62 = arith.addf %broadcast_in_dim3A_0, %mul3A_61 : vector<16xf32>
    %get3A_63 = arith.constant 3072 : index
    %get3A_64 = tpu.vector_load %arg8[%get3A_63] {strides = array<i32>} : memref<4096xf32, #tpu.memory_space<vmem>>, vector<16xf32>,
    %mul3A_65 = arith.mulf %get3A_64, %get3A_50 : vector<16xf32>
    %add3A_66 = arith.addf %broadcast_in_dim3A_0, %mul3A_65 : vector<16xf32>
    %get3A_67 = arith.constant 16 : index
    %get3A_68 = tpu.vector_load %arg7[%get3A_67] {strides = array<i32>} : memref<1024xf32, #tpu.memory_space<vmem>>, vector<16xf32>,
    %get3A_69 = arith.constant 16 : index
    %get3A_70 = tpu.vector_load %arg8[%get3A_69] {strides = array<i32>} : memref<4096xf32, #tpu.memory_space<vmem>>, vector<16xf32>,
    %mul3A_71 = arith.mulf %get3A_70, %get3A_68 : vector<16xf32>
    %add3A_72 = arith.addf %add3A_54, %mul3A_71 : vector<16xf32>
    %get3A_73 = arith.constant 1040 : index
    %get3A_74 = tpu.vector_load %arg8[%get3A_73] {strides = array<i32>} : memref<4096xf32, #tpu.memory_space<vmem>>, vector<16xf32>,
    %mul3A_75 = arith.mulf %get3A_74, %get3A_68 : vector<16xf32>
    %add3A_76 = arith.addf %add3A_58, %mul3A_75 : vector<16xf32>
    %get3A_77 = arith.constant 2064 : index
    %get3A_78 = tpu.vector_load %arg8[%get3A_77] {strides = array<i32>} : memref<4096xf32, #tpu.memory_space<vmem>>, vector<16xf32>,
    %mul3A_79 = arith.mulf %get3A_78, %get3A_68 : vector<16xf32>
    %add3A_80 = arith.addf %add3A_62, %mul3A_79 : vector<16xf32>
    %get3A_81 = arith.constant 3088 : index
    %get3A_82 = tpu.vector_load %arg8[%get3A_81] {strides = array<i32>} : memref<4096xf32, #tpu.memory_space<vmem>>, vector<16xf32>,
    %mul3A_83 = arith.mulf %get3A_82, %get3A_68 : vector<16xf32>
    %add3A_84 = arith.addf %add3A_66, %mul3A_83 : vector<16xf32>
    %get3A_85 = arith.constant 32 : index
    %get3A_86 = tpu.vector_load %arg7[%get3A_85] {strides = array<i32>} : memref<1024xf32, #tpu.memory_space<vmem>>, vector<16xf32>,
    %get3A_87 = arith.constant 32 : index
    %get3A_88 = tpu.vector_load %arg8[%get3A_87] {strides = array<i32>} : memref<4096xf32, #tpu.memory_space<vmem>>, vector<16xf32>,
    %mul3A_89 = arith.mulf %get3A_88, %get3A_86 : vector<16xf32>
    %add3A_90 = arith.addf %add3A_72, %mul3A_89 : vector<16xf32>
    %get3A_91 = arith.constant 1056 : index
    %get3A_92 = tpu.vector_load %arg8[%get3A_91] {strides = array<i32>} : memref<4096xf32, #tpu.memory_space<vmem>>, vector<16xf32>,
    %mul3A_93 = arith.mulf %get3A_92, %get3A_86 : vector<16xf32>
    %add3A_94 = arith.addf %add3A_76, %mul3A_93 : vector<16xf32>
    %get3A_95 = arith.constant 2080 : index
    %get3A_96 = tpu.vector_load %arg8[%get3A_95] {strides = array<i32>} : memref<4096xf32, #tpu.memory_space<vmem>>, vector<16xf32>,
    %mul3A_97 = arith.mulf %get3A_96, %get3A_86 : vector<16xf32>
    %add3A_98 = arith.addf %add3A_80, %mul3A_97 : vector<16xf32>
    %get3A_99 = arith.constant 3104 : index
    %get3A_100 = tpu.vector_load %arg8[%get3A_99] {strides = array<i32>} : memref<4096xf32, #tpu.memory_space<vmem>>, vector<16xf32>,
    %mul3A_101 = arith.mulf %get3A_100, %get3A_86 : vector<16xf32>
    %add3A_102 = arith.addf %add3A_84, %mul3A_101 : vector<16xf32>
    %get3A_103 = arith.constant 48 : index
    %get3A_104 = tpu.vector_load %arg7[%get3A_103] {strides = array<i32>} : memref<1024xf32, #tpu.memory_space<vmem>>, vector<16xf32>,
    %get3A_105 = arith.constant 48 : index
    %get3A_106 = tpu.vector_load %arg8[%get3A_105] {strides = array<i32>} : memref<4096xf32, #tpu.memory_space<vmem>>, vector<16xf32>,
    %mul3A_107 = arith.mulf %get3A_106, %get3A_104 : vector<16xf32>
    %add3A_108 = arith.addf %add3A_90, %mul3A_107 : vector<16xf32>
    %get3A_109 = arith.constant 1072 : index
    %get3A_110 = tpu.vector_load %arg8[%get3A_109] {strides = array<i32>} : memref<4096xf32, #tpu.memory_space<vmem>>, vector<16xf32>,
    %mul3A_111 = arith.mulf %get3A_110, %get3A_104 : vector<16xf32>
    %add3A_112 = arith.addf %add3A_94, %mul3A_111 : vector<16xf32>
    %get3A_113 = arith.constant 2096 : index
    %get3A_114 = tpu.vector_load %arg8[%get3A_113] {strides = array<i32>} : memref<4096xf32, #tpu.memory_space<vmem>>, vector<16xf32>,
    %mul3A_115 = arith.mulf %get3A_114, %get3A_104 : vector<16xf32>
    %add3A_116 = arith.addf %add3A_98, %mul3A_115 : vector<16xf32>
    %get3A_117 = arith.constant 3120 : index
    %get3A_118 = tpu.vector_load %arg8[%get3A_117] {strides = array<i32>} : memref<4096xf32, #tpu.memory_space<vmem>>, vector<16xf32>,
    %mul3A_119 = arith.mulf %get3A_118, %get3A_104 : vector<16xf32>
    %add3A_120 = arith.addf %add3A_102, %mul3A_119 : vector<16xf32>
    %get3A_121 = arith.constant 64 : index
    %get3A_122 = tpu.vector_load %arg7[%get3A_121] {strides = array<i32>} : memref<1024xf32, #tpu.memory_space<vmem>>, vector<16xf32>,
    %get3A_123 = arith.constant 64 : index
    %get3A_124 = tpu.vector_load %arg8[%get3A_123] {strides = array<i32>} : memref<4096xf32, #tpu.memory_space<vmem>>, vector<16xf32>,
    %mul3A_125 = arith.mulf %get3A_124, %get3A_122 : vector<16xf32>
    %add3A_126 = arith.addf %add3A_108, %mul3A_125 : vector<16xf32>
    %get3A_127 = arith.constant 1088 : index
    %get3A_128 = tpu.vector_load %arg8[%get3A_127] {strides = array<i32>} : memref<4096xf32, #tpu.memory_space<vmem>>, vector<16xf32>,
    %mul3A_129 = arith.mulf %get3A_128, %get3A_122 : vector<16xf32>
    %add3A_130 = arith.addf %add3A_112, %mul3A_129 : vector<16xf32>
    %get3A_131 = arith.constant 2112 : index
    %get3A_132 = tpu.vector_load %arg8[%get3A_131] {strides = array<i32>} : memref<4096xf32, #tpu.memory_space<vmem>>, vector<16xf32>,
    %mul3A_133 = arith.mulf %get3A_132, %get3A_122 : vector<16xf32>
    %add3A_134 = arith.addf %add3A_116, %mul3A_133 : vector<16xf32>
    %get3A_135 = arith.constant 3136 : index
    %get3A_136 = tpu.vector_load %arg8[%get3A_135] {strides = array<i32>} : memref<4096xf32, #tpu.memory_space<vmem>>, vector<16xf32>,
    %mul3A_137 = arith.mulf %get3A_136, %get3A_122 : vector<16xf32>
    %add3A_138 = arith.addf %add3A_120, %mul3A_137 : vector<16xf32>
    %get3A_139 = arith.constant 80 : index
    %get3A_140 = tpu.vector_load %arg7[%get3A_139] {strides = array<i32>} : memref<1024xf32, #tpu.memory_space<vmem>>, vector<16xf32>,
    %get3A_141 = arith.constant 80 : index
    %get3A_142 = tpu.vector_load %arg8[%get3A_141] {strides = array<i32>} : memref<4096xf32, #tpu.memory_space<vmem>>, vector<16xf32>,
    %mul3A_143 = arith.mulf %get3A_142, %get3A_140 : vector<16xf32>
    %add3A_144 = arith.addf %add3A_126, %mul3A_143 : vector<16xf32>
    %get3A_145 = arith.constant 1104 : index
    %get3A_146 = tpu.vector_load %arg8[%get3A_145] {strides = array<i32>} : memref<4096xf32, #tpu.memory_space<vmem>>, vector<16xf32>,
    %mul3A_147 = arith.mulf %get3A_146, %get3A_140 : vector<16xf32>
    %add3A_148 = arith.addf %add3A_130, %mul3A_147 : vector<16xf32>
    %get3A_149 = arith.constant 2128 : index
    %get3A_150 = tpu.vector_load %arg8[%get3A_149] {strides = array<i32>} : memref<4096xf32, #tpu.memory_space<vmem>>, vector<16xf32>,
    %mul3A_151 = arith.mulf %get3A_150, %get3A_140 : vector<16xf32>
    %add3A_152 = arith.addf %add3A_134, %mul3A_151 : vector<16xf32>
    %get3A_153 = arith.constant 3152 : index
    %get3A_154 = tpu.vector_load %arg8[%get3A_153] {strides = array<i32>} : memref<4096xf32, #tpu.memory_space<vmem>>, vector<16xf32>,
    %mul3A_155 = arith.mulf %get3A_154, %get3A_140 : vector<16xf32>
    %add3A_156 = arith.addf %add3A_138, %mul3A_155 : vector<16xf32>
    %get3A_157 = arith.constant 96 : index
    %get3A_158 = tpu.vector_load %arg7[%get3A_157] {strides = array<i32>} : memref<1024xf32, #tpu.memory_space<vmem>>, vector<16xf32>,
    %get3A_159 = arith.constant 96 : index
    %get3A_160 = tpu.vector_load %arg8[%get3A_159] {strides = array<i32>} : memref<4096xf32, #tpu.memory_space<vmem>>, vector<16xf32>,
    %mul3A_161 = arith.mulf %get3A_160, %get3A_158 : vector<16xf32>
    %add3A_162 = arith.addf %add3A_144, %mul3A_161 : vector<16xf32>
    %get3A_163 = arith.constant 1120 : index
    %get3A_164 = tpu.vector_load %arg8[%get3A_163] {strides = array<i32>} : memref<4096xf32, #tpu.memory_space<vmem>>, vector<16xf32>,
    %mul3A_165 = arith.mulf %get3A_164, %get3A_158 : vector<16xf32>
    %add3A_166 = arith.addf %add3A_148, %mul3A_165 : vector<16xf32>
    %get3A_167 = arith.constant 2144 : index
    %get3A_168 = tpu.vector_load %arg8[%get3A_167] {strides = array<i32>} : memref<4096xf32, #tpu.memory_space<vmem>>, vector<16xf32>,
    %mul3A_169 = arith.mulf %get3A_168, %get3A_158 : vector<16xf32>
    %add3A_170 = arith.addf %add3A_152, %mul3A_169 : vector<16xf32>
    %get3A_171 = arith.constant 3168 : index
    %get3A_172 = tpu.vector_load %arg8[%get3A_171] {strides = array<i32>} : memref<4096xf32, #tpu.memory_space<vmem>>, vector<16xf32>,
    %mul3A_173 = arith.mulf %get3A_172, %get3A_158 : vector<16xf32>
    %add3A_174 = arith.addf %add3A_156, %mul3A_173 : vector<16xf32>
    %get3A_175 = arith.constant 112 : index
    %get3A_176 = tpu.vector_load %arg7[%get3A_175] {strides = array<i32>} : memref<1024xf32, #tpu.memory_space<vmem>>, vector<16xf32>,
    %get3A_177 = arith.constant 112 : index
    %get3A_178 = tpu.vector_load %arg8[%get3A_177] {strides = array<i32>} : memref<4096xf32, #tpu.memory_space<vmem>>, vector<16xf32>,
    %mul3A_179 = arith.mulf %get3A_178, %get3A_176 : vector<16xf32>
    %add3A_180 = arith.addf %add3A_162, %mul3A_179 : vector<16xf32>
    %get3A_181 = arith.constant 1136 : index
    %get3A_182 = tpu.vector_load %arg8[%get3A_181] {strides = array<i32>} : memref<4096xf32, #tpu.memory_space<vmem>>, vector<16xf32>,
    %mul3A_183 = arith.mulf %get3A_182, %get3A_176 : vector<16xf32>
    %add3A_184 = arith.addf %add3A_166, %mul3A_183 : vector<16xf32>
    %get3A_185 = arith.constant 2160 : index
    %get3A_186 = tpu.vector_load %arg8[%get3A_185] {strides = array<i32>} : memref<4096xf32, #tpu.memory_space<vmem>>, vector<16xf32>,
    %mul3A_187 = arith.mulf %get3A_186, %get3A_176 : vector<16xf32>
    %add3A_188 = arith.addf %add3A_170, %mul3A_187 : vector<16xf32>
    %get3A_189 = arith.constant 3184 : index
    %get3A_190 = tpu.vector_load %arg8[%get3A_189] {strides = array<i32>} : memref<4096xf32, #tpu.memory_space<vmem>>, vector<16xf32>,
    %mul3A_191 = arith.mulf %get3A_190, %get3A_176 : vector<16xf32>
    %add3A_192 = arith.addf %add3A_174, %mul3A_191 : vector<16xf32>
    %get3A_193 = arith.constant 128 : index
    %get3A_194 = tpu.vector_load %arg7[%get3A_193] {strides = array<i32>} : memref<1024xf32, #tpu.memory_space<vmem>>, vector<16xf32>,
    %get3A_195 = arith.constant 128 : index
    %get3A_196 = tpu.vector_load %arg8[%get3A_195] {strides = array<i32>} : memref<4096xf32, #tpu.memory_space<vmem>>, vector<16xf32>,
    %mul3A_197 = arith.mulf %get3A_196, %get3A_194 : vector<16xf32>
    %add3A_198 = arith.addf %add3A_180, %mul3A_197 : vector<16xf32>
    %get3A_199 = arith.constant 1152 : index
    %get3A_200 = tpu.vector_load %arg8[%get3A_199] {strides = array<i32>} : memref<4096xf32, #tpu.memory_space<vmem>>, vector<16xf32>,
    %mul3A_201 = arith.mulf %get3A_200, %get3A_194 : vector<16xf32>
    %add3A_202 = arith.addf %add3A_184, %mul3A_201 : vector<16xf32>
    %get3A_203 = arith.constant 2176 : index
    %get3A_204 = tpu.vector_load %arg8[%get3A_203] {strides = array<i32>} : memref<4096xf32, #tpu.memory_space<vmem>>, vector<16xf32>,
    %mul3A_205 = arith.mulf %get3A_204, %get3A_194 : vector<16xf32>
    %add3A_206 = arith.addf %add3A_188, %mul3A_205 : vector<16xf32>
    %get3A_207 = arith.constant 3200 : index
    %get3A_208 = tpu.vector_load %arg8[%get3A_207] {strides = array<i32>} : memref<4096xf32, #tpu.memory_space<vmem>>, vector<16xf32>,
    %mul3A_209 = arith.mulf %get3A_208, %get3A_194 : vector<16xf32>
    %add3A_210 = arith.addf %add3A_192, %mul3A_209 : vector<16xf32>
    %get3A_211 = arith.constant 144 : index
    %get3A_212 = tpu.vector_load %arg7[%get3A_211] {strides = array<i32>} : memref<1024xf32, #tpu.memory_space<vmem>>, vector<16xf32>,
    %get3A_213 = arith.constant 144 : index
    %get3A_214 = tpu.vector_load %arg8[%get3A_213] {strides = array<i32>} : memref<4096xf32, #tpu.memory_space<vmem>>, vector<16xf32>,
    %mul3A_215 = arith.mulf %get3A_214, %get3A_212 : vector<16xf32>
    %add3A_216 = arith.addf %add3A_198, %mul3A_215 : vector<16xf32>
    %get3A_217 = arith.constant 1168 : index
    %get3A_218 = tpu.vector_load %arg8[%get3A_217] {strides = array<i32>} : memref<4096xf32, #tpu.memory_space<vmem>>, vector<16xf32>,
    %mul3A_219 = arith.mulf %get3A_218, %get3A_212 : vector<16xf32>
    %add3A_220 = arith.addf %add3A_202, %mul3A_219 : vector<16xf32>
    %get3A_221 = arith.constant 2192 : index
    %get3A_222 = tpu.vector_load %arg8[%get3A_221] {strides = array<i32>} : memref<4096xf32, #tpu.memory_space<vmem>>, vector<16xf32>,
    %mul3A_223 = arith.mulf %get3A_222, %get3A_212 : vector<16xf32>
    %add3A_224 = arith.addf %add3A_206, %mul3A_223 : vector<16xf32>
    %get3A_225 = arith.constant 3216 : index
    %get3A_226 = tpu.vector_load %arg8[%get3A_225] {strides = array<i32>} : memref<4096xf32, #tpu.memory_space<vmem>>, vector<16xf32>,
    %mul3A_227 = arith.mulf %get3A_226, %get3A_212 : vector<16xf32>
    %add3A_228 = arith.addf %add3A_210, %mul3A_227 : vector<16xf32>
    %get3A_229 = arith.constant 160 : index
    %get3A_230 = tpu.vector_load %arg7[%get3A_229] {strides = array<i32>} : memref<1024xf32, #tpu.memory_space<vmem>>, vector<16xf32>,
    %get3A_231 = arith.constant 160 : index
    %get3A_232 = tpu.vector_load %arg8[%get3A_231] {strides = array<i32>} : memref<4096xf32, #tpu.memory_space<vmem>>, vector<16xf32>,
    %mul3A_233 = arith.mulf %get3A_232, %get3A_230 : vector<16xf32>
    %add3A_234 = arith.addf %add3A_216, %mul3A_233 : vector<16xf32>
    %get3A_235 = arith.constant 1184 : index
    %get3A_236 = tpu.vector_load %arg8[%get3A_235] {strides = array<i32>} : memref<4096xf32, #tpu.memory_space<vmem>>, vector<16xf32>,
    %mul3A_237 = arith.mulf %get3A_236, %get3A_230 : vector<16xf32>
    %add3A_238 = arith.addf %add3A_220, %mul3A_237 : vector<16xf32>
    %get3A_239 = arith.constant 2208 : index
    %get3A_240 = tpu.vector_load %arg8[%get3A_239] {strides = array<i32>} : memref<4096xf32, #tpu.memory_space<vmem>>, vector<16xf32>,
    %mul3A_241 = arith.mulf %get3A_240, %get3A_230 : vector<16xf32>
    %add3A_242 = arith.addf %add3A_224, %mul3A_241 : vector<16xf32>
    %get3A_243 = arith.constant 3232 : index
    %get3A_244 = tpu.vector_load %arg8[%get3A_243] {strides = array<i32>} : memref<4096xf32, #tpu.memory_space<vmem>>, vector<16xf32>,
    %mul3A_245 = arith.mulf %get3A_244, %get3A_230 : vector<16xf32>
    %add3A_246 = arith.addf %add3A_228, %mul3A_245 : vector<16xf32>
    %get3A_247 = arith.constant 176 : index
    %get3A_248 = tpu.vector_load %arg7[%get3A_247] {strides = array<i32>} : memref<1024xf32, #tpu.memory_space<vmem>>, vector<16xf32>,
    %get3A_249 = arith.constant 176 : index
    %get3A_250 = tpu.vector_load %arg8[%get3A_249] {strides = array<i32>} : memref<4096xf32, #tpu.memory_space<vmem>>, vector<16xf32>,
    %mul3A_251 = arith.mulf %get3A_250, %get3A_248 : vector<16xf32>
    %add3A_252 = arith.addf %add3A_234, %mul3A_251 : vector<16xf32>
    %get3A_253 = arith.constant 1200 : index
    %get3A_254 = tpu.vector_load %arg8[%get3A_253] {strides = array<i32>} : memref<4096xf32, #tpu.memory_space<vmem>>, vector<16xf32>,
    %mul3A_255 = arith.mulf %get3A_254, %get3A_248 : vector<16xf32>
    %add3A_256 = arith.addf %add3A_238, %mul3A_255 : vector<16xf32>
    %get3A_257 = arith.constant 2224 : index
    %get3A_258 = tpu.vector_load %arg8[%get3A_257] {strides = array<i32>} : memref<4096xf32, #tpu.memory_space<vmem>>, vector<16xf32>,
    %mul3A_259 = arith.mulf %get3A_258, %get3A_248 : vector<16xf32>
    %add3A_260 = arith.addf %add3A_242, %mul3A_259 : vector<16xf32>
    %get3A_261 = arith.constant 3248 : index
    %get3A_262 = tpu.vector_load %arg8[%get3A_261] {strides = array<i32>} : memref<4096xf32, #tpu.memory_space<vmem>>, vector<16xf32>,
    %mul3A_263 = arith.mulf %get3A_262, %get3A_248 : vector<16xf32>
    %add3A_264 = arith.addf %add3A_246, %mul3A_263 : vector<16xf32>
    %get3A_265 = arith.constant 192 : index
    %get3A_266 = tpu.vector_load %arg7[%get3A_265] {strides = array<i32>} : memref<1024xf32, #tpu.memory_space<vmem>>, vector<16xf32>,
    %get3A_267 = arith.constant 192 : index
    %get3A_268 = tpu.vector_load %arg8[%get3A_267] {strides = array<i32>} : memref<4096xf32, #tpu.memory_space<vmem>>, vector<16xf32>,
    %mul3A_269 = arith.mulf %get3A_268, %get3A_266 : vector<16xf32>
    %add3A_270 = arith.addf %add3A_252, %mul3A_269 : vector<16xf32>
    %get3A_271 = arith.constant 1216 : index
    %get3A_272 = tpu.vector_load %arg8[%get3A_271] {strides = array<i32>} : memref<4096xf32, #tpu.memory_space<vmem>>, vector<16xf32>,
    %mul3A_273 = arith.mulf %get3A_272, %get3A_266 : vector<16xf32>
    %add3A_274 = arith.addf %add3A_256, %mul3A_273 : vector<16xf32>
    %get3A_275 = arith.constant 2240 : index
    %get3A_276 = tpu.vector_load %arg8[%get3A_275] {strides = array<i32>} : memref<4096xf32, #tpu.memory_space<vmem>>, vector<16xf32>,
    %mul3A_277 = arith.mulf %get3A_276, %get3A_266 : vector<16xf32>
    %add3A_278 = arith.addf %add3A_260, %mul3A_277 : vector<16xf32>
    %get3A_279 = arith.constant 3264 : index
    %get3A_280 = tpu.vector_load %arg8[%get3A_279] {strides = array<i32>} : memref<4096xf32, #tpu.memory_space<vmem>>, vector<16xf32>,
    %mul3A_281 = arith.mulf %get3A_280, %get3A_266 : vector<16xf32>
    %add3A_282 = arith.addf %add3A_264, %mul3A_281 : vector<16xf32>
    %get3A_283 = arith.constant 208 : index
    %get3A_284 = tpu.vector_load %arg7[%get3A_283] {strides = array<i32>} : memref<1024xf32, #tpu.memory_space<vmem>>, vector<16xf32>,
    %get3A_285 = arith.constant 208 : index
    %get3A_286 = tpu.vector_load %arg8[%get3A_285] {strides = array<i32>} : memref<4096xf32, #tpu.memory_space<vmem>>, vector<16xf32>,
    %mul3A_287 = arith.mulf %get3A_286, %get3A_284 : vector<16xf32>
    %add3A_288 = arith.addf %add3A_270, %mul3A_287 : vector<16xf32>
    %get3A_289 = arith.constant 1232 : index
    %get3A_290 = tpu.vector_load %arg8[%get3A_289] {strides = array<i32>} : memref<4096xf32, #tpu.memory_space<vmem>>, vector<16xf32>,
    %mul3A_291 = arith.mulf %get3A_290, %get3A_284 : vector<16xf32>
    %add3A_292 = arith.addf %add3A_274, %mul3A_291 : vector<16xf32>
    %get3A_293 = arith.constant 2256 : index
    %get3A_294 = tpu.vector_load %arg8[%get3A_293] {strides = array<i32>} : memref<4096xf32, #tpu.memory_space<vmem>>, vector<16xf32>,
    %mul3A_295 = arith.mulf %get3A_294, %get3A_284 : vector<16xf32>
    %add3A_296 = arith.addf %add3A_278, %mul3A_295 : vector<16xf32>
    %get3A_297 = arith.constant 3280 : index
    %get3A_298 = tpu.vector_load %arg8[%get3A_297] {strides = array<i32>} : memref<4096xf32, #tpu.memory_space<vmem>>, vector<16xf32>,
    %mul3A_299 = arith.mulf %get3A_298, %get3A_284 : vector<16xf32>
    %add3A_300 = arith.addf %add3A_282, %mul3A_299 : vector<16xf32>
    %get3A_301 = arith.constant 224 : index
    %get3A_302 = tpu.vector_load %arg7[%get3A_301] {strides = array<i32>} : memref<1024xf32, #tpu.memory_space<vmem>>, vector<16xf32>,
    %get3A_303 = arith.constant 224 : index
    %get3A_304 = tpu.vector_load %arg8[%get3A_303] {strides = array<i32>} : memref<4096xf32, #tpu.memory_space<vmem>>, vector<16xf32>,
    %mul3A_305 = arith.mulf %get3A_304, %get3A_302 : vector<16xf32>
    %add3A_306 = arith.addf %add3A_288, %mul3A_305 : vector<16xf32>
    %get3A_307 = arith.constant 1248 : index
    %get3A_308 = tpu.vector_load %arg8[%get3A_307] {strides = array<i32>} : memref<4096xf32, #tpu.memory_space<vmem>>, vector<16xf32>,
    %mul3A_309 = arith.mulf %get3A_308, %get3A_302 : vector<16xf32>
    %add3A_310 = arith.addf %add3A_292, %mul3A_309 : vector<16xf32>
    %get3A_311 = arith.constant 2272 : index
    %get3A_312 = tpu.vector_load %arg8[%get3A_311] {strides = array<i32>} : memref<4096xf32, #tpu.memory_space<vmem>>, vector<16xf32>,
    %mul3A_313 = arith.mulf %get3A_312, %get3A_302 : vector<16xf32>
    %add3A_314 = arith.addf %add3A_296, %mul3A_313 : vector<16xf32>
    %get3A_315 = arith.constant 3296 : index
    %get3A_316 = tpu.vector_load %arg8[%get3A_315] {strides = array<i32>} : memref<4096xf32, #tpu.memory_space<vmem>>, vector<16xf32>,
    %mul3A_317 = arith.mulf %get3A_316, %get3A_302 : vector<16xf32>
    %add3A_318 = arith.addf %add3A_300, %mul3A_317 : vector<16xf32>
    %get3A_319 = arith.constant 240 : index
    %get3A_320 = tpu.vector_load %arg7[%get3A_319] {strides = array<i32>} : memref<1024xf32, #tpu.memory_space<vmem>>, vector<16xf32>,
    %get3A_321 = arith.constant 240 : index
    %get3A_322 = tpu.vector_load %arg8[%get3A_321] {strides = array<i32>} : memref<4096xf32, #tpu.memory_space<vmem>>, vector<16xf32>,
    %mul3A_323 = arith.mulf %get3A_322, %get3A_320 : vector<16xf32>
    %add3A_324 = arith.addf %add3A_306, %mul3A_323 : vector<16xf32>
    %get3A_325 = arith.constant 1264 : index
    %get3A_326 = tpu.vector_load %arg8[%get3A_325] {strides = array<i32>} : memref<4096xf32, #tpu.memory_space<vmem>>, vector<16xf32>,
    %mul3A_327 = arith.mulf %get3A_326, %get3A_320 : vector<16xf32>
    %add3A_328 = arith.addf %add3A_310, %mul3A_327 : vector<16xf32>
    %get3A_329 = arith.constant 2288 : index
    %get3A_330 = tpu.vector_load %arg8[%get3A_329] {strides = array<i32>} : memref<4096xf32, #tpu.memory_space<vmem>>, vector<16xf32>,
    %mul3A_331 = arith.mulf %get3A_330, %get3A_320 : vector<16xf32>
    %add3A_332 = arith.addf %add3A_314, %mul3A_331 : vector<16xf32>
    %get3A_333 = arith.constant 3312 : index
    %get3A_334 = tpu.vector_load %arg8[%get3A_333] {strides = array<i32>} : memref<4096xf32, #tpu.memory_space<vmem>>, vector<16xf32>,
    %mul3A_335 = arith.mulf %get3A_334, %get3A_320 : vector<16xf32>
    %add3A_336 = arith.addf %add3A_318, %mul3A_335 : vector<16xf32>
    %get3A_337 = arith.constant 256 : index
    %get3A_338 = tpu.vector_load %arg7[%get3A_337] {strides = array<i32>} : memref<1024xf32, #tpu.memory_space<vmem>>, vector<16xf32>,
    %get3A_339 = arith.constant 256 : index
    %get3A_340 = tpu.vector_load %arg8[%get3A_339] {strides = array<i32>} : memref<4096xf32, #tpu.memory_space<vmem>>, vector<16xf32>,
    %mul3A_341 = arith.mulf %get3A_340, %get3A_338 : vector<16xf32>
    %add3A_342 = arith.addf %add3A_324, %mul3A_341 : vector<16xf32>
    %get3A_343 = arith.constant 1280 : index
    %get3A_344 = tpu.vector_load %arg8[%get3A_343] {strides = array<i32>} : memref<4096xf32, #tpu.memory_space<vmem>>, vector<16xf32>,
    %mul3A_345 = arith.mulf %get3A_344, %get3A_338 : vector<16xf32>
    %add3A_346 = arith.addf %add3A_328, %mul3A_345 : vector<16xf32>
    %get3A_347 = arith.constant 2304 : index
    %get3A_348 = tpu.vector_load %arg8[%get3A_347] {strides = array<i32>} : memref<4096xf32, #tpu.memory_space<vmem>>, vector<16xf32>,
    %mul3A_349 = arith.mulf %get3A_348, %get3A_338 : vector<16xf32>
    %add3A_350 = arith.addf %add3A_332, %mul3A_349 : vector<16xf32>
    %get3A_351 = arith.constant 3328 : index
    %get3A_352 = tpu.vector_load %arg8[%get3A_351] {strides = array<i32>} : memref<4096xf32, #tpu.memory_space<vmem>>, vector<16xf32>,
    %mul3A_353 = arith.mulf %get3A_352, %get3A_338 : vector<16xf32>
    %add3A_354 = arith.addf %add3A_336, %mul3A_353 : vector<16xf32>
    %get3A_355 = arith.constant 272 : index
    %get3A_356 = tpu.vector_load %arg7[%get3A_355] {strides = array<i32>} : memref<1024xf32, #tpu.memory_space<vmem>>, vector<16xf32>,
    %get3A_357 = arith.constant 272 : index
    %get3A_358 = tpu.vector_load %arg8[%get3A_357] {strides = array<i32>} : memref<4096xf32, #tpu.memory_space<vmem>>, vector<16xf32>,
    %mul3A_359 = arith.mulf %get3A_358, %get3A_356 : vector<16xf32>
    %add3A_360 = arith.addf %add3A_342, %mul3A_359 : vector<16xf32>
    %get3A_361 = arith.constant 1296 : index
    %get3A_362 = tpu.vector_load %arg8[%get3A_361] {strides = array<i32>} : memref<4096xf32, #tpu.memory_space<vmem>>, vector<16xf32>,
    %mul3A_363 = arith.mulf %get3A_362, %get3A_356 : vector<16xf32>
    %add3A_364 = arith.addf %add3A_346, %mul3A_363 : vector<16xf32>
    %get3A_365 = arith.constant 2320 : index
    %get3A_366 = tpu.vector_load %arg8[%get3A_365] {strides = array<i32>} : memref<4096xf32, #tpu.memory_space<vmem>>, vector<16xf32>,
    %mul3A_367 = arith.mulf %get3A_366, %get3A_356 : vector<16xf32>
    %add3A_368 = arith.addf %add3A_350, %mul3A_367 : vector<16xf32>
    %get3A_369 = arith.constant 3344 : index
    %get3A_370 = tpu.vector_load %arg8[%get3A_369] {strides = array<i32>} : memref<4096xf32, #tpu.memory_space<vmem>>, vector<16xf32>,
    %mul3A_371 = arith.mulf %get3A_370, %get3A_356 : vector<16xf32>
    %add3A_372 = arith.addf %add3A_354, %mul3A_371 : vector<16xf32>
    %get3A_373 = arith.constant 288 : index
    %get3A_374 = tpu.vector_load %arg7[%get3A_373] {strides = array<i32>} : memref<1024xf32, #tpu.memory_space<vmem>>, vector<16xf32>,
    %get3A_375 = arith.constant 288 : index
    %get3A_376 = tpu.vector_load %arg8[%get3A_375] {strides = array<i32>} : memref<4096xf32, #tpu.memory_space<vmem>>, vector<16xf32>,
    %mul3A_377 = arith.mulf %get3A_376, %get3A_374 : vector<16xf32>
    %add3A_378 = arith.addf %add3A_360, %mul3A_377 : vector<16xf32>
    %get3A_379 = arith.constant 1312 : index
    %get3A_380 = tpu.vector_load %arg8[%get3A_379] {strides = array<i32>} : memref<4096xf32, #tpu.memory_space<vmem>>, vector<16xf32>,
    %mul3A_381 = arith.mulf %get3A_380, %get3A_374 : vector<16xf32>
    %add3A_382 = arith.addf %add3A_364, %mul3A_381 : vector<16xf32>
    %get3A_383 = arith.constant 2336 : index
    %get3A_384 = tpu.vector_load %arg8[%get3A_383] {strides = array<i32>} : memref<4096xf32, #tpu.memory_space<vmem>>, vector<16xf32>,
    %mul3A_385 = arith.mulf %get3A_384, %get3A_374 : vector<16xf32>
    %add3A_386 = arith.addf %add3A_368, %mul3A_385 : vector<16xf32>
    %get3A_387 = arith.constant 3360 : index
    %get3A_388 = tpu.vector_load %arg8[%get3A_387] {strides = array<i32>} : memref<4096xf32, #tpu.memory_space<vmem>>, vector<16xf32>,
    %mul3A_389 = arith.mulf %get3A_388, %get3A_374 : vector<16xf32>
    %add3A_390 = arith.addf %add3A_372, %mul3A_389 : vector<16xf32>
    %get3A_391 = arith.constant 304 : index
    %get3A_392 = tpu.vector_load %arg7[%get3A_391] {strides = array<i32>} : memref<1024xf32, #tpu.memory_space<vmem>>, vector<16xf32>,
    %get3A_393 = arith.constant 304 : index
    %get3A_394 = tpu.vector_load %arg8[%get3A_393] {strides = array<i32>} : memref<4096xf32, #tpu.memory_space<vmem>>, vector<16xf32>,
    %mul3A_395 = arith.mulf %get3A_394, %get3A_392 : vector<16xf32>
    %add3A_396 = arith.addf %add3A_378, %mul3A_395 : vector<16xf32>
    %get3A_397 = arith.constant 1328 : index
    %get3A_398 = tpu.vector_load %arg8[%get3A_397] {strides = array<i32>} : memref<4096xf32, #tpu.memory_space<vmem>>, vector<16xf32>,
    %mul3A_399 = arith.mulf %get3A_398, %get3A_392 : vector<16xf32>
    %add3A_400 = arith.addf %add3A_382, %mul3A_399 : vector<16xf32>
    %get3A_401 = arith.constant 2352 : index
    %get3A_402 = tpu.vector_load %arg8[%get3A_401] {strides = array<i32>} : memref<4096xf32, #tpu.memory_space<vmem>>, vector<16xf32>,
    %mul3A_403 = arith.mulf %get3A_402, %get3A_392 : vector<16xf32>
    %add3A_404 = arith.addf %add3A_386, %mul3A_403 : vector<16xf32>
    %get3A_405 = arith.constant 3376 : index
    %get3A_406 = tpu.vector_load %arg8[%get3A_405] {strides = array<i32>} : memref<4096xf32, #tpu.memory_space<vmem>>, vector<16xf32>,
    %mul3A_407 = arith.mulf %get3A_406, %get3A_392 : vector<16xf32>
    %add3A_408 = arith.addf %add3A_390, %mul3A_407 : vector<16xf32>
    %get3A_409 = arith.constant 320 : index
    %get3A_410 = tpu.vector_load %arg7[%get3A_409] {strides = array<i32>} : memref<1024xf32, #tpu.memory_space<vmem>>, vector<16xf32>,
    %get3A_411 = arith.constant 320 : index
    %get3A_412 = tpu.vector_load %arg8[%get3A_411] {strides = array<i32>} : memref<4096xf32, #tpu.memory_space<vmem>>, vector<16xf32>,
    %mul3A_413 = arith.mulf %get3A_412, %get3A_410 : vector<16xf32>
    %add3A_414 = arith.addf %add3A_396, %mul3A_413 : vector<16xf32>
    %get3A_415 = arith.constant 1344 : index
    %get3A_416 = tpu.vector_load %arg8[%get3A_415] {strides = array<i32>} : memref<4096xf32, #tpu.memory_space<vmem>>, vector<16xf32>,
    %mul3A_417 = arith.mulf %get3A_416, %get3A_410 : vector<16xf32>
    %add3A_418 = arith.addf %add3A_400, %mul3A_417 : vector<16xf32>
    %get3A_419 = arith.constant 2368 : index
    %get3A_420 = tpu.vector_load %arg8[%get3A_419] {strides = array<i32>} : memref<4096xf32, #tpu.memory_space<vmem>>, vector<16xf32>,
    %mul3A_421 = arith.mulf %get3A_420, %get3A_410 : vector<16xf32>
    %add3A_422 = arith.addf %add3A_404, %mul3A_421 : vector<16xf32>
    %get3A_423 = arith.constant 3392 : index
    %get3A_424 = tpu.vector_load %arg8[%get3A_423] {strides = array<i32>} : memref<4096xf32, #tpu.memory_space<vmem>>, vector<16xf32>,
    %mul3A_425 = arith.mulf %get3A_424, %get3A_410 : vector<16xf32>
    %add3A_426 = arith.addf %add3A_408, %mul3A_425 : vector<16xf32>
    %get3A_427 = arith.constant 336 : index
    %get3A_428 = tpu.vector_load %arg7[%get3A_427] {strides = array<i32>} : memref<1024xf32, #tpu.memory_space<vmem>>, vector<16xf32>,
    %get3A_429 = arith.constant 336 : index
    %get3A_430 = tpu.vector_load %arg8[%get3A_429] {strides = array<i32>} : memref<4096xf32, #tpu.memory_space<vmem>>, vector<16xf32>,
    %mul3A_431 = arith.mulf %get3A_430, %get3A_428 : vector<16xf32>
    %add3A_432 = arith.addf %add3A_414, %mul3A_431 : vector<16xf32>
    %get3A_433 = arith.constant 1360 : index
    %get3A_434 = tpu.vector_load %arg8[%get3A_433] {strides = array<i32>} : memref<4096xf32, #tpu.memory_space<vmem>>, vector<16xf32>,
    %mul3A_435 = arith.mulf %get3A_434, %get3A_428 : vector<16xf32>
    %add3A_436 = arith.addf %add3A_418, %mul3A_435 : vector<16xf32>
    %get3A_437 = arith.constant 2384 : index
    %get3A_438 = tpu.vector_load %arg8[%get3A_437] {strides = array<i32>} : memref<4096xf32, #tpu.memory_space<vmem>>, vector<16xf32>,
    %mul3A_439 = arith.mulf %get3A_438, %get3A_428 : vector<16xf32>
    %add3A_440 = arith.addf %add3A_422, %mul3A_439 : vector<16xf32>
    %get3A_441 = arith.constant 3408 : index
    %get3A_442 = tpu.vector_load %arg8[%get3A_441] {strides = array<i32>} : memref<4096xf32, #tpu.memory_space<vmem>>, vector<16xf32>,
    %mul3A_443 = arith.mulf %get3A_442, %get3A_428 : vector<16xf32>
    %add3A_444 = arith.addf %add3A_426, %mul3A_443 : vector<16xf32>
    %get3A_445 = arith.constant 352 : index
    %get3A_446 = tpu.vector_load %arg7[%get3A_445] {strides = array<i32>} : memref<1024xf32, #tpu.memory_space<vmem>>, vector<16xf32>,
    %get3A_447 = arith.constant 352 : index
    %get3A_448 = tpu.vector_load %arg8[%get3A_447] {strides = array<i32>} : memref<4096xf32, #tpu.memory_space<vmem>>, vector<16xf32>,
    %mul3A_449 = arith.mulf %get3A_448, %get3A_446 : vector<16xf32>
    %add3A_450 = arith.addf %add3A_432, %mul3A_449 : vector<16xf32>
    %get3A_451 = arith.constant 1376 : index
    %get3A_452 = tpu.vector_load %arg8[%get3A_451] {strides = array<i32>} : memref<4096xf32, #tpu.memory_space<vmem>>, vector<16xf32>,
    %mul3A_453 = arith.mulf %get3A_452, %get3A_446 : vector<16xf32>
    %add3A_454 = arith.addf %add3A_436, %mul3A_453 : vector<16xf32>
    %get3A_455 = arith.constant 2400 : index
    %get3A_456 = tpu.vector_load %arg8[%get3A_455] {strides = array<i32>} : memref<4096xf32, #tpu.memory_space<vmem>>, vector<16xf32>,
    %mul3A_457 = arith.mulf %get3A_456, %get3A_446 : vector<16xf32>
    %add3A_458 = arith.addf %add3A_440, %mul3A_457 : vector<16xf32>
    %get3A_459 = arith.constant 3424 : index
    %get3A_460 = tpu.vector_load %arg8[%get3A_459] {strides = array<i32>} : memref<4096xf32, #tpu.memory_space<vmem>>, vector<16xf32>,
    %mul3A_461 = arith.mulf %get3A_460, %get3A_446 : vector<16xf32>
    %add3A_462 = arith.addf %add3A_444, %mul3A_461 : vector<16xf32>
    %get3A_463 = arith.constant 368 : index
    %get3A_464 = tpu.vector_load %arg7[%get3A_463] {strides = array<i32>} : memref<1024xf32, #tpu.memory_space<vmem>>, vector<16xf32>,
    %get3A_465 = arith.constant 368 : index
    %get3A_466 = tpu.vector_load %arg8[%get3A_465] {strides = array<i32>} : memref<4096xf32, #tpu.memory_space<vmem>>, vector<16xf32>,
    %mul3A_467 = arith.mulf %get3A_466, %get3A_464 : vector<16xf32>
    %add3A_468 = arith.addf %add3A_450, %mul3A_467 : vector<16xf32>
    %get3A_469 = arith.constant 1392 : index
    %get3A_470 = tpu.vector_load %arg8[%get3A_469] {strides = array<i32>} : memref<4096xf32, #tpu.memory_space<vmem>>, vector<16xf32>,
    %mul3A_471 = arith.mulf %get3A_470, %get3A_464 : vector<16xf32>
    %add3A_472 = arith.addf %add3A_454, %mul3A_471 : vector<16xf32>
    %get3A_473 = arith.constant 2416 : index
    %get3A_474 = tpu.vector_load %arg8[%get3A_473] {strides = array<i32>} : memref<4096xf32, #tpu.memory_space<vmem>>, vector<16xf32>,
    %mul3A_475 = arith.mulf %get3A_474, %get3A_464 : vector<16xf32>
    %add3A_476 = arith.addf %add3A_458, %mul3A_475 : vector<16xf32>
    %get3A_477 = arith.constant 3440 : index
    %get3A_478 = tpu.vector_load %arg8[%get3A_477] {strides = array<i32>} : memref<4096xf32, #tpu.memory_space<vmem>>, vector<16xf32>,
    %mul3A_479 = arith.mulf %get3A_478, %get3A_464 : vector<16xf32>
    %add3A_480 = arith.addf %add3A_462, %mul3A_479 : vector<16xf32>
    %get3A_481 = arith.constant 384 : index
    %get3A_482 = tpu.vector_load %arg7[%get3A_481] {strides = array<i32>} : memref<1024xf32, #tpu.memory_space<vmem>>, vector<16xf32>,
    %get3A_483 = arith.constant 384 : index
    %get3A_484 = tpu.vector_load %arg8[%get3A_483] {strides = array<i32>} : memref<4096xf32, #tpu.memory_space<vmem>>, vector<16xf32>,
    %mul3A_485 = arith.mulf %get3A_484, %get3A_482 : vector<16xf32>
    %add3A_486 = arith.addf %add3A_468, %mul3A_485 : vector<16xf32>
    %get3A_487 = arith.constant 1408 : index
    %get3A_488 = tpu.vector_load %arg8[%get3A_487] {strides = array<i32>} : memref<4096xf32, #tpu.memory_space<vmem>>, vector<16xf32>,
    %mul3A_489 = arith.mulf %get3A_488, %get3A_482 : vector<16xf32>
    %add3A_490 = arith.addf %add3A_472, %mul3A_489 : vector<16xf32>
    %get3A_491 = arith.constant 2432 : index
    %get3A_492 = tpu.vector_load %arg8[%get3A_491] {strides = array<i32>} : memref<4096xf32, #tpu.memory_space<vmem>>, vector<16xf32>,
    %mul3A_493 = arith.mulf %get3A_492, %get3A_482 : vector<16xf32>
    %add3A_494 = arith.addf %add3A_476, %mul3A_493 : vector<16xf32>
    %get3A_495 = arith.constant 3456 : index
    %get3A_496 = tpu.vector_load %arg8[%get3A_495] {strides = array<i32>} : memref<4096xf32, #tpu.memory_space<vmem>>, vector<16xf32>,
    %mul3A_497 = arith.mulf %get3A_496, %get3A_482 : vector<16xf32>
    %add3A_498 = arith.addf %add3A_480, %mul3A_497 : vector<16xf32>
    %get3A_499 = arith.constant 400 : index
    %get3A_500 = tpu.vector_load %arg7[%get3A_499] {strides = array<i32>} : memref<1024xf32, #tpu.memory_space<vmem>>, vector<16xf32>,
    %get3A_501 = arith.constant 400 : index
    %get3A_502 = tpu.vector_load %arg8[%get3A_501] {strides = array<i32>} : memref<4096xf32, #tpu.memory_space<vmem>>, vector<16xf32>,
    %mul3A_503 = arith.mulf %get3A_502, %get3A_500 : vector<16xf32>
    %add3A_504 = arith.addf %add3A_486, %mul3A_503 : vector<16xf32>
    %get3A_505 = arith.constant 1424 : index
    %get3A_506 = tpu.vector_load %arg8[%get3A_505] {strides = array<i32>} : memref<4096xf32, #tpu.memory_space<vmem>>, vector<16xf32>,
    %mul3A_507 = arith.mulf %get3A_506, %get3A_500 : vector<16xf32>
    %add3A_508 = arith.addf %add3A_490, %mul3A_507 : vector<16xf32>
    %get3A_509 = arith.constant 2448 : index
    %get3A_510 = tpu.vector_load %arg8[%get3A_509] {strides = array<i32>} : memref<4096xf32, #tpu.memory_space<vmem>>, vector<16xf32>,
    %mul3A_511 = arith.mulf %get3A_510, %get3A_500 : vector<16xf32>
    %add3A_512 = arith.addf %add3A_494, %mul3A_511 : vector<16xf32>
    %get3A_513 = arith.constant 3472 : index
    %get3A_514 = tpu.vector_load %arg8[%get3A_513] {strides = array<i32>} : memref<4096xf32, #tpu.memory_space<vmem>>, vector<16xf32>,
    %mul3A_515 = arith.mulf %get3A_514, %get3A_500 : vector<16xf32>
    %add3A_516 = arith.addf %add3A_498, %mul3A_515 : vector<16xf32>
    %get3A_517 = arith.constant 416 : index
    %get3A_518 = tpu.vector_load %arg7[%get3A_517] {strides = array<i32>} : memref<1024xf32, #tpu.memory_space<vmem>>, vector<16xf32>,
    %get3A_519 = arith.constant 416 : index
    %get3A_520 = tpu.vector_load %arg8[%get3A_519] {strides = array<i32>} : memref<4096xf32, #tpu.memory_space<vmem>>, vector<16xf32>,
    %mul3A_521 = arith.mulf %get3A_520, %get3A_518 : vector<16xf32>
    %add3A_522 = arith.addf %add3A_504, %mul3A_521 : vector<16xf32>
    %get3A_523 = arith.constant 1440 : index
    %get3A_524 = tpu.vector_load %arg8[%get3A_523] {strides = array<i32>} : memref<4096xf32, #tpu.memory_space<vmem>>, vector<16xf32>,
    %mul3A_525 = arith.mulf %get3A_524, %get3A_518 : vector<16xf32>
    %add3A_526 = arith.addf %add3A_508, %mul3A_525 : vector<16xf32>
    %get3A_527 = arith.constant 2464 : index
    %get3A_528 = tpu.vector_load %arg8[%get3A_527] {strides = array<i32>} : memref<4096xf32, #tpu.memory_space<vmem>>, vector<16xf32>,
    %mul3A_529 = arith.mulf %get3A_528, %get3A_518 : vector<16xf32>
    %add3A_530 = arith.addf %add3A_512, %mul3A_529 : vector<16xf32>
    %get3A_531 = arith.constant 3488 : index
    %get3A_532 = tpu.vector_load %arg8[%get3A_531] {strides = array<i32>} : memref<4096xf32, #tpu.memory_space<vmem>>, vector<16xf32>,
    %mul3A_533 = arith.mulf %get3A_532, %get3A_518 : vector<16xf32>
    %add3A_534 = arith.addf %add3A_516, %mul3A_533 : vector<16xf32>
    %get3A_535 = arith.constant 432 : index
    %get3A_536 = tpu.vector_load %arg7[%get3A_535] {strides = array<i32>} : memref<1024xf32, #tpu.memory_space<vmem>>, vector<16xf32>,
    %get3A_537 = arith.constant 432 : index
    %get3A_538 = tpu.vector_load %arg8[%get3A_537] {strides = array<i32>} : memref<4096xf32, #tpu.memory_space<vmem>>, vector<16xf32>,
    %mul3A_539 = arith.mulf %get3A_538, %get3A_536 : vector<16xf32>
    %add3A_540 = arith.addf %add3A_522, %mul3A_539 : vector<16xf32>
    %get3A_541 = arith.constant 1456 : index
    %get3A_542 = tpu.vector_load %arg8[%get3A_541] {strides = array<i32>} : memref<4096xf32, #tpu.memory_space<vmem>>, vector<16xf32>,
    %mul3A_543 = arith.mulf %get3A_542, %get3A_536 : vector<16xf32>
    %add3A_544 = arith.addf %add3A_526, %mul3A_543 : vector<16xf32>
    %get3A_545 = arith.constant 2480 : index
    %get3A_546 = tpu.vector_load %arg8[%get3A_545] {strides = array<i32>} : memref<4096xf32, #tpu.memory_space<vmem>>, vector<16xf32>,
    %mul3A_547 = arith.mulf %get3A_546, %get3A_536 : vector<16xf32>
    %add3A_548 = arith.addf %add3A_530, %mul3A_547 : vector<16xf32>
    %get3A_549 = arith.constant 3504 : index
    %get3A_550 = tpu.vector_load %arg8[%get3A_549] {strides = array<i32>} : memref<4096xf32, #tpu.memory_space<vmem>>, vector<16xf32>,
    %mul3A_551 = arith.mulf %get3A_550, %get3A_536 : vector<16xf32>
    %add3A_552 = arith.addf %add3A_534, %mul3A_551 : vector<16xf32>
    %get3A_553 = arith.constant 448 : index
    %get3A_554 = tpu.vector_load %arg7[%get3A_553] {strides = array<i32>} : memref<1024xf32, #tpu.memory_space<vmem>>, vector<16xf32>,
    %get3A_555 = arith.constant 448 : index
    %get3A_556 = tpu.vector_load %arg8[%get3A_555] {strides = array<i32>} : memref<4096xf32, #tpu.memory_space<vmem>>, vector<16xf32>,
    %mul3A_557 = arith.mulf %get3A_556, %get3A_554 : vector<16xf32>
    %add3A_558 = arith.addf %add3A_540, %mul3A_557 : vector<16xf32>
    %get3A_559 = arith.constant 1472 : index
    %get3A_560 = tpu.vector_load %arg8[%get3A_559] {strides = array<i32>} : memref<4096xf32, #tpu.memory_space<vmem>>, vector<16xf32>,
    %mul3A_561 = arith.mulf %get3A_560, %get3A_554 : vector<16xf32>
    %add3A_562 = arith.addf %add3A_544, %mul3A_561 : vector<16xf32>
    %get3A_563 = arith.constant 2496 : index
    %get3A_564 = tpu.vector_load %arg8[%get3A_563] {strides = array<i32>} : memref<4096xf32, #tpu.memory_space<vmem>>, vector<16xf32>,
    %mul3A_565 = arith.mulf %get3A_564, %get3A_554 : vector<16xf32>
    %add3A_566 = arith.addf %add3A_548, %mul3A_565 : vector<16xf32>
    %get3A_567 = arith.constant 3520 : index
    %get3A_568 = tpu.vector_load %arg8[%get3A_567] {strides = array<i32>} : memref<4096xf32, #tpu.memory_space<vmem>>, vector<16xf32>,
    %mul3A_569 = arith.mulf %get3A_568, %get3A_554 : vector<16xf32>
    %add3A_570 = arith.addf %add3A_552, %mul3A_569 : vector<16xf32>
    %get3A_571 = arith.constant 464 : index
    %get3A_572 = tpu.vector_load %arg7[%get3A_571] {strides = array<i32>} : memref<1024xf32, #tpu.memory_space<vmem>>, vector<16xf32>,
    %get3A_573 = arith.constant 464 : index
    %get3A_574 = tpu.vector_load %arg8[%get3A_573] {strides = array<i32>} : memref<4096xf32, #tpu.memory_space<vmem>>, vector<16xf32>,
    %mul3A_575 = arith.mulf %get3A_574, %get3A_572 : vector<16xf32>
    %add3A_576 = arith.addf %add3A_558, %mul3A_575 : vector<16xf32>
    %get3A_577 = arith.constant 1488 : index
    %get3A_578 = tpu.vector_load %arg8[%get3A_577] {strides = array<i32>} : memref<4096xf32, #tpu.memory_space<vmem>>, vector<16xf32>,
    %mul3A_579 = arith.mulf %get3A_578, %get3A_572 : vector<16xf32>
    %add3A_580 = arith.addf %add3A_562, %mul3A_579 : vector<16xf32>
    %get3A_581 = arith.constant 2512 : index
    %get3A_582 = tpu.vector_load %arg8[%get3A_581] {strides = array<i32>} : memref<4096xf32, #tpu.memory_space<vmem>>, vector<16xf32>,
    %mul3A_583 = arith.mulf %get3A_582, %get3A_572 : vector<16xf32>
    %add3A_584 = arith.addf %add3A_566, %mul3A_583 : vector<16xf32>
    %get3A_585 = arith.constant 3536 : index
    %get3A_586 = tpu.vector_load %arg8[%get3A_585] {strides = array<i32>} : memref<4096xf32, #tpu.memory_space<vmem>>, vector<16xf32>,
    %mul3A_587 = arith.mulf %get3A_586, %get3A_572 : vector<16xf32>
    %add3A_588 = arith.addf %add3A_570, %mul3A_587 : vector<16xf32>
    %get3A_589 = arith.constant 480 : index
    %get3A_590 = tpu.vector_load %arg7[%get3A_589] {strides = array<i32>} : memref<1024xf32, #tpu.memory_space<vmem>>, vector<16xf32>,
    %get3A_591 = arith.constant 480 : index
    %get3A_592 = tpu.vector_load %arg8[%get3A_591] {strides = array<i32>} : memref<4096xf32, #tpu.memory_space<vmem>>, vector<16xf32>,
    %mul3A_593 = arith.mulf %get3A_592, %get3A_590 : vector<16xf32>
    %add3A_594 = arith.addf %add3A_576, %mul3A_593 : vector<16xf32>
    %get3A_595 = arith.constant 1504 : index
    %get3A_596 = tpu.vector_load %arg8[%get3A_595] {strides = array<i32>} : memref<4096xf32, #tpu.memory_space<vmem>>, vector<16xf32>,
    %mul3A_597 = arith.mulf %get3A_596, %get3A_590 : vector<16xf32>
    %add3A_598 = arith.addf %add3A_580, %mul3A_597 : vector<16xf32>
    %get3A_599 = arith.constant 2528 : index
    %get3A_600 = tpu.vector_load %arg8[%get3A_599] {strides = array<i32>} : memref<4096xf32, #tpu.memory_space<vmem>>, vector<16xf32>,
    %mul3A_601 = arith.mulf %get3A_600, %get3A_590 : vector<16xf32>
    %add3A_602 = arith.addf %add3A_584, %mul3A_601 : vector<16xf32>
    %get3A_603 = arith.constant 3552 : index
    %get3A_604 = tpu.vector_load %arg8[%get3A_603] {strides = array<i32>} : memref<4096xf32, #tpu.memory_space<vmem>>, vector<16xf32>,
    %mul3A_605 = arith.mulf %get3A_604, %get3A_590 : vector<16xf32>
    %add3A_606 = arith.addf %add3A_588, %mul3A_605 : vector<16xf32>
    %get3A_607 = arith.constant 496 : index
    %get3A_608 = tpu.vector_load %arg7[%get3A_607] {strides = array<i32>} : memref<1024xf32, #tpu.memory_space<vmem>>, vector<16xf32>,
    %get3A_609 = arith.constant 496 : index
    %get3A_610 = tpu.vector_load %arg8[%get3A_609] {strides = array<i32>} : memref<4096xf32, #tpu.memory_space<vmem>>, vector<16xf32>,
    %mul3A_611 = arith.mulf %get3A_610, %get3A_608 : vector<16xf32>
    %add3A_612 = arith.addf %add3A_594, %mul3A_611 : vector<16xf32>
    %get3A_613 = arith.constant 1520 : index
    %get3A_614 = tpu.vector_load %arg8[%get3A_613] {strides = array<i32>} : memref<4096xf32, #tpu.memory_space<vmem>>, vector<16xf32>,
    %mul3A_615 = arith.mulf %get3A_614, %get3A_608 : vector<16xf32>
    %add3A_616 = arith.addf %add3A_598, %mul3A_615 : vector<16xf32>
    %get3A_617 = arith.constant 2544 : index
    %get3A_618 = tpu.vector_load %arg8[%get3A_617] {strides = array<i32>} : memref<4096xf32, #tpu.memory_space<vmem>>, vector<16xf32>,
    %mul3A_619 = arith.mulf %get3A_618, %get3A_608 : vector<16xf32>
    %add3A_620 = arith.addf %add3A_602, %mul3A_619 : vector<16xf32>
    %get3A_621 = arith.constant 3568 : index
    %get3A_622 = tpu.vector_load %arg8[%get3A_621] {strides = array<i32>} : memref<4096xf32, #tpu.memory_space<vmem>>, vector<16xf32>,
    %mul3A_623 = arith.mulf %get3A_622, %get3A_608 : vector<16xf32>
    %add3A_624 = arith.addf %add3A_606, %mul3A_623 : vector<16xf32>
    %get3A_625 = arith.constant 512 : index
    %get3A_626 = tpu.vector_load %arg7[%get3A_625] {strides = array<i32>} : memref<1024xf32, #tpu.memory_space<vmem>>, vector<16xf32>,
    %get3A_627 = arith.constant 512 : index
    %get3A_628 = tpu.vector_load %arg8[%get3A_627] {strides = array<i32>} : memref<4096xf32, #tpu.memory_space<vmem>>, vector<16xf32>,
    %mul3A_629 = arith.mulf %get3A_628, %get3A_626 : vector<16xf32>
    %add3A_630 = arith.addf %add3A_612, %mul3A_629 : vector<16xf32>
    %get3A_631 = arith.constant 1536 : index
    %get3A_632 = tpu.vector_load %arg8[%get3A_631] {strides = array<i32>} : memref<4096xf32, #tpu.memory_space<vmem>>, vector<16xf32>,
    %mul3A_633 = arith.mulf %get3A_632, %get3A_626 : vector<16xf32>
    %add3A_634 = arith.addf %add3A_616, %mul3A_633 : vector<16xf32>
    %get3A_635 = arith.constant 2560 : index
    %get3A_636 = tpu.vector_load %arg8[%get3A_635] {strides = array<i32>} : memref<4096xf32, #tpu.memory_space<vmem>>, vector<16xf32>,
    %mul3A_637 = arith.mulf %get3A_636, %get3A_626 : vector<16xf32>
    %add3A_638 = arith.addf %add3A_620, %mul3A_637 : vector<16xf32>
    %get3A_639 = arith.constant 3584 : index
    %get3A_640 = tpu.vector_load %arg8[%get3A_639] {strides = array<i32>} : memref<4096xf32, #tpu.memory_space<vmem>>, vector<16xf32>,
    %mul3A_641 = arith.mulf %get3A_640, %get3A_626 : vector<16xf32>
    %add3A_642 = arith.addf %add3A_624, %mul3A_641 : vector<16xf32>
    %get3A_643 = arith.constant 528 : index
    %get3A_644 = tpu.vector_load %arg7[%get3A_643] {strides = array<i32>} : memref<1024xf32, #tpu.memory_space<vmem>>, vector<16xf32>,
    %get3A_645 = arith.constant 528 : index
    %get3A_646 = tpu.vector_load %arg8[%get3A_645] {strides = array<i32>} : memref<4096xf32, #tpu.memory_space<vmem>>, vector<16xf32>,
    %mul3A_647 = arith.mulf %get3A_646, %get3A_644 : vector<16xf32>
    %add3A_648 = arith.addf %add3A_630, %mul3A_647 : vector<16xf32>
    %get3A_649 = arith.constant 1552 : index
    %get3A_650 = tpu.vector_load %arg8[%get3A_649] {strides = array<i32>} : memref<4096xf32, #tpu.memory_space<vmem>>, vector<16xf32>,
    %mul3A_651 = arith.mulf %get3A_650, %get3A_644 : vector<16xf32>
    %add3A_652 = arith.addf %add3A_634, %mul3A_651 : vector<16xf32>
    %get3A_653 = arith.constant 2576 : index
    %get3A_654 = tpu.vector_load %arg8[%get3A_653] {strides = array<i32>} : memref<4096xf32, #tpu.memory_space<vmem>>, vector<16xf32>,
    %mul3A_655 = arith.mulf %get3A_654, %get3A_644 : vector<16xf32>
    %add3A_656 = arith.addf %add3A_638, %mul3A_655 : vector<16xf32>
    %get3A_657 = arith.constant 3600 : index
    %get3A_658 = tpu.vector_load %arg8[%get3A_657] {strides = array<i32>} : memref<4096xf32, #tpu.memory_space<vmem>>, vector<16xf32>,
    %mul3A_659 = arith.mulf %get3A_658, %get3A_644 : vector<16xf32>
    %add3A_660 = arith.addf %add3A_642, %mul3A_659 : vector<16xf32>
    %get3A_661 = arith.constant 544 : index
    %get3A_662 = tpu.vector_load %arg7[%get3A_661] {strides = array<i32>} : memref<1024xf32, #tpu.memory_space<vmem>>, vector<16xf32>,
    %get3A_663 = arith.constant 544 : index
    %get3A_664 = tpu.vector_load %arg8[%get3A_663] {strides = array<i32>} : memref<4096xf32, #tpu.memory_space<vmem>>, vector<16xf32>,
    %mul3A_665 = arith.mulf %get3A_664, %get3A_662 : vector<16xf32>
    %add3A_666 = arith.addf %add3A_648, %mul3A_665 : vector<16xf32>
    %get3A_667 = arith.constant 1568 : index
    %get3A_668 = tpu.vector_load %arg8[%get3A_667] {strides = array<i32>} : memref<4096xf32, #tpu.memory_space<vmem>>, vector<16xf32>,
    %mul3A_669 = arith.mulf %get3A_668, %get3A_662 : vector<16xf32>
    %add3A_670 = arith.addf %add3A_652, %mul3A_669 : vector<16xf32>
    %get3A_671 = arith.constant 2592 : index
    %get3A_672 = tpu.vector_load %arg8[%get3A_671] {strides = array<i32>} : memref<4096xf32, #tpu.memory_space<vmem>>, vector<16xf32>,
    %mul3A_673 = arith.mulf %get3A_672, %get3A_662 : vector<16xf32>
    %add3A_674 = arith.addf %add3A_656, %mul3A_673 : vector<16xf32>
    %get3A_675 = arith.constant 3616 : index
    %get3A_676 = tpu.vector_load %arg8[%get3A_675] {strides = array<i32>} : memref<4096xf32, #tpu.memory_space<vmem>>, vector<16xf32>,
    %mul3A_677 = arith.mulf %get3A_676, %get3A_662 : vector<16xf32>
    %add3A_678 = arith.addf %add3A_660, %mul3A_677 : vector<16xf32>
    %get3A_679 = arith.constant 560 : index
    %get3A_680 = tpu.vector_load %arg7[%get3A_679] {strides = array<i32>} : memref<1024xf32, #tpu.memory_space<vmem>>, vector<16xf32>,
    %get3A_681 = arith.constant 560 : index
    %get3A_682 = tpu.vector_load %arg8[%get3A_681] {strides = array<i32>} : memref<4096xf32, #tpu.memory_space<vmem>>, vector<16xf32>,
    %mul3A_683 = arith.mulf %get3A_682, %get3A_680 : vector<16xf32>
    %add3A_684 = arith.addf %add3A_666, %mul3A_683 : vector<16xf32>
    %get3A_685 = arith.constant 1584 : index
    %get3A_686 = tpu.vector_load %arg8[%get3A_685] {strides = array<i32>} : memref<4096xf32, #tpu.memory_space<vmem>>, vector<16xf32>,
    %mul3A_687 = arith.mulf %get3A_686, %get3A_680 : vector<16xf32>
    %add3A_688 = arith.addf %add3A_670, %mul3A_687 : vector<16xf32>
    %get3A_689 = arith.constant 2608 : index
    %get3A_690 = tpu.vector_load %arg8[%get3A_689] {strides = array<i32>} : memref<4096xf32, #tpu.memory_space<vmem>>, vector<16xf32>,
    %mul3A_691 = arith.mulf %get3A_690, %get3A_680 : vector<16xf32>
    %add3A_692 = arith.addf %add3A_674, %mul3A_691 : vector<16xf32>
    %get3A_693 = arith.constant 3632 : index
    %get3A_694 = tpu.vector_load %arg8[%get3A_693] {strides = array<i32>} : memref<4096xf32, #tpu.memory_space<vmem>>, vector<16xf32>,
    %mul3A_695 = arith.mulf %get3A_694, %get3A_680 : vector<16xf32>
    %add3A_696 = arith.addf %add3A_678, %mul3A_695 : vector<16xf32>
    %get3A_697 = arith.constant 576 : index
    %get3A_698 = tpu.vector_load %arg7[%get3A_697] {strides = array<i32>} : memref<1024xf32, #tpu.memory_space<vmem>>, vector<16xf32>,
    %get3A_699 = arith.constant 576 : index
    %get3A_700 = tpu.vector_load %arg8[%get3A_699] {strides = array<i32>} : memref<4096xf32, #tpu.memory_space<vmem>>, vector<16xf32>,
    %mul3A_701 = arith.mulf %get3A_700, %get3A_698 : vector<16xf32>
    %add3A_702 = arith.addf %add3A_684, %mul3A_701 : vector<16xf32>
    %get3A_703 = arith.constant 1600 : index
    %get3A_704 = tpu.vector_load %arg8[%get3A_703] {strides = array<i32>} : memref<4096xf32, #tpu.memory_space<vmem>>, vector<16xf32>,
    %mul3A_705 = arith.mulf %get3A_704, %get3A_698 : vector<16xf32>
    %add3A_706 = arith.addf %add3A_688, %mul3A_705 : vector<16xf32>
    %get3A_707 = arith.constant 2624 : index
    %get3A_708 = tpu.vector_load %arg8[%get3A_707] {strides = array<i32>} : memref<4096xf32, #tpu.memory_space<vmem>>, vector<16xf32>,
    %mul3A_709 = arith.mulf %get3A_708, %get3A_698 : vector<16xf32>
    %add3A_710 = arith.addf %add3A_692, %mul3A_709 : vector<16xf32>
    %get3A_711 = arith.constant 3648 : index
    %get3A_712 = tpu.vector_load %arg8[%get3A_711] {strides = array<i32>} : memref<4096xf32, #tpu.memory_space<vmem>>, vector<16xf32>,
    %mul3A_713 = arith.mulf %get3A_712, %get3A_698 : vector<16xf32>
    %add3A_714 = arith.addf %add3A_696, %mul3A_713 : vector<16xf32>
    %get3A_715 = arith.constant 592 : index
    %get3A_716 = tpu.vector_load %arg7[%get3A_715] {strides = array<i32>} : memref<1024xf32, #tpu.memory_space<vmem>>, vector<16xf32>,
    %get3A_717 = arith.constant 592 : index
    %get3A_718 = tpu.vector_load %arg8[%get3A_717] {strides = array<i32>} : memref<4096xf32, #tpu.memory_space<vmem>>, vector<16xf32>,
    %mul3A_719 = arith.mulf %get3A_718, %get3A_716 : vector<16xf32>
    %add3A_720 = arith.addf %add3A_702, %mul3A_719 : vector<16xf32>
    %get3A_721 = arith.constant 1616 : index
    %get3A_722 = tpu.vector_load %arg8[%get3A_721] {strides = array<i32>} : memref<4096xf32, #tpu.memory_space<vmem>>, vector<16xf32>,
    %mul3A_723 = arith.mulf %get3A_722, %get3A_716 : vector<16xf32>
    %add3A_724 = arith.addf %add3A_706, %mul3A_723 : vector<16xf32>
    %get3A_725 = arith.constant 2640 : index
    %get3A_726 = tpu.vector_load %arg8[%get3A_725] {strides = array<i32>} : memref<4096xf32, #tpu.memory_space<vmem>>, vector<16xf32>,
    %mul3A_727 = arith.mulf %get3A_726, %get3A_716 : vector<16xf32>
    %add3A_728 = arith.addf %add3A_710, %mul3A_727 : vector<16xf32>
    %get3A_729 = arith.constant 3664 : index
    %get3A_730 = tpu.vector_load %arg8[%get3A_729] {strides = array<i32>} : memref<4096xf32, #tpu.memory_space<vmem>>, vector<16xf32>,
    %mul3A_731 = arith.mulf %get3A_730, %get3A_716 : vector<16xf32>
    %add3A_732 = arith.addf %add3A_714, %mul3A_731 : vector<16xf32>
    %get3A_733 = arith.constant 608 : index
    %get3A_734 = tpu.vector_load %arg7[%get3A_733] {strides = array<i32>} : memref<1024xf32, #tpu.memory_space<vmem>>, vector<16xf32>,
    %get3A_735 = arith.constant 608 : index
    %get3A_736 = tpu.vector_load %arg8[%get3A_735] {strides = array<i32>} : memref<4096xf32, #tpu.memory_space<vmem>>, vector<16xf32>,
    %mul3A_737 = arith.mulf %get3A_736, %get3A_734 : vector<16xf32>
    %add3A_738 = arith.addf %add3A_720, %mul3A_737 : vector<16xf32>
    %get3A_739 = arith.constant 1632 : index
    %get3A_740 = tpu.vector_load %arg8[%get3A_739] {strides = array<i32>} : memref<4096xf32, #tpu.memory_space<vmem>>, vector<16xf32>,
    %mul3A_741 = arith.mulf %get3A_740, %get3A_734 : vector<16xf32>
    %add3A_742 = arith.addf %add3A_724, %mul3A_741 : vector<16xf32>
    %get3A_743 = arith.constant 2656 : index
    %get3A_744 = tpu.vector_load %arg8[%get3A_743] {strides = array<i32>} : memref<4096xf32, #tpu.memory_space<vmem>>, vector<16xf32>,
    %mul3A_745 = arith.mulf %get3A_744, %get3A_734 : vector<16xf32>
    %add3A_746 = arith.addf %add3A_728, %mul3A_745 : vector<16xf32>
    %get3A_747 = arith.constant 3680 : index
    %get3A_748 = tpu.vector_load %arg8[%get3A_747] {strides = array<i32>} : memref<4096xf32, #tpu.memory_space<vmem>>, vector<16xf32>,
    %mul3A_749 = arith.mulf %get3A_748, %get3A_734 : vector<16xf32>
    %add3A_750 = arith.addf %add3A_732, %mul3A_749 : vector<16xf32>
    %get3A_751 = arith.constant 624 : index
    %get3A_752 = tpu.vector_load %arg7[%get3A_751] {strides = array<i32>} : memref<1024xf32, #tpu.memory_space<vmem>>, vector<16xf32>,
    %get3A_753 = arith.constant 624 : index
    %get3A_754 = tpu.vector_load %arg8[%get3A_753] {strides = array<i32>} : memref<4096xf32, #tpu.memory_space<vmem>>, vector<16xf32>,
    %mul3A_755 = arith.mulf %get3A_754, %get3A_752 : vector<16xf32>
    %add3A_756 = arith.addf %add3A_738, %mul3A_755 : vector<16xf32>
    %get3A_757 = arith.constant 1648 : index
    %get3A_758 = tpu.vector_load %arg8[%get3A_757] {strides = array<i32>} : memref<4096xf32, #tpu.memory_space<vmem>>, vector<16xf32>,
    %mul3A_759 = arith.mulf %get3A_758, %get3A_752 : vector<16xf32>
    %add3A_760 = arith.addf %add3A_742, %mul3A_759 : vector<16xf32>
    %get3A_761 = arith.constant 2672 : index
    %get3A_762 = tpu.vector_load %arg8[%get3A_761] {strides = array<i32>} : memref<4096xf32, #tpu.memory_space<vmem>>, vector<16xf32>,
    %mul3A_763 = arith.mulf %get3A_762, %get3A_752 : vector<16xf32>
    %add3A_764 = arith.addf %add3A_746, %mul3A_763 : vector<16xf32>
    %get3A_765 = arith.constant 3696 : index
    %get3A_766 = tpu.vector_load %arg8[%get3A_765] {strides = array<i32>} : memref<4096xf32, #tpu.memory_space<vmem>>, vector<16xf32>,
    %mul3A_767 = arith.mulf %get3A_766, %get3A_752 : vector<16xf32>
    %add3A_768 = arith.addf %add3A_750, %mul3A_767 : vector<16xf32>
    %get3A_769 = arith.constant 640 : index
    %get3A_770 = tpu.vector_load %arg7[%get3A_769] {strides = array<i32>} : memref<1024xf32, #tpu.memory_space<vmem>>, vector<16xf32>,
    %get3A_771 = arith.constant 640 : index
    %get3A_772 = tpu.vector_load %arg8[%get3A_771] {strides = array<i32>} : memref<4096xf32, #tpu.memory_space<vmem>>, vector<16xf32>,
    %mul3A_773 = arith.mulf %get3A_772, %get3A_770 : vector<16xf32>
    %add3A_774 = arith.addf %add3A_756, %mul3A_773 : vector<16xf32>
    %get3A_775 = arith.constant 1664 : index
    %get3A_776 = tpu.vector_load %arg8[%get3A_775] {strides = array<i32>} : memref<4096xf32, #tpu.memory_space<vmem>>, vector<16xf32>,
    %mul3A_777 = arith.mulf %get3A_776, %get3A_770 : vector<16xf32>
    %add3A_778 = arith.addf %add3A_760, %mul3A_777 : vector<16xf32>
    %get3A_779 = arith.constant 2688 : index
    %get3A_780 = tpu.vector_load %arg8[%get3A_779] {strides = array<i32>} : memref<4096xf32, #tpu.memory_space<vmem>>, vector<16xf32>,
    %mul3A_781 = arith.mulf %get3A_780, %get3A_770 : vector<16xf32>
    %add3A_782 = arith.addf %add3A_764, %mul3A_781 : vector<16xf32>
    %get3A_783 = arith.constant 3712 : index
    %get3A_784 = tpu.vector_load %arg8[%get3A_783] {strides = array<i32>} : memref<4096xf32, #tpu.memory_space<vmem>>, vector<16xf32>,
    %mul3A_785 = arith.mulf %get3A_784, %get3A_770 : vector<16xf32>
    %add3A_786 = arith.addf %add3A_768, %mul3A_785 : vector<16xf32>
    %get3A_787 = arith.constant 656 : index
    %get3A_788 = tpu.vector_load %arg7[%get3A_787] {strides = array<i32>} : memref<1024xf32, #tpu.memory_space<vmem>>, vector<16xf32>,
    %get3A_789 = arith.constant 656 : index
    %get3A_790 = tpu.vector_load %arg8[%get3A_789] {strides = array<i32>} : memref<4096xf32, #tpu.memory_space<vmem>>, vector<16xf32>,
    %mul3A_791 = arith.mulf %get3A_790, %get3A_788 : vector<16xf32>
    %add3A_792 = arith.addf %add3A_774, %mul3A_791 : vector<16xf32>
    %get3A_793 = arith.constant 1680 : index
    %get3A_794 = tpu.vector_load %arg8[%get3A_793] {strides = array<i32>} : memref<4096xf32, #tpu.memory_space<vmem>>, vector<16xf32>,
    %mul3A_795 = arith.mulf %get3A_794, %get3A_788 : vector<16xf32>
    %add3A_796 = arith.addf %add3A_778, %mul3A_795 : vector<16xf32>
    %get3A_797 = arith.constant 2704 : index
    %get3A_798 = tpu.vector_load %arg8[%get3A_797] {strides = array<i32>} : memref<4096xf32, #tpu.memory_space<vmem>>, vector<16xf32>,
    %mul3A_799 = arith.mulf %get3A_798, %get3A_788 : vector<16xf32>
    %add3A_800 = arith.addf %add3A_782, %mul3A_799 : vector<16xf32>
    %get3A_801 = arith.constant 3728 : index
    %get3A_802 = tpu.vector_load %arg8[%get3A_801] {strides = array<i32>} : memref<4096xf32, #tpu.memory_space<vmem>>, vector<16xf32>,
    %mul3A_803 = arith.mulf %get3A_802, %get3A_788 : vector<16xf32>
    %add3A_804 = arith.addf %add3A_786, %mul3A_803 : vector<16xf32>
    %get3A_805 = arith.constant 672 : index
    %get3A_806 = tpu.vector_load %arg7[%get3A_805] {strides = array<i32>} : memref<1024xf32, #tpu.memory_space<vmem>>, vector<16xf32>,
    %get3A_807 = arith.constant 672 : index
    %get3A_808 = tpu.vector_load %arg8[%get3A_807] {strides = array<i32>} : memref<4096xf32, #tpu.memory_space<vmem>>, vector<16xf32>,
    %mul3A_809 = arith.mulf %get3A_808, %get3A_806 : vector<16xf32>
    %add3A_810 = arith.addf %add3A_792, %mul3A_809 : vector<16xf32>
    %get3A_811 = arith.constant 1696 : index
    %get3A_812 = tpu.vector_load %arg8[%get3A_811] {strides = array<i32>} : memref<4096xf32, #tpu.memory_space<vmem>>, vector<16xf32>,
    %mul3A_813 = arith.mulf %get3A_812, %get3A_806 : vector<16xf32>
    %add3A_814 = arith.addf %add3A_796, %mul3A_813 : vector<16xf32>
    %get3A_815 = arith.constant 2720 : index
    %get3A_816 = tpu.vector_load %arg8[%get3A_815] {strides = array<i32>} : memref<4096xf32, #tpu.memory_space<vmem>>, vector<16xf32>,
    %mul3A_817 = arith.mulf %get3A_816, %get3A_806 : vector<16xf32>
    %add3A_818 = arith.addf %add3A_800, %mul3A_817 : vector<16xf32>
    %get3A_819 = arith.constant 3744 : index
    %get3A_820 = tpu.vector_load %arg8[%get3A_819] {strides = array<i32>} : memref<4096xf32, #tpu.memory_space<vmem>>, vector<16xf32>,
    %mul3A_821 = arith.mulf %get3A_820, %get3A_806 : vector<16xf32>
    %add3A_822 = arith.addf %add3A_804, %mul3A_821 : vector<16xf32>
    %get3A_823 = arith.constant 688 : index
    %get3A_824 = tpu.vector_load %arg7[%get3A_823] {strides = array<i32>} : memref<1024xf32, #tpu.memory_space<vmem>>, vector<16xf32>,
    %get3A_825 = arith.constant 688 : index
    %get3A_826 = tpu.vector_load %arg8[%get3A_825] {strides = array<i32>} : memref<4096xf32, #tpu.memory_space<vmem>>, vector<16xf32>,
    %mul3A_827 = arith.mulf %get3A_826, %get3A_824 : vector<16xf32>
    %add3A_828 = arith.addf %add3A_810, %mul3A_827 : vector<16xf32>
    %get3A_829 = arith.constant 1712 : index
    %get3A_830 = tpu.vector_load %arg8[%get3A_829] {strides = array<i32>} : memref<4096xf32, #tpu.memory_space<vmem>>, vector<16xf32>,
    %mul3A_831 = arith.mulf %get3A_830, %get3A_824 : vector<16xf32>
    %add3A_832 = arith.addf %add3A_814, %mul3A_831 : vector<16xf32>
    %get3A_833 = arith.constant 2736 : index
    %get3A_834 = tpu.vector_load %arg8[%get3A_833] {strides = array<i32>} : memref<4096xf32, #tpu.memory_space<vmem>>, vector<16xf32>,
    %mul3A_835 = arith.mulf %get3A_834, %get3A_824 : vector<16xf32>
    %add3A_836 = arith.addf %add3A_818, %mul3A_835 : vector<16xf32>
    %get3A_837 = arith.constant 3760 : index
    %get3A_838 = tpu.vector_load %arg8[%get3A_837] {strides = array<i32>} : memref<4096xf32, #tpu.memory_space<vmem>>, vector<16xf32>,
    %mul3A_839 = arith.mulf %get3A_838, %get3A_824 : vector<16xf32>
    %add3A_840 = arith.addf %add3A_822, %mul3A_839 : vector<16xf32>
    %get3A_841 = arith.constant 704 : index
    %get3A_842 = tpu.vector_load %arg7[%get3A_841] {strides = array<i32>} : memref<1024xf32, #tpu.memory_space<vmem>>, vector<16xf32>,
    %get3A_843 = arith.constant 704 : index
    %get3A_844 = tpu.vector_load %arg8[%get3A_843] {strides = array<i32>} : memref<4096xf32, #tpu.memory_space<vmem>>, vector<16xf32>,
    %mul3A_845 = arith.mulf %get3A_844, %get3A_842 : vector<16xf32>
    %add3A_846 = arith.addf %add3A_828, %mul3A_845 : vector<16xf32>
    %get3A_847 = arith.constant 1728 : index
    %get3A_848 = tpu.vector_load %arg8[%get3A_847] {strides = array<i32>} : memref<4096xf32, #tpu.memory_space<vmem>>, vector<16xf32>,
    %mul3A_849 = arith.mulf %get3A_848, %get3A_842 : vector<16xf32>
    %add3A_850 = arith.addf %add3A_832, %mul3A_849 : vector<16xf32>
    %get3A_851 = arith.constant 2752 : index
    %get3A_852 = tpu.vector_load %arg8[%get3A_851] {strides = array<i32>} : memref<4096xf32, #tpu.memory_space<vmem>>, vector<16xf32>,
    %mul3A_853 = arith.mulf %get3A_852, %get3A_842 : vector<16xf32>
    %add3A_854 = arith.addf %add3A_836, %mul3A_853 : vector<16xf32>
    %get3A_855 = arith.constant 3776 : index
    %get3A_856 = tpu.vector_load %arg8[%get3A_855] {strides = array<i32>} : memref<4096xf32, #tpu.memory_space<vmem>>, vector<16xf32>,
    %mul3A_857 = arith.mulf %get3A_856, %get3A_842 : vector<16xf32>
    %add3A_858 = arith.addf %add3A_840, %mul3A_857 : vector<16xf32>
    %get3A_859 = arith.constant 720 : index
    %get3A_860 = tpu.vector_load %arg7[%get3A_859] {strides = array<i32>} : memref<1024xf32, #tpu.memory_space<vmem>>, vector<16xf32>,
    %get3A_861 = arith.constant 720 : index
    %get3A_862 = tpu.vector_load %arg8[%get3A_861] {strides = array<i32>} : memref<4096xf32, #tpu.memory_space<vmem>>, vector<16xf32>,
    %mul3A_863 = arith.mulf %get3A_862, %get3A_860 : vector<16xf32>
    %add3A_864 = arith.addf %add3A_846, %mul3A_863 : vector<16xf32>
    %get3A_865 = arith.constant 1744 : index
    %get3A_866 = tpu.vector_load %arg8[%get3A_865] {strides = array<i32>} : memref<4096xf32, #tpu.memory_space<vmem>>, vector<16xf32>,
    %mul3A_867 = arith.mulf %get3A_866, %get3A_860 : vector<16xf32>
    %add3A_868 = arith.addf %add3A_850, %mul3A_867 : vector<16xf32>
    %get3A_869 = arith.constant 2768 : index
    %get3A_870 = tpu.vector_load %arg8[%get3A_869] {strides = array<i32>} : memref<4096xf32, #tpu.memory_space<vmem>>, vector<16xf32>,
    %mul3A_871 = arith.mulf %get3A_870, %get3A_860 : vector<16xf32>
    %add3A_872 = arith.addf %add3A_854, %mul3A_871 : vector<16xf32>
    %get3A_873 = arith.constant 3792 : index
    %get3A_874 = tpu.vector_load %arg8[%get3A_873] {strides = array<i32>} : memref<4096xf32, #tpu.memory_space<vmem>>, vector<16xf32>,
    %mul3A_875 = arith.mulf %get3A_874, %get3A_860 : vector<16xf32>
    %add3A_876 = arith.addf %add3A_858, %mul3A_875 : vector<16xf32>
    %get3A_877 = arith.constant 736 : index
    %get3A_878 = tpu.vector_load %arg7[%get3A_877] {strides = array<i32>} : memref<1024xf32, #tpu.memory_space<vmem>>, vector<16xf32>,
    %get3A_879 = arith.constant 736 : index
    %get3A_880 = tpu.vector_load %arg8[%get3A_879] {strides = array<i32>} : memref<4096xf32, #tpu.memory_space<vmem>>, vector<16xf32>,
    %mul3A_881 = arith.mulf %get3A_880, %get3A_878 : vector<16xf32>
    %add3A_882 = arith.addf %add3A_864, %mul3A_881 : vector<16xf32>
    %get3A_883 = arith.constant 1760 : index
    %get3A_884 = tpu.vector_load %arg8[%get3A_883] {strides = array<i32>} : memref<4096xf32, #tpu.memory_space<vmem>>, vector<16xf32>,
    %mul3A_885 = arith.mulf %get3A_884, %get3A_878 : vector<16xf32>
    %add3A_886 = arith.addf %add3A_868, %mul3A_885 : vector<16xf32>
    %get3A_887 = arith.constant 2784 : index
    %get3A_888 = tpu.vector_load %arg8[%get3A_887] {strides = array<i32>} : memref<4096xf32, #tpu.memory_space<vmem>>, vector<16xf32>,
    %mul3A_889 = arith.mulf %get3A_888, %get3A_878 : vector<16xf32>
    %add3A_890 = arith.addf %add3A_872, %mul3A_889 : vector<16xf32>
    %get3A_891 = arith.constant 3808 : index
    %get3A_892 = tpu.vector_load %arg8[%get3A_891] {strides = array<i32>} : memref<4096xf32, #tpu.memory_space<vmem>>, vector<16xf32>,
    %mul3A_893 = arith.mulf %get3A_892, %get3A_878 : vector<16xf32>
    %add3A_894 = arith.addf %add3A_876, %mul3A_893 : vector<16xf32>
    %get3A_895 = arith.constant 752 : index
    %get3A_896 = tpu.vector_load %arg7[%get3A_895] {strides = array<i32>} : memref<1024xf32, #tpu.memory_space<vmem>>, vector<16xf32>,
    %get3A_897 = arith.constant 752 : index
    %get3A_898 = tpu.vector_load %arg8[%get3A_897] {strides = array<i32>} : memref<4096xf32, #tpu.memory_space<vmem>>, vector<16xf32>,
    %mul3A_899 = arith.mulf %get3A_898, %get3A_896 : vector<16xf32>
    %add3A_900 = arith.addf %add3A_882, %mul3A_899 : vector<16xf32>
    %get3A_901 = arith.constant 1776 : index
    %get3A_902 = tpu.vector_load %arg8[%get3A_901] {strides = array<i32>} : memref<4096xf32, #tpu.memory_space<vmem>>, vector<16xf32>,
    %mul3A_903 = arith.mulf %get3A_902, %get3A_896 : vector<16xf32>
    %add3A_904 = arith.addf %add3A_886, %mul3A_903 : vector<16xf32>
    %get3A_905 = arith.constant 2800 : index
    %get3A_906 = tpu.vector_load %arg8[%get3A_905] {strides = array<i32>} : memref<4096xf32, #tpu.memory_space<vmem>>, vector<16xf32>,
    %mul3A_907 = arith.mulf %get3A_906, %get3A_896 : vector<16xf32>
    %add3A_908 = arith.addf %add3A_890, %mul3A_907 : vector<16xf32>
    %get3A_909 = arith.constant 3824 : index
    %get3A_910 = tpu.vector_load %arg8[%get3A_909] {strides = array<i32>} : memref<4096xf32, #tpu.memory_space<vmem>>, vector<16xf32>,
    %mul3A_911 = arith.mulf %get3A_910, %get3A_896 : vector<16xf32>
    %add3A_912 = arith.addf %add3A_894, %mul3A_911 : vector<16xf32>
    %get3A_913 = arith.constant 768 : index
    %get3A_914 = tpu.vector_load %arg7[%get3A_913] {strides = array<i32>} : memref<1024xf32, #tpu.memory_space<vmem>>, vector<16xf32>,
    %get3A_915 = arith.constant 768 : index
    %get3A_916 = tpu.vector_load %arg8[%get3A_915] {strides = array<i32>} : memref<4096xf32, #tpu.memory_space<vmem>>, vector<16xf32>,
    %mul3A_917 = arith.mulf %get3A_916, %get3A_914 : vector<16xf32>
    %add3A_918 = arith.addf %add3A_900, %mul3A_917 : vector<16xf32>
    %get3A_919 = arith.constant 1792 : index
    %get3A_920 = tpu.vector_load %arg8[%get3A_919] {strides = array<i32>} : memref<4096xf32, #tpu.memory_space<vmem>>, vector<16xf32>,
    %mul3A_921 = arith.mulf %get3A_920, %get3A_914 : vector<16xf32>
    %add3A_922 = arith.addf %add3A_904, %mul3A_921 : vector<16xf32>
    %get3A_923 = arith.constant 2816 : index
    %get3A_924 = tpu.vector_load %arg8[%get3A_923] {strides = array<i32>} : memref<4096xf32, #tpu.memory_space<vmem>>, vector<16xf32>,
    %mul3A_925 = arith.mulf %get3A_924, %get3A_914 : vector<16xf32>
    %add3A_926 = arith.addf %add3A_908, %mul3A_925 : vector<16xf32>
    %get3A_927 = arith.constant 3840 : index
    %get3A_928 = tpu.vector_load %arg8[%get3A_927] {strides = array<i32>} : memref<4096xf32, #tpu.memory_space<vmem>>, vector<16xf32>,
    %mul3A_929 = arith.mulf %get3A_928, %get3A_914 : vector<16xf32>
    %add3A_930 = arith.addf %add3A_912, %mul3A_929 : vector<16xf32>
    %get3A_931 = arith.constant 784 : index
    %get3A_932 = tpu.vector_load %arg7[%get3A_931] {strides = array<i32>} : memref<1024xf32, #tpu.memory_space<vmem>>, vector<16xf32>,
    %get3A_933 = arith.constant 784 : index
    %get3A_934 = tpu.vector_load %arg8[%get3A_933] {strides = array<i32>} : memref<4096xf32, #tpu.memory_space<vmem>>, vector<16xf32>,
    %mul3A_935 = arith.mulf %get3A_934, %get3A_932 : vector<16xf32>
    %add3A_936 = arith.addf %add3A_918, %mul3A_935 : vector<16xf32>
    %get3A_937 = arith.constant 1808 : index
    %get3A_938 = tpu.vector_load %arg8[%get3A_937] {strides = array<i32>} : memref<4096xf32, #tpu.memory_space<vmem>>, vector<16xf32>,
    %mul3A_939 = arith.mulf %get3A_938, %get3A_932 : vector<16xf32>
    %add3A_940 = arith.addf %add3A_922, %mul3A_939 : vector<16xf32>
    %get3A_941 = arith.constant 2832 : index
    %get3A_942 = tpu.vector_load %arg8[%get3A_941] {strides = array<i32>} : memref<4096xf32, #tpu.memory_space<vmem>>, vector<16xf32>,
    %mul3A_943 = arith.mulf %get3A_942, %get3A_932 : vector<16xf32>
    %add3A_944 = arith.addf %add3A_926, %mul3A_943 : vector<16xf32>
    %get3A_945 = arith.constant 3856 : index
    %get3A_946 = tpu.vector_load %arg8[%get3A_945] {strides = array<i32>} : memref<4096xf32, #tpu.memory_space<vmem>>, vector<16xf32>,
    %mul3A_947 = arith.mulf %get3A_946, %get3A_932 : vector<16xf32>
    %add3A_948 = arith.addf %add3A_930, %mul3A_947 : vector<16xf32>
    %get3A_949 = arith.constant 800 : index
    %get3A_950 = tpu.vector_load %arg7[%get3A_949] {strides = array<i32>} : memref<1024xf32, #tpu.memory_space<vmem>>, vector<16xf32>,
    %get3A_951 = arith.constant 800 : index
    %get3A_952 = tpu.vector_load %arg8[%get3A_951] {strides = array<i32>} : memref<4096xf32, #tpu.memory_space<vmem>>, vector<16xf32>,
    %mul3A_953 = arith.mulf %get3A_952, %get3A_950 : vector<16xf32>
    %add3A_954 = arith.addf %add3A_936, %mul3A_953 : vector<16xf32>
    %get3A_955 = arith.constant 1824 : index
    %get3A_956 = tpu.vector_load %arg8[%get3A_955] {strides = array<i32>} : memref<4096xf32, #tpu.memory_space<vmem>>, vector<16xf32>,
    %mul3A_957 = arith.mulf %get3A_956, %get3A_950 : vector<16xf32>
    %add3A_958 = arith.addf %add3A_940, %mul3A_957 : vector<16xf32>
    %get3A_959 = arith.constant 2848 : index
    %get3A_960 = tpu.vector_load %arg8[%get3A_959] {strides = array<i32>} : memref<4096xf32, #tpu.memory_space<vmem>>, vector<16xf32>,
    %mul3A_961 = arith.mulf %get3A_960, %get3A_950 : vector<16xf32>
    %add3A_962 = arith.addf %add3A_944, %mul3A_961 : vector<16xf32>
    %get3A_963 = arith.constant 3872 : index
    %get3A_964 = tpu.vector_load %arg8[%get3A_963] {strides = array<i32>} : memref<4096xf32, #tpu.memory_space<vmem>>, vector<16xf32>,
    %mul3A_965 = arith.mulf %get3A_964, %get3A_950 : vector<16xf32>
    %add3A_966 = arith.addf %add3A_948, %mul3A_965 : vector<16xf32>
    %get3A_967 = arith.constant 816 : index
    %get3A_968 = tpu.vector_load %arg7[%get3A_967] {strides = array<i32>} : memref<1024xf32, #tpu.memory_space<vmem>>, vector<16xf32>,
    %get3A_969 = arith.constant 816 : index
    %get3A_970 = tpu.vector_load %arg8[%get3A_969] {strides = array<i32>} : memref<4096xf32, #tpu.memory_space<vmem>>, vector<16xf32>,
    %mul3A_971 = arith.mulf %get3A_970, %get3A_968 : vector<16xf32>
    %add3A_972 = arith.addf %add3A_954, %mul3A_971 : vector<16xf32>
    %get3A_973 = arith.constant 1840 : index
    %get3A_974 = tpu.vector_load %arg8[%get3A_973] {strides = array<i32>} : memref<4096xf32, #tpu.memory_space<vmem>>, vector<16xf32>,
    %mul3A_975 = arith.mulf %get3A_974, %get3A_968 : vector<16xf32>
    %add3A_976 = arith.addf %add3A_958, %mul3A_975 : vector<16xf32>
    %get3A_977 = arith.constant 2864 : index
    %get3A_978 = tpu.vector_load %arg8[%get3A_977] {strides = array<i32>} : memref<4096xf32, #tpu.memory_space<vmem>>, vector<16xf32>,
    %mul3A_979 = arith.mulf %get3A_978, %get3A_968 : vector<16xf32>
    %add3A_980 = arith.addf %add3A_962, %mul3A_979 : vector<16xf32>
    %get3A_981 = arith.constant 3888 : index
    %get3A_982 = tpu.vector_load %arg8[%get3A_981] {strides = array<i32>} : memref<4096xf32, #tpu.memory_space<vmem>>, vector<16xf32>,
    %mul3A_983 = arith.mulf %get3A_982, %get3A_968 : vector<16xf32>
    %add3A_984 = arith.addf %add3A_966, %mul3A_983 : vector<16xf32>
    %get3A_985 = arith.constant 832 : index
    %get3A_986 = tpu.vector_load %arg7[%get3A_985] {strides = array<i32>} : memref<1024xf32, #tpu.memory_space<vmem>>, vector<16xf32>,
    %get3A_987 = arith.constant 832 : index
    %get3A_988 = tpu.vector_load %arg8[%get3A_987] {strides = array<i32>} : memref<4096xf32, #tpu.memory_space<vmem>>, vector<16xf32>,
    %mul3A_989 = arith.mulf %get3A_988, %get3A_986 : vector<16xf32>
    %add3A_990 = arith.addf %add3A_972, %mul3A_989 : vector<16xf32>
    %get3A_991 = arith.constant 1856 : index
    %get3A_992 = tpu.vector_load %arg8[%get3A_991] {strides = array<i32>} : memref<4096xf32, #tpu.memory_space<vmem>>, vector<16xf32>,
    %mul3A_993 = arith.mulf %get3A_992, %get3A_986 : vector<16xf32>
    %add3A_994 = arith.addf %add3A_976, %mul3A_993 : vector<16xf32>
    %get3A_995 = arith.constant 2880 : index
    %get3A_996 = tpu.vector_load %arg8[%get3A_995] {strides = array<i32>} : memref<4096xf32, #tpu.memory_space<vmem>>, vector<16xf32>,
    %mul3A_997 = arith.mulf %get3A_996, %get3A_986 : vector<16xf32>
    %add3A_998 = arith.addf %add3A_980, %mul3A_997 : vector<16xf32>
    %get3A_999 = arith.constant 3904 : index
    %get3A_1000 = tpu.vector_load %arg8[%get3A_999] {strides = array<i32>} : memref<4096xf32, #tpu.memory_space<vmem>>, vector<16xf32>,
    %mul3A_1001 = arith.mulf %get3A_1000, %get3A_986 : vector<16xf32>
    %add3A_1002 = arith.addf %add3A_984, %mul3A_1001 : vector<16xf32>
    %get3A_1003 = arith.constant 848 : index
    %get3A_1004 = tpu.vector_load %arg7[%get3A_1003] {strides = array<i32>} : memref<1024xf32, #tpu.memory_space<vmem>>, vector<16xf32>,
    %get3A_1005 = arith.constant 848 : index
    %get3A_1006 = tpu.vector_load %arg8[%get3A_1005] {strides = array<i32>} : memref<4096xf32, #tpu.memory_space<vmem>>, vector<16xf32>,
    %mul3A_1007 = arith.mulf %get3A_1006, %get3A_1004 : vector<16xf32>
    %add3A_1008 = arith.addf %add3A_990, %mul3A_1007 : vector<16xf32>
    %get3A_1009 = arith.constant 1872 : index
    %get3A_1010 = tpu.vector_load %arg8[%get3A_1009] {strides = array<i32>} : memref<4096xf32, #tpu.memory_space<vmem>>, vector<16xf32>,
    %mul3A_1011 = arith.mulf %get3A_1010, %get3A_1004 : vector<16xf32>
    %add3A_1012 = arith.addf %add3A_994, %mul3A_1011 : vector<16xf32>
    %get3A_1013 = arith.constant 2896 : index
    %get3A_1014 = tpu.vector_load %arg8[%get3A_1013] {strides = array<i32>} : memref<4096xf32, #tpu.memory_space<vmem>>, vector<16xf32>,
    %mul3A_1015 = arith.mulf %get3A_1014, %get3A_1004 : vector<16xf32>
    %add3A_1016 = arith.addf %add3A_998, %mul3A_1015 : vector<16xf32>
    %get3A_1017 = arith.constant 3920 : index
    %get3A_1018 = tpu.vector_load %arg8[%get3A_1017] {strides = array<i32>} : memref<4096xf32, #tpu.memory_space<vmem>>, vector<16xf32>,
    %mul3A_1019 = arith.mulf %get3A_1018, %get3A_1004 : vector<16xf32>
    %add3A_1020 = arith.addf %add3A_1002, %mul3A_1019 : vector<16xf32>
    %get3A_1021 = arith.constant 864 : index
    %get3A_1022 = tpu.vector_load %arg7[%get3A_1021] {strides = array<i32>} : memref<1024xf32, #tpu.memory_space<vmem>>, vector<16xf32>,
    %get3A_1023 = arith.constant 864 : index
    %get3A_1024 = tpu.vector_load %arg8[%get3A_1023] {strides = array<i32>} : memref<4096xf32, #tpu.memory_space<vmem>>, vector<16xf32>,
    %mul3A_1025 = arith.mulf %get3A_1024, %get3A_1022 : vector<16xf32>
    %add3A_1026 = arith.addf %add3A_1008, %mul3A_1025 : vector<16xf32>
    %get3A_1027 = arith.constant 1888 : index
    %get3A_1028 = tpu.vector_load %arg8[%get3A_1027] {strides = array<i32>} : memref<4096xf32, #tpu.memory_space<vmem>>, vector<16xf32>,
    %mul3A_1029 = arith.mulf %get3A_1028, %get3A_1022 : vector<16xf32>
    %add3A_1030 = arith.addf %add3A_1012, %mul3A_1029 : vector<16xf32>
    %get3A_1031 = arith.constant 2912 : index
    %get3A_1032 = tpu.vector_load %arg8[%get3A_1031] {strides = array<i32>} : memref<4096xf32, #tpu.memory_space<vmem>>, vector<16xf32>,
    %mul3A_1033 = arith.mulf %get3A_1032, %get3A_1022 : vector<16xf32>
    %add3A_1034 = arith.addf %add3A_1016, %mul3A_1033 : vector<16xf32>
    %get3A_1035 = arith.constant 3936 : index
    %get3A_1036 = tpu.vector_load %arg8[%get3A_1035] {strides = array<i32>} : memref<4096xf32, #tpu.memory_space<vmem>>, vector<16xf32>,
    %mul3A_1037 = arith.mulf %get3A_1036, %get3A_1022 : vector<16xf32>
    %add3A_1038 = arith.addf %add3A_1020, %mul3A_1037 : vector<16xf32>
    %get3A_1039 = arith.constant 880 : index
    %get3A_1040 = tpu.vector_load %arg7[%get3A_1039] {strides = array<i32>} : memref<1024xf32, #tpu.memory_space<vmem>>, vector<16xf32>,
    %get3A_1041 = arith.constant 880 : index
    %get3A_1042 = tpu.vector_load %arg8[%get3A_1041] {strides = array<i32>} : memref<4096xf32, #tpu.memory_space<vmem>>, vector<16xf32>,
    %mul3A_1043 = arith.mulf %get3A_1042, %get3A_1040 : vector<16xf32>
    %add3A_1044 = arith.addf %add3A_1026, %mul3A_1043 : vector<16xf32>
    %get3A_1045 = arith.constant 1904 : index
    %get3A_1046 = tpu.vector_load %arg8[%get3A_1045] {strides = array<i32>} : memref<4096xf32, #tpu.memory_space<vmem>>, vector<16xf32>,
    %mul3A_1047 = arith.mulf %get3A_1046, %get3A_1040 : vector<16xf32>
    %add3A_1048 = arith.addf %add3A_1030, %mul3A_1047 : vector<16xf32>
    %get3A_1049 = arith.constant 2928 : index
    %get3A_1050 = tpu.vector_load %arg8[%get3A_1049] {strides = array<i32>} : memref<4096xf32, #tpu.memory_space<vmem>>, vector<16xf32>,
    %mul3A_1051 = arith.mulf %get3A_1050, %get3A_1040 : vector<16xf32>
    %add3A_1052 = arith.addf %add3A_1034, %mul3A_1051 : vector<16xf32>
    %get3A_1053 = arith.constant 3952 : index
    %get3A_1054 = tpu.vector_load %arg8[%get3A_1053] {strides = array<i32>} : memref<4096xf32, #tpu.memory_space<vmem>>, vector<16xf32>,
    %mul3A_1055 = arith.mulf %get3A_1054, %get3A_1040 : vector<16xf32>
    %add3A_1056 = arith.addf %add3A_1038, %mul3A_1055 : vector<16xf32>
    %get3A_1057 = arith.constant 896 : index
    %get3A_1058 = tpu.vector_load %arg7[%get3A_1057] {strides = array<i32>} : memref<1024xf32, #tpu.memory_space<vmem>>, vector<16xf32>,
    %get3A_1059 = arith.constant 896 : index
    %get3A_1060 = tpu.vector_load %arg8[%get3A_1059] {strides = array<i32>} : memref<4096xf32, #tpu.memory_space<vmem>>, vector<16xf32>,
    %mul3A_1061 = arith.mulf %get3A_1060, %get3A_1058 : vector<16xf32>
    %add3A_1062 = arith.addf %add3A_1044, %mul3A_1061 : vector<16xf32>
    %get3A_1063 = arith.constant 1920 : index
    %get3A_1064 = tpu.vector_load %arg8[%get3A_1063] {strides = array<i32>} : memref<4096xf32, #tpu.memory_space<vmem>>, vector<16xf32>,
    %mul3A_1065 = arith.mulf %get3A_1064, %get3A_1058 : vector<16xf32>
    %add3A_1066 = arith.addf %add3A_1048, %mul3A_1065 : vector<16xf32>
    %get3A_1067 = arith.constant 2944 : index
    %get3A_1068 = tpu.vector_load %arg8[%get3A_1067] {strides = array<i32>} : memref<4096xf32, #tpu.memory_space<vmem>>, vector<16xf32>,
    %mul3A_1069 = arith.mulf %get3A_1068, %get3A_1058 : vector<16xf32>
    %add3A_1070 = arith.addf %add3A_1052, %mul3A_1069 : vector<16xf32>
    %get3A_1071 = arith.constant 3968 : index
    %get3A_1072 = tpu.vector_load %arg8[%get3A_1071] {strides = array<i32>} : memref<4096xf32, #tpu.memory_space<vmem>>, vector<16xf32>,
    %mul3A_1073 = arith.mulf %get3A_1072, %get3A_1058 : vector<16xf32>
    %add3A_1074 = arith.addf %add3A_1056, %mul3A_1073 : vector<16xf32>
    %get3A_1075 = arith.constant 912 : index
    %get3A_1076 = tpu.vector_load %arg7[%get3A_1075] {strides = array<i32>} : memref<1024xf32, #tpu.memory_space<vmem>>, vector<16xf32>,
    %get3A_1077 = arith.constant 912 : index
    %get3A_1078 = tpu.vector_load %arg8[%get3A_1077] {strides = array<i32>} : memref<4096xf32, #tpu.memory_space<vmem>>, vector<16xf32>,
    %mul3A_1079 = arith.mulf %get3A_1078, %get3A_1076 : vector<16xf32>
    %add3A_1080 = arith.addf %add3A_1062, %mul3A_1079 : vector<16xf32>
    %get3A_1081 = arith.constant 1936 : index
    %get3A_1082 = tpu.vector_load %arg8[%get3A_1081] {strides = array<i32>} : memref<4096xf32, #tpu.memory_space<vmem>>, vector<16xf32>,
    %mul3A_1083 = arith.mulf %get3A_1082, %get3A_1076 : vector<16xf32>
    %add3A_1084 = arith.addf %add3A_1066, %mul3A_1083 : vector<16xf32>
    %get3A_1085 = arith.constant 2960 : index
    %get3A_1086 = tpu.vector_load %arg8[%get3A_1085] {strides = array<i32>} : memref<4096xf32, #tpu.memory_space<vmem>>, vector<16xf32>,
    %mul3A_1087 = arith.mulf %get3A_1086, %get3A_1076 : vector<16xf32>
    %add3A_1088 = arith.addf %add3A_1070, %mul3A_1087 : vector<16xf32>
    %get3A_1089 = arith.constant 3984 : index
    %get3A_1090 = tpu.vector_load %arg8[%get3A_1089] {strides = array<i32>} : memref<4096xf32, #tpu.memory_space<vmem>>, vector<16xf32>,
    %mul3A_1091 = arith.mulf %get3A_1090, %get3A_1076 : vector<16xf32>
    %add3A_1092 = arith.addf %add3A_1074, %mul3A_1091 : vector<16xf32>
    %get3A_1093 = arith.constant 928 : index
    %get3A_1094 = tpu.vector_load %arg7[%get3A_1093] {strides = array<i32>} : memref<1024xf32, #tpu.memory_space<vmem>>, vector<16xf32>,
    %get3A_1095 = arith.constant 928 : index
    %get3A_1096 = tpu.vector_load %arg8[%get3A_1095] {strides = array<i32>} : memref<4096xf32, #tpu.memory_space<vmem>>, vector<16xf32>,
    %mul3A_1097 = arith.mulf %get3A_1096, %get3A_1094 : vector<16xf32>
    %add3A_1098 = arith.addf %add3A_1080, %mul3A_1097 : vector<16xf32>
    %get3A_1099 = arith.constant 1952 : index
    %get3A_1100 = tpu.vector_load %arg8[%get3A_1099] {strides = array<i32>} : memref<4096xf32, #tpu.memory_space<vmem>>, vector<16xf32>,
    %mul3A_1101 = arith.mulf %get3A_1100, %get3A_1094 : vector<16xf32>
    %add3A_1102 = arith.addf %add3A_1084, %mul3A_1101 : vector<16xf32>
    %get3A_1103 = arith.constant 2976 : index
    %get3A_1104 = tpu.vector_load %arg8[%get3A_1103] {strides = array<i32>} : memref<4096xf32, #tpu.memory_space<vmem>>, vector<16xf32>,
    %mul3A_1105 = arith.mulf %get3A_1104, %get3A_1094 : vector<16xf32>
    %add3A_1106 = arith.addf %add3A_1088, %mul3A_1105 : vector<16xf32>
    %get3A_1107 = arith.constant 4000 : index
    %get3A_1108 = tpu.vector_load %arg8[%get3A_1107] {strides = array<i32>} : memref<4096xf32, #tpu.memory_space<vmem>>, vector<16xf32>,
    %mul3A_1109 = arith.mulf %get3A_1108, %get3A_1094 : vector<16xf32>
    %add3A_1110 = arith.addf %add3A_1092, %mul3A_1109 : vector<16xf32>
    %get3A_1111 = arith.constant 944 : index
    %get3A_1112 = tpu.vector_load %arg7[%get3A_1111] {strides = array<i32>} : memref<1024xf32, #tpu.memory_space<vmem>>, vector<16xf32>,
    %get3A_1113 = arith.constant 944 : index
    %get3A_1114 = tpu.vector_load %arg8[%get3A_1113] {strides = array<i32>} : memref<4096xf32, #tpu.memory_space<vmem>>, vector<16xf32>,
    %mul3A_1115 = arith.mulf %get3A_1114, %get3A_1112 : vector<16xf32>
    %add3A_1116 = arith.addf %add3A_1098, %mul3A_1115 : vector<16xf32>
    %get3A_1117 = arith.constant 1968 : index
    %get3A_1118 = tpu.vector_load %arg8[%get3A_1117] {strides = array<i32>} : memref<4096xf32, #tpu.memory_space<vmem>>, vector<16xf32>,
    %mul3A_1119 = arith.mulf %get3A_1118, %get3A_1112 : vector<16xf32>
    %add3A_1120 = arith.addf %add3A_1102, %mul3A_1119 : vector<16xf32>
    %get3A_1121 = arith.constant 2992 : index
    %get3A_1122 = tpu.vector_load %arg8[%get3A_1121] {strides = array<i32>} : memref<4096xf32, #tpu.memory_space<vmem>>, vector<16xf32>,
    %mul3A_1123 = arith.mulf %get3A_1122, %get3A_1112 : vector<16xf32>
    %add3A_1124 = arith.addf %add3A_1106, %mul3A_1123 : vector<16xf32>
    %get3A_1125 = arith.constant 4016 : index
    %get3A_1126 = tpu.vector_load %arg8[%get3A_1125] {strides = array<i32>} : memref<4096xf32, #tpu.memory_space<vmem>>, vector<16xf32>,
    %mul3A_1127 = arith.mulf %get3A_1126, %get3A_1112 : vector<16xf32>
    %add3A_1128 = arith.addf %add3A_1110, %mul3A_1127 : vector<16xf32>
    %get3A_1129 = arith.constant 960 : index
    %get3A_1130 = tpu.vector_load %arg7[%get3A_1129] {strides = array<i32>} : memref<1024xf32, #tpu.memory_space<vmem>>, vector<16xf32>,
    %get3A_1131 = arith.constant 960 : index
    %get3A_1132 = tpu.vector_load %arg8[%get3A_1131] {strides = array<i32>} : memref<4096xf32, #tpu.memory_space<vmem>>, vector<16xf32>,
    %mul3A_1133 = arith.mulf %get3A_1132, %get3A_1130 : vector<16xf32>
    %add3A_1134 = arith.addf %add3A_1116, %mul3A_1133 : vector<16xf32>
    %get3A_1135 = arith.constant 1984 : index
    %get3A_1136 = tpu.vector_load %arg8[%get3A_1135] {strides = array<i32>} : memref<4096xf32, #tpu.memory_space<vmem>>, vector<16xf32>,
    %mul3A_1137 = arith.mulf %get3A_1136, %get3A_1130 : vector<16xf32>
    %add3A_1138 = arith.addf %add3A_1120, %mul3A_1137 : vector<16xf32>
    %get3A_1139 = arith.constant 3008 : index
    %get3A_1140 = tpu.vector_load %arg8[%get3A_1139] {strides = array<i32>} : memref<4096xf32, #tpu.memory_space<vmem>>, vector<16xf32>,
    %mul3A_1141 = arith.mulf %get3A_1140, %get3A_1130 : vector<16xf32>
    %add3A_1142 = arith.addf %add3A_1124, %mul3A_1141 : vector<16xf32>
    %get3A_1143 = arith.constant 4032 : index
    %get3A_1144 = tpu.vector_load %arg8[%get3A_1143] {strides = array<i32>} : memref<4096xf32, #tpu.memory_space<vmem>>, vector<16xf32>,
    %mul3A_1145 = arith.mulf %get3A_1144, %get3A_1130 : vector<16xf32>
    %add3A_1146 = arith.addf %add3A_1128, %mul3A_1145 : vector<16xf32>
    %get3A_1147 = arith.constant 976 : index
    %get3A_1148 = tpu.vector_load %arg7[%get3A_1147] {strides = array<i32>} : memref<1024xf32, #tpu.memory_space<vmem>>, vector<16xf32>,
    %get3A_1149 = arith.constant 976 : index
    %get3A_1150 = tpu.vector_load %arg8[%get3A_1149] {strides = array<i32>} : memref<4096xf32, #tpu.memory_space<vmem>>, vector<16xf32>,
    %mul3A_1151 = arith.mulf %get3A_1150, %get3A_1148 : vector<16xf32>
    %add3A_1152 = arith.addf %add3A_1134, %mul3A_1151 : vector<16xf32>
    %get3A_1153 = arith.constant 2000 : index
    %get3A_1154 = tpu.vector_load %arg8[%get3A_1153] {strides = array<i32>} : memref<4096xf32, #tpu.memory_space<vmem>>, vector<16xf32>,
    %mul3A_1155 = arith.mulf %get3A_1154, %get3A_1148 : vector<16xf32>
    %add3A_1156 = arith.addf %add3A_1138, %mul3A_1155 : vector<16xf32>
    %get3A_1157 = arith.constant 3024 : index
    %get3A_1158 = tpu.vector_load %arg8[%get3A_1157] {strides = array<i32>} : memref<4096xf32, #tpu.memory_space<vmem>>, vector<16xf32>,
    %mul3A_1159 = arith.mulf %get3A_1158, %get3A_1148 : vector<16xf32>
    %add3A_1160 = arith.addf %add3A_1142, %mul3A_1159 : vector<16xf32>
    %get3A_1161 = arith.constant 4048 : index
    %get3A_1162 = tpu.vector_load %arg8[%get3A_1161] {strides = array<i32>} : memref<4096xf32, #tpu.memory_space<vmem>>, vector<16xf32>,
    %mul3A_1163 = arith.mulf %get3A_1162, %get3A_1148 : vector<16xf32>
    %add3A_1164 = arith.addf %add3A_1146, %mul3A_1163 : vector<16xf32>
    %get3A_1165 = arith.constant 992 : index
    %get3A_1166 = tpu.vector_load %arg7[%get3A_1165] {strides = array<i32>} : memref<1024xf32, #tpu.memory_space<vmem>>, vector<16xf32>,
    %get3A_1167 = arith.constant 992 : index
    %get3A_1168 = tpu.vector_load %arg8[%get3A_1167] {strides = array<i32>} : memref<4096xf32, #tpu.memory_space<vmem>>, vector<16xf32>,
    %mul3A_1169 = arith.mulf %get3A_1168, %get3A_1166 : vector<16xf32>
    %add3A_1170 = arith.addf %add3A_1152, %mul3A_1169 : vector<16xf32>
    %get3A_1171 = arith.constant 2016 : index
    %get3A_1172 = tpu.vector_load %arg8[%get3A_1171] {strides = array<i32>} : memref<4096xf32, #tpu.memory_space<vmem>>, vector<16xf32>,
    %mul3A_1173 = arith.mulf %get3A_1172, %get3A_1166 : vector<16xf32>
    %add3A_1174 = arith.addf %add3A_1156, %mul3A_1173 : vector<16xf32>
    %get3A_1175 = arith.constant 3040 : index
    %get3A_1176 = tpu.vector_load %arg8[%get3A_1175] {strides = array<i32>} : memref<4096xf32, #tpu.memory_space<vmem>>, vector<16xf32>,
    %mul3A_1177 = arith.mulf %get3A_1176, %get3A_1166 : vector<16xf32>
    %add3A_1178 = arith.addf %add3A_1160, %mul3A_1177 : vector<16xf32>
    %get3A_1179 = arith.constant 4064 : index
    %get3A_1180 = tpu.vector_load %arg8[%get3A_1179] {strides = array<i32>} : memref<4096xf32, #tpu.memory_space<vmem>>, vector<16xf32>,
    %mul3A_1181 = arith.mulf %get3A_1180, %get3A_1166 : vector<16xf32>
    %add3A_1182 = arith.addf %add3A_1164, %mul3A_1181 : vector<16xf32>
    %get3A_1183 = arith.constant 1008 : index
    %get3A_1184 = tpu.vector_load %arg7[%get3A_1183] {strides = array<i32>} : memref<1024xf32, #tpu.memory_space<vmem>>, vector<16xf32>,
    %get3A_1185 = arith.constant 1008 : index
    %get3A_1186 = tpu.vector_load %arg8[%get3A_1185] {strides = array<i32>} : memref<4096xf32, #tpu.memory_space<vmem>>, vector<16xf32>,
    %mul3A_1187 = arith.mulf %get3A_1186, %get3A_1184 : vector<16xf32>
    %add3A_1188 = arith.addf %add3A_1170, %mul3A_1187 : vector<16xf32>
    %get3A_1189 = arith.constant 2032 : index
    %get3A_1190 = tpu.vector_load %arg8[%get3A_1189] {strides = array<i32>} : memref<4096xf32, #tpu.memory_space<vmem>>, vector<16xf32>,
    %mul3A_1191 = arith.mulf %get3A_1190, %get3A_1184 : vector<16xf32>
    %add3A_1192 = arith.addf %add3A_1174, %mul3A_1191 : vector<16xf32>
    %get3A_1193 = arith.constant 3056 : index
    %get3A_1194 = tpu.vector_load %arg8[%get3A_1193] {strides = array<i32>} : memref<4096xf32, #tpu.memory_space<vmem>>, vector<16xf32>,
    %mul3A_1195 = arith.mulf %get3A_1194, %get3A_1184 : vector<16xf32>
    %add3A_1196 = arith.addf %add3A_1178, %mul3A_1195 : vector<16xf32>
    %get3A_1197 = arith.constant 4080 : index
    %get3A_1198 = tpu.vector_load %arg8[%get3A_1197] {strides = array<i32>} : memref<4096xf32, #tpu.memory_space<vmem>>, vector<16xf32>,
    %mul3A_1199 = arith.mulf %get3A_1198, %get3A_1184 : vector<16xf32>
    %add3A_1200 = arith.addf %add3A_1182, %mul3A_1199 : vector<16xf32>
    %swap3A = arith.constant 0 : index
    %swap3A_1201 = tpu.vector_load %arg10[%swap3A] {strides = array<i32>} : memref<16xf32, #tpu.memory_space<vmem>>, vector<16xf32>,
    tpu.vector_store %arg10[%swap3A], %add3A_1188 {strides = array<i32>} : memref<16xf32, #tpu.memory_space<vmem>>, vector<16xf32>,
    %xor3A = arith.constant 8 : i32
    %xor3A_1202 = vector.broadcast %xor3A : i32 to vector<16xi32>
    %xor3A_1203 = arith.xori %iota3A, %xor3A_1202 : vector<16xi32>
    %gather3A = tpu.vector_load_idx %arg10[%xor3A_1203] : memref<16xf32, #tpu.memory_space<vmem>>[vector<16xi32>], vector<16xf32>,
    %add3A_1204 = arith.addf %add3A_1188, %gather3A : vector<16xf32>
    %swap3A_1205 = arith.constant 0 : index
    %swap3A_1206 = tpu.vector_load %arg10[%swap3A_1205] {strides = array<i32>} : memref<16xf32, #tpu.memory_space<vmem>>, vector<16xf32>,
    tpu.vector_store %arg10[%swap3A_1205], %add3A_1204 {strides = array<i32>} : memref<16xf32, #tpu.memory_space<vmem>>, vector<16xf32>,
    %xor3A_1207 = arith.constant 4 : i32
    %xor3A_1208 = vector.broadcast %xor3A_1207 : i32 to vector<16xi32>
    %xor3A_1209 = arith.xori %iota3A, %xor3A_1208 : vector<16xi32>
    %gather3A_1210 = tpu.vector_load_idx %arg10[%xor3A_1209] : memref<16xf32, #tpu.memory_space<vmem>>[vector<16xi32>], vector<16xf32>,
    %add3A_1211 = arith.addf %add3A_1204, %gather3A_1210 : vector<16xf32>
    %swap3A_1212 = arith.constant 0 : index
    %swap3A_1213 = tpu.vector_load %arg10[%swap3A_1212] {strides = array<i32>} : memref<16xf32, #tpu.memory_space<vmem>>, vector<16xf32>,
    tpu.vector_store %arg10[%swap3A_1212], %add3A_1211 {strides = array<i32>} : memref<16xf32, #tpu.memory_space<vmem>>, vector<16xf32>,
    %xor3A_1214 = arith.constant 2 : i32
    %xor3A_1215 = vector.broadcast %xor3A_1214 : i32 to vector<16xi32>
    %xor3A_1216 = arith.xori %iota3A, %xor3A_1215 : vector<16xi32>
    %gather3A_1217 = tpu.vector_load_idx %arg10[%xor3A_1216] : memref<16xf32, #tpu.memory_space<vmem>>[vector<16xi32>], vector<16xf32>,
    %add3A_1218 = arith.addf %add3A_1211, %gather3A_1217 : vector<16xf32>
    %swap3A_1219 = arith.constant 0 : index
    %swap3A_1220 = tpu.vector_load %arg10[%swap3A_1219] {strides = array<i32>} : memref<16xf32, #tpu.memory_space<vmem>>, vector<16xf32>,
    tpu.vector_store %arg10[%swap3A_1219], %add3A_1218 {strides = array<i32>} : memref<16xf32, #tpu.memory_space<vmem>>, vector<16xf32>,
    %xor3A_1221 = arith.constant 1 : i32
    %xor3A_1222 = vector.broadcast %xor3A_1221 : i32 to vector<16xi32>
    %xor3A_1223 = arith.xori %iota3A, %xor3A_1222 : vector<16xi32>
    %gather3A_1224 = tpu.vector_load_idx %arg10[%xor3A_1223] : memref<16xf32, #tpu.memory_space<vmem>>[vector<16xi32>], vector<16xf32>,
    %add3A_1225 = arith.addf %add3A_1218, %gather3A_1224 : vector<16xf32>
    %eq3A = arith.constant 0 : i32
    %eq3A_1226 = vector.broadcast %eq3A : i32 to vector<16xi32>
    %eq3A_1227 = arith.cmpi eq, %iota3A, %eq3A_1226 : vector<16xi32>
    %select_n3A = arith.select %eq3A_1227, %add3A_1225, %broadcast_in_dim3A_0 : vector<16xi1>, vector<16xf32>
    %swap3A_1228 = arith.constant 0 : index
    %swap3A_1229 = tpu.vector_load %arg10[%swap3A_1228] {strides = array<i32>} : memref<16xf32, #tpu.memory_space<vmem>>, vector<16xf32>,
    tpu.vector_store %arg10[%swap3A_1228], %add3A_1192 {strides = array<i32>} : memref<16xf32, #tpu.memory_space<vmem>>, vector<16xf32>,
    %xor3A_1230 = arith.constant 8 : i32
    %xor3A_1231 = vector.broadcast %xor3A_1230 : i32 to vector<16xi32>
    %xor3A_1232 = arith.xori %iota3A, %xor3A_1231 : vector<16xi32>
    %gather3A_1233 = tpu.vector_load_idx %arg10[%xor3A_1232] : memref<16xf32, #tpu.memory_space<vmem>>[vector<16xi32>], vector<16xf32>,
    %add3A_1234 = arith.addf %add3A_1192, %gather3A_1233 : vector<16xf32>
    %swap3A_1235 = arith.constant 0 : index
    %swap3A_1236 = tpu.vector_load %arg10[%swap3A_1235] {strides = array<i32>} : memref<16xf32, #tpu.memory_space<vmem>>, vector<16xf32>,
    tpu.vector_store %arg10[%swap3A_1235], %add3A_1234 {strides = array<i32>} : memref<16xf32, #tpu.memory_space<vmem>>, vector<16xf32>,
    %xor3A_1237 = arith.constant 4 : i32
    %xor3A_1238 = vector.broadcast %xor3A_1237 : i32 to vector<16xi32>
    %xor3A_1239 = arith.xori %iota3A, %xor3A_1238 : vector<16xi32>
    %gather3A_1240 = tpu.vector_load_idx %arg10[%xor3A_1239] : memref<16xf32, #tpu.memory_space<vmem>>[vector<16xi32>], vector<16xf32>,
    %add3A_1241 = arith.addf %add3A_1234, %gather3A_1240 : vector<16xf32>
    %swap3A_1242 = arith.constant 0 : index
    %swap3A_1243 = tpu.vector_load %arg10[%swap3A_1242] {strides = array<i32>} : memref<16xf32, #tpu.memory_space<vmem>>, vector<16xf32>,
    tpu.vector_store %arg10[%swap3A_1242], %add3A_1241 {strides = array<i32>} : memref<16xf32, #tpu.memory_space<vmem>>, vector<16xf32>,
    %xor3A_1244 = arith.constant 2 : i32
    %xor3A_1245 = vector.broadcast %xor3A_1244 : i32 to vector<16xi32>
    %xor3A_1246 = arith.xori %iota3A, %xor3A_1245 : vector<16xi32>
    %gather3A_1247 = tpu.vector_load_idx %arg10[%xor3A_1246] : memref<16xf32, #tpu.memory_space<vmem>>[vector<16xi32>], vector<16xf32>,
    %add3A_1248 = arith.addf %add3A_1241, %gather3A_1247 : vector<16xf32>
    %swap3A_1249 = arith.constant 0 : index
    %swap3A_1250 = tpu.vector_load %arg10[%swap3A_1249] {strides = array<i32>} : memref<16xf32, #tpu.memory_space<vmem>>, vector<16xf32>,
    tpu.vector_store %arg10[%swap3A_1249], %add3A_1248 {strides = array<i32>} : memref<16xf32, #tpu.memory_space<vmem>>, vector<16xf32>,
    %xor3A_1251 = arith.constant 1 : i32
    %xor3A_1252 = vector.broadcast %xor3A_1251 : i32 to vector<16xi32>
    %xor3A_1253 = arith.xori %iota3A, %xor3A_1252 : vector<16xi32>
    %gather3A_1254 = tpu.vector_load_idx %arg10[%xor3A_1253] : memref<16xf32, #tpu.memory_space<vmem>>[vector<16xi32>], vector<16xf32>,
    %add3A_1255 = arith.addf %add3A_1248, %gather3A_1254 : vector<16xf32>
    %eq3A_1256 = arith.constant 1 : i32
    %eq3A_1257 = vector.broadcast %eq3A_1256 : i32 to vector<16xi32>
    %eq3A_1258 = arith.cmpi eq, %iota3A, %eq3A_1257 : vector<16xi32>
    %select_n3A_1259 = arith.select %eq3A_1258, %add3A_1255, %select_n3A : vector<16xi1>, vector<16xf32>
    %swap3A_1260 = arith.constant 0 : index
    %swap3A_1261 = tpu.vector_load %arg10[%swap3A_1260] {strides = array<i32>} : memref<16xf32, #tpu.memory_space<vmem>>, vector<16xf32>,
    tpu.vector_store %arg10[%swap3A_1260], %add3A_1196 {strides = array<i32>} : memref<16xf32, #tpu.memory_space<vmem>>, vector<16xf32>,
    %xor3A_1262 = arith.constant 8 : i32
    %xor3A_1263 = vector.broadcast %xor3A_1262 : i32 to vector<16xi32>
    %xor3A_1264 = arith.xori %iota3A, %xor3A_1263 : vector<16xi32>
    %gather3A_1265 = tpu.vector_load_idx %arg10[%xor3A_1264] : memref<16xf32, #tpu.memory_space<vmem>>[vector<16xi32>], vector<16xf32>,
    %add3A_1266 = arith.addf %add3A_1196, %gather3A_1265 : vector<16xf32>
    %swap3A_1267 = arith.constant 0 : index
    %swap3A_1268 = tpu.vector_load %arg10[%swap3A_1267] {strides = array<i32>} : memref<16xf32, #tpu.memory_space<vmem>>, vector<16xf32>,
    tpu.vector_store %arg10[%swap3A_1267], %add3A_1266 {strides = array<i32>} : memref<16xf32, #tpu.memory_space<vmem>>, vector<16xf32>,
    %xor3A_1269 = arith.constant 4 : i32
    %xor3A_1270 = vector.broadcast %xor3A_1269 : i32 to vector<16xi32>
    %xor3A_1271 = arith.xori %iota3A, %xor3A_1270 : vector<16xi32>
    %gather3A_1272 = tpu.vector_load_idx %arg10[%xor3A_1271] : memref<16xf32, #tpu.memory_space<vmem>>[vector<16xi32>], vector<16xf32>,
    %add3A_1273 = arith.addf %add3A_1266, %gather3A_1272 : vector<16xf32>
    %swap3A_1274 = arith.constant 0 : index
    %swap3A_1275 = tpu.vector_load %arg10[%swap3A_1274] {strides = array<i32>} : memref<16xf32, #tpu.memory_space<vmem>>, vector<16xf32>,
    tpu.vector_store %arg10[%swap3A_1274], %add3A_1273 {strides = array<i32>} : memref<16xf32, #tpu.memory_space<vmem>>, vector<16xf32>,
    %xor3A_1276 = arith.constant 2 : i32
    %xor3A_1277 = vector.broadcast %xor3A_1276 : i32 to vector<16xi32>
    %xor3A_1278 = arith.xori %iota3A, %xor3A_1277 : vector<16xi32>
    %gather3A_1279 = tpu.vector_load_idx %arg10[%xor3A_1278] : memref<16xf32, #tpu.memory_space<vmem>>[vector<16xi32>], vector<16xf32>,
    %add3A_1280 = arith.addf %add3A_1273, %gather3A_1279 : vector<16xf32>
    %swap3A_1281 = arith.constant 0 : index
    %swap3A_1282 = tpu.vector_load %arg10[%swap3A_1281] {strides = array<i32>} : memref<16xf32, #tpu.memory_space<vmem>>, vector<16xf32>,
    tpu.vector_store %arg10[%swap3A_1281], %add3A_1280 {strides = array<i32>} : memref<16xf32, #tpu.memory_space<vmem>>, vector<16xf32>,
    %xor3A_1283 = arith.constant 1 : i32
    %xor3A_1284 = vector.broadcast %xor3A_1283 : i32 to vector<16xi32>
    %xor3A_1285 = arith.xori %iota3A, %xor3A_1284 : vector<16xi32>
    %gather3A_1286 = tpu.vector_load_idx %arg10[%xor3A_1285] : memref<16xf32, #tpu.memory_space<vmem>>[vector<16xi32>], vector<16xf32>,
    %add3A_1287 = arith.addf %add3A_1280, %gather3A_1286 : vector<16xf32>
    %eq3A_1288 = arith.constant 2 : i32
    %eq3A_1289 = vector.broadcast %eq3A_1288 : i32 to vector<16xi32>
    %eq3A_1290 = arith.cmpi eq, %iota3A, %eq3A_1289 : vector<16xi32>
    %select_n3A_1291 = arith.select %eq3A_1290, %add3A_1287, %select_n3A_1259 : vector<16xi1>, vector<16xf32>
    %swap3A_1292 = arith.constant 0 : index
    %swap3A_1293 = tpu.vector_load %arg10[%swap3A_1292] {strides = array<i32>} : memref<16xf32, #tpu.memory_space<vmem>>, vector<16xf32>,
    tpu.vector_store %arg10[%swap3A_1292], %add3A_1200 {strides = array<i32>} : memref<16xf32, #tpu.memory_space<vmem>>, vector<16xf32>,
    %xor3A_1294 = arith.constant 8 : i32
    %xor3A_1295 = vector.broadcast %xor3A_1294 : i32 to vector<16xi32>
    %xor3A_1296 = arith.xori %iota3A, %xor3A_1295 : vector<16xi32>
    %gather3A_1297 = tpu.vector_load_idx %arg10[%xor3A_1296] : memref<16xf32, #tpu.memory_space<vmem>>[vector<16xi32>], vector<16xf32>,
    %add3A_1298 = arith.addf %add3A_1200, %gather3A_1297 : vector<16xf32>
    %swap3A_1299 = arith.constant 0 : index
    %swap3A_1300 = tpu.vector_load %arg10[%swap3A_1299] {strides = array<i32>} : memref<16xf32, #tpu.memory_space<vmem>>, vector<16xf32>,
    tpu.vector_store %arg10[%swap3A_1299], %add3A_1298 {strides = array<i32>} : memref<16xf32, #tpu.memory_space<vmem>>, vector<16xf32>,
    %xor3A_1301 = arith.constant 4 : i32
    %xor3A_1302 = vector.broadcast %xor3A_1301 : i32 to vector<16xi32>
    %xor3A_1303 = arith.xori %iota3A, %xor3A_1302 : vector<16xi32>
    %gather3A_1304 = tpu.vector_load_idx %arg10[%xor3A_1303] : memref<16xf32, #tpu.memory_space<vmem>>[vector<16xi32>], vector<16xf32>,
    %add3A_1305 = arith.addf %add3A_1298, %gather3A_1304 : vector<16xf32>
    %swap3A_1306 = arith.constant 0 : index
    %swap3A_1307 = tpu.vector_load %arg10[%swap3A_1306] {strides = array<i32>} : memref<16xf32, #tpu.memory_space<vmem>>, vector<16xf32>,
    tpu.vector_store %arg10[%swap3A_1306], %add3A_1305 {strides = array<i32>} : memref<16xf32, #tpu.memory_space<vmem>>, vector<16xf32>,
    %xor3A_1308 = arith.constant 2 : i32
    %xor3A_1309 = vector.broadcast %xor3A_1308 : i32 to vector<16xi32>
    %xor3A_1310 = arith.xori %iota3A, %xor3A_1309 : vector<16xi32>
    %gather3A_1311 = tpu.vector_load_idx %arg10[%xor3A_1310] : memref<16xf32, #tpu.memory_space<vmem>>[vector<16xi32>], vector<16xf32>,
    %add3A_1312 = arith.addf %add3A_1305, %gather3A_1311 : vector<16xf32>
    %swap3A_1313 = arith.constant 0 : index
    %swap3A_1314 = tpu.vector_load %arg10[%swap3A_1313] {strides = array<i32>} : memref<16xf32, #tpu.memory_space<vmem>>, vector<16xf32>,
    tpu.vector_store %arg10[%swap3A_1313], %add3A_1312 {strides = array<i32>} : memref<16xf32, #tpu.memory_space<vmem>>, vector<16xf32>,
    %xor3A_1315 = arith.constant 1 : i32
    %xor3A_1316 = vector.broadcast %xor3A_1315 : i32 to vector<16xi32>
    %xor3A_1317 = arith.xori %iota3A, %xor3A_1316 : vector<16xi32>
    %gather3A_1318 = tpu.vector_load_idx %arg10[%xor3A_1317] : memref<16xf32, #tpu.memory_space<vmem>>[vector<16xi32>], vector<16xf32>,
    %add3A_1319 = arith.addf %add3A_1312, %gather3A_1318 : vector<16xf32>
    %eq3A_1320 = arith.constant 3 : i32
    %eq3A_1321 = vector.broadcast %eq3A_1320 : i32 to vector<16xi32>
    %eq3A_1322 = arith.cmpi eq, %iota3A, %eq3A_1321 : vector<16xi32>
    %select_n3A_1323 = arith.select %eq3A_1322, %add3A_1319, %select_n3A_1291 : vector<16xi1>, vector<16xf32>
    %swap3A_1324 = arith.constant 0 : index
    %swap3A_1325 = tpu.vector_load %arg10[%swap3A_1324] {strides = array<i32>} : memref<16xf32, #tpu.memory_space<vmem>>, vector<16xf32>,
    tpu.vector_store %arg10[%swap3A_1324], %select_n3A_1323 {strides = array<i32>} : memref<16xf32, #tpu.memory_space<vmem>>, vector<16xf32>,
    %mul3A_1326 = arith.constant 16 : i32
    %mul3A_1327 = arith.muli %arg1, %mul3A_1326 : i32
    "tpu.region"() ({
      %run_scoped3A = tpu.sem_alloc : memref<!tpu.dma_semaphore, #tpu.memory_space<semaphore_mem>>
      %dma_start3A_1394 = tpu.memref_slice %arg18[%mul3A_1327] : memref<256xf32, #tpu.memory_space<vmem_shared>> -> memref<16xf32, #tpu.memory_space<vmem_shared>>
      %dma_start3A_1395 = tpu.memref_slice %arg18[%mul3A_1327] : memref<256xf32, #tpu.memory_space<vmem_shared>> -> memref<16xf32, #tpu.memory_space<vmem_shared>>
      tpu.enqueue_dma source(%arg10 : memref<16xf32, #tpu.memory_space<vmem>>) target(%dma_start3A_1395 : memref<16xf32, #tpu.memory_space<vmem_shared>>) target_semaphore(%run_scoped3A : memref<!tpu.dma_semaphore, #tpu.memory_space<semaphore_mem>>)
      %dma_wait3A_1396 = tpu.memref_slice %arg18[%mul3A_1327] : memref<256xf32, #tpu.memory_space<vmem_shared>> -> memref<16xf32, #tpu.memory_space<vmem_shared>>
      %dma_wait3A_1397 = tpu.memref_slice %arg18[%mul3A_1327] : memref<256xf32, #tpu.memory_space<vmem_shared>> -> memref<16xf32, #tpu.memory_space<vmem_shared>>
      tpu.wait_dma2 semaphore(%run_scoped3A : memref<!tpu.dma_semaphore, #tpu.memory_space<semaphore_mem>>) src(%arg10 : memref<16xf32, #tpu.memory_space<vmem>>) dst(%dma_wait3A_1397 : memref<16xf32, #tpu.memory_space<vmem_shared>>)
      tpu.yield
    }) : () -> ()
    %barrier3A = arith.constant 0 : index
    tpu.barrier barrier_id(%barrier3A)
    "tpu.region"() ({
      %run_scoped3A = tpu.sem_alloc : memref<!tpu.dma_semaphore, #tpu.memory_space<semaphore_mem>>
      tpu.enqueue_dma source(%arg18 : memref<256xf32, #tpu.memory_space<vmem_shared>>) target(%arg11 : memref<256xf32, #tpu.memory_space<vmem>>) target_semaphore(%run_scoped3A : memref<!tpu.dma_semaphore, #tpu.memory_space<semaphore_mem>>)
      tpu.wait_dma2 semaphore(%run_scoped3A : memref<!tpu.dma_semaphore, #tpu.memory_space<semaphore_mem>>) src(%arg18 : memref<256xf32, #tpu.memory_space<vmem_shared>>) dst(%arg11 : memref<256xf32, #tpu.memory_space<vmem>>)
      tpu.yield
    }) : () -> ()
    %scan3A = arith.constant 0 : i32
    %scan3A_1328 = arith.constant 0 : i32
    %scan3A_1329 = arith.constant 64 : i32
    %scan3A_1330 = arith.addi %scan3A_1328, %scan3A_1329 : i32
    %scan3A_1331 = arith.constant 1 : i32
    %scan3A_1332 = scf.for %scan3A_1394 = %scan3A_1328 to %scan3A_1330 step %scan3A_1331 iter_args(%scan3A_1395 = %scan3A) -> (i32)  : i32 {
      %jit3A = arith.constant 4 : i32
      %div3A = arith.divsi %scan3A_1394, %jit3A : i32
      %sign3A = arith.constant 0 : i32
      %sign3A_1396 = arith.cmpi sgt, %scan3A_1394, %sign3A : i32
      %sign3A_1397 = arith.extui %sign3A_1396 : i1 to i32
      %sign3A_1398 = arith.constant 0 : i32
      %sign3A_1399 = arith.cmpi slt, %scan3A_1394, %sign3A_1398 : i32
      %sign3A_1400 = arith.extui %sign3A_1399 : i1 to i32
      %sign3A_1401 = arith.subi %sign3A_1397, %sign3A_1400 : i32
      %sign3A_1402 = arith.constant 0 : i32
      %sign3A_1403 = arith.cmpi sgt, %jit3A, %sign3A_1402 : i32
      %sign3A_1404 = arith.extui %sign3A_1403 : i1 to i32
      %sign3A_1405 = arith.constant 0 : i32
      %sign3A_1406 = arith.cmpi slt, %jit3A, %sign3A_1405 : i32
      %sign3A_1407 = arith.extui %sign3A_1406 : i1 to i32
      %sign3A_1408 = arith.subi %sign3A_1404, %sign3A_1407 : i32
      %ne3A = arith.cmpi ne, %sign3A_1401, %sign3A_1408 : i32
      %rem3A = arith.remsi %scan3A_1394, %jit3A : i32
      %ne3A_1409 = arith.constant 0 : i32
      %ne3A_1410 = arith.cmpi ne, %rem3A, %ne3A_1409 : i32
      %and3A = arith.andi %ne3A, %ne3A_1410 : i1
      %sub3A = arith.constant 1 : i32
      %sub3A_1411 = arith.subi %div3A, %sub3A : i32
      %select_n3A_1412 = arith.select %and3A, %sub3A_1411, %div3A : i32
      %mul3A_1413 = arith.constant 16 : i32
      %mul3A_1414 = arith.muli %select_n3A_1412, %mul3A_1413 : i32
      %jit3A_1415 = arith.constant 4 : i32
      %eq3A_1416 = arith.constant 0 : i32
      %eq3A_1417 = arith.cmpi eq, %jit3A_1415, %eq3A_1416 : i32
      %jit3A_1418 = arith.constant 1 : i32
      %select_n3A_1419 = arith.select %eq3A_1417, %jit3A_1418, %jit3A_1415 : i32
      %rem3A_1420 = arith.remsi %scan3A_1394, %select_n3A_1419 : i32
      %ne3A_1421 = arith.constant 0 : i32
      %ne3A_1422 = arith.cmpi ne, %rem3A_1420, %ne3A_1421 : i32
      %lt3A_1423 = arith.constant 0 : i32
      %lt3A_1424 = arith.cmpi slt, %rem3A_1420, %lt3A_1423 : i32
      %lt3A_1425 = arith.constant 0 : i32
      %lt3A_1426 = arith.cmpi slt, %select_n3A_1419, %lt3A_1425 : i32
      %ne3A_1427 = arith.xori %lt3A_1424, %lt3A_1426 : i1
      %and3A_1428 = arith.andi %ne3A_1427, %ne3A_1422 : i1
      %add3A_1429 = arith.addi %rem3A_1420, %select_n3A_1419 : i32
      %select_n3A_1430 = arith.select %and3A_1428, %add3A_1429, %rem3A_1420 : i32
      %add3A_1431 = arith.addi %mul3A_1414, %select_n3A_1430 : i32
      %mul3A_1432 = arith.constant 0 : i32
      %mul3A_1433 = vector.broadcast %mul3A_1432 : i32 to vector<16xi32>
      %mul3A_1434 = arith.muli %iota3A, %mul3A_1433 : vector<16xi32>
      %add3A_1435 = vector.broadcast %add3A_1431 : i32 to vector<16xi32>
      %add3A_1436 = arith.addi %mul3A_1434, %add3A_1435 : vector<16xi32>
      %gather3A_1437 = tpu.vector_load_idx %arg11[%add3A_1436] : memref<256xf32, #tpu.memory_space<vmem>>[vector<16xi32>], vector<16xf32>,
      %mul3A_1438 = arith.constant 16 : i32
      %mul3A_1439 = arith.muli %scan3A_1394, %mul3A_1438 : i32
      %swap3A_1440 = arith.index_cast %mul3A_1439 : i32 to index
      %swap3A_1441 = tpu.vector_load %arg12[%swap3A_1440] {strides = array<i32>} : memref<1024xf32, #tpu.memory_space<vmem>>, vector<16xf32>,
      tpu.vector_store %arg12[%swap3A_1440], %gather3A_1437 {strides = array<i32>} : memref<1024xf32, #tpu.memory_space<vmem>>, vector<16xf32>,
      %scan3A_1442 = arith.constant 0 : i32
      scf.yield %scan3A_1442 : i32
    }
    %scan3A_1333 = arith.constant 64 : i32
    %broadcast_in_dim3A_1334 = arith.constant 0 : i32
    "tpu.trace_stop"() : () -> ()
    "tpu.trace_start"() <{level = 10 : i32, message = "sims"}> : () -> ()
    %broadcast_in_dim3A_1335 = vector.broadcast %broadcast_in_dim3A_1334 : i32 to vector<16xi32>
    %dma_wait3A = arith.constant 0 : i32
    %dma_wait3A_1336 = tpu.memref_slice %arg9[%dma_wait3A] : memref<65536xf32, #tpu.memory_space<vmem>> -> memref<16384xf32, #tpu.memory_space<vmem>>
    %dma_wait3A_1337 = tpu.memref_slice %arg3[%mul3A_8] : memref<1048576xf32, #tpu.memory_space<hbm>> -> memref<16384xf32, #tpu.memory_space<hbm>>
    %dma_wait3A_1338 = arith.constant 0 : i32
    %dma_wait3A_1339 = tpu.memref_slice %arg9[%dma_wait3A_1338] : memref<65536xf32, #tpu.memory_space<vmem>> -> memref<16384xf32, #tpu.memory_space<vmem>>
    %dma_wait3A_1340 = tpu.memref_slice %arg3[%mul3A_8] : memref<1048576xf32, #tpu.memory_space<hbm>> -> memref<16384xf32, #tpu.memory_space<hbm>>
    tpu.wait_dma2 semaphore(%arg21 : memref<!tpu.dma_semaphore, #tpu.memory_space<semaphore_mem>>) src(%dma_wait3A_1340 : memref<16384xf32, #tpu.memory_space<hbm>>) dst(%dma_wait3A_1339 : memref<16384xf32, #tpu.memory_space<vmem>>)
    %scan3A_1341 = arith.constant 0 : i32
    %scan3A_1342 = arith.constant 2 : i32
    %scan3A_1343 = arith.addi %scan3A_1341, %scan3A_1342 : i32
    %scan3A_1344 = arith.constant 1 : i32
    %scan3A_1345:3 = scf.for %scan3A_1394 = %scan3A_1341 to %scan3A_1343 step %scan3A_1344 iter_args(%scan3A_1395 = %broadcast_in_dim3A_2, %scan3A_1396 = %broadcast_in_dim3A_1335, %scan3A_1397 = %broadcast_in_dim3A_2) -> (vector<16xf32>, vector<16xi32>, vector<16xf32>)  : i32 {
      %scan3A_1398 = arith.constant 0 : i32
      %scan3A_1399 = arith.constant 16 : i32
      %scan3A_1400 = arith.addi %scan3A_1398, %scan3A_1399 : i32
      %scan3A_1401 = arith.constant 1 : i32
      %scan3A_1402:8 = scf.for %scan3A_1626 = %scan3A_1398 to %scan3A_1400 step %scan3A_1401 iter_args(%scan3A_1627 = %broadcast_in_dim3A_0, %scan3A_1628 = %broadcast_in_dim3A_0, %scan3A_1629 = %broadcast_in_dim3A_0, %scan3A_1630 = %broadcast_in_dim3A_0, %scan3A_1631 = %broadcast_in_dim3A_0, %scan3A_1632 = %broadcast_in_dim3A_0, %scan3A_1633 = %broadcast_in_dim3A_0, %scan3A_1634 = %broadcast_in_dim3A_0) -> (vector<16xf32>, vector<16xf32>, vector<16xf32>, vector<16xf32>, vector<16xf32>, vector<16xf32>, vector<16xf32>, vector<16xf32>)  : i32 {
        %mul3A_1635 = arith.constant 4 : i32
        %mul3A_1636 = arith.muli %scan3A_1626, %mul3A_1635 : i32
        %add3A_1637 = arith.constant 0 : i32
        %add3A_1638 = arith.addi %mul3A_1636, %add3A_1637 : i32
        %mul3A_1639 = arith.constant 16 : i32
        %mul3A_1640 = arith.muli %add3A_1638, %mul3A_1639 : i32
        %get3A_1641 = arith.index_cast %mul3A_1640 : i32 to index
        %get3A_1642 = tpu.vector_load %arg12[%get3A_1641] {strides = array<i32>} : memref<1024xf32, #tpu.memory_space<vmem>>, vector<16xf32>,
        %mul3A_1643 = arith.constant 64 : i32
        %mul3A_1644 = vector.broadcast %mul3A_1643 : i32 to vector<16xi32>
        %mul3A_1645 = arith.muli %iota3A, %mul3A_1644 : vector<16xi32>
        %add3A_1646 = vector.broadcast %add3A_1638 : i32 to vector<16xi32>
        %add3A_1647 = arith.addi %mul3A_1645, %add3A_1646 : vector<16xi32>
        %mul3A_1648 = arith.constant 8 : i32
        %mul3A_1649 = arith.muli %scan3A_1394, %mul3A_1648 : i32
        %add3A_1650 = arith.constant 0 : i32
        %add3A_1651 = arith.addi %mul3A_1649, %add3A_1650 : i32
        %mul3A_1652 = arith.constant 1024 : i32
        %mul3A_1653 = arith.muli %add3A_1651, %mul3A_1652 : i32
        %add3A_1654 = vector.broadcast %mul3A_1653 : i32 to vector<16xi32>
        %add3A_1655 = arith.addi %add3A_1647, %add3A_1654 : vector<16xi32>
        %gather3A_1656 = tpu.vector_load_idx %arg9[%add3A_1655] : memref<65536xf32, #tpu.memory_space<vmem>>[vector<16xi32>], vector<16xf32>,
        %mul3A_1657 = arith.mulf %gather3A_1656, %get3A_1642 : vector<16xf32>
        %add3A_1658 = arith.addf %scan3A_1627, %mul3A_1657 : vector<16xf32>
        %mul3A_1659 = arith.constant 8 : i32
        %mul3A_1660 = arith.muli %scan3A_1394, %mul3A_1659 : i32
        %add3A_1661 = arith.constant 1 : i32
        %add3A_1662 = arith.addi %mul3A_1660, %add3A_1661 : i32
        %mul3A_1663 = arith.constant 1024 : i32
        %mul3A_1664 = arith.muli %add3A_1662, %mul3A_1663 : i32
        %add3A_1665 = vector.broadcast %mul3A_1664 : i32 to vector<16xi32>
        %add3A_1666 = arith.addi %add3A_1647, %add3A_1665 : vector<16xi32>
        %gather3A_1667 = tpu.vector_load_idx %arg9[%add3A_1666] : memref<65536xf32, #tpu.memory_space<vmem>>[vector<16xi32>], vector<16xf32>,
        %mul3A_1668 = arith.mulf %gather3A_1667, %get3A_1642 : vector<16xf32>
        %add3A_1669 = arith.addf %scan3A_1628, %mul3A_1668 : vector<16xf32>
        %mul3A_1670 = arith.constant 8 : i32
        %mul3A_1671 = arith.muli %scan3A_1394, %mul3A_1670 : i32
        %add3A_1672 = arith.constant 2 : i32
        %add3A_1673 = arith.addi %mul3A_1671, %add3A_1672 : i32
        %mul3A_1674 = arith.constant 1024 : i32
        %mul3A_1675 = arith.muli %add3A_1673, %mul3A_1674 : i32
        %add3A_1676 = vector.broadcast %mul3A_1675 : i32 to vector<16xi32>
        %add3A_1677 = arith.addi %add3A_1647, %add3A_1676 : vector<16xi32>
        %gather3A_1678 = tpu.vector_load_idx %arg9[%add3A_1677] : memref<65536xf32, #tpu.memory_space<vmem>>[vector<16xi32>], vector<16xf32>,
        %mul3A_1679 = arith.mulf %gather3A_1678, %get3A_1642 : vector<16xf32>
        %add3A_1680 = arith.addf %scan3A_1629, %mul3A_1679 : vector<16xf32>
        %mul3A_1681 = arith.constant 8 : i32
        %mul3A_1682 = arith.muli %scan3A_1394, %mul3A_1681 : i32
        %add3A_1683 = arith.constant 3 : i32
        %add3A_1684 = arith.addi %mul3A_1682, %add3A_1683 : i32
        %mul3A_1685 = arith.constant 1024 : i32
        %mul3A_1686 = arith.muli %add3A_1684, %mul3A_1685 : i32
        %add3A_1687 = vector.broadcast %mul3A_1686 : i32 to vector<16xi32>
        %add3A_1688 = arith.addi %add3A_1647, %add3A_1687 : vector<16xi32>
        %gather3A_1689 = tpu.vector_load_idx %arg9[%add3A_1688] : memref<65536xf32, #tpu.memory_space<vmem>>[vector<16xi32>], vector<16xf32>,
        %mul3A_1690 = arith.mulf %gather3A_1689, %get3A_1642 : vector<16xf32>
        %add3A_1691 = arith.addf %scan3A_1630, %mul3A_1690 : vector<16xf32>
        %mul3A_1692 = arith.constant 8 : i32
        %mul3A_1693 = arith.muli %scan3A_1394, %mul3A_1692 : i32
        %add3A_1694 = arith.constant 4 : i32
        %add3A_1695 = arith.addi %mul3A_1693, %add3A_1694 : i32
        %mul3A_1696 = arith.constant 1024 : i32
        %mul3A_1697 = arith.muli %add3A_1695, %mul3A_1696 : i32
        %add3A_1698 = vector.broadcast %mul3A_1697 : i32 to vector<16xi32>
        %add3A_1699 = arith.addi %add3A_1647, %add3A_1698 : vector<16xi32>
        %gather3A_1700 = tpu.vector_load_idx %arg9[%add3A_1699] : memref<65536xf32, #tpu.memory_space<vmem>>[vector<16xi32>], vector<16xf32>,
        %mul3A_1701 = arith.mulf %gather3A_1700, %get3A_1642 : vector<16xf32>
        %add3A_1702 = arith.addf %scan3A_1631, %mul3A_1701 : vector<16xf32>
        %mul3A_1703 = arith.constant 8 : i32
        %mul3A_1704 = arith.muli %scan3A_1394, %mul3A_1703 : i32
        %add3A_1705 = arith.constant 5 : i32
        %add3A_1706 = arith.addi %mul3A_1704, %add3A_1705 : i32
        %mul3A_1707 = arith.constant 1024 : i32
        %mul3A_1708 = arith.muli %add3A_1706, %mul3A_1707 : i32
        %add3A_1709 = vector.broadcast %mul3A_1708 : i32 to vector<16xi32>
        %add3A_1710 = arith.addi %add3A_1647, %add3A_1709 : vector<16xi32>
        %gather3A_1711 = tpu.vector_load_idx %arg9[%add3A_1710] : memref<65536xf32, #tpu.memory_space<vmem>>[vector<16xi32>], vector<16xf32>,
        %mul3A_1712 = arith.mulf %gather3A_1711, %get3A_1642 : vector<16xf32>
        %add3A_1713 = arith.addf %scan3A_1632, %mul3A_1712 : vector<16xf32>
        %mul3A_1714 = arith.constant 8 : i32
        %mul3A_1715 = arith.muli %scan3A_1394, %mul3A_1714 : i32
        %add3A_1716 = arith.constant 6 : i32
        %add3A_1717 = arith.addi %mul3A_1715, %add3A_1716 : i32
        %mul3A_1718 = arith.constant 1024 : i32
        %mul3A_1719 = arith.muli %add3A_1717, %mul3A_1718 : i32
        %add3A_1720 = vector.broadcast %mul3A_1719 : i32 to vector<16xi32>
        %add3A_1721 = arith.addi %add3A_1647, %add3A_1720 : vector<16xi32>
        %gather3A_1722 = tpu.vector_load_idx %arg9[%add3A_1721] : memref<65536xf32, #tpu.memory_space<vmem>>[vector<16xi32>], vector<16xf32>,
        %mul3A_1723 = arith.mulf %gather3A_1722, %get3A_1642 : vector<16xf32>
        %add3A_1724 = arith.addf %scan3A_1633, %mul3A_1723 : vector<16xf32>
        %mul3A_1725 = arith.constant 8 : i32
        %mul3A_1726 = arith.muli %scan3A_1394, %mul3A_1725 : i32
        %add3A_1727 = arith.constant 7 : i32
        %add3A_1728 = arith.addi %mul3A_1726, %add3A_1727 : i32
        %mul3A_1729 = arith.constant 1024 : i32
        %mul3A_1730 = arith.muli %add3A_1728, %mul3A_1729 : i32
        %add3A_1731 = vector.broadcast %mul3A_1730 : i32 to vector<16xi32>
        %add3A_1732 = arith.addi %add3A_1647, %add3A_1731 : vector<16xi32>
        %gather3A_1733 = tpu.vector_load_idx %arg9[%add3A_1732] : memref<65536xf32, #tpu.memory_space<vmem>>[vector<16xi32>], vector<16xf32>,
        %mul3A_1734 = arith.mulf %gather3A_1733, %get3A_1642 : vector<16xf32>
        %add3A_1735 = arith.addf %scan3A_1634, %mul3A_1734 : vector<16xf32>
        %mul3A_1736 = arith.constant 4 : i32
        %mul3A_1737 = arith.muli %scan3A_1626, %mul3A_1736 : i32
        %add3A_1738 = arith.constant 1 : i32
        %add3A_1739 = arith.addi %mul3A_1737, %add3A_1738 : i32
        %mul3A_1740 = arith.constant 16 : i32
        %mul3A_1741 = arith.muli %add3A_1739, %mul3A_1740 : i32
        %get3A_1742 = arith.index_cast %mul3A_1741 : i32 to index
        %get3A_1743 = tpu.vector_load %arg12[%get3A_1742] {strides = array<i32>} : memref<1024xf32, #tpu.memory_space<vmem>>, vector<16xf32>,
        %mul3A_1744 = arith.constant 64 : i32
        %mul3A_1745 = vector.broadcast %mul3A_1744 : i32 to vector<16xi32>
        %mul3A_1746 = arith.muli %iota3A, %mul3A_1745 : vector<16xi32>
        %add3A_1747 = vector.broadcast %add3A_1739 : i32 to vector<16xi32>
        %add3A_1748 = arith.addi %mul3A_1746, %add3A_1747 : vector<16xi32>
        %mul3A_1749 = arith.constant 8 : i32
        %mul3A_1750 = arith.muli %scan3A_1394, %mul3A_1749 : i32
        %add3A_1751 = arith.constant 0 : i32
        %add3A_1752 = arith.addi %mul3A_1750, %add3A_1751 : i32
        %mul3A_1753 = arith.constant 1024 : i32
        %mul3A_1754 = arith.muli %add3A_1752, %mul3A_1753 : i32
        %add3A_1755 = vector.broadcast %mul3A_1754 : i32 to vector<16xi32>
        %add3A_1756 = arith.addi %add3A_1748, %add3A_1755 : vector<16xi32>
        %gather3A_1757 = tpu.vector_load_idx %arg9[%add3A_1756] : memref<65536xf32, #tpu.memory_space<vmem>>[vector<16xi32>], vector<16xf32>,
        %mul3A_1758 = arith.mulf %gather3A_1757, %get3A_1743 : vector<16xf32>
        %add3A_1759 = arith.addf %add3A_1658, %mul3A_1758 : vector<16xf32>
        %mul3A_1760 = arith.constant 8 : i32
        %mul3A_1761 = arith.muli %scan3A_1394, %mul3A_1760 : i32
        %add3A_1762 = arith.constant 1 : i32
        %add3A_1763 = arith.addi %mul3A_1761, %add3A_1762 : i32
        %mul3A_1764 = arith.constant 1024 : i32
        %mul3A_1765 = arith.muli %add3A_1763, %mul3A_1764 : i32
        %add3A_1766 = vector.broadcast %mul3A_1765 : i32 to vector<16xi32>
        %add3A_1767 = arith.addi %add3A_1748, %add3A_1766 : vector<16xi32>
        %gather3A_1768 = tpu.vector_load_idx %arg9[%add3A_1767] : memref<65536xf32, #tpu.memory_space<vmem>>[vector<16xi32>], vector<16xf32>,
        %mul3A_1769 = arith.mulf %gather3A_1768, %get3A_1743 : vector<16xf32>
        %add3A_1770 = arith.addf %add3A_1669, %mul3A_1769 : vector<16xf32>
        %mul3A_1771 = arith.constant 8 : i32
        %mul3A_1772 = arith.muli %scan3A_1394, %mul3A_1771 : i32
        %add3A_1773 = arith.constant 2 : i32
        %add3A_1774 = arith.addi %mul3A_1772, %add3A_1773 : i32
        %mul3A_1775 = arith.constant 1024 : i32
        %mul3A_1776 = arith.muli %add3A_1774, %mul3A_1775 : i32
        %add3A_1777 = vector.broadcast %mul3A_1776 : i32 to vector<16xi32>
        %add3A_1778 = arith.addi %add3A_1748, %add3A_1777 : vector<16xi32>
        %gather3A_1779 = tpu.vector_load_idx %arg9[%add3A_1778] : memref<65536xf32, #tpu.memory_space<vmem>>[vector<16xi32>], vector<16xf32>,
        %mul3A_1780 = arith.mulf %gather3A_1779, %get3A_1743 : vector<16xf32>
        %add3A_1781 = arith.addf %add3A_1680, %mul3A_1780 : vector<16xf32>
        %mul3A_1782 = arith.constant 8 : i32
        %mul3A_1783 = arith.muli %scan3A_1394, %mul3A_1782 : i32
        %add3A_1784 = arith.constant 3 : i32
        %add3A_1785 = arith.addi %mul3A_1783, %add3A_1784 : i32
        %mul3A_1786 = arith.constant 1024 : i32
        %mul3A_1787 = arith.muli %add3A_1785, %mul3A_1786 : i32
        %add3A_1788 = vector.broadcast %mul3A_1787 : i32 to vector<16xi32>
        %add3A_1789 = arith.addi %add3A_1748, %add3A_1788 : vector<16xi32>
        %gather3A_1790 = tpu.vector_load_idx %arg9[%add3A_1789] : memref<65536xf32, #tpu.memory_space<vmem>>[vector<16xi32>], vector<16xf32>,
        %mul3A_1791 = arith.mulf %gather3A_1790, %get3A_1743 : vector<16xf32>
        %add3A_1792 = arith.addf %add3A_1691, %mul3A_1791 : vector<16xf32>
        %mul3A_1793 = arith.constant 8 : i32
        %mul3A_1794 = arith.muli %scan3A_1394, %mul3A_1793 : i32
        %add3A_1795 = arith.constant 4 : i32
        %add3A_1796 = arith.addi %mul3A_1794, %add3A_1795 : i32
        %mul3A_1797 = arith.constant 1024 : i32
        %mul3A_1798 = arith.muli %add3A_1796, %mul3A_1797 : i32
        %add3A_1799 = vector.broadcast %mul3A_1798 : i32 to vector<16xi32>
        %add3A_1800 = arith.addi %add3A_1748, %add3A_1799 : vector<16xi32>
        %gather3A_1801 = tpu.vector_load_idx %arg9[%add3A_1800] : memref<65536xf32, #tpu.memory_space<vmem>>[vector<16xi32>], vector<16xf32>,
        %mul3A_1802 = arith.mulf %gather3A_1801, %get3A_1743 : vector<16xf32>
        %add3A_1803 = arith.addf %add3A_1702, %mul3A_1802 : vector<16xf32>
        %mul3A_1804 = arith.constant 8 : i32
        %mul3A_1805 = arith.muli %scan3A_1394, %mul3A_1804 : i32
        %add3A_1806 = arith.constant 5 : i32
        %add3A_1807 = arith.addi %mul3A_1805, %add3A_1806 : i32
        %mul3A_1808 = arith.constant 1024 : i32
        %mul3A_1809 = arith.muli %add3A_1807, %mul3A_1808 : i32
        %add3A_1810 = vector.broadcast %mul3A_1809 : i32 to vector<16xi32>
        %add3A_1811 = arith.addi %add3A_1748, %add3A_1810 : vector<16xi32>
        %gather3A_1812 = tpu.vector_load_idx %arg9[%add3A_1811] : memref<65536xf32, #tpu.memory_space<vmem>>[vector<16xi32>], vector<16xf32>,
        %mul3A_1813 = arith.mulf %gather3A_1812, %get3A_1743 : vector<16xf32>
        %add3A_1814 = arith.addf %add3A_1713, %mul3A_1813 : vector<16xf32>
        %mul3A_1815 = arith.constant 8 : i32
        %mul3A_1816 = arith.muli %scan3A_1394, %mul3A_1815 : i32
        %add3A_1817 = arith.constant 6 : i32
        %add3A_1818 = arith.addi %mul3A_1816, %add3A_1817 : i32
        %mul3A_1819 = arith.constant 1024 : i32
        %mul3A_1820 = arith.muli %add3A_1818, %mul3A_1819 : i32
        %add3A_1821 = vector.broadcast %mul3A_1820 : i32 to vector<16xi32>
        %add3A_1822 = arith.addi %add3A_1748, %add3A_1821 : vector<16xi32>
        %gather3A_1823 = tpu.vector_load_idx %arg9[%add3A_1822] : memref<65536xf32, #tpu.memory_space<vmem>>[vector<16xi32>], vector<16xf32>,
        %mul3A_1824 = arith.mulf %gather3A_1823, %get3A_1743 : vector<16xf32>
        %add3A_1825 = arith.addf %add3A_1724, %mul3A_1824 : vector<16xf32>
        %mul3A_1826 = arith.constant 8 : i32
        %mul3A_1827 = arith.muli %scan3A_1394, %mul3A_1826 : i32
        %add3A_1828 = arith.constant 7 : i32
        %add3A_1829 = arith.addi %mul3A_1827, %add3A_1828 : i32
        %mul3A_1830 = arith.constant 1024 : i32
        %mul3A_1831 = arith.muli %add3A_1829, %mul3A_1830 : i32
        %add3A_1832 = vector.broadcast %mul3A_1831 : i32 to vector<16xi32>
        %add3A_1833 = arith.addi %add3A_1748, %add3A_1832 : vector<16xi32>
        %gather3A_1834 = tpu.vector_load_idx %arg9[%add3A_1833] : memref<65536xf32, #tpu.memory_space<vmem>>[vector<16xi32>], vector<16xf32>,
        %mul3A_1835 = arith.mulf %gather3A_1834, %get3A_1743 : vector<16xf32>
        %add3A_1836 = arith.addf %add3A_1735, %mul3A_1835 : vector<16xf32>
        %mul3A_1837 = arith.constant 4 : i32
        %mul3A_1838 = arith.muli %scan3A_1626, %mul3A_1837 : i32
        %add3A_1839 = arith.constant 2 : i32
        %add3A_1840 = arith.addi %mul3A_1838, %add3A_1839 : i32
        %mul3A_1841 = arith.constant 16 : i32
        %mul3A_1842 = arith.muli %add3A_1840, %mul3A_1841 : i32
        %get3A_1843 = arith.index_cast %mul3A_1842 : i32 to index
        %get3A_1844 = tpu.vector_load %arg12[%get3A_1843] {strides = array<i32>} : memref<1024xf32, #tpu.memory_space<vmem>>, vector<16xf32>,
        %mul3A_1845 = arith.constant 64 : i32
        %mul3A_1846 = vector.broadcast %mul3A_1845 : i32 to vector<16xi32>
        %mul3A_1847 = arith.muli %iota3A, %mul3A_1846 : vector<16xi32>
        %add3A_1848 = vector.broadcast %add3A_1840 : i32 to vector<16xi32>
        %add3A_1849 = arith.addi %mul3A_1847, %add3A_1848 : vector<16xi32>
        %mul3A_1850 = arith.constant 8 : i32
        %mul3A_1851 = arith.muli %scan3A_1394, %mul3A_1850 : i32
        %add3A_1852 = arith.constant 0 : i32
        %add3A_1853 = arith.addi %mul3A_1851, %add3A_1852 : i32
        %mul3A_1854 = arith.constant 1024 : i32
        %mul3A_1855 = arith.muli %add3A_1853, %mul3A_1854 : i32
        %add3A_1856 = vector.broadcast %mul3A_1855 : i32 to vector<16xi32>
        %add3A_1857 = arith.addi %add3A_1849, %add3A_1856 : vector<16xi32>
        %gather3A_1858 = tpu.vector_load_idx %arg9[%add3A_1857] : memref<65536xf32, #tpu.memory_space<vmem>>[vector<16xi32>], vector<16xf32>,
        %mul3A_1859 = arith.mulf %gather3A_1858, %get3A_1844 : vector<16xf32>
        %add3A_1860 = arith.addf %add3A_1759, %mul3A_1859 : vector<16xf32>
        %mul3A_1861 = arith.constant 8 : i32
        %mul3A_1862 = arith.muli %scan3A_1394, %mul3A_1861 : i32
        %add3A_1863 = arith.constant 1 : i32
        %add3A_1864 = arith.addi %mul3A_1862, %add3A_1863 : i32
        %mul3A_1865 = arith.constant 1024 : i32
        %mul3A_1866 = arith.muli %add3A_1864, %mul3A_1865 : i32
        %add3A_1867 = vector.broadcast %mul3A_1866 : i32 to vector<16xi32>
        %add3A_1868 = arith.addi %add3A_1849, %add3A_1867 : vector<16xi32>
        %gather3A_1869 = tpu.vector_load_idx %arg9[%add3A_1868] : memref<65536xf32, #tpu.memory_space<vmem>>[vector<16xi32>], vector<16xf32>,
        %mul3A_1870 = arith.mulf %gather3A_1869, %get3A_1844 : vector<16xf32>
        %add3A_1871 = arith.addf %add3A_1770, %mul3A_1870 : vector<16xf32>
        %mul3A_1872 = arith.constant 8 : i32
        %mul3A_1873 = arith.muli %scan3A_1394, %mul3A_1872 : i32
        %add3A_1874 = arith.constant 2 : i32
        %add3A_1875 = arith.addi %mul3A_1873, %add3A_1874 : i32
        %mul3A_1876 = arith.constant 1024 : i32
        %mul3A_1877 = arith.muli %add3A_1875, %mul3A_1876 : i32
        %add3A_1878 = vector.broadcast %mul3A_1877 : i32 to vector<16xi32>
        %add3A_1879 = arith.addi %add3A_1849, %add3A_1878 : vector<16xi32>
        %gather3A_1880 = tpu.vector_load_idx %arg9[%add3A_1879] : memref<65536xf32, #tpu.memory_space<vmem>>[vector<16xi32>], vector<16xf32>,
        %mul3A_1881 = arith.mulf %gather3A_1880, %get3A_1844 : vector<16xf32>
        %add3A_1882 = arith.addf %add3A_1781, %mul3A_1881 : vector<16xf32>
        %mul3A_1883 = arith.constant 8 : i32
        %mul3A_1884 = arith.muli %scan3A_1394, %mul3A_1883 : i32
        %add3A_1885 = arith.constant 3 : i32
        %add3A_1886 = arith.addi %mul3A_1884, %add3A_1885 : i32
        %mul3A_1887 = arith.constant 1024 : i32
        %mul3A_1888 = arith.muli %add3A_1886, %mul3A_1887 : i32
        %add3A_1889 = vector.broadcast %mul3A_1888 : i32 to vector<16xi32>
        %add3A_1890 = arith.addi %add3A_1849, %add3A_1889 : vector<16xi32>
        %gather3A_1891 = tpu.vector_load_idx %arg9[%add3A_1890] : memref<65536xf32, #tpu.memory_space<vmem>>[vector<16xi32>], vector<16xf32>,
        %mul3A_1892 = arith.mulf %gather3A_1891, %get3A_1844 : vector<16xf32>
        %add3A_1893 = arith.addf %add3A_1792, %mul3A_1892 : vector<16xf32>
        %mul3A_1894 = arith.constant 8 : i32
        %mul3A_1895 = arith.muli %scan3A_1394, %mul3A_1894 : i32
        %add3A_1896 = arith.constant 4 : i32
        %add3A_1897 = arith.addi %mul3A_1895, %add3A_1896 : i32
        %mul3A_1898 = arith.constant 1024 : i32
        %mul3A_1899 = arith.muli %add3A_1897, %mul3A_1898 : i32
        %add3A_1900 = vector.broadcast %mul3A_1899 : i32 to vector<16xi32>
        %add3A_1901 = arith.addi %add3A_1849, %add3A_1900 : vector<16xi32>
        %gather3A_1902 = tpu.vector_load_idx %arg9[%add3A_1901] : memref<65536xf32, #tpu.memory_space<vmem>>[vector<16xi32>], vector<16xf32>,
        %mul3A_1903 = arith.mulf %gather3A_1902, %get3A_1844 : vector<16xf32>
        %add3A_1904 = arith.addf %add3A_1803, %mul3A_1903 : vector<16xf32>
        %mul3A_1905 = arith.constant 8 : i32
        %mul3A_1906 = arith.muli %scan3A_1394, %mul3A_1905 : i32
        %add3A_1907 = arith.constant 5 : i32
        %add3A_1908 = arith.addi %mul3A_1906, %add3A_1907 : i32
        %mul3A_1909 = arith.constant 1024 : i32
        %mul3A_1910 = arith.muli %add3A_1908, %mul3A_1909 : i32
        %add3A_1911 = vector.broadcast %mul3A_1910 : i32 to vector<16xi32>
        %add3A_1912 = arith.addi %add3A_1849, %add3A_1911 : vector<16xi32>
        %gather3A_1913 = tpu.vector_load_idx %arg9[%add3A_1912] : memref<65536xf32, #tpu.memory_space<vmem>>[vector<16xi32>], vector<16xf32>,
        %mul3A_1914 = arith.mulf %gather3A_1913, %get3A_1844 : vector<16xf32>
        %add3A_1915 = arith.addf %add3A_1814, %mul3A_1914 : vector<16xf32>
        %mul3A_1916 = arith.constant 8 : i32
        %mul3A_1917 = arith.muli %scan3A_1394, %mul3A_1916 : i32
        %add3A_1918 = arith.constant 6 : i32
        %add3A_1919 = arith.addi %mul3A_1917, %add3A_1918 : i32
        %mul3A_1920 = arith.constant 1024 : i32
        %mul3A_1921 = arith.muli %add3A_1919, %mul3A_1920 : i32
        %add3A_1922 = vector.broadcast %mul3A_1921 : i32 to vector<16xi32>
        %add3A_1923 = arith.addi %add3A_1849, %add3A_1922 : vector<16xi32>
        %gather3A_1924 = tpu.vector_load_idx %arg9[%add3A_1923] : memref<65536xf32, #tpu.memory_space<vmem>>[vector<16xi32>], vector<16xf32>,
        %mul3A_1925 = arith.mulf %gather3A_1924, %get3A_1844 : vector<16xf32>
        %add3A_1926 = arith.addf %add3A_1825, %mul3A_1925 : vector<16xf32>
        %mul3A_1927 = arith.constant 8 : i32
        %mul3A_1928 = arith.muli %scan3A_1394, %mul3A_1927 : i32
        %add3A_1929 = arith.constant 7 : i32
        %add3A_1930 = arith.addi %mul3A_1928, %add3A_1929 : i32
        %mul3A_1931 = arith.constant 1024 : i32
        %mul3A_1932 = arith.muli %add3A_1930, %mul3A_1931 : i32
        %add3A_1933 = vector.broadcast %mul3A_1932 : i32 to vector<16xi32>
        %add3A_1934 = arith.addi %add3A_1849, %add3A_1933 : vector<16xi32>
        %gather3A_1935 = tpu.vector_load_idx %arg9[%add3A_1934] : memref<65536xf32, #tpu.memory_space<vmem>>[vector<16xi32>], vector<16xf32>,
        %mul3A_1936 = arith.mulf %gather3A_1935, %get3A_1844 : vector<16xf32>
        %add3A_1937 = arith.addf %add3A_1836, %mul3A_1936 : vector<16xf32>
        %mul3A_1938 = arith.constant 4 : i32
        %mul3A_1939 = arith.muli %scan3A_1626, %mul3A_1938 : i32
        %add3A_1940 = arith.constant 3 : i32
        %add3A_1941 = arith.addi %mul3A_1939, %add3A_1940 : i32
        %mul3A_1942 = arith.constant 16 : i32
        %mul3A_1943 = arith.muli %add3A_1941, %mul3A_1942 : i32
        %get3A_1944 = arith.index_cast %mul3A_1943 : i32 to index
        %get3A_1945 = tpu.vector_load %arg12[%get3A_1944] {strides = array<i32>} : memref<1024xf32, #tpu.memory_space<vmem>>, vector<16xf32>,
        %mul3A_1946 = arith.constant 64 : i32
        %mul3A_1947 = vector.broadcast %mul3A_1946 : i32 to vector<16xi32>
        %mul3A_1948 = arith.muli %iota3A, %mul3A_1947 : vector<16xi32>
        %add3A_1949 = vector.broadcast %add3A_1941 : i32 to vector<16xi32>
        %add3A_1950 = arith.addi %mul3A_1948, %add3A_1949 : vector<16xi32>
        %mul3A_1951 = arith.constant 8 : i32
        %mul3A_1952 = arith.muli %scan3A_1394, %mul3A_1951 : i32
        %add3A_1953 = arith.constant 0 : i32
        %add3A_1954 = arith.addi %mul3A_1952, %add3A_1953 : i32
        %mul3A_1955 = arith.constant 1024 : i32
        %mul3A_1956 = arith.muli %add3A_1954, %mul3A_1955 : i32
        %add3A_1957 = vector.broadcast %mul3A_1956 : i32 to vector<16xi32>
        %add3A_1958 = arith.addi %add3A_1950, %add3A_1957 : vector<16xi32>
        %gather3A_1959 = tpu.vector_load_idx %arg9[%add3A_1958] : memref<65536xf32, #tpu.memory_space<vmem>>[vector<16xi32>], vector<16xf32>,
        %mul3A_1960 = arith.mulf %gather3A_1959, %get3A_1945 : vector<16xf32>
        %add3A_1961 = arith.addf %add3A_1860, %mul3A_1960 : vector<16xf32>
        %mul3A_1962 = arith.constant 8 : i32
        %mul3A_1963 = arith.muli %scan3A_1394, %mul3A_1962 : i32
        %add3A_1964 = arith.constant 1 : i32
        %add3A_1965 = arith.addi %mul3A_1963, %add3A_1964 : i32
        %mul3A_1966 = arith.constant 1024 : i32
        %mul3A_1967 = arith.muli %add3A_1965, %mul3A_1966 : i32
        %add3A_1968 = vector.broadcast %mul3A_1967 : i32 to vector<16xi32>
        %add3A_1969 = arith.addi %add3A_1950, %add3A_1968 : vector<16xi32>
        %gather3A_1970 = tpu.vector_load_idx %arg9[%add3A_1969] : memref<65536xf32, #tpu.memory_space<vmem>>[vector<16xi32>], vector<16xf32>,
        %mul3A_1971 = arith.mulf %gather3A_1970, %get3A_1945 : vector<16xf32>
        %add3A_1972 = arith.addf %add3A_1871, %mul3A_1971 : vector<16xf32>
        %mul3A_1973 = arith.constant 8 : i32
        %mul3A_1974 = arith.muli %scan3A_1394, %mul3A_1973 : i32
        %add3A_1975 = arith.constant 2 : i32
        %add3A_1976 = arith.addi %mul3A_1974, %add3A_1975 : i32
        %mul3A_1977 = arith.constant 1024 : i32
        %mul3A_1978 = arith.muli %add3A_1976, %mul3A_1977 : i32
        %add3A_1979 = vector.broadcast %mul3A_1978 : i32 to vector<16xi32>
        %add3A_1980 = arith.addi %add3A_1950, %add3A_1979 : vector<16xi32>
        %gather3A_1981 = tpu.vector_load_idx %arg9[%add3A_1980] : memref<65536xf32, #tpu.memory_space<vmem>>[vector<16xi32>], vector<16xf32>,
        %mul3A_1982 = arith.mulf %gather3A_1981, %get3A_1945 : vector<16xf32>
        %add3A_1983 = arith.addf %add3A_1882, %mul3A_1982 : vector<16xf32>
        %mul3A_1984 = arith.constant 8 : i32
        %mul3A_1985 = arith.muli %scan3A_1394, %mul3A_1984 : i32
        %add3A_1986 = arith.constant 3 : i32
        %add3A_1987 = arith.addi %mul3A_1985, %add3A_1986 : i32
        %mul3A_1988 = arith.constant 1024 : i32
        %mul3A_1989 = arith.muli %add3A_1987, %mul3A_1988 : i32
        %add3A_1990 = vector.broadcast %mul3A_1989 : i32 to vector<16xi32>
        %add3A_1991 = arith.addi %add3A_1950, %add3A_1990 : vector<16xi32>
        %gather3A_1992 = tpu.vector_load_idx %arg9[%add3A_1991] : memref<65536xf32, #tpu.memory_space<vmem>>[vector<16xi32>], vector<16xf32>,
        %mul3A_1993 = arith.mulf %gather3A_1992, %get3A_1945 : vector<16xf32>
        %add3A_1994 = arith.addf %add3A_1893, %mul3A_1993 : vector<16xf32>
        %mul3A_1995 = arith.constant 8 : i32
        %mul3A_1996 = arith.muli %scan3A_1394, %mul3A_1995 : i32
        %add3A_1997 = arith.constant 4 : i32
        %add3A_1998 = arith.addi %mul3A_1996, %add3A_1997 : i32
        %mul3A_1999 = arith.constant 1024 : i32
        %mul3A_2000 = arith.muli %add3A_1998, %mul3A_1999 : i32
        %add3A_2001 = vector.broadcast %mul3A_2000 : i32 to vector<16xi32>
        %add3A_2002 = arith.addi %add3A_1950, %add3A_2001 : vector<16xi32>
        %gather3A_2003 = tpu.vector_load_idx %arg9[%add3A_2002] : memref<65536xf32, #tpu.memory_space<vmem>>[vector<16xi32>], vector<16xf32>,
        %mul3A_2004 = arith.mulf %gather3A_2003, %get3A_1945 : vector<16xf32>
        %add3A_2005 = arith.addf %add3A_1904, %mul3A_2004 : vector<16xf32>
        %mul3A_2006 = arith.constant 8 : i32
        %mul3A_2007 = arith.muli %scan3A_1394, %mul3A_2006 : i32
        %add3A_2008 = arith.constant 5 : i32
        %add3A_2009 = arith.addi %mul3A_2007, %add3A_2008 : i32
        %mul3A_2010 = arith.constant 1024 : i32
        %mul3A_2011 = arith.muli %add3A_2009, %mul3A_2010 : i32
        %add3A_2012 = vector.broadcast %mul3A_2011 : i32 to vector<16xi32>
        %add3A_2013 = arith.addi %add3A_1950, %add3A_2012 : vector<16xi32>
        %gather3A_2014 = tpu.vector_load_idx %arg9[%add3A_2013] : memref<65536xf32, #tpu.memory_space<vmem>>[vector<16xi32>], vector<16xf32>,
        %mul3A_2015 = arith.mulf %gather3A_2014, %get3A_1945 : vector<16xf32>
        %add3A_2016 = arith.addf %add3A_1915, %mul3A_2015 : vector<16xf32>
        %mul3A_2017 = arith.constant 8 : i32
        %mul3A_2018 = arith.muli %scan3A_1394, %mul3A_2017 : i32
        %add3A_2019 = arith.constant 6 : i32
        %add3A_2020 = arith.addi %mul3A_2018, %add3A_2019 : i32
        %mul3A_2021 = arith.constant 1024 : i32
        %mul3A_2022 = arith.muli %add3A_2020, %mul3A_2021 : i32
        %add3A_2023 = vector.broadcast %mul3A_2022 : i32 to vector<16xi32>
        %add3A_2024 = arith.addi %add3A_1950, %add3A_2023 : vector<16xi32>
        %gather3A_2025 = tpu.vector_load_idx %arg9[%add3A_2024] : memref<65536xf32, #tpu.memory_space<vmem>>[vector<16xi32>], vector<16xf32>,
        %mul3A_2026 = arith.mulf %gather3A_2025, %get3A_1945 : vector<16xf32>
        %add3A_2027 = arith.addf %add3A_1926, %mul3A_2026 : vector<16xf32>
        %mul3A_2028 = arith.constant 8 : i32
        %mul3A_2029 = arith.muli %scan3A_1394, %mul3A_2028 : i32
        %add3A_2030 = arith.constant 7 : i32
        %add3A_2031 = arith.addi %mul3A_2029, %add3A_2030 : i32
        %mul3A_2032 = arith.constant 1024 : i32
        %mul3A_2033 = arith.muli %add3A_2031, %mul3A_2032 : i32
        %add3A_2034 = vector.broadcast %mul3A_2033 : i32 to vector<16xi32>
        %add3A_2035 = arith.addi %add3A_1950, %add3A_2034 : vector<16xi32>
        %gather3A_2036 = tpu.vector_load_idx %arg9[%add3A_2035] : memref<65536xf32, #tpu.memory_space<vmem>>[vector<16xi32>], vector<16xf32>,
        %mul3A_2037 = arith.mulf %gather3A_2036, %get3A_1945 : vector<16xf32>
        %add3A_2038 = arith.addf %add3A_1937, %mul3A_2037 : vector<16xf32>
        scf.yield %add3A_1961, %add3A_1972, %add3A_1983, %add3A_1994, %add3A_2005, %add3A_2016, %add3A_2027, %add3A_2038 : vector<16xf32>, vector<16xf32>, vector<16xf32>, vector<16xf32>, vector<16xf32>, vector<16xf32>, vector<16xf32>, vector<16xf32>
      }
      %scan3A_1403 = arith.constant 16 : i32
      %mul3A_1404 = arith.constant 1024 : i32
      %mul3A_1405 = arith.muli %arg1, %mul3A_1404 : i32
      %mul3A_1406 = arith.constant 8 : i32
      %mul3A_1407 = arith.muli %scan3A_1394, %mul3A_1406 : i32
      %add3A_1408 = arith.constant 0 : i32
      %add3A_1409 = arith.addi %mul3A_1407, %add3A_1408 : i32
      %mul3A_1410 = arith.constant 16 : i32
      %mul3A_1411 = arith.muli %add3A_1409, %mul3A_1410 : i32
      %add3A_1412 = arith.addi %mul3A_1405, %mul3A_1411 : i32
      %add3A_1413 = vector.broadcast %add3A_1412 : i32 to vector<16xi32>
      %add3A_1414 = arith.addi %add3A_1413, %iota3A : vector<16xi32>
      %masked_sort3A = arith.constant dense<true> : vector<16xi1>
      %masked_sort3A_1415, %masked_sort3A_1416, %masked_sort3A_1417 = tpu.sort %scan3A_1402#0, %add3A_1414 masked %masked_sort3A {descending = true} : (vector<16xf32>, vector<16xi32>, vector<16xi1>) -> (vector<16xi1>, vector<16xf32>, vector<16xi32>)
      %gt3A = arith.cmpf ogt, %masked_sort3A_1416, %scan3A_1395 : vector<16xf32>
      %select_n3A_1418 = arith.select %gt3A, %masked_sort3A_1416, %scan3A_1395 : vector<16xi1>, vector<16xf32>
      %select_n3A_1419 = arith.select %gt3A, %masked_sort3A_1417, %scan3A_1396 : vector<16xi1>, vector<16xi32>
      %masked_sort3A_1420 = arith.constant dense<true> : vector<16xi1>
      %masked_sort3A_1421, %masked_sort3A_1422, %masked_sort3A_1423 = tpu.sort %select_n3A_1418, %select_n3A_1419 masked %masked_sort3A_1420 : (vector<16xf32>, vector<16xi32>, vector<16xi1>) -> (vector<16xi1>, vector<16xf32>, vector<16xi32>)
      %swap3A_1424 = arith.constant 0 : index
      %swap3A_1425 = tpu.vector_load %arg10[%swap3A_1424] {strides = array<i32>} : memref<16xf32, #tpu.memory_space<vmem>>, vector<16xf32>,
      tpu.vector_store %arg10[%swap3A_1424], %masked_sort3A_1422 {strides = array<i32>} : memref<16xf32, #tpu.memory_space<vmem>>, vector<16xf32>,
      %mul3A_1426 = arith.constant 0 : i32
      %mul3A_1427 = vector.broadcast %mul3A_1426 : i32 to vector<16xi32>
      %mul3A_1428 = arith.muli %iota3A, %mul3A_1427 : vector<16xi32>
      %gather3A_1429 = tpu.vector_load_idx %arg10[%mul3A_1428] : memref<16xf32, #tpu.memory_space<vmem>>[vector<16xi32>], vector<16xf32>,
      %mul3A_1430 = arith.constant 1024 : i32
      %mul3A_1431 = arith.muli %arg1, %mul3A_1430 : i32
      %mul3A_1432 = arith.constant 8 : i32
      %mul3A_1433 = arith.muli %scan3A_1394, %mul3A_1432 : i32
      %add3A_1434 = arith.constant 1 : i32
      %add3A_1435 = arith.addi %mul3A_1433, %add3A_1434 : i32
      %mul3A_1436 = arith.constant 16 : i32
      %mul3A_1437 = arith.muli %add3A_1435, %mul3A_1436 : i32
      %add3A_1438 = arith.addi %mul3A_1431, %mul3A_1437 : i32
      %add3A_1439 = vector.broadcast %add3A_1438 : i32 to vector<16xi32>
      %add3A_1440 = arith.addi %add3A_1439, %iota3A : vector<16xi32>
      %masked_sort3A_1441 = arith.constant dense<true> : vector<16xi1>
      %masked_sort3A_1442, %masked_sort3A_1443, %masked_sort3A_1444 = tpu.sort %scan3A_1402#1, %add3A_1440 masked %masked_sort3A_1441 {descending = true} : (vector<16xf32>, vector<16xi32>, vector<16xi1>) -> (vector<16xi1>, vector<16xf32>, vector<16xi32>)
      %gt3A_1445 = arith.cmpf ogt, %masked_sort3A_1443, %masked_sort3A_1422 : vector<16xf32>
      %select_n3A_1446 = arith.select %gt3A_1445, %masked_sort3A_1443, %masked_sort3A_1422 : vector<16xi1>, vector<16xf32>
      %select_n3A_1447 = arith.select %gt3A_1445, %masked_sort3A_1444, %masked_sort3A_1423 : vector<16xi1>, vector<16xi32>
      %masked_sort3A_1448 = arith.constant dense<true> : vector<16xi1>
      %masked_sort3A_1449, %masked_sort3A_1450, %masked_sort3A_1451 = tpu.sort %select_n3A_1446, %select_n3A_1447 masked %masked_sort3A_1448 : (vector<16xf32>, vector<16xi32>, vector<16xi1>) -> (vector<16xi1>, vector<16xf32>, vector<16xi32>)
      %swap3A_1452 = arith.constant 0 : index
      %swap3A_1453 = tpu.vector_load %arg10[%swap3A_1452] {strides = array<i32>} : memref<16xf32, #tpu.memory_space<vmem>>, vector<16xf32>,
      tpu.vector_store %arg10[%swap3A_1452], %masked_sort3A_1450 {strides = array<i32>} : memref<16xf32, #tpu.memory_space<vmem>>, vector<16xf32>,
      %mul3A_1454 = arith.constant 0 : i32
      %mul3A_1455 = vector.broadcast %mul3A_1454 : i32 to vector<16xi32>
      %mul3A_1456 = arith.muli %iota3A, %mul3A_1455 : vector<16xi32>
      %gather3A_1457 = tpu.vector_load_idx %arg10[%mul3A_1456] : memref<16xf32, #tpu.memory_space<vmem>>[vector<16xi32>], vector<16xf32>,
      %mul3A_1458 = arith.constant 1024 : i32
      %mul3A_1459 = arith.muli %arg1, %mul3A_1458 : i32
      %mul3A_1460 = arith.constant 8 : i32
      %mul3A_1461 = arith.muli %scan3A_1394, %mul3A_1460 : i32
      %add3A_1462 = arith.constant 2 : i32
      %add3A_1463 = arith.addi %mul3A_1461, %add3A_1462 : i32
      %mul3A_1464 = arith.constant 16 : i32
      %mul3A_1465 = arith.muli %add3A_1463, %mul3A_1464 : i32
      %add3A_1466 = arith.addi %mul3A_1459, %mul3A_1465 : i32
      %add3A_1467 = vector.broadcast %add3A_1466 : i32 to vector<16xi32>
      %add3A_1468 = arith.addi %add3A_1467, %iota3A : vector<16xi32>
      %masked_sort3A_1469 = arith.constant dense<true> : vector<16xi1>
      %masked_sort3A_1470, %masked_sort3A_1471, %masked_sort3A_1472 = tpu.sort %scan3A_1402#2, %add3A_1468 masked %masked_sort3A_1469 {descending = true} : (vector<16xf32>, vector<16xi32>, vector<16xi1>) -> (vector<16xi1>, vector<16xf32>, vector<16xi32>)
      %gt3A_1473 = arith.cmpf ogt, %masked_sort3A_1471, %masked_sort3A_1450 : vector<16xf32>
      %select_n3A_1474 = arith.select %gt3A_1473, %masked_sort3A_1471, %masked_sort3A_1450 : vector<16xi1>, vector<16xf32>
      %select_n3A_1475 = arith.select %gt3A_1473, %masked_sort3A_1472, %masked_sort3A_1451 : vector<16xi1>, vector<16xi32>
      %masked_sort3A_1476 = arith.constant dense<true> : vector<16xi1>
      %masked_sort3A_1477, %masked_sort3A_1478, %masked_sort3A_1479 = tpu.sort %select_n3A_1474, %select_n3A_1475 masked %masked_sort3A_1476 : (vector<16xf32>, vector<16xi32>, vector<16xi1>) -> (vector<16xi1>, vector<16xf32>, vector<16xi32>)
      %swap3A_1480 = arith.constant 0 : index
      %swap3A_1481 = tpu.vector_load %arg10[%swap3A_1480] {strides = array<i32>} : memref<16xf32, #tpu.memory_space<vmem>>, vector<16xf32>,
      tpu.vector_store %arg10[%swap3A_1480], %masked_sort3A_1478 {strides = array<i32>} : memref<16xf32, #tpu.memory_space<vmem>>, vector<16xf32>,
      %mul3A_1482 = arith.constant 0 : i32
      %mul3A_1483 = vector.broadcast %mul3A_1482 : i32 to vector<16xi32>
      %mul3A_1484 = arith.muli %iota3A, %mul3A_1483 : vector<16xi32>
      %gather3A_1485 = tpu.vector_load_idx %arg10[%mul3A_1484] : memref<16xf32, #tpu.memory_space<vmem>>[vector<16xi32>], vector<16xf32>,
      %mul3A_1486 = arith.constant 1024 : i32
      %mul3A_1487 = arith.muli %arg1, %mul3A_1486 : i32
      %mul3A_1488 = arith.constant 8 : i32
      %mul3A_1489 = arith.muli %scan3A_1394, %mul3A_1488 : i32
      %add3A_1490 = arith.constant 3 : i32
      %add3A_1491 = arith.addi %mul3A_1489, %add3A_1490 : i32
      %mul3A_1492 = arith.constant 16 : i32
      %mul3A_1493 = arith.muli %add3A_1491, %mul3A_1492 : i32
      %add3A_1494 = arith.addi %mul3A_1487, %mul3A_1493 : i32
      %add3A_1495 = vector.broadcast %add3A_1494 : i32 to vector<16xi32>
      %add3A_1496 = arith.addi %add3A_1495, %iota3A : vector<16xi32>
      %masked_sort3A_1497 = arith.constant dense<true> : vector<16xi1>
      %masked_sort3A_1498, %masked_sort3A_1499, %masked_sort3A_1500 = tpu.sort %scan3A_1402#3, %add3A_1496 masked %masked_sort3A_1497 {descending = true} : (vector<16xf32>, vector<16xi32>, vector<16xi1>) -> (vector<16xi1>, vector<16xf32>, vector<16xi32>)
      %gt3A_1501 = arith.cmpf ogt, %masked_sort3A_1499, %masked_sort3A_1478 : vector<16xf32>
      %select_n3A_1502 = arith.select %gt3A_1501, %masked_sort3A_1499, %masked_sort3A_1478 : vector<16xi1>, vector<16xf32>
      %select_n3A_1503 = arith.select %gt3A_1501, %masked_sort3A_1500, %masked_sort3A_1479 : vector<16xi1>, vector<16xi32>
      %masked_sort3A_1504 = arith.constant dense<true> : vector<16xi1>
      %masked_sort3A_1505, %masked_sort3A_1506, %masked_sort3A_1507 = tpu.sort %select_n3A_1502, %select_n3A_1503 masked %masked_sort3A_1504 : (vector<16xf32>, vector<16xi32>, vector<16xi1>) -> (vector<16xi1>, vector<16xf32>, vector<16xi32>)
      %swap3A_1508 = arith.constant 0 : index
      %swap3A_1509 = tpu.vector_load %arg10[%swap3A_1508] {strides = array<i32>} : memref<16xf32, #tpu.memory_space<vmem>>, vector<16xf32>,
      tpu.vector_store %arg10[%swap3A_1508], %masked_sort3A_1506 {strides = array<i32>} : memref<16xf32, #tpu.memory_space<vmem>>, vector<16xf32>,
      %mul3A_1510 = arith.constant 0 : i32
      %mul3A_1511 = vector.broadcast %mul3A_1510 : i32 to vector<16xi32>
      %mul3A_1512 = arith.muli %iota3A, %mul3A_1511 : vector<16xi32>
      %gather3A_1513 = tpu.vector_load_idx %arg10[%mul3A_1512] : memref<16xf32, #tpu.memory_space<vmem>>[vector<16xi32>], vector<16xf32>,
      %mul3A_1514 = arith.constant 1024 : i32
      %mul3A_1515 = arith.muli %arg1, %mul3A_1514 : i32
      %mul3A_1516 = arith.constant 8 : i32
      %mul3A_1517 = arith.muli %scan3A_1394, %mul3A_1516 : i32
      %add3A_1518 = arith.constant 4 : i32
      %add3A_1519 = arith.addi %mul3A_1517, %add3A_1518 : i32
      %mul3A_1520 = arith.constant 16 : i32
      %mul3A_1521 = arith.muli %add3A_1519, %mul3A_1520 : i32
      %add3A_1522 = arith.addi %mul3A_1515, %mul3A_1521 : i32
      %add3A_1523 = vector.broadcast %add3A_1522 : i32 to vector<16xi32>
      %add3A_1524 = arith.addi %add3A_1523, %iota3A : vector<16xi32>
      %masked_sort3A_1525 = arith.constant dense<true> : vector<16xi1>
      %masked_sort3A_1526, %masked_sort3A_1527, %masked_sort3A_1528 = tpu.sort %scan3A_1402#4, %add3A_1524 masked %masked_sort3A_1525 {descending = true} : (vector<16xf32>, vector<16xi32>, vector<16xi1>) -> (vector<16xi1>, vector<16xf32>, vector<16xi32>)
      %gt3A_1529 = arith.cmpf ogt, %masked_sort3A_1527, %masked_sort3A_1506 : vector<16xf32>
      %select_n3A_1530 = arith.select %gt3A_1529, %masked_sort3A_1527, %masked_sort3A_1506 : vector<16xi1>, vector<16xf32>
      %select_n3A_1531 = arith.select %gt3A_1529, %masked_sort3A_1528, %masked_sort3A_1507 : vector<16xi1>, vector<16xi32>
      %masked_sort3A_1532 = arith.constant dense<true> : vector<16xi1>
      %masked_sort3A_1533, %masked_sort3A_1534, %masked_sort3A_1535 = tpu.sort %select_n3A_1530, %select_n3A_1531 masked %masked_sort3A_1532 : (vector<16xf32>, vector<16xi32>, vector<16xi1>) -> (vector<16xi1>, vector<16xf32>, vector<16xi32>)
      %swap3A_1536 = arith.constant 0 : index
      %swap3A_1537 = tpu.vector_load %arg10[%swap3A_1536] {strides = array<i32>} : memref<16xf32, #tpu.memory_space<vmem>>, vector<16xf32>,
      tpu.vector_store %arg10[%swap3A_1536], %masked_sort3A_1534 {strides = array<i32>} : memref<16xf32, #tpu.memory_space<vmem>>, vector<16xf32>,
      %mul3A_1538 = arith.constant 0 : i32
      %mul3A_1539 = vector.broadcast %mul3A_1538 : i32 to vector<16xi32>
      %mul3A_1540 = arith.muli %iota3A, %mul3A_1539 : vector<16xi32>
      %gather3A_1541 = tpu.vector_load_idx %arg10[%mul3A_1540] : memref<16xf32, #tpu.memory_space<vmem>>[vector<16xi32>], vector<16xf32>,
      %mul3A_1542 = arith.constant 1024 : i32
      %mul3A_1543 = arith.muli %arg1, %mul3A_1542 : i32
      %mul3A_1544 = arith.constant 8 : i32
      %mul3A_1545 = arith.muli %scan3A_1394, %mul3A_1544 : i32
      %add3A_1546 = arith.constant 5 : i32
      %add3A_1547 = arith.addi %mul3A_1545, %add3A_1546 : i32
      %mul3A_1548 = arith.constant 16 : i32
      %mul3A_1549 = arith.muli %add3A_1547, %mul3A_1548 : i32
      %add3A_1550 = arith.addi %mul3A_1543, %mul3A_1549 : i32
      %add3A_1551 = vector.broadcast %add3A_1550 : i32 to vector<16xi32>
      %add3A_1552 = arith.addi %add3A_1551, %iota3A : vector<16xi32>
      %masked_sort3A_1553 = arith.constant dense<true> : vector<16xi1>
      %masked_sort3A_1554, %masked_sort3A_1555, %masked_sort3A_1556 = tpu.sort %scan3A_1402#5, %add3A_1552 masked %masked_sort3A_1553 {descending = true} : (vector<16xf32>, vector<16xi32>, vector<16xi1>) -> (vector<16xi1>, vector<16xf32>, vector<16xi32>)
      %gt3A_1557 = arith.cmpf ogt, %masked_sort3A_1555, %masked_sort3A_1534 : vector<16xf32>
      %select_n3A_1558 = arith.select %gt3A_1557, %masked_sort3A_1555, %masked_sort3A_1534 : vector<16xi1>, vector<16xf32>
      %select_n3A_1559 = arith.select %gt3A_1557, %masked_sort3A_1556, %masked_sort3A_1535 : vector<16xi1>, vector<16xi32>
      %masked_sort3A_1560 = arith.constant dense<true> : vector<16xi1>
      %masked_sort3A_1561, %masked_sort3A_1562, %masked_sort3A_1563 = tpu.sort %select_n3A_1558, %select_n3A_1559 masked %masked_sort3A_1560 : (vector<16xf32>, vector<16xi32>, vector<16xi1>) -> (vector<16xi1>, vector<16xf32>, vector<16xi32>)
      %swap3A_1564 = arith.constant 0 : index
      %swap3A_1565 = tpu.vector_load %arg10[%swap3A_1564] {strides = array<i32>} : memref<16xf32, #tpu.memory_space<vmem>>, vector<16xf32>,
      tpu.vector_store %arg10[%swap3A_1564], %masked_sort3A_1562 {strides = array<i32>} : memref<16xf32, #tpu.memory_space<vmem>>, vector<16xf32>,
      %mul3A_1566 = arith.constant 0 : i32
      %mul3A_1567 = vector.broadcast %mul3A_1566 : i32 to vector<16xi32>
      %mul3A_1568 = arith.muli %iota3A, %mul3A_1567 : vector<16xi32>
      %gather3A_1569 = tpu.vector_load_idx %arg10[%mul3A_1568] : memref<16xf32, #tpu.memory_space<vmem>>[vector<16xi32>], vector<16xf32>,
      %mul3A_1570 = arith.constant 1024 : i32
      %mul3A_1571 = arith.muli %arg1, %mul3A_1570 : i32
      %mul3A_1572 = arith.constant 8 : i32
      %mul3A_1573 = arith.muli %scan3A_1394, %mul3A_1572 : i32
      %add3A_1574 = arith.constant 6 : i32
      %add3A_1575 = arith.addi %mul3A_1573, %add3A_1574 : i32
      %mul3A_1576 = arith.constant 16 : i32
      %mul3A_1577 = arith.muli %add3A_1575, %mul3A_1576 : i32
      %add3A_1578 = arith.addi %mul3A_1571, %mul3A_1577 : i32
      %add3A_1579 = vector.broadcast %add3A_1578 : i32 to vector<16xi32>
      %add3A_1580 = arith.addi %add3A_1579, %iota3A : vector<16xi32>
      %masked_sort3A_1581 = arith.constant dense<true> : vector<16xi1>
      %masked_sort3A_1582, %masked_sort3A_1583, %masked_sort3A_1584 = tpu.sort %scan3A_1402#6, %add3A_1580 masked %masked_sort3A_1581 {descending = true} : (vector<16xf32>, vector<16xi32>, vector<16xi1>) -> (vector<16xi1>, vector<16xf32>, vector<16xi32>)
      %gt3A_1585 = arith.cmpf ogt, %masked_sort3A_1583, %masked_sort3A_1562 : vector<16xf32>
      %select_n3A_1586 = arith.select %gt3A_1585, %masked_sort3A_1583, %masked_sort3A_1562 : vector<16xi1>, vector<16xf32>
      %select_n3A_1587 = arith.select %gt3A_1585, %masked_sort3A_1584, %masked_sort3A_1563 : vector<16xi1>, vector<16xi32>
      %masked_sort3A_1588 = arith.constant dense<true> : vector<16xi1>
      %masked_sort3A_1589, %masked_sort3A_1590, %masked_sort3A_1591 = tpu.sort %select_n3A_1586, %select_n3A_1587 masked %masked_sort3A_1588 : (vector<16xf32>, vector<16xi32>, vector<16xi1>) -> (vector<16xi1>, vector<16xf32>, vector<16xi32>)
      %swap3A_1592 = arith.constant 0 : index
      %swap3A_1593 = tpu.vector_load %arg10[%swap3A_1592] {strides = array<i32>} : memref<16xf32, #tpu.memory_space<vmem>>, vector<16xf32>,
      tpu.vector_store %arg10[%swap3A_1592], %masked_sort3A_1590 {strides = array<i32>} : memref<16xf32, #tpu.memory_space<vmem>>, vector<16xf32>,
      %mul3A_1594 = arith.constant 0 : i32
      %mul3A_1595 = vector.broadcast %mul3A_1594 : i32 to vector<16xi32>
      %mul3A_1596 = arith.muli %iota3A, %mul3A_1595 : vector<16xi32>
      %gather3A_1597 = tpu.vector_load_idx %arg10[%mul3A_1596] : memref<16xf32, #tpu.memory_space<vmem>>[vector<16xi32>], vector<16xf32>,
      %mul3A_1598 = arith.constant 1024 : i32
      %mul3A_1599 = arith.muli %arg1, %mul3A_1598 : i32
      %mul3A_1600 = arith.constant 8 : i32
      %mul3A_1601 = arith.muli %scan3A_1394, %mul3A_1600 : i32
      %add3A_1602 = arith.constant 7 : i32
      %add3A_1603 = arith.addi %mul3A_1601, %add3A_1602 : i32
      %mul3A_1604 = arith.constant 16 : i32
      %mul3A_1605 = arith.muli %add3A_1603, %mul3A_1604 : i32
      %add3A_1606 = arith.addi %mul3A_1599, %mul3A_1605 : i32
      %add3A_1607 = vector.broadcast %add3A_1606 : i32 to vector<16xi32>
      %add3A_1608 = arith.addi %add3A_1607, %iota3A : vector<16xi32>
      %masked_sort3A_1609 = arith.constant dense<true> : vector<16xi1>
      %masked_sort3A_1610, %masked_sort3A_1611, %masked_sort3A_1612 = tpu.sort %scan3A_1402#7, %add3A_1608 masked %masked_sort3A_1609 {descending = true} : (vector<16xf32>, vector<16xi32>, vector<16xi1>) -> (vector<16xi1>, vector<16xf32>, vector<16xi32>)
      %gt3A_1613 = arith.cmpf ogt, %masked_sort3A_1611, %masked_sort3A_1590 : vector<16xf32>
      %select_n3A_1614 = arith.select %gt3A_1613, %masked_sort3A_1611, %masked_sort3A_1590 : vector<16xi1>, vector<16xf32>
      %select_n3A_1615 = arith.select %gt3A_1613, %masked_sort3A_1612, %masked_sort3A_1591 : vector<16xi1>, vector<16xi32>
      %masked_sort3A_1616 = arith.constant dense<true> : vector<16xi1>
      %masked_sort3A_1617, %masked_sort3A_1618, %masked_sort3A_1619 = tpu.sort %select_n3A_1614, %select_n3A_1615 masked %masked_sort3A_1616 : (vector<16xf32>, vector<16xi32>, vector<16xi1>) -> (vector<16xi1>, vector<16xf32>, vector<16xi32>)
      %swap3A_1620 = arith.constant 0 : index
      %swap3A_1621 = tpu.vector_load %arg10[%swap3A_1620] {strides = array<i32>} : memref<16xf32, #tpu.memory_space<vmem>>, vector<16xf32>,
      tpu.vector_store %arg10[%swap3A_1620], %masked_sort3A_1618 {strides = array<i32>} : memref<16xf32, #tpu.memory_space<vmem>>, vector<16xf32>,
      %mul3A_1622 = arith.constant 0 : i32
      %mul3A_1623 = vector.broadcast %mul3A_1622 : i32 to vector<16xi32>
      %mul3A_1624 = arith.muli %iota3A, %mul3A_1623 : vector<16xi32>
      %gather3A_1625 = tpu.vector_load_idx %arg10[%mul3A_1624] : memref<16xf32, #tpu.memory_space<vmem>>[vector<16xi32>], vector<16xf32>,
      scf.yield %masked_sort3A_1618, %masked_sort3A_1619, %gather3A_1625 : vector<16xf32>, vector<16xi32>, vector<16xf32>
    }
    %scan3A_1346 = arith.constant 2 : i32
    %dma_wait3A_1347 = arith.constant 16384 : i32
    %dma_wait3A_1348 = tpu.memref_slice %arg9[%dma_wait3A_1347] : memref<65536xf32, #tpu.memory_space<vmem>> -> memref<16384xf32, #tpu.memory_space<vmem>>
    %dma_wait3A_1349 = tpu.memref_slice %arg3[%mul3A_19] : memref<1048576xf32, #tpu.memory_space<hbm>> -> memref<16384xf32, #tpu.memory_space<hbm>>
    %dma_wait3A_1350 = arith.constant 16384 : i32
    %dma_wait3A_1351 = tpu.memref_slice %arg9[%dma_wait3A_1350] : memref<65536xf32, #tpu.memory_space<vmem>> -> memref<16384xf32, #tpu.memory_space<vmem>>
    %dma_wait3A_1352 = tpu.memref_slice %arg3[%mul3A_19] : memref<1048576xf32, #tpu.memory_space<hbm>> -> memref<16384xf32, #tpu.memory_space<hbm>>
    tpu.wait_dma2 semaphore(%arg22 : memref<!tpu.dma_semaphore, #tpu.memory_space<semaphore_mem>>) src(%dma_wait3A_1352 : memref<16384xf32, #tpu.memory_space<hbm>>) dst(%dma_wait3A_1351 : memref<16384xf32, #tpu.memory_space<vmem>>)
    %scan3A_1353 = arith.constant 2 : i32
    %scan3A_1354 = arith.constant 2 : i32
    %scan3A_1355 = arith.addi %scan3A_1353, %scan3A_1354 : i32
    %scan3A_1356 = arith.constant 1 : i32
    %scan3A_1357:3 = scf.for %scan3A_1394 = %scan3A_1353 to %scan3A_1355 step %scan3A_1356 iter_args(%scan3A_1395 = %scan3A_1345#0, %scan3A_1396 = %scan3A_1345#1, %scan3A_1397 = %scan3A_1345#2) -> (vector<16xf32>, vector<16xi32>, vector<16xf32>)  : i32 {
      %scan3A_1398 = arith.constant 0 : i32
      %scan3A_1399 = arith.constant 16 : i32
      %scan3A_1400 = arith.addi %scan3A_1398, %scan3A_1399 : i32
      %scan3A_1401 = arith.constant 1 : i32
      %scan3A_1402:8 = scf.for %scan3A_1626 = %scan3A_1398 to %scan3A_1400 step %scan3A_1401 iter_args(%scan3A_1627 = %broadcast_in_dim3A_0, %scan3A_1628 = %broadcast_in_dim3A_0, %scan3A_1629 = %broadcast_in_dim3A_0, %scan3A_1630 = %broadcast_in_dim3A_0, %scan3A_1631 = %broadcast_in_dim3A_0, %scan3A_1632 = %broadcast_in_dim3A_0, %scan3A_1633 = %broadcast_in_dim3A_0, %scan3A_1634 = %broadcast_in_dim3A_0) -> (vector<16xf32>, vector<16xf32>, vector<16xf32>, vector<16xf32>, vector<16xf32>, vector<16xf32>, vector<16xf32>, vector<16xf32>)  : i32 {
        %mul3A_1635 = arith.constant 4 : i32
        %mul3A_1636 = arith.muli %scan3A_1626, %mul3A_1635 : i32
        %add3A_1637 = arith.constant 0 : i32
        %add3A_1638 = arith.addi %mul3A_1636, %add3A_1637 : i32
        %mul3A_1639 = arith.constant 16 : i32
        %mul3A_1640 = arith.muli %add3A_1638, %mul3A_1639 : i32
        %get3A_1641 = arith.index_cast %mul3A_1640 : i32 to index
        %get3A_1642 = tpu.vector_load %arg12[%get3A_1641] {strides = array<i32>} : memref<1024xf32, #tpu.memory_space<vmem>>, vector<16xf32>,
        %mul3A_1643 = arith.constant 64 : i32
        %mul3A_1644 = vector.broadcast %mul3A_1643 : i32 to vector<16xi32>
        %mul3A_1645 = arith.muli %iota3A, %mul3A_1644 : vector<16xi32>
        %add3A_1646 = vector.broadcast %add3A_1638 : i32 to vector<16xi32>
        %add3A_1647 = arith.addi %mul3A_1645, %add3A_1646 : vector<16xi32>
        %mul3A_1648 = arith.constant 8 : i32
        %mul3A_1649 = arith.muli %scan3A_1394, %mul3A_1648 : i32
        %add3A_1650 = arith.constant 0 : i32
        %add3A_1651 = arith.addi %mul3A_1649, %add3A_1650 : i32
        %mul3A_1652 = arith.constant 1024 : i32
        %mul3A_1653 = arith.muli %add3A_1651, %mul3A_1652 : i32
        %add3A_1654 = vector.broadcast %mul3A_1653 : i32 to vector<16xi32>
        %add3A_1655 = arith.addi %add3A_1647, %add3A_1654 : vector<16xi32>
        %gather3A_1656 = tpu.vector_load_idx %arg9[%add3A_1655] : memref<65536xf32, #tpu.memory_space<vmem>>[vector<16xi32>], vector<16xf32>,
        %mul3A_1657 = arith.mulf %gather3A_1656, %get3A_1642 : vector<16xf32>
        %add3A_1658 = arith.addf %scan3A_1627, %mul3A_1657 : vector<16xf32>
        %mul3A_1659 = arith.constant 8 : i32
        %mul3A_1660 = arith.muli %scan3A_1394, %mul3A_1659 : i32
        %add3A_1661 = arith.constant 1 : i32
        %add3A_1662 = arith.addi %mul3A_1660, %add3A_1661 : i32
        %mul3A_1663 = arith.constant 1024 : i32
        %mul3A_1664 = arith.muli %add3A_1662, %mul3A_1663 : i32
        %add3A_1665 = vector.broadcast %mul3A_1664 : i32 to vector<16xi32>
        %add3A_1666 = arith.addi %add3A_1647, %add3A_1665 : vector<16xi32>
        %gather3A_1667 = tpu.vector_load_idx %arg9[%add3A_1666] : memref<65536xf32, #tpu.memory_space<vmem>>[vector<16xi32>], vector<16xf32>,
        %mul3A_1668 = arith.mulf %gather3A_1667, %get3A_1642 : vector<16xf32>
        %add3A_1669 = arith.addf %scan3A_1628, %mul3A_1668 : vector<16xf32>
        %mul3A_1670 = arith.constant 8 : i32
        %mul3A_1671 = arith.muli %scan3A_1394, %mul3A_1670 : i32
        %add3A_1672 = arith.constant 2 : i32
        %add3A_1673 = arith.addi %mul3A_1671, %add3A_1672 : i32
        %mul3A_1674 = arith.constant 1024 : i32
        %mul3A_1675 = arith.muli %add3A_1673, %mul3A_1674 : i32
        %add3A_1676 = vector.broadcast %mul3A_1675 : i32 to vector<16xi32>
        %add3A_1677 = arith.addi %add3A_1647, %add3A_1676 : vector<16xi32>
        %gather3A_1678 = tpu.vector_load_idx %arg9[%add3A_1677] : memref<65536xf32, #tpu.memory_space<vmem>>[vector<16xi32>], vector<16xf32>,
        %mul3A_1679 = arith.mulf %gather3A_1678, %get3A_1642 : vector<16xf32>
        %add3A_1680 = arith.addf %scan3A_1629, %mul3A_1679 : vector<16xf32>
        %mul3A_1681 = arith.constant 8 : i32
        %mul3A_1682 = arith.muli %scan3A_1394, %mul3A_1681 : i32
        %add3A_1683 = arith.constant 3 : i32
        %add3A_1684 = arith.addi %mul3A_1682, %add3A_1683 : i32
        %mul3A_1685 = arith.constant 1024 : i32
        %mul3A_1686 = arith.muli %add3A_1684, %mul3A_1685 : i32
        %add3A_1687 = vector.broadcast %mul3A_1686 : i32 to vector<16xi32>
        %add3A_1688 = arith.addi %add3A_1647, %add3A_1687 : vector<16xi32>
        %gather3A_1689 = tpu.vector_load_idx %arg9[%add3A_1688] : memref<65536xf32, #tpu.memory_space<vmem>>[vector<16xi32>], vector<16xf32>,
        %mul3A_1690 = arith.mulf %gather3A_1689, %get3A_1642 : vector<16xf32>
        %add3A_1691 = arith.addf %scan3A_1630, %mul3A_1690 : vector<16xf32>
        %mul3A_1692 = arith.constant 8 : i32
        %mul3A_1693 = arith.muli %scan3A_1394, %mul3A_1692 : i32
        %add3A_1694 = arith.constant 4 : i32
        %add3A_1695 = arith.addi %mul3A_1693, %add3A_1694 : i32
        %mul3A_1696 = arith.constant 1024 : i32
        %mul3A_1697 = arith.muli %add3A_1695, %mul3A_1696 : i32
        %add3A_1698 = vector.broadcast %mul3A_1697 : i32 to vector<16xi32>
        %add3A_1699 = arith.addi %add3A_1647, %add3A_1698 : vector<16xi32>
        %gather3A_1700 = tpu.vector_load_idx %arg9[%add3A_1699] : memref<65536xf32, #tpu.memory_space<vmem>>[vector<16xi32>], vector<16xf32>,
        %mul3A_1701 = arith.mulf %gather3A_1700, %get3A_1642 : vector<16xf32>
        %add3A_1702 = arith.addf %scan3A_1631, %mul3A_1701 : vector<16xf32>
        %mul3A_1703 = arith.constant 8 : i32
        %mul3A_1704 = arith.muli %scan3A_1394, %mul3A_1703 : i32
        %add3A_1705 = arith.constant 5 : i32
        %add3A_1706 = arith.addi %mul3A_1704, %add3A_1705 : i32
        %mul3A_1707 = arith.constant 1024 : i32
        %mul3A_1708 = arith.muli %add3A_1706, %mul3A_1707 : i32
        %add3A_1709 = vector.broadcast %mul3A_1708 : i32 to vector<16xi32>
        %add3A_1710 = arith.addi %add3A_1647, %add3A_1709 : vector<16xi32>
        %gather3A_1711 = tpu.vector_load_idx %arg9[%add3A_1710] : memref<65536xf32, #tpu.memory_space<vmem>>[vector<16xi32>], vector<16xf32>,
        %mul3A_1712 = arith.mulf %gather3A_1711, %get3A_1642 : vector<16xf32>
        %add3A_1713 = arith.addf %scan3A_1632, %mul3A_1712 : vector<16xf32>
        %mul3A_1714 = arith.constant 8 : i32
        %mul3A_1715 = arith.muli %scan3A_1394, %mul3A_1714 : i32
        %add3A_1716 = arith.constant 6 : i32
        %add3A_1717 = arith.addi %mul3A_1715, %add3A_1716 : i32
        %mul3A_1718 = arith.constant 1024 : i32
        %mul3A_1719 = arith.muli %add3A_1717, %mul3A_1718 : i32
        %add3A_1720 = vector.broadcast %mul3A_1719 : i32 to vector<16xi32>
        %add3A_1721 = arith.addi %add3A_1647, %add3A_1720 : vector<16xi32>
        %gather3A_1722 = tpu.vector_load_idx %arg9[%add3A_1721] : memref<65536xf32, #tpu.memory_space<vmem>>[vector<16xi32>], vector<16xf32>,
        %mul3A_1723 = arith.mulf %gather3A_1722, %get3A_1642 : vector<16xf32>
        %add3A_1724 = arith.addf %scan3A_1633, %mul3A_1723 : vector<16xf32>
        %mul3A_1725 = arith.constant 8 : i32
        %mul3A_1726 = arith.muli %scan3A_1394, %mul3A_1725 : i32
        %add3A_1727 = arith.constant 7 : i32
        %add3A_1728 = arith.addi %mul3A_1726, %add3A_1727 : i32
        %mul3A_1729 = arith.constant 1024 : i32
        %mul3A_1730 = arith.muli %add3A_1728, %mul3A_1729 : i32
        %add3A_1731 = vector.broadcast %mul3A_1730 : i32 to vector<16xi32>
        %add3A_1732 = arith.addi %add3A_1647, %add3A_1731 : vector<16xi32>
        %gather3A_1733 = tpu.vector_load_idx %arg9[%add3A_1732] : memref<65536xf32, #tpu.memory_space<vmem>>[vector<16xi32>], vector<16xf32>,
        %mul3A_1734 = arith.mulf %gather3A_1733, %get3A_1642 : vector<16xf32>
        %add3A_1735 = arith.addf %scan3A_1634, %mul3A_1734 : vector<16xf32>
        %mul3A_1736 = arith.constant 4 : i32
        %mul3A_1737 = arith.muli %scan3A_1626, %mul3A_1736 : i32
        %add3A_1738 = arith.constant 1 : i32
        %add3A_1739 = arith.addi %mul3A_1737, %add3A_1738 : i32
        %mul3A_1740 = arith.constant 16 : i32
        %mul3A_1741 = arith.muli %add3A_1739, %mul3A_1740 : i32
        %get3A_1742 = arith.index_cast %mul3A_1741 : i32 to index
        %get3A_1743 = tpu.vector_load %arg12[%get3A_1742] {strides = array<i32>} : memref<1024xf32, #tpu.memory_space<vmem>>, vector<16xf32>,
        %mul3A_1744 = arith.constant 64 : i32
        %mul3A_1745 = vector.broadcast %mul3A_1744 : i32 to vector<16xi32>
        %mul3A_1746 = arith.muli %iota3A, %mul3A_1745 : vector<16xi32>
        %add3A_1747 = vector.broadcast %add3A_1739 : i32 to vector<16xi32>
        %add3A_1748 = arith.addi %mul3A_1746, %add3A_1747 : vector<16xi32>
        %mul3A_1749 = arith.constant 8 : i32
        %mul3A_1750 = arith.muli %scan3A_1394, %mul3A_1749 : i32
        %add3A_1751 = arith.constant 0 : i32
        %add3A_1752 = arith.addi %mul3A_1750, %add3A_1751 : i32
        %mul3A_1753 = arith.constant 1024 : i32
        %mul3A_1754 = arith.muli %add3A_1752, %mul3A_1753 : i32
        %add3A_1755 = vector.broadcast %mul3A_1754 : i32 to vector<16xi32>
        %add3A_1756 = arith.addi %add3A_1748, %add3A_1755 : vector<16xi32>
        %gather3A_1757 = tpu.vector_load_idx %arg9[%add3A_1756] : memref<65536xf32, #tpu.memory_space<vmem>>[vector<16xi32>], vector<16xf32>,
        %mul3A_1758 = arith.mulf %gather3A_1757, %get3A_1743 : vector<16xf32>
        %add3A_1759 = arith.addf %add3A_1658, %mul3A_1758 : vector<16xf32>
        %mul3A_1760 = arith.constant 8 : i32
        %mul3A_1761 = arith.muli %scan3A_1394, %mul3A_1760 : i32
        %add3A_1762 = arith.constant 1 : i32
        %add3A_1763 = arith.addi %mul3A_1761, %add3A_1762 : i32
        %mul3A_1764 = arith.constant 1024 : i32
        %mul3A_1765 = arith.muli %add3A_1763, %mul3A_1764 : i32
        %add3A_1766 = vector.broadcast %mul3A_1765 : i32 to vector<16xi32>
        %add3A_1767 = arith.addi %add3A_1748, %add3A_1766 : vector<16xi32>
        %gather3A_1768 = tpu.vector_load_idx %arg9[%add3A_1767] : memref<65536xf32, #tpu.memory_space<vmem>>[vector<16xi32>], vector<16xf32>,
        %mul3A_1769 = arith.mulf %gather3A_1768, %get3A_1743 : vector<16xf32>
        %add3A_1770 = arith.addf %add3A_1669, %mul3A_1769 : vector<16xf32>
        %mul3A_1771 = arith.constant 8 : i32
        %mul3A_1772 = arith.muli %scan3A_1394, %mul3A_1771 : i32
        %add3A_1773 = arith.constant 2 : i32
        %add3A_1774 = arith.addi %mul3A_1772, %add3A_1773 : i32
        %mul3A_1775 = arith.constant 1024 : i32
        %mul3A_1776 = arith.muli %add3A_1774, %mul3A_1775 : i32
        %add3A_1777 = vector.broadcast %mul3A_1776 : i32 to vector<16xi32>
        %add3A_1778 = arith.addi %add3A_1748, %add3A_1777 : vector<16xi32>
        %gather3A_1779 = tpu.vector_load_idx %arg9[%add3A_1778] : memref<65536xf32, #tpu.memory_space<vmem>>[vector<16xi32>], vector<16xf32>,
        %mul3A_1780 = arith.mulf %gather3A_1779, %get3A_1743 : vector<16xf32>
        %add3A_1781 = arith.addf %add3A_1680, %mul3A_1780 : vector<16xf32>
        %mul3A_1782 = arith.constant 8 : i32
        %mul3A_1783 = arith.muli %scan3A_1394, %mul3A_1782 : i32
        %add3A_1784 = arith.constant 3 : i32
        %add3A_1785 = arith.addi %mul3A_1783, %add3A_1784 : i32
        %mul3A_1786 = arith.constant 1024 : i32
        %mul3A_1787 = arith.muli %add3A_1785, %mul3A_1786 : i32
        %add3A_1788 = vector.broadcast %mul3A_1787 : i32 to vector<16xi32>
        %add3A_1789 = arith.addi %add3A_1748, %add3A_1788 : vector<16xi32>
        %gather3A_1790 = tpu.vector_load_idx %arg9[%add3A_1789] : memref<65536xf32, #tpu.memory_space<vmem>>[vector<16xi32>], vector<16xf32>,
        %mul3A_1791 = arith.mulf %gather3A_1790, %get3A_1743 : vector<16xf32>
        %add3A_1792 = arith.addf %add3A_1691, %mul3A_1791 : vector<16xf32>
        %mul3A_1793 = arith.constant 8 : i32
        %mul3A_1794 = arith.muli %scan3A_1394, %mul3A_1793 : i32
        %add3A_1795 = arith.constant 4 : i32
        %add3A_1796 = arith.addi %mul3A_1794, %add3A_1795 : i32
        %mul3A_1797 = arith.constant 1024 : i32
        %mul3A_1798 = arith.muli %add3A_1796, %mul3A_1797 : i32
        %add3A_1799 = vector.broadcast %mul3A_1798 : i32 to vector<16xi32>
        %add3A_1800 = arith.addi %add3A_1748, %add3A_1799 : vector<16xi32>
        %gather3A_1801 = tpu.vector_load_idx %arg9[%add3A_1800] : memref<65536xf32, #tpu.memory_space<vmem>>[vector<16xi32>], vector<16xf32>,
        %mul3A_1802 = arith.mulf %gather3A_1801, %get3A_1743 : vector<16xf32>
        %add3A_1803 = arith.addf %add3A_1702, %mul3A_1802 : vector<16xf32>
        %mul3A_1804 = arith.constant 8 : i32
        %mul3A_1805 = arith.muli %scan3A_1394, %mul3A_1804 : i32
        %add3A_1806 = arith.constant 5 : i32
        %add3A_1807 = arith.addi %mul3A_1805, %add3A_1806 : i32
        %mul3A_1808 = arith.constant 1024 : i32
        %mul3A_1809 = arith.muli %add3A_1807, %mul3A_1808 : i32
        %add3A_1810 = vector.broadcast %mul3A_1809 : i32 to vector<16xi32>
        %add3A_1811 = arith.addi %add3A_1748, %add3A_1810 : vector<16xi32>
        %gather3A_1812 = tpu.vector_load_idx %arg9[%add3A_1811] : memref<65536xf32, #tpu.memory_space<vmem>>[vector<16xi32>], vector<16xf32>,
        %mul3A_1813 = arith.mulf %gather3A_1812, %get3A_1743 : vector<16xf32>
        %add3A_1814 = arith.addf %add3A_1713, %mul3A_1813 : vector<16xf32>
        %mul3A_1815 = arith.constant 8 : i32
        %mul3A_1816 = arith.muli %scan3A_1394, %mul3A_1815 : i32
        %add3A_1817 = arith.constant 6 : i32
        %add3A_1818 = arith.addi %mul3A_1816, %add3A_1817 : i32
        %mul3A_1819 = arith.constant 1024 : i32
        %mul3A_1820 = arith.muli %add3A_1818, %mul3A_1819 : i32
        %add3A_1821 = vector.broadcast %mul3A_1820 : i32 to vector<16xi32>
        %add3A_1822 = arith.addi %add3A_1748, %add3A_1821 : vector<16xi32>
        %gather3A_1823 = tpu.vector_load_idx %arg9[%add3A_1822] : memref<65536xf32, #tpu.memory_space<vmem>>[vector<16xi32>], vector<16xf32>,
        %mul3A_1824 = arith.mulf %gather3A_1823, %get3A_1743 : vector<16xf32>
        %add3A_1825 = arith.addf %add3A_1724, %mul3A_1824 : vector<16xf32>
        %mul3A_1826 = arith.constant 8 : i32
        %mul3A_1827 = arith.muli %scan3A_1394, %mul3A_1826 : i32
        %add3A_1828 = arith.constant 7 : i32
        %add3A_1829 = arith.addi %mul3A_1827, %add3A_1828 : i32
        %mul3A_1830 = arith.constant 1024 : i32
        %mul3A_1831 = arith.muli %add3A_1829, %mul3A_1830 : i32
        %add3A_1832 = vector.broadcast %mul3A_1831 : i32 to vector<16xi32>
        %add3A_1833 = arith.addi %add3A_1748, %add3A_1832 : vector<16xi32>
        %gather3A_1834 = tpu.vector_load_idx %arg9[%add3A_1833] : memref<65536xf32, #tpu.memory_space<vmem>>[vector<16xi32>], vector<16xf32>,
        %mul3A_1835 = arith.mulf %gather3A_1834, %get3A_1743 : vector<16xf32>
        %add3A_1836 = arith.addf %add3A_1735, %mul3A_1835 : vector<16xf32>
        %mul3A_1837 = arith.constant 4 : i32
        %mul3A_1838 = arith.muli %scan3A_1626, %mul3A_1837 : i32
        %add3A_1839 = arith.constant 2 : i32
        %add3A_1840 = arith.addi %mul3A_1838, %add3A_1839 : i32
        %mul3A_1841 = arith.constant 16 : i32
        %mul3A_1842 = arith.muli %add3A_1840, %mul3A_1841 : i32
        %get3A_1843 = arith.index_cast %mul3A_1842 : i32 to index
        %get3A_1844 = tpu.vector_load %arg12[%get3A_1843] {strides = array<i32>} : memref<1024xf32, #tpu.memory_space<vmem>>, vector<16xf32>,
        %mul3A_1845 = arith.constant 64 : i32
        %mul3A_1846 = vector.broadcast %mul3A_1845 : i32 to vector<16xi32>
        %mul3A_1847 = arith.muli %iota3A, %mul3A_1846 : vector<16xi32>
        %add3A_1848 = vector.broadcast %add3A_1840 : i32 to vector<16xi32>
        %add3A_1849 = arith.addi %mul3A_1847, %add3A_1848 : vector<16xi32>
        %mul3A_1850 = arith.constant 8 : i32
        %mul3A_1851 = arith.muli %scan3A_1394, %mul3A_1850 : i32
        %add3A_1852 = arith.constant 0 : i32
        %add3A_1853 = arith.addi %mul3A_1851, %add3A_1852 : i32
        %mul3A_1854 = arith.constant 1024 : i32
        %mul3A_1855 = arith.muli %add3A_1853, %mul3A_1854 : i32
        %add3A_1856 = vector.broadcast %mul3A_1855 : i32 to vector<16xi32>
        %add3A_1857 = arith.addi %add3A_1849, %add3A_1856 : vector<16xi32>
        %gather3A_1858 = tpu.vector_load_idx %arg9[%add3A_1857] : memref<65536xf32, #tpu.memory_space<vmem>>[vector<16xi32>], vector<16xf32>,
        %mul3A_1859 = arith.mulf %gather3A_1858, %get3A_1844 : vector<16xf32>
        %add3A_1860 = arith.addf %add3A_1759, %mul3A_1859 : vector<16xf32>
        %mul3A_1861 = arith.constant 8 : i32
        %mul3A_1862 = arith.muli %scan3A_1394, %mul3A_1861 : i32
        %add3A_1863 = arith.constant 1 : i32
        %add3A_1864 = arith.addi %mul3A_1862, %add3A_1863 : i32
        %mul3A_1865 = arith.constant 1024 : i32
        %mul3A_1866 = arith.muli %add3A_1864, %mul3A_1865 : i32
        %add3A_1867 = vector.broadcast %mul3A_1866 : i32 to vector<16xi32>
        %add3A_1868 = arith.addi %add3A_1849, %add3A_1867 : vector<16xi32>
        %gather3A_1869 = tpu.vector_load_idx %arg9[%add3A_1868] : memref<65536xf32, #tpu.memory_space<vmem>>[vector<16xi32>], vector<16xf32>,
        %mul3A_1870 = arith.mulf %gather3A_1869, %get3A_1844 : vector<16xf32>
        %add3A_1871 = arith.addf %add3A_1770, %mul3A_1870 : vector<16xf32>
        %mul3A_1872 = arith.constant 8 : i32
        %mul3A_1873 = arith.muli %scan3A_1394, %mul3A_1872 : i32
        %add3A_1874 = arith.constant 2 : i32
        %add3A_1875 = arith.addi %mul3A_1873, %add3A_1874 : i32
        %mul3A_1876 = arith.constant 1024 : i32
        %mul3A_1877 = arith.muli %add3A_1875, %mul3A_1876 : i32
        %add3A_1878 = vector.broadcast %mul3A_1877 : i32 to vector<16xi32>
        %add3A_1879 = arith.addi %add3A_1849, %add3A_1878 : vector<16xi32>
        %gather3A_1880 = tpu.vector_load_idx %arg9[%add3A_1879] : memref<65536xf32, #tpu.memory_space<vmem>>[vector<16xi32>], vector<16xf32>,
        %mul3A_1881 = arith.mulf %gather3A_1880, %get3A_1844 : vector<16xf32>
        %add3A_1882 = arith.addf %add3A_1781, %mul3A_1881 : vector<16xf32>
        %mul3A_1883 = arith.constant 8 : i32
        %mul3A_1884 = arith.muli %scan3A_1394, %mul3A_1883 : i32
        %add3A_1885 = arith.constant 3 : i32
        %add3A_1886 = arith.addi %mul3A_1884, %add3A_1885 : i32
        %mul3A_1887 = arith.constant 1024 : i32
        %mul3A_1888 = arith.muli %add3A_1886, %mul3A_1887 : i32
        %add3A_1889 = vector.broadcast %mul3A_1888 : i32 to vector<16xi32>
        %add3A_1890 = arith.addi %add3A_1849, %add3A_1889 : vector<16xi32>
        %gather3A_1891 = tpu.vector_load_idx %arg9[%add3A_1890] : memref<65536xf32, #tpu.memory_space<vmem>>[vector<16xi32>], vector<16xf32>,
        %mul3A_1892 = arith.mulf %gather3A_1891, %get3A_1844 : vector<16xf32>
        %add3A_1893 = arith.addf %add3A_1792, %mul3A_1892 : vector<16xf32>
        %mul3A_1894 = arith.constant 8 : i32
        %mul3A_1895 = arith.muli %scan3A_1394, %mul3A_1894 : i32
        %add3A_1896 = arith.constant 4 : i32
        %add3A_1897 = arith.addi %mul3A_1895, %add3A_1896 : i32
        %mul3A_1898 = arith.constant 1024 : i32
        %mul3A_1899 = arith.muli %add3A_1897, %mul3A_1898 : i32
        %add3A_1900 = vector.broadcast %mul3A_1899 : i32 to vector<16xi32>
        %add3A_1901 = arith.addi %add3A_1849, %add3A_1900 : vector<16xi32>
        %gather3A_1902 = tpu.vector_load_idx %arg9[%add3A_1901] : memref<65536xf32, #tpu.memory_space<vmem>>[vector<16xi32>], vector<16xf32>,
        %mul3A_1903 = arith.mulf %gather3A_1902, %get3A_1844 : vector<16xf32>
        %add3A_1904 = arith.addf %add3A_1803, %mul3A_1903 : vector<16xf32>
        %mul3A_1905 = arith.constant 8 : i32
        %mul3A_1906 = arith.muli %scan3A_1394, %mul3A_1905 : i32
        %add3A_1907 = arith.constant 5 : i32
        %add3A_1908 = arith.addi %mul3A_1906, %add3A_1907 : i32
        %mul3A_1909 = arith.constant 1024 : i32
        %mul3A_1910 = arith.muli %add3A_1908, %mul3A_1909 : i32
        %add3A_1911 = vector.broadcast %mul3A_1910 : i32 to vector<16xi32>
        %add3A_1912 = arith.addi %add3A_1849, %add3A_1911 : vector<16xi32>
        %gather3A_1913 = tpu.vector_load_idx %arg9[%add3A_1912] : memref<65536xf32, #tpu.memory_space<vmem>>[vector<16xi32>], vector<16xf32>,
        %mul3A_1914 = arith.mulf %gather3A_1913, %get3A_1844 : vector<16xf32>
        %add3A_1915 = arith.addf %add3A_1814, %mul3A_1914 : vector<16xf32>
        %mul3A_1916 = arith.constant 8 : i32
        %mul3A_1917 = arith.muli %scan3A_1394, %mul3A_1916 : i32
        %add3A_1918 = arith.constant 6 : i32
        %add3A_1919 = arith.addi %mul3A_1917, %add3A_1918 : i32
        %mul3A_1920 = arith.constant 1024 : i32
        %mul3A_1921 = arith.muli %add3A_1919, %mul3A_1920 : i32
        %add3A_1922 = vector.broadcast %mul3A_1921 : i32 to vector<16xi32>
        %add3A_1923 = arith.addi %add3A_1849, %add3A_1922 : vector<16xi32>
        %gather3A_1924 = tpu.vector_load_idx %arg9[%add3A_1923] : memref<65536xf32, #tpu.memory_space<vmem>>[vector<16xi32>], vector<16xf32>,
        %mul3A_1925 = arith.mulf %gather3A_1924, %get3A_1844 : vector<16xf32>
        %add3A_1926 = arith.addf %add3A_1825, %mul3A_1925 : vector<16xf32>
        %mul3A_1927 = arith.constant 8 : i32
        %mul3A_1928 = arith.muli %scan3A_1394, %mul3A_1927 : i32
        %add3A_1929 = arith.constant 7 : i32
        %add3A_1930 = arith.addi %mul3A_1928, %add3A_1929 : i32
        %mul3A_1931 = arith.constant 1024 : i32
        %mul3A_1932 = arith.muli %add3A_1930, %mul3A_1931 : i32
        %add3A_1933 = vector.broadcast %mul3A_1932 : i32 to vector<16xi32>
        %add3A_1934 = arith.addi %add3A_1849, %add3A_1933 : vector<16xi32>
        %gather3A_1935 = tpu.vector_load_idx %arg9[%add3A_1934] : memref<65536xf32, #tpu.memory_space<vmem>>[vector<16xi32>], vector<16xf32>,
        %mul3A_1936 = arith.mulf %gather3A_1935, %get3A_1844 : vector<16xf32>
        %add3A_1937 = arith.addf %add3A_1836, %mul3A_1936 : vector<16xf32>
        %mul3A_1938 = arith.constant 4 : i32
        %mul3A_1939 = arith.muli %scan3A_1626, %mul3A_1938 : i32
        %add3A_1940 = arith.constant 3 : i32
        %add3A_1941 = arith.addi %mul3A_1939, %add3A_1940 : i32
        %mul3A_1942 = arith.constant 16 : i32
        %mul3A_1943 = arith.muli %add3A_1941, %mul3A_1942 : i32
        %get3A_1944 = arith.index_cast %mul3A_1943 : i32 to index
        %get3A_1945 = tpu.vector_load %arg12[%get3A_1944] {strides = array<i32>} : memref<1024xf32, #tpu.memory_space<vmem>>, vector<16xf32>,
        %mul3A_1946 = arith.constant 64 : i32
        %mul3A_1947 = vector.broadcast %mul3A_1946 : i32 to vector<16xi32>
        %mul3A_1948 = arith.muli %iota3A, %mul3A_1947 : vector<16xi32>
        %add3A_1949 = vector.broadcast %add3A_1941 : i32 to vector<16xi32>
        %add3A_1950 = arith.addi %mul3A_1948, %add3A_1949 : vector<16xi32>
        %mul3A_1951 = arith.constant 8 : i32
        %mul3A_1952 = arith.muli %scan3A_1394, %mul3A_1951 : i32
        %add3A_1953 = arith.constant 0 : i32
        %add3A_1954 = arith.addi %mul3A_1952, %add3A_1953 : i32
        %mul3A_1955 = arith.constant 1024 : i32
        %mul3A_1956 = arith.muli %add3A_1954, %mul3A_1955 : i32
        %add3A_1957 = vector.broadcast %mul3A_1956 : i32 to vector<16xi32>
        %add3A_1958 = arith.addi %add3A_1950, %add3A_1957 : vector<16xi32>
        %gather3A_1959 = tpu.vector_load_idx %arg9[%add3A_1958] : memref<65536xf32, #tpu.memory_space<vmem>>[vector<16xi32>], vector<16xf32>,
        %mul3A_1960 = arith.mulf %gather3A_1959, %get3A_1945 : vector<16xf32>
        %add3A_1961 = arith.addf %add3A_1860, %mul3A_1960 : vector<16xf32>
        %mul3A_1962 = arith.constant 8 : i32
        %mul3A_1963 = arith.muli %scan3A_1394, %mul3A_1962 : i32
        %add3A_1964 = arith.constant 1 : i32
        %add3A_1965 = arith.addi %mul3A_1963, %add3A_1964 : i32
        %mul3A_1966 = arith.constant 1024 : i32
        %mul3A_1967 = arith.muli %add3A_1965, %mul3A_1966 : i32
        %add3A_1968 = vector.broadcast %mul3A_1967 : i32 to vector<16xi32>
        %add3A_1969 = arith.addi %add3A_1950, %add3A_1968 : vector<16xi32>
        %gather3A_1970 = tpu.vector_load_idx %arg9[%add3A_1969] : memref<65536xf32, #tpu.memory_space<vmem>>[vector<16xi32>], vector<16xf32>,
        %mul3A_1971 = arith.mulf %gather3A_1970, %get3A_1945 : vector<16xf32>
        %add3A_1972 = arith.addf %add3A_1871, %mul3A_1971 : vector<16xf32>
        %mul3A_1973 = arith.constant 8 : i32
        %mul3A_1974 = arith.muli %scan3A_1394, %mul3A_1973 : i32
        %add3A_1975 = arith.constant 2 : i32
        %add3A_1976 = arith.addi %mul3A_1974, %add3A_1975 : i32
        %mul3A_1977 = arith.constant 1024 : i32
        %mul3A_1978 = arith.muli %add3A_1976, %mul3A_1977 : i32
        %add3A_1979 = vector.broadcast %mul3A_1978 : i32 to vector<16xi32>
        %add3A_1980 = arith.addi %add3A_1950, %add3A_1979 : vector<16xi32>
        %gather3A_1981 = tpu.vector_load_idx %arg9[%add3A_1980] : memref<65536xf32, #tpu.memory_space<vmem>>[vector<16xi32>], vector<16xf32>,
        %mul3A_1982 = arith.mulf %gather3A_1981, %get3A_1945 : vector<16xf32>
        %add3A_1983 = arith.addf %add3A_1882, %mul3A_1982 : vector<16xf32>
        %mul3A_1984 = arith.constant 8 : i32
        %mul3A_1985 = arith.muli %scan3A_1394, %mul3A_1984 : i32
        %add3A_1986 = arith.constant 3 : i32
        %add3A_1987 = arith.addi %mul3A_1985, %add3A_1986 : i32
        %mul3A_1988 = arith.constant 1024 : i32
        %mul3A_1989 = arith.muli %add3A_1987, %mul3A_1988 : i32
        %add3A_1990 = vector.broadcast %mul3A_1989 : i32 to vector<16xi32>
        %add3A_1991 = arith.addi %add3A_1950, %add3A_1990 : vector<16xi32>
        %gather3A_1992 = tpu.vector_load_idx %arg9[%add3A_1991] : memref<65536xf32, #tpu.memory_space<vmem>>[vector<16xi32>], vector<16xf32>,
        %mul3A_1993 = arith.mulf %gather3A_1992, %get3A_1945 : vector<16xf32>
        %add3A_1994 = arith.addf %add3A_1893, %mul3A_1993 : vector<16xf32>
        %mul3A_1995 = arith.constant 8 : i32
        %mul3A_1996 = arith.muli %scan3A_1394, %mul3A_1995 : i32
        %add3A_1997 = arith.constant 4 : i32
        %add3A_1998 = arith.addi %mul3A_1996, %add3A_1997 : i32
        %mul3A_1999 = arith.constant 1024 : i32
        %mul3A_2000 = arith.muli %add3A_1998, %mul3A_1999 : i32
        %add3A_2001 = vector.broadcast %mul3A_2000 : i32 to vector<16xi32>
        %add3A_2002 = arith.addi %add3A_1950, %add3A_2001 : vector<16xi32>
        %gather3A_2003 = tpu.vector_load_idx %arg9[%add3A_2002] : memref<65536xf32, #tpu.memory_space<vmem>>[vector<16xi32>], vector<16xf32>,
        %mul3A_2004 = arith.mulf %gather3A_2003, %get3A_1945 : vector<16xf32>
        %add3A_2005 = arith.addf %add3A_1904, %mul3A_2004 : vector<16xf32>
        %mul3A_2006 = arith.constant 8 : i32
        %mul3A_2007 = arith.muli %scan3A_1394, %mul3A_2006 : i32
        %add3A_2008 = arith.constant 5 : i32
        %add3A_2009 = arith.addi %mul3A_2007, %add3A_2008 : i32
        %mul3A_2010 = arith.constant 1024 : i32
        %mul3A_2011 = arith.muli %add3A_2009, %mul3A_2010 : i32
        %add3A_2012 = vector.broadcast %mul3A_2011 : i32 to vector<16xi32>
        %add3A_2013 = arith.addi %add3A_1950, %add3A_2012 : vector<16xi32>
        %gather3A_2014 = tpu.vector_load_idx %arg9[%add3A_2013] : memref<65536xf32, #tpu.memory_space<vmem>>[vector<16xi32>], vector<16xf32>,
        %mul3A_2015 = arith.mulf %gather3A_2014, %get3A_1945 : vector<16xf32>
        %add3A_2016 = arith.addf %add3A_1915, %mul3A_2015 : vector<16xf32>
        %mul3A_2017 = arith.constant 8 : i32
        %mul3A_2018 = arith.muli %scan3A_1394, %mul3A_2017 : i32
        %add3A_2019 = arith.constant 6 : i32
        %add3A_2020 = arith.addi %mul3A_2018, %add3A_2019 : i32
        %mul3A_2021 = arith.constant 1024 : i32
        %mul3A_2022 = arith.muli %add3A_2020, %mul3A_2021 : i32
        %add3A_2023 = vector.broadcast %mul3A_2022 : i32 to vector<16xi32>
        %add3A_2024 = arith.addi %add3A_1950, %add3A_2023 : vector<16xi32>
        %gather3A_2025 = tpu.vector_load_idx %arg9[%add3A_2024] : memref<65536xf32, #tpu.memory_space<vmem>>[vector<16xi32>], vector<16xf32>,
        %mul3A_2026 = arith.mulf %gather3A_2025, %get3A_1945 : vector<16xf32>
        %add3A_2027 = arith.addf %add3A_1926, %mul3A_2026 : vector<16xf32>
        %mul3A_2028 = arith.constant 8 : i32
        %mul3A_2029 = arith.muli %scan3A_1394, %mul3A_2028 : i32
        %add3A_2030 = arith.constant 7 : i32
        %add3A_2031 = arith.addi %mul3A_2029, %add3A_2030 : i32
        %mul3A_2032 = arith.constant 1024 : i32
        %mul3A_2033 = arith.muli %add3A_2031, %mul3A_2032 : i32
        %add3A_2034 = vector.broadcast %mul3A_2033 : i32 to vector<16xi32>
        %add3A_2035 = arith.addi %add3A_1950, %add3A_2034 : vector<16xi32>
        %gather3A_2036 = tpu.vector_load_idx %arg9[%add3A_2035] : memref<65536xf32, #tpu.memory_space<vmem>>[vector<16xi32>], vector<16xf32>,
        %mul3A_2037 = arith.mulf %gather3A_2036, %get3A_1945 : vector<16xf32>
        %add3A_2038 = arith.addf %add3A_1937, %mul3A_2037 : vector<16xf32>
        scf.yield %add3A_1961, %add3A_1972, %add3A_1983, %add3A_1994, %add3A_2005, %add3A_2016, %add3A_2027, %add3A_2038 : vector<16xf32>, vector<16xf32>, vector<16xf32>, vector<16xf32>, vector<16xf32>, vector<16xf32>, vector<16xf32>, vector<16xf32>
      }
      %scan3A_1403 = arith.constant 16 : i32
      %mul3A_1404 = arith.constant 1024 : i32
      %mul3A_1405 = arith.muli %arg1, %mul3A_1404 : i32
      %mul3A_1406 = arith.constant 8 : i32
      %mul3A_1407 = arith.muli %scan3A_1394, %mul3A_1406 : i32
      %add3A_1408 = arith.constant 0 : i32
      %add3A_1409 = arith.addi %mul3A_1407, %add3A_1408 : i32
      %mul3A_1410 = arith.constant 16 : i32
      %mul3A_1411 = arith.muli %add3A_1409, %mul3A_1410 : i32
      %add3A_1412 = arith.addi %mul3A_1405, %mul3A_1411 : i32
      %add3A_1413 = vector.broadcast %add3A_1412 : i32 to vector<16xi32>
      %add3A_1414 = arith.addi %add3A_1413, %iota3A : vector<16xi32>
      %masked_sort3A = arith.constant dense<true> : vector<16xi1>
      %masked_sort3A_1415, %masked_sort3A_1416, %masked_sort3A_1417 = tpu.sort %scan3A_1402#0, %add3A_1414 masked %masked_sort3A {descending = true} : (vector<16xf32>, vector<16xi32>, vector<16xi1>) -> (vector<16xi1>, vector<16xf32>, vector<16xi32>)
      %gt3A = arith.cmpf ogt, %masked_sort3A_1416, %scan3A_1395 : vector<16xf32>
      %select_n3A_1418 = arith.select %gt3A, %masked_sort3A_1416, %scan3A_1395 : vector<16xi1>, vector<16xf32>
      %select_n3A_1419 = arith.select %gt3A, %masked_sort3A_1417, %scan3A_1396 : vector<16xi1>, vector<16xi32>
      %masked_sort3A_1420 = arith.constant dense<true> : vector<16xi1>
      %masked_sort3A_1421, %masked_sort3A_1422, %masked_sort3A_1423 = tpu.sort %select_n3A_1418, %select_n3A_1419 masked %masked_sort3A_1420 : (vector<16xf32>, vector<16xi32>, vector<16xi1>) -> (vector<16xi1>, vector<16xf32>, vector<16xi32>)
      %swap3A_1424 = arith.constant 0 : index
      %swap3A_1425 = tpu.vector_load %arg10[%swap3A_1424] {strides = array<i32>} : memref<16xf32, #tpu.memory_space<vmem>>, vector<16xf32>,
      tpu.vector_store %arg10[%swap3A_1424], %masked_sort3A_1422 {strides = array<i32>} : memref<16xf32, #tpu.memory_space<vmem>>, vector<16xf32>,
      %mul3A_1426 = arith.constant 0 : i32
      %mul3A_1427 = vector.broadcast %mul3A_1426 : i32 to vector<16xi32>
      %mul3A_1428 = arith.muli %iota3A, %mul3A_1427 : vector<16xi32>
      %gather3A_1429 = tpu.vector_load_idx %arg10[%mul3A_1428] : memref<16xf32, #tpu.memory_space<vmem>>[vector<16xi32>], vector<16xf32>,
      %mul3A_1430 = arith.constant 1024 : i32
      %mul3A_1431 = arith.muli %arg1, %mul3A_1430 : i32
      %mul3A_1432 = arith.constant 8 : i32
      %mul3A_1433 = arith.muli %scan3A_1394, %mul3A_1432 : i32
      %add3A_1434 = arith.constant 1 : i32
      %add3A_1435 = arith.addi %mul3A_1433, %add3A_1434 : i32
      %mul3A_1436 = arith.constant 16 : i32
      %mul3A_1437 = arith.muli %add3A_1435, %mul3A_1436 : i32
      %add3A_1438 = arith.addi %mul3A_1431, %mul3A_1437 : i32
      %add3A_1439 = vector.broadcast %add3A_1438 : i32 to vector<16xi32>
      %add3A_1440 = arith.addi %add3A_1439, %iota3A : vector<16xi32>
      %masked_sort3A_1441 = arith.constant dense<true> : vector<16xi1>
      %masked_sort3A_1442, %masked_sort3A_1443, %masked_sort3A_1444 = tpu.sort %scan3A_1402#1, %add3A_1440 masked %masked_sort3A_1441 {descending = true} : (vector<16xf32>, vector<16xi32>, vector<16xi1>) -> (vector<16xi1>, vector<16xf32>, vector<16xi32>)
      %gt3A_1445 = arith.cmpf ogt, %masked_sort3A_1443, %masked_sort3A_1422 : vector<16xf32>
      %select_n3A_1446 = arith.select %gt3A_1445, %masked_sort3A_1443, %masked_sort3A_1422 : vector<16xi1>, vector<16xf32>
      %select_n3A_1447 = arith.select %gt3A_1445, %masked_sort3A_1444, %masked_sort3A_1423 : vector<16xi1>, vector<16xi32>
      %masked_sort3A_1448 = arith.constant dense<true> : vector<16xi1>
      %masked_sort3A_1449, %masked_sort3A_1450, %masked_sort3A_1451 = tpu.sort %select_n3A_1446, %select_n3A_1447 masked %masked_sort3A_1448 : (vector<16xf32>, vector<16xi32>, vector<16xi1>) -> (vector<16xi1>, vector<16xf32>, vector<16xi32>)
      %swap3A_1452 = arith.constant 0 : index
      %swap3A_1453 = tpu.vector_load %arg10[%swap3A_1452] {strides = array<i32>} : memref<16xf32, #tpu.memory_space<vmem>>, vector<16xf32>,
      tpu.vector_store %arg10[%swap3A_1452], %masked_sort3A_1450 {strides = array<i32>} : memref<16xf32, #tpu.memory_space<vmem>>, vector<16xf32>,
      %mul3A_1454 = arith.constant 0 : i32
      %mul3A_1455 = vector.broadcast %mul3A_1454 : i32 to vector<16xi32>
      %mul3A_1456 = arith.muli %iota3A, %mul3A_1455 : vector<16xi32>
      %gather3A_1457 = tpu.vector_load_idx %arg10[%mul3A_1456] : memref<16xf32, #tpu.memory_space<vmem>>[vector<16xi32>], vector<16xf32>,
      %mul3A_1458 = arith.constant 1024 : i32
      %mul3A_1459 = arith.muli %arg1, %mul3A_1458 : i32
      %mul3A_1460 = arith.constant 8 : i32
      %mul3A_1461 = arith.muli %scan3A_1394, %mul3A_1460 : i32
      %add3A_1462 = arith.constant 2 : i32
      %add3A_1463 = arith.addi %mul3A_1461, %add3A_1462 : i32
      %mul3A_1464 = arith.constant 16 : i32
      %mul3A_1465 = arith.muli %add3A_1463, %mul3A_1464 : i32
      %add3A_1466 = arith.addi %mul3A_1459, %mul3A_1465 : i32
      %add3A_1467 = vector.broadcast %add3A_1466 : i32 to vector<16xi32>
      %add3A_1468 = arith.addi %add3A_1467, %iota3A : vector<16xi32>
      %masked_sort3A_1469 = arith.constant dense<true> : vector<16xi1>
      %masked_sort3A_1470, %masked_sort3A_1471, %masked_sort3A_1472 = tpu.sort %scan3A_1402#2, %add3A_1468 masked %masked_sort3A_1469 {descending = true} : (vector<16xf32>, vector<16xi32>, vector<16xi1>) -> (vector<16xi1>, vector<16xf32>, vector<16xi32>)
      %gt3A_1473 = arith.cmpf ogt, %masked_sort3A_1471, %masked_sort3A_1450 : vector<16xf32>
      %select_n3A_1474 = arith.select %gt3A_1473, %masked_sort3A_1471, %masked_sort3A_1450 : vector<16xi1>, vector<16xf32>
      %select_n3A_1475 = arith.select %gt3A_1473, %masked_sort3A_1472, %masked_sort3A_1451 : vector<16xi1>, vector<16xi32>
      %masked_sort3A_1476 = arith.constant dense<true> : vector<16xi1>
      %masked_sort3A_1477, %masked_sort3A_1478, %masked_sort3A_1479 = tpu.sort %select_n3A_1474, %select_n3A_1475 masked %masked_sort3A_1476 : (vector<16xf32>, vector<16xi32>, vector<16xi1>) -> (vector<16xi1>, vector<16xf32>, vector<16xi32>)
      %swap3A_1480 = arith.constant 0 : index
      %swap3A_1481 = tpu.vector_load %arg10[%swap3A_1480] {strides = array<i32>} : memref<16xf32, #tpu.memory_space<vmem>>, vector<16xf32>,
      tpu.vector_store %arg10[%swap3A_1480], %masked_sort3A_1478 {strides = array<i32>} : memref<16xf32, #tpu.memory_space<vmem>>, vector<16xf32>,
      %mul3A_1482 = arith.constant 0 : i32
      %mul3A_1483 = vector.broadcast %mul3A_1482 : i32 to vector<16xi32>
      %mul3A_1484 = arith.muli %iota3A, %mul3A_1483 : vector<16xi32>
      %gather3A_1485 = tpu.vector_load_idx %arg10[%mul3A_1484] : memref<16xf32, #tpu.memory_space<vmem>>[vector<16xi32>], vector<16xf32>,
      %mul3A_1486 = arith.constant 1024 : i32
      %mul3A_1487 = arith.muli %arg1, %mul3A_1486 : i32
      %mul3A_1488 = arith.constant 8 : i32
      %mul3A_1489 = arith.muli %scan3A_1394, %mul3A_1488 : i32
      %add3A_1490 = arith.constant 3 : i32
      %add3A_1491 = arith.addi %mul3A_1489, %add3A_1490 : i32
      %mul3A_1492 = arith.constant 16 : i32
      %mul3A_1493 = arith.muli %add3A_1491, %mul3A_1492 : i32
      %add3A_1494 = arith.addi %mul3A_1487, %mul3A_1493 : i32
      %add3A_1495 = vector.broadcast %add3A_1494 : i32 to vector<16xi32>
      %add3A_1496 = arith.addi %add3A_1495, %iota3A : vector<16xi32>
      %masked_sort3A_1497 = arith.constant dense<true> : vector<16xi1>
      %masked_sort3A_1498, %masked_sort3A_1499, %masked_sort3A_1500 = tpu.sort %scan3A_1402#3, %add3A_1496 masked %masked_sort3A_1497 {descending = true} : (vector<16xf32>, vector<16xi32>, vector<16xi1>) -> (vector<16xi1>, vector<16xf32>, vector<16xi32>)
      %gt3A_1501 = arith.cmpf ogt, %masked_sort3A_1499, %masked_sort3A_1478 : vector<16xf32>
      %select_n3A_1502 = arith.select %gt3A_1501, %masked_sort3A_1499, %masked_sort3A_1478 : vector<16xi1>, vector<16xf32>
      %select_n3A_1503 = arith.select %gt3A_1501, %masked_sort3A_1500, %masked_sort3A_1479 : vector<16xi1>, vector<16xi32>
      %masked_sort3A_1504 = arith.constant dense<true> : vector<16xi1>
      %masked_sort3A_1505, %masked_sort3A_1506, %masked_sort3A_1507 = tpu.sort %select_n3A_1502, %select_n3A_1503 masked %masked_sort3A_1504 : (vector<16xf32>, vector<16xi32>, vector<16xi1>) -> (vector<16xi1>, vector<16xf32>, vector<16xi32>)
      %swap3A_1508 = arith.constant 0 : index
      %swap3A_1509 = tpu.vector_load %arg10[%swap3A_1508] {strides = array<i32>} : memref<16xf32, #tpu.memory_space<vmem>>, vector<16xf32>,
      tpu.vector_store %arg10[%swap3A_1508], %masked_sort3A_1506 {strides = array<i32>} : memref<16xf32, #tpu.memory_space<vmem>>, vector<16xf32>,
      %mul3A_1510 = arith.constant 0 : i32
      %mul3A_1511 = vector.broadcast %mul3A_1510 : i32 to vector<16xi32>
      %mul3A_1512 = arith.muli %iota3A, %mul3A_1511 : vector<16xi32>
      %gather3A_1513 = tpu.vector_load_idx %arg10[%mul3A_1512] : memref<16xf32, #tpu.memory_space<vmem>>[vector<16xi32>], vector<16xf32>,
      %mul3A_1514 = arith.constant 1024 : i32
      %mul3A_1515 = arith.muli %arg1, %mul3A_1514 : i32
      %mul3A_1516 = arith.constant 8 : i32
      %mul3A_1517 = arith.muli %scan3A_1394, %mul3A_1516 : i32
      %add3A_1518 = arith.constant 4 : i32
      %add3A_1519 = arith.addi %mul3A_1517, %add3A_1518 : i32
      %mul3A_1520 = arith.constant 16 : i32
      %mul3A_1521 = arith.muli %add3A_1519, %mul3A_1520 : i32
      %add3A_1522 = arith.addi %mul3A_1515, %mul3A_1521 : i32
      %add3A_1523 = vector.broadcast %add3A_1522 : i32 to vector<16xi32>
      %add3A_1524 = arith.addi %add3A_1523, %iota3A : vector<16xi32>
      %masked_sort3A_1525 = arith.constant dense<true> : vector<16xi1>
      %masked_sort3A_1526, %masked_sort3A_1527, %masked_sort3A_1528 = tpu.sort %scan3A_1402#4, %add3A_1524 masked %masked_sort3A_1525 {descending = true} : (vector<16xf32>, vector<16xi32>, vector<16xi1>) -> (vector<16xi1>, vector<16xf32>, vector<16xi32>)
      %gt3A_1529 = arith.cmpf ogt, %masked_sort3A_1527, %masked_sort3A_1506 : vector<16xf32>
      %select_n3A_1530 = arith.select %gt3A_1529, %masked_sort3A_1527, %masked_sort3A_1506 : vector<16xi1>, vector<16xf32>
      %select_n3A_1531 = arith.select %gt3A_1529, %masked_sort3A_1528, %masked_sort3A_1507 : vector<16xi1>, vector<16xi32>
      %masked_sort3A_1532 = arith.constant dense<true> : vector<16xi1>
      %masked_sort3A_1533, %masked_sort3A_1534, %masked_sort3A_1535 = tpu.sort %select_n3A_1530, %select_n3A_1531 masked %masked_sort3A_1532 : (vector<16xf32>, vector<16xi32>, vector<16xi1>) -> (vector<16xi1>, vector<16xf32>, vector<16xi32>)
      %swap3A_1536 = arith.constant 0 : index
      %swap3A_1537 = tpu.vector_load %arg10[%swap3A_1536] {strides = array<i32>} : memref<16xf32, #tpu.memory_space<vmem>>, vector<16xf32>,
      tpu.vector_store %arg10[%swap3A_1536], %masked_sort3A_1534 {strides = array<i32>} : memref<16xf32, #tpu.memory_space<vmem>>, vector<16xf32>,
      %mul3A_1538 = arith.constant 0 : i32
      %mul3A_1539 = vector.broadcast %mul3A_1538 : i32 to vector<16xi32>
      %mul3A_1540 = arith.muli %iota3A, %mul3A_1539 : vector<16xi32>
      %gather3A_1541 = tpu.vector_load_idx %arg10[%mul3A_1540] : memref<16xf32, #tpu.memory_space<vmem>>[vector<16xi32>], vector<16xf32>,
      %mul3A_1542 = arith.constant 1024 : i32
      %mul3A_1543 = arith.muli %arg1, %mul3A_1542 : i32
      %mul3A_1544 = arith.constant 8 : i32
      %mul3A_1545 = arith.muli %scan3A_1394, %mul3A_1544 : i32
      %add3A_1546 = arith.constant 5 : i32
      %add3A_1547 = arith.addi %mul3A_1545, %add3A_1546 : i32
      %mul3A_1548 = arith.constant 16 : i32
      %mul3A_1549 = arith.muli %add3A_1547, %mul3A_1548 : i32
      %add3A_1550 = arith.addi %mul3A_1543, %mul3A_1549 : i32
      %add3A_1551 = vector.broadcast %add3A_1550 : i32 to vector<16xi32>
      %add3A_1552 = arith.addi %add3A_1551, %iota3A : vector<16xi32>
      %masked_sort3A_1553 = arith.constant dense<true> : vector<16xi1>
      %masked_sort3A_1554, %masked_sort3A_1555, %masked_sort3A_1556 = tpu.sort %scan3A_1402#5, %add3A_1552 masked %masked_sort3A_1553 {descending = true} : (vector<16xf32>, vector<16xi32>, vector<16xi1>) -> (vector<16xi1>, vector<16xf32>, vector<16xi32>)
      %gt3A_1557 = arith.cmpf ogt, %masked_sort3A_1555, %masked_sort3A_1534 : vector<16xf32>
      %select_n3A_1558 = arith.select %gt3A_1557, %masked_sort3A_1555, %masked_sort3A_1534 : vector<16xi1>, vector<16xf32>
      %select_n3A_1559 = arith.select %gt3A_1557, %masked_sort3A_1556, %masked_sort3A_1535 : vector<16xi1>, vector<16xi32>
      %masked_sort3A_1560 = arith.constant dense<true> : vector<16xi1>
      %masked_sort3A_1561, %masked_sort3A_1562, %masked_sort3A_1563 = tpu.sort %select_n3A_1558, %select_n3A_1559 masked %masked_sort3A_1560 : (vector<16xf32>, vector<16xi32>, vector<16xi1>) -> (vector<16xi1>, vector<16xf32>, vector<16xi32>)
      %swap3A_1564 = arith.constant 0 : index
      %swap3A_1565 = tpu.vector_load %arg10[%swap3A_1564] {strides = array<i32>} : memref<16xf32, #tpu.memory_space<vmem>>, vector<16xf32>,
      tpu.vector_store %arg10[%swap3A_1564], %masked_sort3A_1562 {strides = array<i32>} : memref<16xf32, #tpu.memory_space<vmem>>, vector<16xf32>,
      %mul3A_1566 = arith.constant 0 : i32
      %mul3A_1567 = vector.broadcast %mul3A_1566 : i32 to vector<16xi32>
      %mul3A_1568 = arith.muli %iota3A, %mul3A_1567 : vector<16xi32>
      %gather3A_1569 = tpu.vector_load_idx %arg10[%mul3A_1568] : memref<16xf32, #tpu.memory_space<vmem>>[vector<16xi32>], vector<16xf32>,
      %mul3A_1570 = arith.constant 1024 : i32
      %mul3A_1571 = arith.muli %arg1, %mul3A_1570 : i32
      %mul3A_1572 = arith.constant 8 : i32
      %mul3A_1573 = arith.muli %scan3A_1394, %mul3A_1572 : i32
      %add3A_1574 = arith.constant 6 : i32
      %add3A_1575 = arith.addi %mul3A_1573, %add3A_1574 : i32
      %mul3A_1576 = arith.constant 16 : i32
      %mul3A_1577 = arith.muli %add3A_1575, %mul3A_1576 : i32
      %add3A_1578 = arith.addi %mul3A_1571, %mul3A_1577 : i32
      %add3A_1579 = vector.broadcast %add3A_1578 : i32 to vector<16xi32>
      %add3A_1580 = arith.addi %add3A_1579, %iota3A : vector<16xi32>
      %masked_sort3A_1581 = arith.constant dense<true> : vector<16xi1>
      %masked_sort3A_1582, %masked_sort3A_1583, %masked_sort3A_1584 = tpu.sort %scan3A_1402#6, %add3A_1580 masked %masked_sort3A_1581 {descending = true} : (vector<16xf32>, vector<16xi32>, vector<16xi1>) -> (vector<16xi1>, vector<16xf32>, vector<16xi32>)
      %gt3A_1585 = arith.cmpf ogt, %masked_sort3A_1583, %masked_sort3A_1562 : vector<16xf32>
      %select_n3A_1586 = arith.select %gt3A_1585, %masked_sort3A_1583, %masked_sort3A_1562 : vector<16xi1>, vector<16xf32>
      %select_n3A_1587 = arith.select %gt3A_1585, %masked_sort3A_1584, %masked_sort3A_1563 : vector<16xi1>, vector<16xi32>
      %masked_sort3A_1588 = arith.constant dense<true> : vector<16xi1>
      %masked_sort3A_1589, %masked_sort3A_1590, %masked_sort3A_1591 = tpu.sort %select_n3A_1586, %select_n3A_1587 masked %masked_sort3A_1588 : (vector<16xf32>, vector<16xi32>, vector<16xi1>) -> (vector<16xi1>, vector<16xf32>, vector<16xi32>)
      %swap3A_1592 = arith.constant 0 : index
      %swap3A_1593 = tpu.vector_load %arg10[%swap3A_1592] {strides = array<i32>} : memref<16xf32, #tpu.memory_space<vmem>>, vector<16xf32>,
      tpu.vector_store %arg10[%swap3A_1592], %masked_sort3A_1590 {strides = array<i32>} : memref<16xf32, #tpu.memory_space<vmem>>, vector<16xf32>,
      %mul3A_1594 = arith.constant 0 : i32
      %mul3A_1595 = vector.broadcast %mul3A_1594 : i32 to vector<16xi32>
      %mul3A_1596 = arith.muli %iota3A, %mul3A_1595 : vector<16xi32>
      %gather3A_1597 = tpu.vector_load_idx %arg10[%mul3A_1596] : memref<16xf32, #tpu.memory_space<vmem>>[vector<16xi32>], vector<16xf32>,
      %mul3A_1598 = arith.constant 1024 : i32
      %mul3A_1599 = arith.muli %arg1, %mul3A_1598 : i32
      %mul3A_1600 = arith.constant 8 : i32
      %mul3A_1601 = arith.muli %scan3A_1394, %mul3A_1600 : i32
      %add3A_1602 = arith.constant 7 : i32
      %add3A_1603 = arith.addi %mul3A_1601, %add3A_1602 : i32
      %mul3A_1604 = arith.constant 16 : i32
      %mul3A_1605 = arith.muli %add3A_1603, %mul3A_1604 : i32
      %add3A_1606 = arith.addi %mul3A_1599, %mul3A_1605 : i32
      %add3A_1607 = vector.broadcast %add3A_1606 : i32 to vector<16xi32>
      %add3A_1608 = arith.addi %add3A_1607, %iota3A : vector<16xi32>
      %masked_sort3A_1609 = arith.constant dense<true> : vector<16xi1>
      %masked_sort3A_1610, %masked_sort3A_1611, %masked_sort3A_1612 = tpu.sort %scan3A_1402#7, %add3A_1608 masked %masked_sort3A_1609 {descending = true} : (vector<16xf32>, vector<16xi32>, vector<16xi1>) -> (vector<16xi1>, vector<16xf32>, vector<16xi32>)
      %gt3A_1613 = arith.cmpf ogt, %masked_sort3A_1611, %masked_sort3A_1590 : vector<16xf32>
      %select_n3A_1614 = arith.select %gt3A_1613, %masked_sort3A_1611, %masked_sort3A_1590 : vector<16xi1>, vector<16xf32>
      %select_n3A_1615 = arith.select %gt3A_1613, %masked_sort3A_1612, %masked_sort3A_1591 : vector<16xi1>, vector<16xi32>
      %masked_sort3A_1616 = arith.constant dense<true> : vector<16xi1>
      %masked_sort3A_1617, %masked_sort3A_1618, %masked_sort3A_1619 = tpu.sort %select_n3A_1614, %select_n3A_1615 masked %masked_sort3A_1616 : (vector<16xf32>, vector<16xi32>, vector<16xi1>) -> (vector<16xi1>, vector<16xf32>, vector<16xi32>)
      %swap3A_1620 = arith.constant 0 : index
      %swap3A_1621 = tpu.vector_load %arg10[%swap3A_1620] {strides = array<i32>} : memref<16xf32, #tpu.memory_space<vmem>>, vector<16xf32>,
      tpu.vector_store %arg10[%swap3A_1620], %masked_sort3A_1618 {strides = array<i32>} : memref<16xf32, #tpu.memory_space<vmem>>, vector<16xf32>,
      %mul3A_1622 = arith.constant 0 : i32
      %mul3A_1623 = vector.broadcast %mul3A_1622 : i32 to vector<16xi32>
      %mul3A_1624 = arith.muli %iota3A, %mul3A_1623 : vector<16xi32>
      %gather3A_1625 = tpu.vector_load_idx %arg10[%mul3A_1624] : memref<16xf32, #tpu.memory_space<vmem>>[vector<16xi32>], vector<16xf32>,
      scf.yield %masked_sort3A_1618, %masked_sort3A_1619, %gather3A_1625 : vector<16xf32>, vector<16xi32>, vector<16xf32>
    }
    %scan3A_1358 = arith.constant 2 : i32
    %dma_wait3A_1359 = arith.constant 32768 : i32
    %dma_wait3A_1360 = tpu.memref_slice %arg9[%dma_wait3A_1359] : memref<65536xf32, #tpu.memory_space<vmem>> -> memref<16384xf32, #tpu.memory_space<vmem>>
    %dma_wait3A_1361 = tpu.memref_slice %arg3[%mul3A_31] : memref<1048576xf32, #tpu.memory_space<hbm>> -> memref<16384xf32, #tpu.memory_space<hbm>>
    %dma_wait3A_1362 = arith.constant 32768 : i32
    %dma_wait3A_1363 = tpu.memref_slice %arg9[%dma_wait3A_1362] : memref<65536xf32, #tpu.memory_space<vmem>> -> memref<16384xf32, #tpu.memory_space<vmem>>
    %dma_wait3A_1364 = tpu.memref_slice %arg3[%mul3A_31] : memref<1048576xf32, #tpu.memory_space<hbm>> -> memref<16384xf32, #tpu.memory_space<hbm>>
    tpu.wait_dma2 semaphore(%arg23 : memref<!tpu.dma_semaphore, #tpu.memory_space<semaphore_mem>>) src(%dma_wait3A_1364 : memref<16384xf32, #tpu.memory_space<hbm>>) dst(%dma_wait3A_1363 : memref<16384xf32, #tpu.memory_space<vmem>>)
    %scan3A_1365 = arith.constant 4 : i32
    %scan3A_1366 = arith.constant 2 : i32
    %scan3A_1367 = arith.addi %scan3A_1365, %scan3A_1366 : i32
    %scan3A_1368 = arith.constant 1 : i32
    %scan3A_1369:3 = scf.for %scan3A_1394 = %scan3A_1365 to %scan3A_1367 step %scan3A_1368 iter_args(%scan3A_1395 = %scan3A_1357#0, %scan3A_1396 = %scan3A_1357#1, %scan3A_1397 = %scan3A_1357#2) -> (vector<16xf32>, vector<16xi32>, vector<16xf32>)  : i32 {
      %scan3A_1398 = arith.constant 0 : i32
      %scan3A_1399 = arith.constant 16 : i32
      %scan3A_1400 = arith.addi %scan3A_1398, %scan3A_1399 : i32
      %scan3A_1401 = arith.constant 1 : i32
      %scan3A_1402:8 = scf.for %scan3A_1626 = %scan3A_1398 to %scan3A_1400 step %scan3A_1401 iter_args(%scan3A_1627 = %broadcast_in_dim3A_0, %scan3A_1628 = %broadcast_in_dim3A_0, %scan3A_1629 = %broadcast_in_dim3A_0, %scan3A_1630 = %broadcast_in_dim3A_0, %scan3A_1631 = %broadcast_in_dim3A_0, %scan3A_1632 = %broadcast_in_dim3A_0, %scan3A_1633 = %broadcast_in_dim3A_0, %scan3A_1634 = %broadcast_in_dim3A_0) -> (vector<16xf32>, vector<16xf32>, vector<16xf32>, vector<16xf32>, vector<16xf32>, vector<16xf32>, vector<16xf32>, vector<16xf32>)  : i32 {
        %mul3A_1635 = arith.constant 4 : i32
        %mul3A_1636 = arith.muli %scan3A_1626, %mul3A_1635 : i32
        %add3A_1637 = arith.constant 0 : i32
        %add3A_1638 = arith.addi %mul3A_1636, %add3A_1637 : i32
        %mul3A_1639 = arith.constant 16 : i32
        %mul3A_1640 = arith.muli %add3A_1638, %mul3A_1639 : i32
        %get3A_1641 = arith.index_cast %mul3A_1640 : i32 to index
        %get3A_1642 = tpu.vector_load %arg12[%get3A_1641] {strides = array<i32>} : memref<1024xf32, #tpu.memory_space<vmem>>, vector<16xf32>,
        %mul3A_1643 = arith.constant 64 : i32
        %mul3A_1644 = vector.broadcast %mul3A_1643 : i32 to vector<16xi32>
        %mul3A_1645 = arith.muli %iota3A, %mul3A_1644 : vector<16xi32>
        %add3A_1646 = vector.broadcast %add3A_1638 : i32 to vector<16xi32>
        %add3A_1647 = arith.addi %mul3A_1645, %add3A_1646 : vector<16xi32>
        %mul3A_1648 = arith.constant 8 : i32
        %mul3A_1649 = arith.muli %scan3A_1394, %mul3A_1648 : i32
        %add3A_1650 = arith.constant 0 : i32
        %add3A_1651 = arith.addi %mul3A_1649, %add3A_1650 : i32
        %mul3A_1652 = arith.constant 1024 : i32
        %mul3A_1653 = arith.muli %add3A_1651, %mul3A_1652 : i32
        %add3A_1654 = vector.broadcast %mul3A_1653 : i32 to vector<16xi32>
        %add3A_1655 = arith.addi %add3A_1647, %add3A_1654 : vector<16xi32>
        %gather3A_1656 = tpu.vector_load_idx %arg9[%add3A_1655] : memref<65536xf32, #tpu.memory_space<vmem>>[vector<16xi32>], vector<16xf32>,
        %mul3A_1657 = arith.mulf %gather3A_1656, %get3A_1642 : vector<16xf32>
        %add3A_1658 = arith.addf %scan3A_1627, %mul3A_1657 : vector<16xf32>
        %mul3A_1659 = arith.constant 8 : i32
        %mul3A_1660 = arith.muli %scan3A_1394, %mul3A_1659 : i32
        %add3A_1661 = arith.constant 1 : i32
        %add3A_1662 = arith.addi %mul3A_1660, %add3A_1661 : i32
        %mul3A_1663 = arith.constant 1024 : i32
        %mul3A_1664 = arith.muli %add3A_1662, %mul3A_1663 : i32
        %add3A_1665 = vector.broadcast %mul3A_1664 : i32 to vector<16xi32>
        %add3A_1666 = arith.addi %add3A_1647, %add3A_1665 : vector<16xi32>
        %gather3A_1667 = tpu.vector_load_idx %arg9[%add3A_1666] : memref<65536xf32, #tpu.memory_space<vmem>>[vector<16xi32>], vector<16xf32>,
        %mul3A_1668 = arith.mulf %gather3A_1667, %get3A_1642 : vector<16xf32>
        %add3A_1669 = arith.addf %scan3A_1628, %mul3A_1668 : vector<16xf32>
        %mul3A_1670 = arith.constant 8 : i32
        %mul3A_1671 = arith.muli %scan3A_1394, %mul3A_1670 : i32
        %add3A_1672 = arith.constant 2 : i32
        %add3A_1673 = arith.addi %mul3A_1671, %add3A_1672 : i32
        %mul3A_1674 = arith.constant 1024 : i32
        %mul3A_1675 = arith.muli %add3A_1673, %mul3A_1674 : i32
        %add3A_1676 = vector.broadcast %mul3A_1675 : i32 to vector<16xi32>
        %add3A_1677 = arith.addi %add3A_1647, %add3A_1676 : vector<16xi32>
        %gather3A_1678 = tpu.vector_load_idx %arg9[%add3A_1677] : memref<65536xf32, #tpu.memory_space<vmem>>[vector<16xi32>], vector<16xf32>,
        %mul3A_1679 = arith.mulf %gather3A_1678, %get3A_1642 : vector<16xf32>
        %add3A_1680 = arith.addf %scan3A_1629, %mul3A_1679 : vector<16xf32>
        %mul3A_1681 = arith.constant 8 : i32
        %mul3A_1682 = arith.muli %scan3A_1394, %mul3A_1681 : i32
        %add3A_1683 = arith.constant 3 : i32
        %add3A_1684 = arith.addi %mul3A_1682, %add3A_1683 : i32
        %mul3A_1685 = arith.constant 1024 : i32
        %mul3A_1686 = arith.muli %add3A_1684, %mul3A_1685 : i32
        %add3A_1687 = vector.broadcast %mul3A_1686 : i32 to vector<16xi32>
        %add3A_1688 = arith.addi %add3A_1647, %add3A_1687 : vector<16xi32>
        %gather3A_1689 = tpu.vector_load_idx %arg9[%add3A_1688] : memref<65536xf32, #tpu.memory_space<vmem>>[vector<16xi32>], vector<16xf32>,
        %mul3A_1690 = arith.mulf %gather3A_1689, %get3A_1642 : vector<16xf32>
        %add3A_1691 = arith.addf %scan3A_1630, %mul3A_1690 : vector<16xf32>
        %mul3A_1692 = arith.constant 8 : i32
        %mul3A_1693 = arith.muli %scan3A_1394, %mul3A_1692 : i32
        %add3A_1694 = arith.constant 4 : i32
        %add3A_1695 = arith.addi %mul3A_1693, %add3A_1694 : i32
        %mul3A_1696 = arith.constant 1024 : i32
        %mul3A_1697 = arith.muli %add3A_1695, %mul3A_1696 : i32
        %add3A_1698 = vector.broadcast %mul3A_1697 : i32 to vector<16xi32>
        %add3A_1699 = arith.addi %add3A_1647, %add3A_1698 : vector<16xi32>
        %gather3A_1700 = tpu.vector_load_idx %arg9[%add3A_1699] : memref<65536xf32, #tpu.memory_space<vmem>>[vector<16xi32>], vector<16xf32>,
        %mul3A_1701 = arith.mulf %gather3A_1700, %get3A_1642 : vector<16xf32>
        %add3A_1702 = arith.addf %scan3A_1631, %mul3A_1701 : vector<16xf32>
        %mul3A_1703 = arith.constant 8 : i32
        %mul3A_1704 = arith.muli %scan3A_1394, %mul3A_1703 : i32
        %add3A_1705 = arith.constant 5 : i32
        %add3A_1706 = arith.addi %mul3A_1704, %add3A_1705 : i32
        %mul3A_1707 = arith.constant 1024 : i32
        %mul3A_1708 = arith.muli %add3A_1706, %mul3A_1707 : i32
        %add3A_1709 = vector.broadcast %mul3A_1708 : i32 to vector<16xi32>
        %add3A_1710 = arith.addi %add3A_1647, %add3A_1709 : vector<16xi32>
        %gather3A_1711 = tpu.vector_load_idx %arg9[%add3A_1710] : memref<65536xf32, #tpu.memory_space<vmem>>[vector<16xi32>], vector<16xf32>,
        %mul3A_1712 = arith.mulf %gather3A_1711, %get3A_1642 : vector<16xf32>
        %add3A_1713 = arith.addf %scan3A_1632, %mul3A_1712 : vector<16xf32>
        %mul3A_1714 = arith.constant 8 : i32
        %mul3A_1715 = arith.muli %scan3A_1394, %mul3A_1714 : i32
        %add3A_1716 = arith.constant 6 : i32
        %add3A_1717 = arith.addi %mul3A_1715, %add3A_1716 : i32
        %mul3A_1718 = arith.constant 1024 : i32
        %mul3A_1719 = arith.muli %add3A_1717, %mul3A_1718 : i32
        %add3A_1720 = vector.broadcast %mul3A_1719 : i32 to vector<16xi32>
        %add3A_1721 = arith.addi %add3A_1647, %add3A_1720 : vector<16xi32>
        %gather3A_1722 = tpu.vector_load_idx %arg9[%add3A_1721] : memref<65536xf32, #tpu.memory_space<vmem>>[vector<16xi32>], vector<16xf32>,
        %mul3A_1723 = arith.mulf %gather3A_1722, %get3A_1642 : vector<16xf32>
        %add3A_1724 = arith.addf %scan3A_1633, %mul3A_1723 : vector<16xf32>
        %mul3A_1725 = arith.constant 8 : i32
        %mul3A_1726 = arith.muli %scan3A_1394, %mul3A_1725 : i32
        %add3A_1727 = arith.constant 7 : i32
        %add3A_1728 = arith.addi %mul3A_1726, %add3A_1727 : i32
        %mul3A_1729 = arith.constant 1024 : i32
        %mul3A_1730 = arith.muli %add3A_1728, %mul3A_1729 : i32
        %add3A_1731 = vector.broadcast %mul3A_1730 : i32 to vector<16xi32>
        %add3A_1732 = arith.addi %add3A_1647, %add3A_1731 : vector<16xi32>
        %gather3A_1733 = tpu.vector_load_idx %arg9[%add3A_1732] : memref<65536xf32, #tpu.memory_space<vmem>>[vector<16xi32>], vector<16xf32>,
        %mul3A_1734 = arith.mulf %gather3A_1733, %get3A_1642 : vector<16xf32>
        %add3A_1735 = arith.addf %scan3A_1634, %mul3A_1734 : vector<16xf32>
        %mul3A_1736 = arith.constant 4 : i32
        %mul3A_1737 = arith.muli %scan3A_1626, %mul3A_1736 : i32
        %add3A_1738 = arith.constant 1 : i32
        %add3A_1739 = arith.addi %mul3A_1737, %add3A_1738 : i32
        %mul3A_1740 = arith.constant 16 : i32
        %mul3A_1741 = arith.muli %add3A_1739, %mul3A_1740 : i32
        %get3A_1742 = arith.index_cast %mul3A_1741 : i32 to index
        %get3A_1743 = tpu.vector_load %arg12[%get3A_1742] {strides = array<i32>} : memref<1024xf32, #tpu.memory_space<vmem>>, vector<16xf32>,
        %mul3A_1744 = arith.constant 64 : i32
        %mul3A_1745 = vector.broadcast %mul3A_1744 : i32 to vector<16xi32>
        %mul3A_1746 = arith.muli %iota3A, %mul3A_1745 : vector<16xi32>
        %add3A_1747 = vector.broadcast %add3A_1739 : i32 to vector<16xi32>
        %add3A_1748 = arith.addi %mul3A_1746, %add3A_1747 : vector<16xi32>
        %mul3A_1749 = arith.constant 8 : i32
        %mul3A_1750 = arith.muli %scan3A_1394, %mul3A_1749 : i32
        %add3A_1751 = arith.constant 0 : i32
        %add3A_1752 = arith.addi %mul3A_1750, %add3A_1751 : i32
        %mul3A_1753 = arith.constant 1024 : i32
        %mul3A_1754 = arith.muli %add3A_1752, %mul3A_1753 : i32
        %add3A_1755 = vector.broadcast %mul3A_1754 : i32 to vector<16xi32>
        %add3A_1756 = arith.addi %add3A_1748, %add3A_1755 : vector<16xi32>
        %gather3A_1757 = tpu.vector_load_idx %arg9[%add3A_1756] : memref<65536xf32, #tpu.memory_space<vmem>>[vector<16xi32>], vector<16xf32>,
        %mul3A_1758 = arith.mulf %gather3A_1757, %get3A_1743 : vector<16xf32>
        %add3A_1759 = arith.addf %add3A_1658, %mul3A_1758 : vector<16xf32>
        %mul3A_1760 = arith.constant 8 : i32
        %mul3A_1761 = arith.muli %scan3A_1394, %mul3A_1760 : i32
        %add3A_1762 = arith.constant 1 : i32
        %add3A_1763 = arith.addi %mul3A_1761, %add3A_1762 : i32
        %mul3A_1764 = arith.constant 1024 : i32
        %mul3A_1765 = arith.muli %add3A_1763, %mul3A_1764 : i32
        %add3A_1766 = vector.broadcast %mul3A_1765 : i32 to vector<16xi32>
        %add3A_1767 = arith.addi %add3A_1748, %add3A_1766 : vector<16xi32>
        %gather3A_1768 = tpu.vector_load_idx %arg9[%add3A_1767] : memref<65536xf32, #tpu.memory_space<vmem>>[vector<16xi32>], vector<16xf32>,
        %mul3A_1769 = arith.mulf %gather3A_1768, %get3A_1743 : vector<16xf32>
        %add3A_1770 = arith.addf %add3A_1669, %mul3A_1769 : vector<16xf32>
        %mul3A_1771 = arith.constant 8 : i32
        %mul3A_1772 = arith.muli %scan3A_1394, %mul3A_1771 : i32
        %add3A_1773 = arith.constant 2 : i32
        %add3A_1774 = arith.addi %mul3A_1772, %add3A_1773 : i32
        %mul3A_1775 = arith.constant 1024 : i32
        %mul3A_1776 = arith.muli %add3A_1774, %mul3A_1775 : i32
        %add3A_1777 = vector.broadcast %mul3A_1776 : i32 to vector<16xi32>
        %add3A_1778 = arith.addi %add3A_1748, %add3A_1777 : vector<16xi32>
        %gather3A_1779 = tpu.vector_load_idx %arg9[%add3A_1778] : memref<65536xf32, #tpu.memory_space<vmem>>[vector<16xi32>], vector<16xf32>,
        %mul3A_1780 = arith.mulf %gather3A_1779, %get3A_1743 : vector<16xf32>
        %add3A_1781 = arith.addf %add3A_1680, %mul3A_1780 : vector<16xf32>
        %mul3A_1782 = arith.constant 8 : i32
        %mul3A_1783 = arith.muli %scan3A_1394, %mul3A_1782 : i32
        %add3A_1784 = arith.constant 3 : i32
        %add3A_1785 = arith.addi %mul3A_1783, %add3A_1784 : i32
        %mul3A_1786 = arith.constant 1024 : i32
        %mul3A_1787 = arith.muli %add3A_1785, %mul3A_1786 : i32
        %add3A_1788 = vector.broadcast %mul3A_1787 : i32 to vector<16xi32>
        %add3A_1789 = arith.addi %add3A_1748, %add3A_1788 : vector<16xi32>
        %gather3A_1790 = tpu.vector_load_idx %arg9[%add3A_1789] : memref<65536xf32, #tpu.memory_space<vmem>>[vector<16xi32>], vector<16xf32>,
        %mul3A_1791 = arith.mulf %gather3A_1790, %get3A_1743 : vector<16xf32>
        %add3A_1792 = arith.addf %add3A_1691, %mul3A_1791 : vector<16xf32>
        %mul3A_1793 = arith.constant 8 : i32
        %mul3A_1794 = arith.muli %scan3A_1394, %mul3A_1793 : i32
        %add3A_1795 = arith.constant 4 : i32
        %add3A_1796 = arith.addi %mul3A_1794, %add3A_1795 : i32
        %mul3A_1797 = arith.constant 1024 : i32
        %mul3A_1798 = arith.muli %add3A_1796, %mul3A_1797 : i32
        %add3A_1799 = vector.broadcast %mul3A_1798 : i32 to vector<16xi32>
        %add3A_1800 = arith.addi %add3A_1748, %add3A_1799 : vector<16xi32>
        %gather3A_1801 = tpu.vector_load_idx %arg9[%add3A_1800] : memref<65536xf32, #tpu.memory_space<vmem>>[vector<16xi32>], vector<16xf32>,
        %mul3A_1802 = arith.mulf %gather3A_1801, %get3A_1743 : vector<16xf32>
        %add3A_1803 = arith.addf %add3A_1702, %mul3A_1802 : vector<16xf32>
        %mul3A_1804 = arith.constant 8 : i32
        %mul3A_1805 = arith.muli %scan3A_1394, %mul3A_1804 : i32
        %add3A_1806 = arith.constant 5 : i32
        %add3A_1807 = arith.addi %mul3A_1805, %add3A_1806 : i32
        %mul3A_1808 = arith.constant 1024 : i32
        %mul3A_1809 = arith.muli %add3A_1807, %mul3A_1808 : i32
        %add3A_1810 = vector.broadcast %mul3A_1809 : i32 to vector<16xi32>
        %add3A_1811 = arith.addi %add3A_1748, %add3A_1810 : vector<16xi32>
        %gather3A_1812 = tpu.vector_load_idx %arg9[%add3A_1811] : memref<65536xf32, #tpu.memory_space<vmem>>[vector<16xi32>], vector<16xf32>,
        %mul3A_1813 = arith.mulf %gather3A_1812, %get3A_1743 : vector<16xf32>
        %add3A_1814 = arith.addf %add3A_1713, %mul3A_1813 : vector<16xf32>
        %mul3A_1815 = arith.constant 8 : i32
        %mul3A_1816 = arith.muli %scan3A_1394, %mul3A_1815 : i32
        %add3A_1817 = arith.constant 6 : i32
        %add3A_1818 = arith.addi %mul3A_1816, %add3A_1817 : i32
        %mul3A_1819 = arith.constant 1024 : i32
        %mul3A_1820 = arith.muli %add3A_1818, %mul3A_1819 : i32
        %add3A_1821 = vector.broadcast %mul3A_1820 : i32 to vector<16xi32>
        %add3A_1822 = arith.addi %add3A_1748, %add3A_1821 : vector<16xi32>
        %gather3A_1823 = tpu.vector_load_idx %arg9[%add3A_1822] : memref<65536xf32, #tpu.memory_space<vmem>>[vector<16xi32>], vector<16xf32>,
        %mul3A_1824 = arith.mulf %gather3A_1823, %get3A_1743 : vector<16xf32>
        %add3A_1825 = arith.addf %add3A_1724, %mul3A_1824 : vector<16xf32>
        %mul3A_1826 = arith.constant 8 : i32
        %mul3A_1827 = arith.muli %scan3A_1394, %mul3A_1826 : i32
        %add3A_1828 = arith.constant 7 : i32
        %add3A_1829 = arith.addi %mul3A_1827, %add3A_1828 : i32
        %mul3A_1830 = arith.constant 1024 : i32
        %mul3A_1831 = arith.muli %add3A_1829, %mul3A_1830 : i32
        %add3A_1832 = vector.broadcast %mul3A_1831 : i32 to vector<16xi32>
        %add3A_1833 = arith.addi %add3A_1748, %add3A_1832 : vector<16xi32>
        %gather3A_1834 = tpu.vector_load_idx %arg9[%add3A_1833] : memref<65536xf32, #tpu.memory_space<vmem>>[vector<16xi32>], vector<16xf32>,
        %mul3A_1835 = arith.mulf %gather3A_1834, %get3A_1743 : vector<16xf32>
        %add3A_1836 = arith.addf %add3A_1735, %mul3A_1835 : vector<16xf32>
        %mul3A_1837 = arith.constant 4 : i32
        %mul3A_1838 = arith.muli %scan3A_1626, %mul3A_1837 : i32
        %add3A_1839 = arith.constant 2 : i32
        %add3A_1840 = arith.addi %mul3A_1838, %add3A_1839 : i32
        %mul3A_1841 = arith.constant 16 : i32
        %mul3A_1842 = arith.muli %add3A_1840, %mul3A_1841 : i32
        %get3A_1843 = arith.index_cast %mul3A_1842 : i32 to index
        %get3A_1844 = tpu.vector_load %arg12[%get3A_1843] {strides = array<i32>} : memref<1024xf32, #tpu.memory_space<vmem>>, vector<16xf32>,
        %mul3A_1845 = arith.constant 64 : i32
        %mul3A_1846 = vector.broadcast %mul3A_1845 : i32 to vector<16xi32>
        %mul3A_1847 = arith.muli %iota3A, %mul3A_1846 : vector<16xi32>
        %add3A_1848 = vector.broadcast %add3A_1840 : i32 to vector<16xi32>
        %add3A_1849 = arith.addi %mul3A_1847, %add3A_1848 : vector<16xi32>
        %mul3A_1850 = arith.constant 8 : i32
        %mul3A_1851 = arith.muli %scan3A_1394, %mul3A_1850 : i32
        %add3A_1852 = arith.constant 0 : i32
        %add3A_1853 = arith.addi %mul3A_1851, %add3A_1852 : i32
        %mul3A_1854 = arith.constant 1024 : i32
        %mul3A_1855 = arith.muli %add3A_1853, %mul3A_1854 : i32
        %add3A_1856 = vector.broadcast %mul3A_1855 : i32 to vector<16xi32>
        %add3A_1857 = arith.addi %add3A_1849, %add3A_1856 : vector<16xi32>
        %gather3A_1858 = tpu.vector_load_idx %arg9[%add3A_1857] : memref<65536xf32, #tpu.memory_space<vmem>>[vector<16xi32>], vector<16xf32>,
        %mul3A_1859 = arith.mulf %gather3A_1858, %get3A_1844 : vector<16xf32>
        %add3A_1860 = arith.addf %add3A_1759, %mul3A_1859 : vector<16xf32>
        %mul3A_1861 = arith.constant 8 : i32
        %mul3A_1862 = arith.muli %scan3A_1394, %mul3A_1861 : i32
        %add3A_1863 = arith.constant 1 : i32
        %add3A_1864 = arith.addi %mul3A_1862, %add3A_1863 : i32
        %mul3A_1865 = arith.constant 1024 : i32
        %mul3A_1866 = arith.muli %add3A_1864, %mul3A_1865 : i32
        %add3A_1867 = vector.broadcast %mul3A_1866 : i32 to vector<16xi32>
        %add3A_1868 = arith.addi %add3A_1849, %add3A_1867 : vector<16xi32>
        %gather3A_1869 = tpu.vector_load_idx %arg9[%add3A_1868] : memref<65536xf32, #tpu.memory_space<vmem>>[vector<16xi32>], vector<16xf32>,
        %mul3A_1870 = arith.mulf %gather3A_1869, %get3A_1844 : vector<16xf32>
        %add3A_1871 = arith.addf %add3A_1770, %mul3A_1870 : vector<16xf32>
        %mul3A_1872 = arith.constant 8 : i32
        %mul3A_1873 = arith.muli %scan3A_1394, %mul3A_1872 : i32
        %add3A_1874 = arith.constant 2 : i32
        %add3A_1875 = arith.addi %mul3A_1873, %add3A_1874 : i32
        %mul3A_1876 = arith.constant 1024 : i32
        %mul3A_1877 = arith.muli %add3A_1875, %mul3A_1876 : i32
        %add3A_1878 = vector.broadcast %mul3A_1877 : i32 to vector<16xi32>
        %add3A_1879 = arith.addi %add3A_1849, %add3A_1878 : vector<16xi32>
        %gather3A_1880 = tpu.vector_load_idx %arg9[%add3A_1879] : memref<65536xf32, #tpu.memory_space<vmem>>[vector<16xi32>], vector<16xf32>,
        %mul3A_1881 = arith.mulf %gather3A_1880, %get3A_1844 : vector<16xf32>
        %add3A_1882 = arith.addf %add3A_1781, %mul3A_1881 : vector<16xf32>
        %mul3A_1883 = arith.constant 8 : i32
        %mul3A_1884 = arith.muli %scan3A_1394, %mul3A_1883 : i32
        %add3A_1885 = arith.constant 3 : i32
        %add3A_1886 = arith.addi %mul3A_1884, %add3A_1885 : i32
        %mul3A_1887 = arith.constant 1024 : i32
        %mul3A_1888 = arith.muli %add3A_1886, %mul3A_1887 : i32
        %add3A_1889 = vector.broadcast %mul3A_1888 : i32 to vector<16xi32>
        %add3A_1890 = arith.addi %add3A_1849, %add3A_1889 : vector<16xi32>
        %gather3A_1891 = tpu.vector_load_idx %arg9[%add3A_1890] : memref<65536xf32, #tpu.memory_space<vmem>>[vector<16xi32>], vector<16xf32>,
        %mul3A_1892 = arith.mulf %gather3A_1891, %get3A_1844 : vector<16xf32>
        %add3A_1893 = arith.addf %add3A_1792, %mul3A_1892 : vector<16xf32>
        %mul3A_1894 = arith.constant 8 : i32
        %mul3A_1895 = arith.muli %scan3A_1394, %mul3A_1894 : i32
        %add3A_1896 = arith.constant 4 : i32
        %add3A_1897 = arith.addi %mul3A_1895, %add3A_1896 : i32
        %mul3A_1898 = arith.constant 1024 : i32
        %mul3A_1899 = arith.muli %add3A_1897, %mul3A_1898 : i32
        %add3A_1900 = vector.broadcast %mul3A_1899 : i32 to vector<16xi32>
        %add3A_1901 = arith.addi %add3A_1849, %add3A_1900 : vector<16xi32>
        %gather3A_1902 = tpu.vector_load_idx %arg9[%add3A_1901] : memref<65536xf32, #tpu.memory_space<vmem>>[vector<16xi32>], vector<16xf32>,
        %mul3A_1903 = arith.mulf %gather3A_1902, %get3A_1844 : vector<16xf32>
        %add3A_1904 = arith.addf %add3A_1803, %mul3A_1903 : vector<16xf32>
        %mul3A_1905 = arith.constant 8 : i32
        %mul3A_1906 = arith.muli %scan3A_1394, %mul3A_1905 : i32
        %add3A_1907 = arith.constant 5 : i32
        %add3A_1908 = arith.addi %mul3A_1906, %add3A_1907 : i32
        %mul3A_1909 = arith.constant 1024 : i32
        %mul3A_1910 = arith.muli %add3A_1908, %mul3A_1909 : i32
        %add3A_1911 = vector.broadcast %mul3A_1910 : i32 to vector<16xi32>
        %add3A_1912 = arith.addi %add3A_1849, %add3A_1911 : vector<16xi32>
        %gather3A_1913 = tpu.vector_load_idx %arg9[%add3A_1912] : memref<65536xf32, #tpu.memory_space<vmem>>[vector<16xi32>], vector<16xf32>,
        %mul3A_1914 = arith.mulf %gather3A_1913, %get3A_1844 : vector<16xf32>
        %add3A_1915 = arith.addf %add3A_1814, %mul3A_1914 : vector<16xf32>
        %mul3A_1916 = arith.constant 8 : i32
        %mul3A_1917 = arith.muli %scan3A_1394, %mul3A_1916 : i32
        %add3A_1918 = arith.constant 6 : i32
        %add3A_1919 = arith.addi %mul3A_1917, %add3A_1918 : i32
        %mul3A_1920 = arith.constant 1024 : i32
        %mul3A_1921 = arith.muli %add3A_1919, %mul3A_1920 : i32
        %add3A_1922 = vector.broadcast %mul3A_1921 : i32 to vector<16xi32>
        %add3A_1923 = arith.addi %add3A_1849, %add3A_1922 : vector<16xi32>
        %gather3A_1924 = tpu.vector_load_idx %arg9[%add3A_1923] : memref<65536xf32, #tpu.memory_space<vmem>>[vector<16xi32>], vector<16xf32>,
        %mul3A_1925 = arith.mulf %gather3A_1924, %get3A_1844 : vector<16xf32>
        %add3A_1926 = arith.addf %add3A_1825, %mul3A_1925 : vector<16xf32>
        %mul3A_1927 = arith.constant 8 : i32
        %mul3A_1928 = arith.muli %scan3A_1394, %mul3A_1927 : i32
        %add3A_1929 = arith.constant 7 : i32
        %add3A_1930 = arith.addi %mul3A_1928, %add3A_1929 : i32
        %mul3A_1931 = arith.constant 1024 : i32
        %mul3A_1932 = arith.muli %add3A_1930, %mul3A_1931 : i32
        %add3A_1933 = vector.broadcast %mul3A_1932 : i32 to vector<16xi32>
        %add3A_1934 = arith.addi %add3A_1849, %add3A_1933 : vector<16xi32>
        %gather3A_1935 = tpu.vector_load_idx %arg9[%add3A_1934] : memref<65536xf32, #tpu.memory_space<vmem>>[vector<16xi32>], vector<16xf32>,
        %mul3A_1936 = arith.mulf %gather3A_1935, %get3A_1844 : vector<16xf32>
        %add3A_1937 = arith.addf %add3A_1836, %mul3A_1936 : vector<16xf32>
        %mul3A_1938 = arith.constant 4 : i32
        %mul3A_1939 = arith.muli %scan3A_1626, %mul3A_1938 : i32
        %add3A_1940 = arith.constant 3 : i32
        %add3A_1941 = arith.addi %mul3A_1939, %add3A_1940 : i32
        %mul3A_1942 = arith.constant 16 : i32
        %mul3A_1943 = arith.muli %add3A_1941, %mul3A_1942 : i32
        %get3A_1944 = arith.index_cast %mul3A_1943 : i32 to index
        %get3A_1945 = tpu.vector_load %arg12[%get3A_1944] {strides = array<i32>} : memref<1024xf32, #tpu.memory_space<vmem>>, vector<16xf32>,
        %mul3A_1946 = arith.constant 64 : i32
        %mul3A_1947 = vector.broadcast %mul3A_1946 : i32 to vector<16xi32>
        %mul3A_1948 = arith.muli %iota3A, %mul3A_1947 : vector<16xi32>
        %add3A_1949 = vector.broadcast %add3A_1941 : i32 to vector<16xi32>
        %add3A_1950 = arith.addi %mul3A_1948, %add3A_1949 : vector<16xi32>
        %mul3A_1951 = arith.constant 8 : i32
        %mul3A_1952 = arith.muli %scan3A_1394, %mul3A_1951 : i32
        %add3A_1953 = arith.constant 0 : i32
        %add3A_1954 = arith.addi %mul3A_1952, %add3A_1953 : i32
        %mul3A_1955 = arith.constant 1024 : i32
        %mul3A_1956 = arith.muli %add3A_1954, %mul3A_1955 : i32
        %add3A_1957 = vector.broadcast %mul3A_1956 : i32 to vector<16xi32>
        %add3A_1958 = arith.addi %add3A_1950, %add3A_1957 : vector<16xi32>
        %gather3A_1959 = tpu.vector_load_idx %arg9[%add3A_1958] : memref<65536xf32, #tpu.memory_space<vmem>>[vector<16xi32>], vector<16xf32>,
        %mul3A_1960 = arith.mulf %gather3A_1959, %get3A_1945 : vector<16xf32>
        %add3A_1961 = arith.addf %add3A_1860, %mul3A_1960 : vector<16xf32>
        %mul3A_1962 = arith.constant 8 : i32
        %mul3A_1963 = arith.muli %scan3A_1394, %mul3A_1962 : i32
        %add3A_1964 = arith.constant 1 : i32
        %add3A_1965 = arith.addi %mul3A_1963, %add3A_1964 : i32
        %mul3A_1966 = arith.constant 1024 : i32
        %mul3A_1967 = arith.muli %add3A_1965, %mul3A_1966 : i32
        %add3A_1968 = vector.broadcast %mul3A_1967 : i32 to vector<16xi32>
        %add3A_1969 = arith.addi %add3A_1950, %add3A_1968 : vector<16xi32>
        %gather3A_1970 = tpu.vector_load_idx %arg9[%add3A_1969] : memref<65536xf32, #tpu.memory_space<vmem>>[vector<16xi32>], vector<16xf32>,
        %mul3A_1971 = arith.mulf %gather3A_1970, %get3A_1945 : vector<16xf32>
        %add3A_1972 = arith.addf %add3A_1871, %mul3A_1971 : vector<16xf32>
        %mul3A_1973 = arith.constant 8 : i32
        %mul3A_1974 = arith.muli %scan3A_1394, %mul3A_1973 : i32
        %add3A_1975 = arith.constant 2 : i32
        %add3A_1976 = arith.addi %mul3A_1974, %add3A_1975 : i32
        %mul3A_1977 = arith.constant 1024 : i32
        %mul3A_1978 = arith.muli %add3A_1976, %mul3A_1977 : i32
        %add3A_1979 = vector.broadcast %mul3A_1978 : i32 to vector<16xi32>
        %add3A_1980 = arith.addi %add3A_1950, %add3A_1979 : vector<16xi32>
        %gather3A_1981 = tpu.vector_load_idx %arg9[%add3A_1980] : memref<65536xf32, #tpu.memory_space<vmem>>[vector<16xi32>], vector<16xf32>,
        %mul3A_1982 = arith.mulf %gather3A_1981, %get3A_1945 : vector<16xf32>
        %add3A_1983 = arith.addf %add3A_1882, %mul3A_1982 : vector<16xf32>
        %mul3A_1984 = arith.constant 8 : i32
        %mul3A_1985 = arith.muli %scan3A_1394, %mul3A_1984 : i32
        %add3A_1986 = arith.constant 3 : i32
        %add3A_1987 = arith.addi %mul3A_1985, %add3A_1986 : i32
        %mul3A_1988 = arith.constant 1024 : i32
        %mul3A_1989 = arith.muli %add3A_1987, %mul3A_1988 : i32
        %add3A_1990 = vector.broadcast %mul3A_1989 : i32 to vector<16xi32>
        %add3A_1991 = arith.addi %add3A_1950, %add3A_1990 : vector<16xi32>
        %gather3A_1992 = tpu.vector_load_idx %arg9[%add3A_1991] : memref<65536xf32, #tpu.memory_space<vmem>>[vector<16xi32>], vector<16xf32>,
        %mul3A_1993 = arith.mulf %gather3A_1992, %get3A_1945 : vector<16xf32>
        %add3A_1994 = arith.addf %add3A_1893, %mul3A_1993 : vector<16xf32>
        %mul3A_1995 = arith.constant 8 : i32
        %mul3A_1996 = arith.muli %scan3A_1394, %mul3A_1995 : i32
        %add3A_1997 = arith.constant 4 : i32
        %add3A_1998 = arith.addi %mul3A_1996, %add3A_1997 : i32
        %mul3A_1999 = arith.constant 1024 : i32
        %mul3A_2000 = arith.muli %add3A_1998, %mul3A_1999 : i32
        %add3A_2001 = vector.broadcast %mul3A_2000 : i32 to vector<16xi32>
        %add3A_2002 = arith.addi %add3A_1950, %add3A_2001 : vector<16xi32>
        %gather3A_2003 = tpu.vector_load_idx %arg9[%add3A_2002] : memref<65536xf32, #tpu.memory_space<vmem>>[vector<16xi32>], vector<16xf32>,
        %mul3A_2004 = arith.mulf %gather3A_2003, %get3A_1945 : vector<16xf32>
        %add3A_2005 = arith.addf %add3A_1904, %mul3A_2004 : vector<16xf32>
        %mul3A_2006 = arith.constant 8 : i32
        %mul3A_2007 = arith.muli %scan3A_1394, %mul3A_2006 : i32
        %add3A_2008 = arith.constant 5 : i32
        %add3A_2009 = arith.addi %mul3A_2007, %add3A_2008 : i32
        %mul3A_2010 = arith.constant 1024 : i32
        %mul3A_2011 = arith.muli %add3A_2009, %mul3A_2010 : i32
        %add3A_2012 = vector.broadcast %mul3A_2011 : i32 to vector<16xi32>
        %add3A_2013 = arith.addi %add3A_1950, %add3A_2012 : vector<16xi32>
        %gather3A_2014 = tpu.vector_load_idx %arg9[%add3A_2013] : memref<65536xf32, #tpu.memory_space<vmem>>[vector<16xi32>], vector<16xf32>,
        %mul3A_2015 = arith.mulf %gather3A_2014, %get3A_1945 : vector<16xf32>
        %add3A_2016 = arith.addf %add3A_1915, %mul3A_2015 : vector<16xf32>
        %mul3A_2017 = arith.constant 8 : i32
        %mul3A_2018 = arith.muli %scan3A_1394, %mul3A_2017 : i32
        %add3A_2019 = arith.constant 6 : i32
        %add3A_2020 = arith.addi %mul3A_2018, %add3A_2019 : i32
        %mul3A_2021 = arith.constant 1024 : i32
        %mul3A_2022 = arith.muli %add3A_2020, %mul3A_2021 : i32
        %add3A_2023 = vector.broadcast %mul3A_2022 : i32 to vector<16xi32>
        %add3A_2024 = arith.addi %add3A_1950, %add3A_2023 : vector<16xi32>
        %gather3A_2025 = tpu.vector_load_idx %arg9[%add3A_2024] : memref<65536xf32, #tpu.memory_space<vmem>>[vector<16xi32>], vector<16xf32>,
        %mul3A_2026 = arith.mulf %gather3A_2025, %get3A_1945 : vector<16xf32>
        %add3A_2027 = arith.addf %add3A_1926, %mul3A_2026 : vector<16xf32>
        %mul3A_2028 = arith.constant 8 : i32
        %mul3A_2029 = arith.muli %scan3A_1394, %mul3A_2028 : i32
        %add3A_2030 = arith.constant 7 : i32
        %add3A_2031 = arith.addi %mul3A_2029, %add3A_2030 : i32
        %mul3A_2032 = arith.constant 1024 : i32
        %mul3A_2033 = arith.muli %add3A_2031, %mul3A_2032 : i32
        %add3A_2034 = vector.broadcast %mul3A_2033 : i32 to vector<16xi32>
        %add3A_2035 = arith.addi %add3A_1950, %add3A_2034 : vector<16xi32>
        %gather3A_2036 = tpu.vector_load_idx %arg9[%add3A_2035] : memref<65536xf32, #tpu.memory_space<vmem>>[vector<16xi32>], vector<16xf32>,
        %mul3A_2037 = arith.mulf %gather3A_2036, %get3A_1945 : vector<16xf32>
        %add3A_2038 = arith.addf %add3A_1937, %mul3A_2037 : vector<16xf32>
        scf.yield %add3A_1961, %add3A_1972, %add3A_1983, %add3A_1994, %add3A_2005, %add3A_2016, %add3A_2027, %add3A_2038 : vector<16xf32>, vector<16xf32>, vector<16xf32>, vector<16xf32>, vector<16xf32>, vector<16xf32>, vector<16xf32>, vector<16xf32>
      }
      %scan3A_1403 = arith.constant 16 : i32
      %mul3A_1404 = arith.constant 1024 : i32
      %mul3A_1405 = arith.muli %arg1, %mul3A_1404 : i32
      %mul3A_1406 = arith.constant 8 : i32
      %mul3A_1407 = arith.muli %scan3A_1394, %mul3A_1406 : i32
      %add3A_1408 = arith.constant 0 : i32
      %add3A_1409 = arith.addi %mul3A_1407, %add3A_1408 : i32
      %mul3A_1410 = arith.constant 16 : i32
      %mul3A_1411 = arith.muli %add3A_1409, %mul3A_1410 : i32
      %add3A_1412 = arith.addi %mul3A_1405, %mul3A_1411 : i32
      %add3A_1413 = vector.broadcast %add3A_1412 : i32 to vector<16xi32>
      %add3A_1414 = arith.addi %add3A_1413, %iota3A : vector<16xi32>
      %masked_sort3A = arith.constant dense<true> : vector<16xi1>
      %masked_sort3A_1415, %masked_sort3A_1416, %masked_sort3A_1417 = tpu.sort %scan3A_1402#0, %add3A_1414 masked %masked_sort3A {descending = true} : (vector<16xf32>, vector<16xi32>, vector<16xi1>) -> (vector<16xi1>, vector<16xf32>, vector<16xi32>)
      %gt3A = arith.cmpf ogt, %masked_sort3A_1416, %scan3A_1395 : vector<16xf32>
      %select_n3A_1418 = arith.select %gt3A, %masked_sort3A_1416, %scan3A_1395 : vector<16xi1>, vector<16xf32>
      %select_n3A_1419 = arith.select %gt3A, %masked_sort3A_1417, %scan3A_1396 : vector<16xi1>, vector<16xi32>
      %masked_sort3A_1420 = arith.constant dense<true> : vector<16xi1>
      %masked_sort3A_1421, %masked_sort3A_1422, %masked_sort3A_1423 = tpu.sort %select_n3A_1418, %select_n3A_1419 masked %masked_sort3A_1420 : (vector<16xf32>, vector<16xi32>, vector<16xi1>) -> (vector<16xi1>, vector<16xf32>, vector<16xi32>)
      %swap3A_1424 = arith.constant 0 : index
      %swap3A_1425 = tpu.vector_load %arg10[%swap3A_1424] {strides = array<i32>} : memref<16xf32, #tpu.memory_space<vmem>>, vector<16xf32>,
      tpu.vector_store %arg10[%swap3A_1424], %masked_sort3A_1422 {strides = array<i32>} : memref<16xf32, #tpu.memory_space<vmem>>, vector<16xf32>,
      %mul3A_1426 = arith.constant 0 : i32
      %mul3A_1427 = vector.broadcast %mul3A_1426 : i32 to vector<16xi32>
      %mul3A_1428 = arith.muli %iota3A, %mul3A_1427 : vector<16xi32>
      %gather3A_1429 = tpu.vector_load_idx %arg10[%mul3A_1428] : memref<16xf32, #tpu.memory_space<vmem>>[vector<16xi32>], vector<16xf32>,
      %mul3A_1430 = arith.constant 1024 : i32
      %mul3A_1431 = arith.muli %arg1, %mul3A_1430 : i32
      %mul3A_1432 = arith.constant 8 : i32
      %mul3A_1433 = arith.muli %scan3A_1394, %mul3A_1432 : i32
      %add3A_1434 = arith.constant 1 : i32
      %add3A_1435 = arith.addi %mul3A_1433, %add3A_1434 : i32
      %mul3A_1436 = arith.constant 16 : i32
      %mul3A_1437 = arith.muli %add3A_1435, %mul3A_1436 : i32
      %add3A_1438 = arith.addi %mul3A_1431, %mul3A_1437 : i32
      %add3A_1439 = vector.broadcast %add3A_1438 : i32 to vector<16xi32>
      %add3A_1440 = arith.addi %add3A_1439, %iota3A : vector<16xi32>
      %masked_sort3A_1441 = arith.constant dense<true> : vector<16xi1>
      %masked_sort3A_1442, %masked_sort3A_1443, %masked_sort3A_1444 = tpu.sort %scan3A_1402#1, %add3A_1440 masked %masked_sort3A_1441 {descending = true} : (vector<16xf32>, vector<16xi32>, vector<16xi1>) -> (vector<16xi1>, vector<16xf32>, vector<16xi32>)
      %gt3A_1445 = arith.cmpf ogt, %masked_sort3A_1443, %masked_sort3A_1422 : vector<16xf32>
      %select_n3A_1446 = arith.select %gt3A_1445, %masked_sort3A_1443, %masked_sort3A_1422 : vector<16xi1>, vector<16xf32>
      %select_n3A_1447 = arith.select %gt3A_1445, %masked_sort3A_1444, %masked_sort3A_1423 : vector<16xi1>, vector<16xi32>
      %masked_sort3A_1448 = arith.constant dense<true> : vector<16xi1>
      %masked_sort3A_1449, %masked_sort3A_1450, %masked_sort3A_1451 = tpu.sort %select_n3A_1446, %select_n3A_1447 masked %masked_sort3A_1448 : (vector<16xf32>, vector<16xi32>, vector<16xi1>) -> (vector<16xi1>, vector<16xf32>, vector<16xi32>)
      %swap3A_1452 = arith.constant 0 : index
      %swap3A_1453 = tpu.vector_load %arg10[%swap3A_1452] {strides = array<i32>} : memref<16xf32, #tpu.memory_space<vmem>>, vector<16xf32>,
      tpu.vector_store %arg10[%swap3A_1452], %masked_sort3A_1450 {strides = array<i32>} : memref<16xf32, #tpu.memory_space<vmem>>, vector<16xf32>,
      %mul3A_1454 = arith.constant 0 : i32
      %mul3A_1455 = vector.broadcast %mul3A_1454 : i32 to vector<16xi32>
      %mul3A_1456 = arith.muli %iota3A, %mul3A_1455 : vector<16xi32>
      %gather3A_1457 = tpu.vector_load_idx %arg10[%mul3A_1456] : memref<16xf32, #tpu.memory_space<vmem>>[vector<16xi32>], vector<16xf32>,
      %mul3A_1458 = arith.constant 1024 : i32
      %mul3A_1459 = arith.muli %arg1, %mul3A_1458 : i32
      %mul3A_1460 = arith.constant 8 : i32
      %mul3A_1461 = arith.muli %scan3A_1394, %mul3A_1460 : i32
      %add3A_1462 = arith.constant 2 : i32
      %add3A_1463 = arith.addi %mul3A_1461, %add3A_1462 : i32
      %mul3A_1464 = arith.constant 16 : i32
      %mul3A_1465 = arith.muli %add3A_1463, %mul3A_1464 : i32
      %add3A_1466 = arith.addi %mul3A_1459, %mul3A_1465 : i32
      %add3A_1467 = vector.broadcast %add3A_1466 : i32 to vector<16xi32>
      %add3A_1468 = arith.addi %add3A_1467, %iota3A : vector<16xi32>
      %masked_sort3A_1469 = arith.constant dense<true> : vector<16xi1>
      %masked_sort3A_1470, %masked_sort3A_1471, %masked_sort3A_1472 = tpu.sort %scan3A_1402#2, %add3A_1468 masked %masked_sort3A_1469 {descending = true} : (vector<16xf32>, vector<16xi32>, vector<16xi1>) -> (vector<16xi1>, vector<16xf32>, vector<16xi32>)
      %gt3A_1473 = arith.cmpf ogt, %masked_sort3A_1471, %masked_sort3A_1450 : vector<16xf32>
      %select_n3A_1474 = arith.select %gt3A_1473, %masked_sort3A_1471, %masked_sort3A_1450 : vector<16xi1>, vector<16xf32>
      %select_n3A_1475 = arith.select %gt3A_1473, %masked_sort3A_1472, %masked_sort3A_1451 : vector<16xi1>, vector<16xi32>
      %masked_sort3A_1476 = arith.constant dense<true> : vector<16xi1>
      %masked_sort3A_1477, %masked_sort3A_1478, %masked_sort3A_1479 = tpu.sort %select_n3A_1474, %select_n3A_1475 masked %masked_sort3A_1476 : (vector<16xf32>, vector<16xi32>, vector<16xi1>) -> (vector<16xi1>, vector<16xf32>, vector<16xi32>)
      %swap3A_1480 = arith.constant 0 : index
      %swap3A_1481 = tpu.vector_load %arg10[%swap3A_1480] {strides = array<i32>} : memref<16xf32, #tpu.memory_space<vmem>>, vector<16xf32>,
      tpu.vector_store %arg10[%swap3A_1480], %masked_sort3A_1478 {strides = array<i32>} : memref<16xf32, #tpu.memory_space<vmem>>, vector<16xf32>,
      %mul3A_1482 = arith.constant 0 : i32
      %mul3A_1483 = vector.broadcast %mul3A_1482 : i32 to vector<16xi32>
      %mul3A_1484 = arith.muli %iota3A, %mul3A_1483 : vector<16xi32>
      %gather3A_1485 = tpu.vector_load_idx %arg10[%mul3A_1484] : memref<16xf32, #tpu.memory_space<vmem>>[vector<16xi32>], vector<16xf32>,
      %mul3A_1486 = arith.constant 1024 : i32
      %mul3A_1487 = arith.muli %arg1, %mul3A_1486 : i32
      %mul3A_1488 = arith.constant 8 : i32
      %mul3A_1489 = arith.muli %scan3A_1394, %mul3A_1488 : i32
      %add3A_1490 = arith.constant 3 : i32
      %add3A_1491 = arith.addi %mul3A_1489, %add3A_1490 : i32
      %mul3A_1492 = arith.constant 16 : i32
      %mul3A_1493 = arith.muli %add3A_1491, %mul3A_1492 : i32
      %add3A_1494 = arith.addi %mul3A_1487, %mul3A_1493 : i32
      %add3A_1495 = vector.broadcast %add3A_1494 : i32 to vector<16xi32>
      %add3A_1496 = arith.addi %add3A_1495, %iota3A : vector<16xi32>
      %masked_sort3A_1497 = arith.constant dense<true> : vector<16xi1>
      %masked_sort3A_1498, %masked_sort3A_1499, %masked_sort3A_1500 = tpu.sort %scan3A_1402#3, %add3A_1496 masked %masked_sort3A_1497 {descending = true} : (vector<16xf32>, vector<16xi32>, vector<16xi1>) -> (vector<16xi1>, vector<16xf32>, vector<16xi32>)
      %gt3A_1501 = arith.cmpf ogt, %masked_sort3A_1499, %masked_sort3A_1478 : vector<16xf32>
      %select_n3A_1502 = arith.select %gt3A_1501, %masked_sort3A_1499, %masked_sort3A_1478 : vector<16xi1>, vector<16xf32>
      %select_n3A_1503 = arith.select %gt3A_1501, %masked_sort3A_1500, %masked_sort3A_1479 : vector<16xi1>, vector<16xi32>
      %masked_sort3A_1504 = arith.constant dense<true> : vector<16xi1>
      %masked_sort3A_1505, %masked_sort3A_1506, %masked_sort3A_1507 = tpu.sort %select_n3A_1502, %select_n3A_1503 masked %masked_sort3A_1504 : (vector<16xf32>, vector<16xi32>, vector<16xi1>) -> (vector<16xi1>, vector<16xf32>, vector<16xi32>)
      %swap3A_1508 = arith.constant 0 : index
      %swap3A_1509 = tpu.vector_load %arg10[%swap3A_1508] {strides = array<i32>} : memref<16xf32, #tpu.memory_space<vmem>>, vector<16xf32>,
      tpu.vector_store %arg10[%swap3A_1508], %masked_sort3A_1506 {strides = array<i32>} : memref<16xf32, #tpu.memory_space<vmem>>, vector<16xf32>,
      %mul3A_1510 = arith.constant 0 : i32
      %mul3A_1511 = vector.broadcast %mul3A_1510 : i32 to vector<16xi32>
      %mul3A_1512 = arith.muli %iota3A, %mul3A_1511 : vector<16xi32>
      %gather3A_1513 = tpu.vector_load_idx %arg10[%mul3A_1512] : memref<16xf32, #tpu.memory_space<vmem>>[vector<16xi32>], vector<16xf32>,
      %mul3A_1514 = arith.constant 1024 : i32
      %mul3A_1515 = arith.muli %arg1, %mul3A_1514 : i32
      %mul3A_1516 = arith.constant 8 : i32
      %mul3A_1517 = arith.muli %scan3A_1394, %mul3A_1516 : i32
      %add3A_1518 = arith.constant 4 : i32
      %add3A_1519 = arith.addi %mul3A_1517, %add3A_1518 : i32
      %mul3A_1520 = arith.constant 16 : i32
      %mul3A_1521 = arith.muli %add3A_1519, %mul3A_1520 : i32
      %add3A_1522 = arith.addi %mul3A_1515, %mul3A_1521 : i32
      %add3A_1523 = vector.broadcast %add3A_1522 : i32 to vector<16xi32>
      %add3A_1524 = arith.addi %add3A_1523, %iota3A : vector<16xi32>
      %masked_sort3A_1525 = arith.constant dense<true> : vector<16xi1>
      %masked_sort3A_1526, %masked_sort3A_1527, %masked_sort3A_1528 = tpu.sort %scan3A_1402#4, %add3A_1524 masked %masked_sort3A_1525 {descending = true} : (vector<16xf32>, vector<16xi32>, vector<16xi1>) -> (vector<16xi1>, vector<16xf32>, vector<16xi32>)
      %gt3A_1529 = arith.cmpf ogt, %masked_sort3A_1527, %masked_sort3A_1506 : vector<16xf32>
      %select_n3A_1530 = arith.select %gt3A_1529, %masked_sort3A_1527, %masked_sort3A_1506 : vector<16xi1>, vector<16xf32>
      %select_n3A_1531 = arith.select %gt3A_1529, %masked_sort3A_1528, %masked_sort3A_1507 : vector<16xi1>, vector<16xi32>
      %masked_sort3A_1532 = arith.constant dense<true> : vector<16xi1>
      %masked_sort3A_1533, %masked_sort3A_1534, %masked_sort3A_1535 = tpu.sort %select_n3A_1530, %select_n3A_1531 masked %masked_sort3A_1532 : (vector<16xf32>, vector<16xi32>, vector<16xi1>) -> (vector<16xi1>, vector<16xf32>, vector<16xi32>)
      %swap3A_1536 = arith.constant 0 : index
      %swap3A_1537 = tpu.vector_load %arg10[%swap3A_1536] {strides = array<i32>} : memref<16xf32, #tpu.memory_space<vmem>>, vector<16xf32>,
      tpu.vector_store %arg10[%swap3A_1536], %masked_sort3A_1534 {strides = array<i32>} : memref<16xf32, #tpu.memory_space<vmem>>, vector<16xf32>,
      %mul3A_1538 = arith.constant 0 : i32
      %mul3A_1539 = vector.broadcast %mul3A_1538 : i32 to vector<16xi32>
      %mul3A_1540 = arith.muli %iota3A, %mul3A_1539 : vector<16xi32>
      %gather3A_1541 = tpu.vector_load_idx %arg10[%mul3A_1540] : memref<16xf32, #tpu.memory_space<vmem>>[vector<16xi32>], vector<16xf32>,
      %mul3A_1542 = arith.constant 1024 : i32
      %mul3A_1543 = arith.muli %arg1, %mul3A_1542 : i32
      %mul3A_1544 = arith.constant 8 : i32
      %mul3A_1545 = arith.muli %scan3A_1394, %mul3A_1544 : i32
      %add3A_1546 = arith.constant 5 : i32
      %add3A_1547 = arith.addi %mul3A_1545, %add3A_1546 : i32
      %mul3A_1548 = arith.constant 16 : i32
      %mul3A_1549 = arith.muli %add3A_1547, %mul3A_1548 : i32
      %add3A_1550 = arith.addi %mul3A_1543, %mul3A_1549 : i32
      %add3A_1551 = vector.broadcast %add3A_1550 : i32 to vector<16xi32>
      %add3A_1552 = arith.addi %add3A_1551, %iota3A : vector<16xi32>
      %masked_sort3A_1553 = arith.constant dense<true> : vector<16xi1>
      %masked_sort3A_1554, %masked_sort3A_1555, %masked_sort3A_1556 = tpu.sort %scan3A_1402#5, %add3A_1552 masked %masked_sort3A_1553 {descending = true} : (vector<16xf32>, vector<16xi32>, vector<16xi1>) -> (vector<16xi1>, vector<16xf32>, vector<16xi32>)
      %gt3A_1557 = arith.cmpf ogt, %masked_sort3A_1555, %masked_sort3A_1534 : vector<16xf32>
      %select_n3A_1558 = arith.select %gt3A_1557, %masked_sort3A_1555, %masked_sort3A_1534 : vector<16xi1>, vector<16xf32>
      %select_n3A_1559 = arith.select %gt3A_1557, %masked_sort3A_1556, %masked_sort3A_1535 : vector<16xi1>, vector<16xi32>
      %masked_sort3A_1560 = arith.constant dense<true> : vector<16xi1>
      %masked_sort3A_1561, %masked_sort3A_1562, %masked_sort3A_1563 = tpu.sort %select_n3A_1558, %select_n3A_1559 masked %masked_sort3A_1560 : (vector<16xf32>, vector<16xi32>, vector<16xi1>) -> (vector<16xi1>, vector<16xf32>, vector<16xi32>)
      %swap3A_1564 = arith.constant 0 : index
      %swap3A_1565 = tpu.vector_load %arg10[%swap3A_1564] {strides = array<i32>} : memref<16xf32, #tpu.memory_space<vmem>>, vector<16xf32>,
      tpu.vector_store %arg10[%swap3A_1564], %masked_sort3A_1562 {strides = array<i32>} : memref<16xf32, #tpu.memory_space<vmem>>, vector<16xf32>,
      %mul3A_1566 = arith.constant 0 : i32
      %mul3A_1567 = vector.broadcast %mul3A_1566 : i32 to vector<16xi32>
      %mul3A_1568 = arith.muli %iota3A, %mul3A_1567 : vector<16xi32>
      %gather3A_1569 = tpu.vector_load_idx %arg10[%mul3A_1568] : memref<16xf32, #tpu.memory_space<vmem>>[vector<16xi32>], vector<16xf32>,
      %mul3A_1570 = arith.constant 1024 : i32
      %mul3A_1571 = arith.muli %arg1, %mul3A_1570 : i32
      %mul3A_1572 = arith.constant 8 : i32
      %mul3A_1573 = arith.muli %scan3A_1394, %mul3A_1572 : i32
      %add3A_1574 = arith.constant 6 : i32
      %add3A_1575 = arith.addi %mul3A_1573, %add3A_1574 : i32
      %mul3A_1576 = arith.constant 16 : i32
      %mul3A_1577 = arith.muli %add3A_1575, %mul3A_1576 : i32
      %add3A_1578 = arith.addi %mul3A_1571, %mul3A_1577 : i32
      %add3A_1579 = vector.broadcast %add3A_1578 : i32 to vector<16xi32>
      %add3A_1580 = arith.addi %add3A_1579, %iota3A : vector<16xi32>
      %masked_sort3A_1581 = arith.constant dense<true> : vector<16xi1>
      %masked_sort3A_1582, %masked_sort3A_1583, %masked_sort3A_1584 = tpu.sort %scan3A_1402#6, %add3A_1580 masked %masked_sort3A_1581 {descending = true} : (vector<16xf32>, vector<16xi32>, vector<16xi1>) -> (vector<16xi1>, vector<16xf32>, vector<16xi32>)
      %gt3A_1585 = arith.cmpf ogt, %masked_sort3A_1583, %masked_sort3A_1562 : vector<16xf32>
      %select_n3A_1586 = arith.select %gt3A_1585, %masked_sort3A_1583, %masked_sort3A_1562 : vector<16xi1>, vector<16xf32>
      %select_n3A_1587 = arith.select %gt3A_1585, %masked_sort3A_1584, %masked_sort3A_1563 : vector<16xi1>, vector<16xi32>
      %masked_sort3A_1588 = arith.constant dense<true> : vector<16xi1>
      %masked_sort3A_1589, %masked_sort3A_1590, %masked_sort3A_1591 = tpu.sort %select_n3A_1586, %select_n3A_1587 masked %masked_sort3A_1588 : (vector<16xf32>, vector<16xi32>, vector<16xi1>) -> (vector<16xi1>, vector<16xf32>, vector<16xi32>)
      %swap3A_1592 = arith.constant 0 : index
      %swap3A_1593 = tpu.vector_load %arg10[%swap3A_1592] {strides = array<i32>} : memref<16xf32, #tpu.memory_space<vmem>>, vector<16xf32>,
      tpu.vector_store %arg10[%swap3A_1592], %masked_sort3A_1590 {strides = array<i32>} : memref<16xf32, #tpu.memory_space<vmem>>, vector<16xf32>,
      %mul3A_1594 = arith.constant 0 : i32
      %mul3A_1595 = vector.broadcast %mul3A_1594 : i32 to vector<16xi32>
      %mul3A_1596 = arith.muli %iota3A, %mul3A_1595 : vector<16xi32>
      %gather3A_1597 = tpu.vector_load_idx %arg10[%mul3A_1596] : memref<16xf32, #tpu.memory_space<vmem>>[vector<16xi32>], vector<16xf32>,
      %mul3A_1598 = arith.constant 1024 : i32
      %mul3A_1599 = arith.muli %arg1, %mul3A_1598 : i32
      %mul3A_1600 = arith.constant 8 : i32
      %mul3A_1601 = arith.muli %scan3A_1394, %mul3A_1600 : i32
      %add3A_1602 = arith.constant 7 : i32
      %add3A_1603 = arith.addi %mul3A_1601, %add3A_1602 : i32
      %mul3A_1604 = arith.constant 16 : i32
      %mul3A_1605 = arith.muli %add3A_1603, %mul3A_1604 : i32
      %add3A_1606 = arith.addi %mul3A_1599, %mul3A_1605 : i32
      %add3A_1607 = vector.broadcast %add3A_1606 : i32 to vector<16xi32>
      %add3A_1608 = arith.addi %add3A_1607, %iota3A : vector<16xi32>
      %masked_sort3A_1609 = arith.constant dense<true> : vector<16xi1>
      %masked_sort3A_1610, %masked_sort3A_1611, %masked_sort3A_1612 = tpu.sort %scan3A_1402#7, %add3A_1608 masked %masked_sort3A_1609 {descending = true} : (vector<16xf32>, vector<16xi32>, vector<16xi1>) -> (vector<16xi1>, vector<16xf32>, vector<16xi32>)
      %gt3A_1613 = arith.cmpf ogt, %masked_sort3A_1611, %masked_sort3A_1590 : vector<16xf32>
      %select_n3A_1614 = arith.select %gt3A_1613, %masked_sort3A_1611, %masked_sort3A_1590 : vector<16xi1>, vector<16xf32>
      %select_n3A_1615 = arith.select %gt3A_1613, %masked_sort3A_1612, %masked_sort3A_1591 : vector<16xi1>, vector<16xi32>
      %masked_sort3A_1616 = arith.constant dense<true> : vector<16xi1>
      %masked_sort3A_1617, %masked_sort3A_1618, %masked_sort3A_1619 = tpu.sort %select_n3A_1614, %select_n3A_1615 masked %masked_sort3A_1616 : (vector<16xf32>, vector<16xi32>, vector<16xi1>) -> (vector<16xi1>, vector<16xf32>, vector<16xi32>)
      %swap3A_1620 = arith.constant 0 : index
      %swap3A_1621 = tpu.vector_load %arg10[%swap3A_1620] {strides = array<i32>} : memref<16xf32, #tpu.memory_space<vmem>>, vector<16xf32>,
      tpu.vector_store %arg10[%swap3A_1620], %masked_sort3A_1618 {strides = array<i32>} : memref<16xf32, #tpu.memory_space<vmem>>, vector<16xf32>,
      %mul3A_1622 = arith.constant 0 : i32
      %mul3A_1623 = vector.broadcast %mul3A_1622 : i32 to vector<16xi32>
      %mul3A_1624 = arith.muli %iota3A, %mul3A_1623 : vector<16xi32>
      %gather3A_1625 = tpu.vector_load_idx %arg10[%mul3A_1624] : memref<16xf32, #tpu.memory_space<vmem>>[vector<16xi32>], vector<16xf32>,
      scf.yield %masked_sort3A_1618, %masked_sort3A_1619, %gather3A_1625 : vector<16xf32>, vector<16xi32>, vector<16xf32>
    }
    %scan3A_1370 = arith.constant 2 : i32
    %dma_wait3A_1371 = arith.constant 49152 : i32
    %dma_wait3A_1372 = tpu.memref_slice %arg9[%dma_wait3A_1371] : memref<65536xf32, #tpu.memory_space<vmem>> -> memref<16384xf32, #tpu.memory_space<vmem>>
    %dma_wait3A_1373 = tpu.memref_slice %arg3[%mul3A_43] : memref<1048576xf32, #tpu.memory_space<hbm>> -> memref<16384xf32, #tpu.memory_space<hbm>>
    %dma_wait3A_1374 = arith.constant 49152 : i32
    %dma_wait3A_1375 = tpu.memref_slice %arg9[%dma_wait3A_1374] : memref<65536xf32, #tpu.memory_space<vmem>> -> memref<16384xf32, #tpu.memory_space<vmem>>
    %dma_wait3A_1376 = tpu.memref_slice %arg3[%mul3A_43] : memref<1048576xf32, #tpu.memory_space<hbm>> -> memref<16384xf32, #tpu.memory_space<hbm>>
    tpu.wait_dma2 semaphore(%arg24 : memref<!tpu.dma_semaphore, #tpu.memory_space<semaphore_mem>>) src(%dma_wait3A_1376 : memref<16384xf32, #tpu.memory_space<hbm>>) dst(%dma_wait3A_1375 : memref<16384xf32, #tpu.memory_space<vmem>>)
    %scan3A_1377 = arith.constant 6 : i32
    %scan3A_1378 = arith.constant 2 : i32
    %scan3A_1379 = arith.addi %scan3A_1377, %scan3A_1378 : i32
    %scan3A_1380 = arith.constant 1 : i32
    %scan3A_1381:3 = scf.for %scan3A_1394 = %scan3A_1377 to %scan3A_1379 step %scan3A_1380 iter_args(%scan3A_1395 = %scan3A_1369#0, %scan3A_1396 = %scan3A_1369#1, %scan3A_1397 = %scan3A_1369#2) -> (vector<16xf32>, vector<16xi32>, vector<16xf32>)  : i32 {
      %scan3A_1398 = arith.constant 0 : i32
      %scan3A_1399 = arith.constant 16 : i32
      %scan3A_1400 = arith.addi %scan3A_1398, %scan3A_1399 : i32
      %scan3A_1401 = arith.constant 1 : i32
      %scan3A_1402:8 = scf.for %scan3A_1626 = %scan3A_1398 to %scan3A_1400 step %scan3A_1401 iter_args(%scan3A_1627 = %broadcast_in_dim3A_0, %scan3A_1628 = %broadcast_in_dim3A_0, %scan3A_1629 = %broadcast_in_dim3A_0, %scan3A_1630 = %broadcast_in_dim3A_0, %scan3A_1631 = %broadcast_in_dim3A_0, %scan3A_1632 = %broadcast_in_dim3A_0, %scan3A_1633 = %broadcast_in_dim3A_0, %scan3A_1634 = %broadcast_in_dim3A_0) -> (vector<16xf32>, vector<16xf32>, vector<16xf32>, vector<16xf32>, vector<16xf32>, vector<16xf32>, vector<16xf32>, vector<16xf32>)  : i32 {
        %mul3A_1635 = arith.constant 4 : i32
        %mul3A_1636 = arith.muli %scan3A_1626, %mul3A_1635 : i32
        %add3A_1637 = arith.constant 0 : i32
        %add3A_1638 = arith.addi %mul3A_1636, %add3A_1637 : i32
        %mul3A_1639 = arith.constant 16 : i32
        %mul3A_1640 = arith.muli %add3A_1638, %mul3A_1639 : i32
        %get3A_1641 = arith.index_cast %mul3A_1640 : i32 to index
        %get3A_1642 = tpu.vector_load %arg12[%get3A_1641] {strides = array<i32>} : memref<1024xf32, #tpu.memory_space<vmem>>, vector<16xf32>,
        %mul3A_1643 = arith.constant 64 : i32
        %mul3A_1644 = vector.broadcast %mul3A_1643 : i32 to vector<16xi32>
        %mul3A_1645 = arith.muli %iota3A, %mul3A_1644 : vector<16xi32>
        %add3A_1646 = vector.broadcast %add3A_1638 : i32 to vector<16xi32>
        %add3A_1647 = arith.addi %mul3A_1645, %add3A_1646 : vector<16xi32>
        %mul3A_1648 = arith.constant 8 : i32
        %mul3A_1649 = arith.muli %scan3A_1394, %mul3A_1648 : i32
        %add3A_1650 = arith.constant 0 : i32
        %add3A_1651 = arith.addi %mul3A_1649, %add3A_1650 : i32
        %mul3A_1652 = arith.constant 1024 : i32
        %mul3A_1653 = arith.muli %add3A_1651, %mul3A_1652 : i32
        %add3A_1654 = vector.broadcast %mul3A_1653 : i32 to vector<16xi32>
        %add3A_1655 = arith.addi %add3A_1647, %add3A_1654 : vector<16xi32>
        %gather3A_1656 = tpu.vector_load_idx %arg9[%add3A_1655] : memref<65536xf32, #tpu.memory_space<vmem>>[vector<16xi32>], vector<16xf32>,
        %mul3A_1657 = arith.mulf %gather3A_1656, %get3A_1642 : vector<16xf32>
        %add3A_1658 = arith.addf %scan3A_1627, %mul3A_1657 : vector<16xf32>
        %mul3A_1659 = arith.constant 8 : i32
        %mul3A_1660 = arith.muli %scan3A_1394, %mul3A_1659 : i32
        %add3A_1661 = arith.constant 1 : i32
        %add3A_1662 = arith.addi %mul3A_1660, %add3A_1661 : i32
        %mul3A_1663 = arith.constant 1024 : i32
        %mul3A_1664 = arith.muli %add3A_1662, %mul3A_1663 : i32
        %add3A_1665 = vector.broadcast %mul3A_1664 : i32 to vector<16xi32>
        %add3A_1666 = arith.addi %add3A_1647, %add3A_1665 : vector<16xi32>
        %gather3A_1667 = tpu.vector_load_idx %arg9[%add3A_1666] : memref<65536xf32, #tpu.memory_space<vmem>>[vector<16xi32>], vector<16xf32>,
        %mul3A_1668 = arith.mulf %gather3A_1667, %get3A_1642 : vector<16xf32>
        %add3A_1669 = arith.addf %scan3A_1628, %mul3A_1668 : vector<16xf32>
        %mul3A_1670 = arith.constant 8 : i32
        %mul3A_1671 = arith.muli %scan3A_1394, %mul3A_1670 : i32
        %add3A_1672 = arith.constant 2 : i32
        %add3A_1673 = arith.addi %mul3A_1671, %add3A_1672 : i32
        %mul3A_1674 = arith.constant 1024 : i32
        %mul3A_1675 = arith.muli %add3A_1673, %mul3A_1674 : i32
        %add3A_1676 = vector.broadcast %mul3A_1675 : i32 to vector<16xi32>
        %add3A_1677 = arith.addi %add3A_1647, %add3A_1676 : vector<16xi32>
        %gather3A_1678 = tpu.vector_load_idx %arg9[%add3A_1677] : memref<65536xf32, #tpu.memory_space<vmem>>[vector<16xi32>], vector<16xf32>,
        %mul3A_1679 = arith.mulf %gather3A_1678, %get3A_1642 : vector<16xf32>
        %add3A_1680 = arith.addf %scan3A_1629, %mul3A_1679 : vector<16xf32>
        %mul3A_1681 = arith.constant 8 : i32
        %mul3A_1682 = arith.muli %scan3A_1394, %mul3A_1681 : i32
        %add3A_1683 = arith.constant 3 : i32
        %add3A_1684 = arith.addi %mul3A_1682, %add3A_1683 : i32
        %mul3A_1685 = arith.constant 1024 : i32
        %mul3A_1686 = arith.muli %add3A_1684, %mul3A_1685 : i32
        %add3A_1687 = vector.broadcast %mul3A_1686 : i32 to vector<16xi32>
        %add3A_1688 = arith.addi %add3A_1647, %add3A_1687 : vector<16xi32>
        %gather3A_1689 = tpu.vector_load_idx %arg9[%add3A_1688] : memref<65536xf32, #tpu.memory_space<vmem>>[vector<16xi32>], vector<16xf32>,
        %mul3A_1690 = arith.mulf %gather3A_1689, %get3A_1642 : vector<16xf32>
        %add3A_1691 = arith.addf %scan3A_1630, %mul3A_1690 : vector<16xf32>
        %mul3A_1692 = arith.constant 8 : i32
        %mul3A_1693 = arith.muli %scan3A_1394, %mul3A_1692 : i32
        %add3A_1694 = arith.constant 4 : i32
        %add3A_1695 = arith.addi %mul3A_1693, %add3A_1694 : i32
        %mul3A_1696 = arith.constant 1024 : i32
        %mul3A_1697 = arith.muli %add3A_1695, %mul3A_1696 : i32
        %add3A_1698 = vector.broadcast %mul3A_1697 : i32 to vector<16xi32>
        %add3A_1699 = arith.addi %add3A_1647, %add3A_1698 : vector<16xi32>
        %gather3A_1700 = tpu.vector_load_idx %arg9[%add3A_1699] : memref<65536xf32, #tpu.memory_space<vmem>>[vector<16xi32>], vector<16xf32>,
        %mul3A_1701 = arith.mulf %gather3A_1700, %get3A_1642 : vector<16xf32>
        %add3A_1702 = arith.addf %scan3A_1631, %mul3A_1701 : vector<16xf32>
        %mul3A_1703 = arith.constant 8 : i32
        %mul3A_1704 = arith.muli %scan3A_1394, %mul3A_1703 : i32
        %add3A_1705 = arith.constant 5 : i32
        %add3A_1706 = arith.addi %mul3A_1704, %add3A_1705 : i32
        %mul3A_1707 = arith.constant 1024 : i32
        %mul3A_1708 = arith.muli %add3A_1706, %mul3A_1707 : i32
        %add3A_1709 = vector.broadcast %mul3A_1708 : i32 to vector<16xi32>
        %add3A_1710 = arith.addi %add3A_1647, %add3A_1709 : vector<16xi32>
        %gather3A_1711 = tpu.vector_load_idx %arg9[%add3A_1710] : memref<65536xf32, #tpu.memory_space<vmem>>[vector<16xi32>], vector<16xf32>,
        %mul3A_1712 = arith.mulf %gather3A_1711, %get3A_1642 : vector<16xf32>
        %add3A_1713 = arith.addf %scan3A_1632, %mul3A_1712 : vector<16xf32>
        %mul3A_1714 = arith.constant 8 : i32
        %mul3A_1715 = arith.muli %scan3A_1394, %mul3A_1714 : i32
        %add3A_1716 = arith.constant 6 : i32
        %add3A_1717 = arith.addi %mul3A_1715, %add3A_1716 : i32
        %mul3A_1718 = arith.constant 1024 : i32
        %mul3A_1719 = arith.muli %add3A_1717, %mul3A_1718 : i32
        %add3A_1720 = vector.broadcast %mul3A_1719 : i32 to vector<16xi32>
        %add3A_1721 = arith.addi %add3A_1647, %add3A_1720 : vector<16xi32>
        %gather3A_1722 = tpu.vector_load_idx %arg9[%add3A_1721] : memref<65536xf32, #tpu.memory_space<vmem>>[vector<16xi32>], vector<16xf32>,
        %mul3A_1723 = arith.mulf %gather3A_1722, %get3A_1642 : vector<16xf32>
        %add3A_1724 = arith.addf %scan3A_1633, %mul3A_1723 : vector<16xf32>
        %mul3A_1725 = arith.constant 8 : i32
        %mul3A_1726 = arith.muli %scan3A_1394, %mul3A_1725 : i32
        %add3A_1727 = arith.constant 7 : i32
        %add3A_1728 = arith.addi %mul3A_1726, %add3A_1727 : i32
        %mul3A_1729 = arith.constant 1024 : i32
        %mul3A_1730 = arith.muli %add3A_1728, %mul3A_1729 : i32
        %add3A_1731 = vector.broadcast %mul3A_1730 : i32 to vector<16xi32>
        %add3A_1732 = arith.addi %add3A_1647, %add3A_1731 : vector<16xi32>
        %gather3A_1733 = tpu.vector_load_idx %arg9[%add3A_1732] : memref<65536xf32, #tpu.memory_space<vmem>>[vector<16xi32>], vector<16xf32>,
        %mul3A_1734 = arith.mulf %gather3A_1733, %get3A_1642 : vector<16xf32>
        %add3A_1735 = arith.addf %scan3A_1634, %mul3A_1734 : vector<16xf32>
        %mul3A_1736 = arith.constant 4 : i32
        %mul3A_1737 = arith.muli %scan3A_1626, %mul3A_1736 : i32
        %add3A_1738 = arith.constant 1 : i32
        %add3A_1739 = arith.addi %mul3A_1737, %add3A_1738 : i32
        %mul3A_1740 = arith.constant 16 : i32
        %mul3A_1741 = arith.muli %add3A_1739, %mul3A_1740 : i32
        %get3A_1742 = arith.index_cast %mul3A_1741 : i32 to index
        %get3A_1743 = tpu.vector_load %arg12[%get3A_1742] {strides = array<i32>} : memref<1024xf32, #tpu.memory_space<vmem>>, vector<16xf32>,
        %mul3A_1744 = arith.constant 64 : i32
        %mul3A_1745 = vector.broadcast %mul3A_1744 : i32 to vector<16xi32>
        %mul3A_1746 = arith.muli %iota3A, %mul3A_1745 : vector<16xi32>
        %add3A_1747 = vector.broadcast %add3A_1739 : i32 to vector<16xi32>
        %add3A_1748 = arith.addi %mul3A_1746, %add3A_1747 : vector<16xi32>
        %mul3A_1749 = arith.constant 8 : i32
        %mul3A_1750 = arith.muli %scan3A_1394, %mul3A_1749 : i32
        %add3A_1751 = arith.constant 0 : i32
        %add3A_1752 = arith.addi %mul3A_1750, %add3A_1751 : i32
        %mul3A_1753 = arith.constant 1024 : i32
        %mul3A_1754 = arith.muli %add3A_1752, %mul3A_1753 : i32
        %add3A_1755 = vector.broadcast %mul3A_1754 : i32 to vector<16xi32>
        %add3A_1756 = arith.addi %add3A_1748, %add3A_1755 : vector<16xi32>
        %gather3A_1757 = tpu.vector_load_idx %arg9[%add3A_1756] : memref<65536xf32, #tpu.memory_space<vmem>>[vector<16xi32>], vector<16xf32>,
        %mul3A_1758 = arith.mulf %gather3A_1757, %get3A_1743 : vector<16xf32>
        %add3A_1759 = arith.addf %add3A_1658, %mul3A_1758 : vector<16xf32>
        %mul3A_1760 = arith.constant 8 : i32
        %mul3A_1761 = arith.muli %scan3A_1394, %mul3A_1760 : i32
        %add3A_1762 = arith.constant 1 : i32
        %add3A_1763 = arith.addi %mul3A_1761, %add3A_1762 : i32
        %mul3A_1764 = arith.constant 1024 : i32
        %mul3A_1765 = arith.muli %add3A_1763, %mul3A_1764 : i32
        %add3A_1766 = vector.broadcast %mul3A_1765 : i32 to vector<16xi32>
        %add3A_1767 = arith.addi %add3A_1748, %add3A_1766 : vector<16xi32>
        %gather3A_1768 = tpu.vector_load_idx %arg9[%add3A_1767] : memref<65536xf32, #tpu.memory_space<vmem>>[vector<16xi32>], vector<16xf32>,
        %mul3A_1769 = arith.mulf %gather3A_1768, %get3A_1743 : vector<16xf32>
        %add3A_1770 = arith.addf %add3A_1669, %mul3A_1769 : vector<16xf32>
        %mul3A_1771 = arith.constant 8 : i32
        %mul3A_1772 = arith.muli %scan3A_1394, %mul3A_1771 : i32
        %add3A_1773 = arith.constant 2 : i32
        %add3A_1774 = arith.addi %mul3A_1772, %add3A_1773 : i32
        %mul3A_1775 = arith.constant 1024 : i32
        %mul3A_1776 = arith.muli %add3A_1774, %mul3A_1775 : i32
        %add3A_1777 = vector.broadcast %mul3A_1776 : i32 to vector<16xi32>
        %add3A_1778 = arith.addi %add3A_1748, %add3A_1777 : vector<16xi32>
        %gather3A_1779 = tpu.vector_load_idx %arg9[%add3A_1778] : memref<65536xf32, #tpu.memory_space<vmem>>[vector<16xi32>], vector<16xf32>,
        %mul3A_1780 = arith.mulf %gather3A_1779, %get3A_1743 : vector<16xf32>
        %add3A_1781 = arith.addf %add3A_1680, %mul3A_1780 : vector<16xf32>
        %mul3A_1782 = arith.constant 8 : i32
        %mul3A_1783 = arith.muli %scan3A_1394, %mul3A_1782 : i32
        %add3A_1784 = arith.constant 3 : i32
        %add3A_1785 = arith.addi %mul3A_1783, %add3A_1784 : i32
        %mul3A_1786 = arith.constant 1024 : i32
        %mul3A_1787 = arith.muli %add3A_1785, %mul3A_1786 : i32
        %add3A_1788 = vector.broadcast %mul3A_1787 : i32 to vector<16xi32>
        %add3A_1789 = arith.addi %add3A_1748, %add3A_1788 : vector<16xi32>
        %gather3A_1790 = tpu.vector_load_idx %arg9[%add3A_1789] : memref<65536xf32, #tpu.memory_space<vmem>>[vector<16xi32>], vector<16xf32>,
        %mul3A_1791 = arith.mulf %gather3A_1790, %get3A_1743 : vector<16xf32>
        %add3A_1792 = arith.addf %add3A_1691, %mul3A_1791 : vector<16xf32>
        %mul3A_1793 = arith.constant 8 : i32
        %mul3A_1794 = arith.muli %scan3A_1394, %mul3A_1793 : i32
        %add3A_1795 = arith.constant 4 : i32
        %add3A_1796 = arith.addi %mul3A_1794, %add3A_1795 : i32
        %mul3A_1797 = arith.constant 1024 : i32
        %mul3A_1798 = arith.muli %add3A_1796, %mul3A_1797 : i32
        %add3A_1799 = vector.broadcast %mul3A_1798 : i32 to vector<16xi32>
        %add3A_1800 = arith.addi %add3A_1748, %add3A_1799 : vector<16xi32>
        %gather3A_1801 = tpu.vector_load_idx %arg9[%add3A_1800] : memref<65536xf32, #tpu.memory_space<vmem>>[vector<16xi32>], vector<16xf32>,
        %mul3A_1802 = arith.mulf %gather3A_1801, %get3A_1743 : vector<16xf32>
        %add3A_1803 = arith.addf %add3A_1702, %mul3A_1802 : vector<16xf32>
        %mul3A_1804 = arith.constant 8 : i32
        %mul3A_1805 = arith.muli %scan3A_1394, %mul3A_1804 : i32
        %add3A_1806 = arith.constant 5 : i32
        %add3A_1807 = arith.addi %mul3A_1805, %add3A_1806 : i32
        %mul3A_1808 = arith.constant 1024 : i32
        %mul3A_1809 = arith.muli %add3A_1807, %mul3A_1808 : i32
        %add3A_1810 = vector.broadcast %mul3A_1809 : i32 to vector<16xi32>
        %add3A_1811 = arith.addi %add3A_1748, %add3A_1810 : vector<16xi32>
        %gather3A_1812 = tpu.vector_load_idx %arg9[%add3A_1811] : memref<65536xf32, #tpu.memory_space<vmem>>[vector<16xi32>], vector<16xf32>,
        %mul3A_1813 = arith.mulf %gather3A_1812, %get3A_1743 : vector<16xf32>
        %add3A_1814 = arith.addf %add3A_1713, %mul3A_1813 : vector<16xf32>
        %mul3A_1815 = arith.constant 8 : i32
        %mul3A_1816 = arith.muli %scan3A_1394, %mul3A_1815 : i32
        %add3A_1817 = arith.constant 6 : i32
        %add3A_1818 = arith.addi %mul3A_1816, %add3A_1817 : i32
        %mul3A_1819 = arith.constant 1024 : i32
        %mul3A_1820 = arith.muli %add3A_1818, %mul3A_1819 : i32
        %add3A_1821 = vector.broadcast %mul3A_1820 : i32 to vector<16xi32>
        %add3A_1822 = arith.addi %add3A_1748, %add3A_1821 : vector<16xi32>
        %gather3A_1823 = tpu.vector_load_idx %arg9[%add3A_1822] : memref<65536xf32, #tpu.memory_space<vmem>>[vector<16xi32>], vector<16xf32>,
        %mul3A_1824 = arith.mulf %gather3A_1823, %get3A_1743 : vector<16xf32>
        %add3A_1825 = arith.addf %add3A_1724, %mul3A_1824 : vector<16xf32>
        %mul3A_1826 = arith.constant 8 : i32
        %mul3A_1827 = arith.muli %scan3A_1394, %mul3A_1826 : i32
        %add3A_1828 = arith.constant 7 : i32
        %add3A_1829 = arith.addi %mul3A_1827, %add3A_1828 : i32
        %mul3A_1830 = arith.constant 1024 : i32
        %mul3A_1831 = arith.muli %add3A_1829, %mul3A_1830 : i32
        %add3A_1832 = vector.broadcast %mul3A_1831 : i32 to vector<16xi32>
        %add3A_1833 = arith.addi %add3A_1748, %add3A_1832 : vector<16xi32>
        %gather3A_1834 = tpu.vector_load_idx %arg9[%add3A_1833] : memref<65536xf32, #tpu.memory_space<vmem>>[vector<16xi32>], vector<16xf32>,
        %mul3A_1835 = arith.mulf %gather3A_1834, %get3A_1743 : vector<16xf32>
        %add3A_1836 = arith.addf %add3A_1735, %mul3A_1835 : vector<16xf32>
        %mul3A_1837 = arith.constant 4 : i32
        %mul3A_1838 = arith.muli %scan3A_1626, %mul3A_1837 : i32
        %add3A_1839 = arith.constant 2 : i32
        %add3A_1840 = arith.addi %mul3A_1838, %add3A_1839 : i32
        %mul3A_1841 = arith.constant 16 : i32
        %mul3A_1842 = arith.muli %add3A_1840, %mul3A_1841 : i32
        %get3A_1843 = arith.index_cast %mul3A_1842 : i32 to index
        %get3A_1844 = tpu.vector_load %arg12[%get3A_1843] {strides = array<i32>} : memref<1024xf32, #tpu.memory_space<vmem>>, vector<16xf32>,
        %mul3A_1845 = arith.constant 64 : i32
        %mul3A_1846 = vector.broadcast %mul3A_1845 : i32 to vector<16xi32>
        %mul3A_1847 = arith.muli %iota3A, %mul3A_1846 : vector<16xi32>
        %add3A_1848 = vector.broadcast %add3A_1840 : i32 to vector<16xi32>
        %add3A_1849 = arith.addi %mul3A_1847, %add3A_1848 : vector<16xi32>
        %mul3A_1850 = arith.constant 8 : i32
        %mul3A_1851 = arith.muli %scan3A_1394, %mul3A_1850 : i32
        %add3A_1852 = arith.constant 0 : i32
        %add3A_1853 = arith.addi %mul3A_1851, %add3A_1852 : i32
        %mul3A_1854 = arith.constant 1024 : i32
        %mul3A_1855 = arith.muli %add3A_1853, %mul3A_1854 : i32
        %add3A_1856 = vector.broadcast %mul3A_1855 : i32 to vector<16xi32>
        %add3A_1857 = arith.addi %add3A_1849, %add3A_1856 : vector<16xi32>
        %gather3A_1858 = tpu.vector_load_idx %arg9[%add3A_1857] : memref<65536xf32, #tpu.memory_space<vmem>>[vector<16xi32>], vector<16xf32>,
        %mul3A_1859 = arith.mulf %gather3A_1858, %get3A_1844 : vector<16xf32>
        %add3A_1860 = arith.addf %add3A_1759, %mul3A_1859 : vector<16xf32>
        %mul3A_1861 = arith.constant 8 : i32
        %mul3A_1862 = arith.muli %scan3A_1394, %mul3A_1861 : i32
        %add3A_1863 = arith.constant 1 : i32
        %add3A_1864 = arith.addi %mul3A_1862, %add3A_1863 : i32
        %mul3A_1865 = arith.constant 1024 : i32
        %mul3A_1866 = arith.muli %add3A_1864, %mul3A_1865 : i32
        %add3A_1867 = vector.broadcast %mul3A_1866 : i32 to vector<16xi32>
        %add3A_1868 = arith.addi %add3A_1849, %add3A_1867 : vector<16xi32>
        %gather3A_1869 = tpu.vector_load_idx %arg9[%add3A_1868] : memref<65536xf32, #tpu.memory_space<vmem>>[vector<16xi32>], vector<16xf32>,
        %mul3A_1870 = arith.mulf %gather3A_1869, %get3A_1844 : vector<16xf32>
        %add3A_1871 = arith.addf %add3A_1770, %mul3A_1870 : vector<16xf32>
        %mul3A_1872 = arith.constant 8 : i32
        %mul3A_1873 = arith.muli %scan3A_1394, %mul3A_1872 : i32
        %add3A_1874 = arith.constant 2 : i32
        %add3A_1875 = arith.addi %mul3A_1873, %add3A_1874 : i32
        %mul3A_1876 = arith.constant 1024 : i32
        %mul3A_1877 = arith.muli %add3A_1875, %mul3A_1876 : i32
        %add3A_1878 = vector.broadcast %mul3A_1877 : i32 to vector<16xi32>
        %add3A_1879 = arith.addi %add3A_1849, %add3A_1878 : vector<16xi32>
        %gather3A_1880 = tpu.vector_load_idx %arg9[%add3A_1879] : memref<65536xf32, #tpu.memory_space<vmem>>[vector<16xi32>], vector<16xf32>,
        %mul3A_1881 = arith.mulf %gather3A_1880, %get3A_1844 : vector<16xf32>
        %add3A_1882 = arith.addf %add3A_1781, %mul3A_1881 : vector<16xf32>
        %mul3A_1883 = arith.constant 8 : i32
        %mul3A_1884 = arith.muli %scan3A_1394, %mul3A_1883 : i32
        %add3A_1885 = arith.constant 3 : i32
        %add3A_1886 = arith.addi %mul3A_1884, %add3A_1885 : i32
        %mul3A_1887 = arith.constant 1024 : i32
        %mul3A_1888 = arith.muli %add3A_1886, %mul3A_1887 : i32
        %add3A_1889 = vector.broadcast %mul3A_1888 : i32 to vector<16xi32>
        %add3A_1890 = arith.addi %add3A_1849, %add3A_1889 : vector<16xi32>
        %gather3A_1891 = tpu.vector_load_idx %arg9[%add3A_1890] : memref<65536xf32, #tpu.memory_space<vmem>>[vector<16xi32>], vector<16xf32>,
        %mul3A_1892 = arith.mulf %gather3A_1891, %get3A_1844 : vector<16xf32>
        %add3A_1893 = arith.addf %add3A_1792, %mul3A_1892 : vector<16xf32>
        %mul3A_1894 = arith.constant 8 : i32
        %mul3A_1895 = arith.muli %scan3A_1394, %mul3A_1894 : i32
        %add3A_1896 = arith.constant 4 : i32
        %add3A_1897 = arith.addi %mul3A_1895, %add3A_1896 : i32
        %mul3A_1898 = arith.constant 1024 : i32
        %mul3A_1899 = arith.muli %add3A_1897, %mul3A_1898 : i32
        %add3A_1900 = vector.broadcast %mul3A_1899 : i32 to vector<16xi32>
        %add3A_1901 = arith.addi %add3A_1849, %add3A_1900 : vector<16xi32>
        %gather3A_1902 = tpu.vector_load_idx %arg9[%add3A_1901] : memref<65536xf32, #tpu.memory_space<vmem>>[vector<16xi32>], vector<16xf32>,
        %mul3A_1903 = arith.mulf %gather3A_1902, %get3A_1844 : vector<16xf32>
        %add3A_1904 = arith.addf %add3A_1803, %mul3A_1903 : vector<16xf32>
        %mul3A_1905 = arith.constant 8 : i32
        %mul3A_1906 = arith.muli %scan3A_1394, %mul3A_1905 : i32
        %add3A_1907 = arith.constant 5 : i32
        %add3A_1908 = arith.addi %mul3A_1906, %add3A_1907 : i32
        %mul3A_1909 = arith.constant 1024 : i32
        %mul3A_1910 = arith.muli %add3A_1908, %mul3A_1909 : i32
        %add3A_1911 = vector.broadcast %mul3A_1910 : i32 to vector<16xi32>
        %add3A_1912 = arith.addi %add3A_1849, %add3A_1911 : vector<16xi32>
        %gather3A_1913 = tpu.vector_load_idx %arg9[%add3A_1912] : memref<65536xf32, #tpu.memory_space<vmem>>[vector<16xi32>], vector<16xf32>,
        %mul3A_1914 = arith.mulf %gather3A_1913, %get3A_1844 : vector<16xf32>
        %add3A_1915 = arith.addf %add3A_1814, %mul3A_1914 : vector<16xf32>
        %mul3A_1916 = arith.constant 8 : i32
        %mul3A_1917 = arith.muli %scan3A_1394, %mul3A_1916 : i32
        %add3A_1918 = arith.constant 6 : i32
        %add3A_1919 = arith.addi %mul3A_1917, %add3A_1918 : i32
        %mul3A_1920 = arith.constant 1024 : i32
        %mul3A_1921 = arith.muli %add3A_1919, %mul3A_1920 : i32
        %add3A_1922 = vector.broadcast %mul3A_1921 : i32 to vector<16xi32>
        %add3A_1923 = arith.addi %add3A_1849, %add3A_1922 : vector<16xi32>
        %gather3A_1924 = tpu.vector_load_idx %arg9[%add3A_1923] : memref<65536xf32, #tpu.memory_space<vmem>>[vector<16xi32>], vector<16xf32>,
        %mul3A_1925 = arith.mulf %gather3A_1924, %get3A_1844 : vector<16xf32>
        %add3A_1926 = arith.addf %add3A_1825, %mul3A_1925 : vector<16xf32>
        %mul3A_1927 = arith.constant 8 : i32
        %mul3A_1928 = arith.muli %scan3A_1394, %mul3A_1927 : i32
        %add3A_1929 = arith.constant 7 : i32
        %add3A_1930 = arith.addi %mul3A_1928, %add3A_1929 : i32
        %mul3A_1931 = arith.constant 1024 : i32
        %mul3A_1932 = arith.muli %add3A_1930, %mul3A_1931 : i32
        %add3A_1933 = vector.broadcast %mul3A_1932 : i32 to vector<16xi32>
        %add3A_1934 = arith.addi %add3A_1849, %add3A_1933 : vector<16xi32>
        %gather3A_1935 = tpu.vector_load_idx %arg9[%add3A_1934] : memref<65536xf32, #tpu.memory_space<vmem>>[vector<16xi32>], vector<16xf32>,
        %mul3A_1936 = arith.mulf %gather3A_1935, %get3A_1844 : vector<16xf32>
        %add3A_1937 = arith.addf %add3A_1836, %mul3A_1936 : vector<16xf32>
        %mul3A_1938 = arith.constant 4 : i32
        %mul3A_1939 = arith.muli %scan3A_1626, %mul3A_1938 : i32
        %add3A_1940 = arith.constant 3 : i32
        %add3A_1941 = arith.addi %mul3A_1939, %add3A_1940 : i32
        %mul3A_1942 = arith.constant 16 : i32
        %mul3A_1943 = arith.muli %add3A_1941, %mul3A_1942 : i32
        %get3A_1944 = arith.index_cast %mul3A_1943 : i32 to index
        %get3A_1945 = tpu.vector_load %arg12[%get3A_1944] {strides = array<i32>} : memref<1024xf32, #tpu.memory_space<vmem>>, vector<16xf32>,
        %mul3A_1946 = arith.constant 64 : i32
        %mul3A_1947 = vector.broadcast %mul3A_1946 : i32 to vector<16xi32>
        %mul3A_1948 = arith.muli %iota3A, %mul3A_1947 : vector<16xi32>
        %add3A_1949 = vector.broadcast %add3A_1941 : i32 to vector<16xi32>
        %add3A_1950 = arith.addi %mul3A_1948, %add3A_1949 : vector<16xi32>
        %mul3A_1951 = arith.constant 8 : i32
        %mul3A_1952 = arith.muli %scan3A_1394, %mul3A_1951 : i32
        %add3A_1953 = arith.constant 0 : i32
        %add3A_1954 = arith.addi %mul3A_1952, %add3A_1953 : i32
        %mul3A_1955 = arith.constant 1024 : i32
        %mul3A_1956 = arith.muli %add3A_1954, %mul3A_1955 : i32
        %add3A_1957 = vector.broadcast %mul3A_1956 : i32 to vector<16xi32>
        %add3A_1958 = arith.addi %add3A_1950, %add3A_1957 : vector<16xi32>
        %gather3A_1959 = tpu.vector_load_idx %arg9[%add3A_1958] : memref<65536xf32, #tpu.memory_space<vmem>>[vector<16xi32>], vector<16xf32>,
        %mul3A_1960 = arith.mulf %gather3A_1959, %get3A_1945 : vector<16xf32>
        %add3A_1961 = arith.addf %add3A_1860, %mul3A_1960 : vector<16xf32>
        %mul3A_1962 = arith.constant 8 : i32
        %mul3A_1963 = arith.muli %scan3A_1394, %mul3A_1962 : i32
        %add3A_1964 = arith.constant 1 : i32
        %add3A_1965 = arith.addi %mul3A_1963, %add3A_1964 : i32
        %mul3A_1966 = arith.constant 1024 : i32
        %mul3A_1967 = arith.muli %add3A_1965, %mul3A_1966 : i32
        %add3A_1968 = vector.broadcast %mul3A_1967 : i32 to vector<16xi32>
        %add3A_1969 = arith.addi %add3A_1950, %add3A_1968 : vector<16xi32>
        %gather3A_1970 = tpu.vector_load_idx %arg9[%add3A_1969] : memref<65536xf32, #tpu.memory_space<vmem>>[vector<16xi32>], vector<16xf32>,
        %mul3A_1971 = arith.mulf %gather3A_1970, %get3A_1945 : vector<16xf32>
        %add3A_1972 = arith.addf %add3A_1871, %mul3A_1971 : vector<16xf32>
        %mul3A_1973 = arith.constant 8 : i32
        %mul3A_1974 = arith.muli %scan3A_1394, %mul3A_1973 : i32
        %add3A_1975 = arith.constant 2 : i32
        %add3A_1976 = arith.addi %mul3A_1974, %add3A_1975 : i32
        %mul3A_1977 = arith.constant 1024 : i32
        %mul3A_1978 = arith.muli %add3A_1976, %mul3A_1977 : i32
        %add3A_1979 = vector.broadcast %mul3A_1978 : i32 to vector<16xi32>
        %add3A_1980 = arith.addi %add3A_1950, %add3A_1979 : vector<16xi32>
        %gather3A_1981 = tpu.vector_load_idx %arg9[%add3A_1980] : memref<65536xf32, #tpu.memory_space<vmem>>[vector<16xi32>], vector<16xf32>,
        %mul3A_1982 = arith.mulf %gather3A_1981, %get3A_1945 : vector<16xf32>
        %add3A_1983 = arith.addf %add3A_1882, %mul3A_1982 : vector<16xf32>
        %mul3A_1984 = arith.constant 8 : i32
        %mul3A_1985 = arith.muli %scan3A_1394, %mul3A_1984 : i32
        %add3A_1986 = arith.constant 3 : i32
        %add3A_1987 = arith.addi %mul3A_1985, %add3A_1986 : i32
        %mul3A_1988 = arith.constant 1024 : i32
        %mul3A_1989 = arith.muli %add3A_1987, %mul3A_1988 : i32
        %add3A_1990 = vector.broadcast %mul3A_1989 : i32 to vector<16xi32>
        %add3A_1991 = arith.addi %add3A_1950, %add3A_1990 : vector<16xi32>
        %gather3A_1992 = tpu.vector_load_idx %arg9[%add3A_1991] : memref<65536xf32, #tpu.memory_space<vmem>>[vector<16xi32>], vector<16xf32>,
        %mul3A_1993 = arith.mulf %gather3A_1992, %get3A_1945 : vector<16xf32>
        %add3A_1994 = arith.addf %add3A_1893, %mul3A_1993 : vector<16xf32>
        %mul3A_1995 = arith.constant 8 : i32
        %mul3A_1996 = arith.muli %scan3A_1394, %mul3A_1995 : i32
        %add3A_1997 = arith.constant 4 : i32
        %add3A_1998 = arith.addi %mul3A_1996, %add3A_1997 : i32
        %mul3A_1999 = arith.constant 1024 : i32
        %mul3A_2000 = arith.muli %add3A_1998, %mul3A_1999 : i32
        %add3A_2001 = vector.broadcast %mul3A_2000 : i32 to vector<16xi32>
        %add3A_2002 = arith.addi %add3A_1950, %add3A_2001 : vector<16xi32>
        %gather3A_2003 = tpu.vector_load_idx %arg9[%add3A_2002] : memref<65536xf32, #tpu.memory_space<vmem>>[vector<16xi32>], vector<16xf32>,
        %mul3A_2004 = arith.mulf %gather3A_2003, %get3A_1945 : vector<16xf32>
        %add3A_2005 = arith.addf %add3A_1904, %mul3A_2004 : vector<16xf32>
        %mul3A_2006 = arith.constant 8 : i32
        %mul3A_2007 = arith.muli %scan3A_1394, %mul3A_2006 : i32
        %add3A_2008 = arith.constant 5 : i32
        %add3A_2009 = arith.addi %mul3A_2007, %add3A_2008 : i32
        %mul3A_2010 = arith.constant 1024 : i32
        %mul3A_2011 = arith.muli %add3A_2009, %mul3A_2010 : i32
        %add3A_2012 = vector.broadcast %mul3A_2011 : i32 to vector<16xi32>
        %add3A_2013 = arith.addi %add3A_1950, %add3A_2012 : vector<16xi32>
        %gather3A_2014 = tpu.vector_load_idx %arg9[%add3A_2013] : memref<65536xf32, #tpu.memory_space<vmem>>[vector<16xi32>], vector<16xf32>,
        %mul3A_2015 = arith.mulf %gather3A_2014, %get3A_1945 : vector<16xf32>
        %add3A_2016 = arith.addf %add3A_1915, %mul3A_2015 : vector<16xf32>
        %mul3A_2017 = arith.constant 8 : i32
        %mul3A_2018 = arith.muli %scan3A_1394, %mul3A_2017 : i32
        %add3A_2019 = arith.constant 6 : i32
        %add3A_2020 = arith.addi %mul3A_2018, %add3A_2019 : i32
        %mul3A_2021 = arith.constant 1024 : i32
        %mul3A_2022 = arith.muli %add3A_2020, %mul3A_2021 : i32
        %add3A_2023 = vector.broadcast %mul3A_2022 : i32 to vector<16xi32>
        %add3A_2024 = arith.addi %add3A_1950, %add3A_2023 : vector<16xi32>
        %gather3A_2025 = tpu.vector_load_idx %arg9[%add3A_2024] : memref<65536xf32, #tpu.memory_space<vmem>>[vector<16xi32>], vector<16xf32>,
        %mul3A_2026 = arith.mulf %gather3A_2025, %get3A_1945 : vector<16xf32>
        %add3A_2027 = arith.addf %add3A_1926, %mul3A_2026 : vector<16xf32>
        %mul3A_2028 = arith.constant 8 : i32
        %mul3A_2029 = arith.muli %scan3A_1394, %mul3A_2028 : i32
        %add3A_2030 = arith.constant 7 : i32
        %add3A_2031 = arith.addi %mul3A_2029, %add3A_2030 : i32
        %mul3A_2032 = arith.constant 1024 : i32
        %mul3A_2033 = arith.muli %add3A_2031, %mul3A_2032 : i32
        %add3A_2034 = vector.broadcast %mul3A_2033 : i32 to vector<16xi32>
        %add3A_2035 = arith.addi %add3A_1950, %add3A_2034 : vector<16xi32>
        %gather3A_2036 = tpu.vector_load_idx %arg9[%add3A_2035] : memref<65536xf32, #tpu.memory_space<vmem>>[vector<16xi32>], vector<16xf32>,
        %mul3A_2037 = arith.mulf %gather3A_2036, %get3A_1945 : vector<16xf32>
        %add3A_2038 = arith.addf %add3A_1937, %mul3A_2037 : vector<16xf32>
        scf.yield %add3A_1961, %add3A_1972, %add3A_1983, %add3A_1994, %add3A_2005, %add3A_2016, %add3A_2027, %add3A_2038 : vector<16xf32>, vector<16xf32>, vector<16xf32>, vector<16xf32>, vector<16xf32>, vector<16xf32>, vector<16xf32>, vector<16xf32>
      }
      %scan3A_1403 = arith.constant 16 : i32
      %mul3A_1404 = arith.constant 1024 : i32
      %mul3A_1405 = arith.muli %arg1, %mul3A_1404 : i32
      %mul3A_1406 = arith.constant 8 : i32
      %mul3A_1407 = arith.muli %scan3A_1394, %mul3A_1406 : i32
      %add3A_1408 = arith.constant 0 : i32
      %add3A_1409 = arith.addi %mul3A_1407, %add3A_1408 : i32
      %mul3A_1410 = arith.constant 16 : i32
      %mul3A_1411 = arith.muli %add3A_1409, %mul3A_1410 : i32
      %add3A_1412 = arith.addi %mul3A_1405, %mul3A_1411 : i32
      %add3A_1413 = vector.broadcast %add3A_1412 : i32 to vector<16xi32>
      %add3A_1414 = arith.addi %add3A_1413, %iota3A : vector<16xi32>
      %masked_sort3A = arith.constant dense<true> : vector<16xi1>
      %masked_sort3A_1415, %masked_sort3A_1416, %masked_sort3A_1417 = tpu.sort %scan3A_1402#0, %add3A_1414 masked %masked_sort3A {descending = true} : (vector<16xf32>, vector<16xi32>, vector<16xi1>) -> (vector<16xi1>, vector<16xf32>, vector<16xi32>)
      %gt3A = arith.cmpf ogt, %masked_sort3A_1416, %scan3A_1395 : vector<16xf32>
      %select_n3A_1418 = arith.select %gt3A, %masked_sort3A_1416, %scan3A_1395 : vector<16xi1>, vector<16xf32>
      %select_n3A_1419 = arith.select %gt3A, %masked_sort3A_1417, %scan3A_1396 : vector<16xi1>, vector<16xi32>
      %masked_sort3A_1420 = arith.constant dense<true> : vector<16xi1>
      %masked_sort3A_1421, %masked_sort3A_1422, %masked_sort3A_1423 = tpu.sort %select_n3A_1418, %select_n3A_1419 masked %masked_sort3A_1420 : (vector<16xf32>, vector<16xi32>, vector<16xi1>) -> (vector<16xi1>, vector<16xf32>, vector<16xi32>)
      %swap3A_1424 = arith.constant 0 : index
      %swap3A_1425 = tpu.vector_load %arg10[%swap3A_1424] {strides = array<i32>} : memref<16xf32, #tpu.memory_space<vmem>>, vector<16xf32>,
      tpu.vector_store %arg10[%swap3A_1424], %masked_sort3A_1422 {strides = array<i32>} : memref<16xf32, #tpu.memory_space<vmem>>, vector<16xf32>,
      %mul3A_1426 = arith.constant 0 : i32
      %mul3A_1427 = vector.broadcast %mul3A_1426 : i32 to vector<16xi32>
      %mul3A_1428 = arith.muli %iota3A, %mul3A_1427 : vector<16xi32>
      %gather3A_1429 = tpu.vector_load_idx %arg10[%mul3A_1428] : memref<16xf32, #tpu.memory_space<vmem>>[vector<16xi32>], vector<16xf32>,
      %mul3A_1430 = arith.constant 1024 : i32
      %mul3A_1431 = arith.muli %arg1, %mul3A_1430 : i32
      %mul3A_1432 = arith.constant 8 : i32
      %mul3A_1433 = arith.muli %scan3A_1394, %mul3A_1432 : i32
      %add3A_1434 = arith.constant 1 : i32
      %add3A_1435 = arith.addi %mul3A_1433, %add3A_1434 : i32
      %mul3A_1436 = arith.constant 16 : i32
      %mul3A_1437 = arith.muli %add3A_1435, %mul3A_1436 : i32
      %add3A_1438 = arith.addi %mul3A_1431, %mul3A_1437 : i32
      %add3A_1439 = vector.broadcast %add3A_1438 : i32 to vector<16xi32>
      %add3A_1440 = arith.addi %add3A_1439, %iota3A : vector<16xi32>
      %masked_sort3A_1441 = arith.constant dense<true> : vector<16xi1>
      %masked_sort3A_1442, %masked_sort3A_1443, %masked_sort3A_1444 = tpu.sort %scan3A_1402#1, %add3A_1440 masked %masked_sort3A_1441 {descending = true} : (vector<16xf32>, vector<16xi32>, vector<16xi1>) -> (vector<16xi1>, vector<16xf32>, vector<16xi32>)
      %gt3A_1445 = arith.cmpf ogt, %masked_sort3A_1443, %masked_sort3A_1422 : vector<16xf32>
      %select_n3A_1446 = arith.select %gt3A_1445, %masked_sort3A_1443, %masked_sort3A_1422 : vector<16xi1>, vector<16xf32>
      %select_n3A_1447 = arith.select %gt3A_1445, %masked_sort3A_1444, %masked_sort3A_1423 : vector<16xi1>, vector<16xi32>
      %masked_sort3A_1448 = arith.constant dense<true> : vector<16xi1>
      %masked_sort3A_1449, %masked_sort3A_1450, %masked_sort3A_1451 = tpu.sort %select_n3A_1446, %select_n3A_1447 masked %masked_sort3A_1448 : (vector<16xf32>, vector<16xi32>, vector<16xi1>) -> (vector<16xi1>, vector<16xf32>, vector<16xi32>)
      %swap3A_1452 = arith.constant 0 : index
      %swap3A_1453 = tpu.vector_load %arg10[%swap3A_1452] {strides = array<i32>} : memref<16xf32, #tpu.memory_space<vmem>>, vector<16xf32>,
      tpu.vector_store %arg10[%swap3A_1452], %masked_sort3A_1450 {strides = array<i32>} : memref<16xf32, #tpu.memory_space<vmem>>, vector<16xf32>,
      %mul3A_1454 = arith.constant 0 : i32
      %mul3A_1455 = vector.broadcast %mul3A_1454 : i32 to vector<16xi32>
      %mul3A_1456 = arith.muli %iota3A, %mul3A_1455 : vector<16xi32>
      %gather3A_1457 = tpu.vector_load_idx %arg10[%mul3A_1456] : memref<16xf32, #tpu.memory_space<vmem>>[vector<16xi32>], vector<16xf32>,
      %mul3A_1458 = arith.constant 1024 : i32
      %mul3A_1459 = arith.muli %arg1, %mul3A_1458 : i32
      %mul3A_1460 = arith.constant 8 : i32
      %mul3A_1461 = arith.muli %scan3A_1394, %mul3A_1460 : i32
      %add3A_1462 = arith.constant 2 : i32
      %add3A_1463 = arith.addi %mul3A_1461, %add3A_1462 : i32
      %mul3A_1464 = arith.constant 16 : i32
      %mul3A_1465 = arith.muli %add3A_1463, %mul3A_1464 : i32
      %add3A_1466 = arith.addi %mul3A_1459, %mul3A_1465 : i32
      %add3A_1467 = vector.broadcast %add3A_1466 : i32 to vector<16xi32>
      %add3A_1468 = arith.addi %add3A_1467, %iota3A : vector<16xi32>
      %masked_sort3A_1469 = arith.constant dense<true> : vector<16xi1>
      %masked_sort3A_1470, %masked_sort3A_1471, %masked_sort3A_1472 = tpu.sort %scan3A_1402#2, %add3A_1468 masked %masked_sort3A_1469 {descending = true} : (vector<16xf32>, vector<16xi32>, vector<16xi1>) -> (vector<16xi1>, vector<16xf32>, vector<16xi32>)
      %gt3A_1473 = arith.cmpf ogt, %masked_sort3A_1471, %masked_sort3A_1450 : vector<16xf32>
      %select_n3A_1474 = arith.select %gt3A_1473, %masked_sort3A_1471, %masked_sort3A_1450 : vector<16xi1>, vector<16xf32>
      %select_n3A_1475 = arith.select %gt3A_1473, %masked_sort3A_1472, %masked_sort3A_1451 : vector<16xi1>, vector<16xi32>
      %masked_sort3A_1476 = arith.constant dense<true> : vector<16xi1>
      %masked_sort3A_1477, %masked_sort3A_1478, %masked_sort3A_1479 = tpu.sort %select_n3A_1474, %select_n3A_1475 masked %masked_sort3A_1476 : (vector<16xf32>, vector<16xi32>, vector<16xi1>) -> (vector<16xi1>, vector<16xf32>, vector<16xi32>)
      %swap3A_1480 = arith.constant 0 : index
      %swap3A_1481 = tpu.vector_load %arg10[%swap3A_1480] {strides = array<i32>} : memref<16xf32, #tpu.memory_space<vmem>>, vector<16xf32>,
      tpu.vector_store %arg10[%swap3A_1480], %masked_sort3A_1478 {strides = array<i32>} : memref<16xf32, #tpu.memory_space<vmem>>, vector<16xf32>,
      %mul3A_1482 = arith.constant 0 : i32
      %mul3A_1483 = vector.broadcast %mul3A_1482 : i32 to vector<16xi32>
      %mul3A_1484 = arith.muli %iota3A, %mul3A_1483 : vector<16xi32>
      %gather3A_1485 = tpu.vector_load_idx %arg10[%mul3A_1484] : memref<16xf32, #tpu.memory_space<vmem>>[vector<16xi32>], vector<16xf32>,
      %mul3A_1486 = arith.constant 1024 : i32
      %mul3A_1487 = arith.muli %arg1, %mul3A_1486 : i32
      %mul3A_1488 = arith.constant 8 : i32
      %mul3A_1489 = arith.muli %scan3A_1394, %mul3A_1488 : i32
      %add3A_1490 = arith.constant 3 : i32
      %add3A_1491 = arith.addi %mul3A_1489, %add3A_1490 : i32
      %mul3A_1492 = arith.constant 16 : i32
      %mul3A_1493 = arith.muli %add3A_1491, %mul3A_1492 : i32
      %add3A_1494 = arith.addi %mul3A_1487, %mul3A_1493 : i32
      %add3A_1495 = vector.broadcast %add3A_1494 : i32 to vector<16xi32>
      %add3A_1496 = arith.addi %add3A_1495, %iota3A : vector<16xi32>
      %masked_sort3A_1497 = arith.constant dense<true> : vector<16xi1>
      %masked_sort3A_1498, %masked_sort3A_1499, %masked_sort3A_1500 = tpu.sort %scan3A_1402#3, %add3A_1496 masked %masked_sort3A_1497 {descending = true} : (vector<16xf32>, vector<16xi32>, vector<16xi1>) -> (vector<16xi1>, vector<16xf32>, vector<16xi32>)
      %gt3A_1501 = arith.cmpf ogt, %masked_sort3A_1499, %masked_sort3A_1478 : vector<16xf32>
      %select_n3A_1502 = arith.select %gt3A_1501, %masked_sort3A_1499, %masked_sort3A_1478 : vector<16xi1>, vector<16xf32>
      %select_n3A_1503 = arith.select %gt3A_1501, %masked_sort3A_1500, %masked_sort3A_1479 : vector<16xi1>, vector<16xi32>
      %masked_sort3A_1504 = arith.constant dense<true> : vector<16xi1>
      %masked_sort3A_1505, %masked_sort3A_1506, %masked_sort3A_1507 = tpu.sort %select_n3A_1502, %select_n3A_1503 masked %masked_sort3A_1504 : (vector<16xf32>, vector<16xi32>, vector<16xi1>) -> (vector<16xi1>, vector<16xf32>, vector<16xi32>)
      %swap3A_1508 = arith.constant 0 : index
      %swap3A_1509 = tpu.vector_load %arg10[%swap3A_1508] {strides = array<i32>} : memref<16xf32, #tpu.memory_space<vmem>>, vector<16xf32>,
      tpu.vector_store %arg10[%swap3A_1508], %masked_sort3A_1506 {strides = array<i32>} : memref<16xf32, #tpu.memory_space<vmem>>, vector<16xf32>,
      %mul3A_1510 = arith.constant 0 : i32
      %mul3A_1511 = vector.broadcast %mul3A_1510 : i32 to vector<16xi32>
      %mul3A_1512 = arith.muli %iota3A, %mul3A_1511 : vector<16xi32>
      %gather3A_1513 = tpu.vector_load_idx %arg10[%mul3A_1512] : memref<16xf32, #tpu.memory_space<vmem>>[vector<16xi32>], vector<16xf32>,
      %mul3A_1514 = arith.constant 1024 : i32
      %mul3A_1515 = arith.muli %arg1, %mul3A_1514 : i32
      %mul3A_1516 = arith.constant 8 : i32
      %mul3A_1517 = arith.muli %scan3A_1394, %mul3A_1516 : i32
      %add3A_1518 = arith.constant 4 : i32
      %add3A_1519 = arith.addi %mul3A_1517, %add3A_1518 : i32
      %mul3A_1520 = arith.constant 16 : i32
      %mul3A_1521 = arith.muli %add3A_1519, %mul3A_1520 : i32
      %add3A_1522 = arith.addi %mul3A_1515, %mul3A_1521 : i32
      %add3A_1523 = vector.broadcast %add3A_1522 : i32 to vector<16xi32>
      %add3A_1524 = arith.addi %add3A_1523, %iota3A : vector<16xi32>
      %masked_sort3A_1525 = arith.constant dense<true> : vector<16xi1>
      %masked_sort3A_1526, %masked_sort3A_1527, %masked_sort3A_1528 = tpu.sort %scan3A_1402#4, %add3A_1524 masked %masked_sort3A_1525 {descending = true} : (vector<16xf32>, vector<16xi32>, vector<16xi1>) -> (vector<16xi1>, vector<16xf32>, vector<16xi32>)
      %gt3A_1529 = arith.cmpf ogt, %masked_sort3A_1527, %masked_sort3A_1506 : vector<16xf32>
      %select_n3A_1530 = arith.select %gt3A_1529, %masked_sort3A_1527, %masked_sort3A_1506 : vector<16xi1>, vector<16xf32>
      %select_n3A_1531 = arith.select %gt3A_1529, %masked_sort3A_1528, %masked_sort3A_1507 : vector<16xi1>, vector<16xi32>
      %masked_sort3A_1532 = arith.constant dense<true> : vector<16xi1>
      %masked_sort3A_1533, %masked_sort3A_1534, %masked_sort3A_1535 = tpu.sort %select_n3A_1530, %select_n3A_1531 masked %masked_sort3A_1532 : (vector<16xf32>, vector<16xi32>, vector<16xi1>) -> (vector<16xi1>, vector<16xf32>, vector<16xi32>)
      %swap3A_1536 = arith.constant 0 : index
      %swap3A_1537 = tpu.vector_load %arg10[%swap3A_1536] {strides = array<i32>} : memref<16xf32, #tpu.memory_space<vmem>>, vector<16xf32>,
      tpu.vector_store %arg10[%swap3A_1536], %masked_sort3A_1534 {strides = array<i32>} : memref<16xf32, #tpu.memory_space<vmem>>, vector<16xf32>,
      %mul3A_1538 = arith.constant 0 : i32
      %mul3A_1539 = vector.broadcast %mul3A_1538 : i32 to vector<16xi32>
      %mul3A_1540 = arith.muli %iota3A, %mul3A_1539 : vector<16xi32>
      %gather3A_1541 = tpu.vector_load_idx %arg10[%mul3A_1540] : memref<16xf32, #tpu.memory_space<vmem>>[vector<16xi32>], vector<16xf32>,
      %mul3A_1542 = arith.constant 1024 : i32
      %mul3A_1543 = arith.muli %arg1, %mul3A_1542 : i32
      %mul3A_1544 = arith.constant 8 : i32
      %mul3A_1545 = arith.muli %scan3A_1394, %mul3A_1544 : i32
      %add3A_1546 = arith.constant 5 : i32
      %add3A_1547 = arith.addi %mul3A_1545, %add3A_1546 : i32
      %mul3A_1548 = arith.constant 16 : i32
      %mul3A_1549 = arith.muli %add3A_1547, %mul3A_1548 : i32
      %add3A_1550 = arith.addi %mul3A_1543, %mul3A_1549 : i32
      %add3A_1551 = vector.broadcast %add3A_1550 : i32 to vector<16xi32>
      %add3A_1552 = arith.addi %add3A_1551, %iota3A : vector<16xi32>
      %masked_sort3A_1553 = arith.constant dense<true> : vector<16xi1>
      %masked_sort3A_1554, %masked_sort3A_1555, %masked_sort3A_1556 = tpu.sort %scan3A_1402#5, %add3A_1552 masked %masked_sort3A_1553 {descending = true} : (vector<16xf32>, vector<16xi32>, vector<16xi1>) -> (vector<16xi1>, vector<16xf32>, vector<16xi32>)
      %gt3A_1557 = arith.cmpf ogt, %masked_sort3A_1555, %masked_sort3A_1534 : vector<16xf32>
      %select_n3A_1558 = arith.select %gt3A_1557, %masked_sort3A_1555, %masked_sort3A_1534 : vector<16xi1>, vector<16xf32>
      %select_n3A_1559 = arith.select %gt3A_1557, %masked_sort3A_1556, %masked_sort3A_1535 : vector<16xi1>, vector<16xi32>
      %masked_sort3A_1560 = arith.constant dense<true> : vector<16xi1>
      %masked_sort3A_1561, %masked_sort3A_1562, %masked_sort3A_1563 = tpu.sort %select_n3A_1558, %select_n3A_1559 masked %masked_sort3A_1560 : (vector<16xf32>, vector<16xi32>, vector<16xi1>) -> (vector<16xi1>, vector<16xf32>, vector<16xi32>)
      %swap3A_1564 = arith.constant 0 : index
      %swap3A_1565 = tpu.vector_load %arg10[%swap3A_1564] {strides = array<i32>} : memref<16xf32, #tpu.memory_space<vmem>>, vector<16xf32>,
      tpu.vector_store %arg10[%swap3A_1564], %masked_sort3A_1562 {strides = array<i32>} : memref<16xf32, #tpu.memory_space<vmem>>, vector<16xf32>,
      %mul3A_1566 = arith.constant 0 : i32
      %mul3A_1567 = vector.broadcast %mul3A_1566 : i32 to vector<16xi32>
      %mul3A_1568 = arith.muli %iota3A, %mul3A_1567 : vector<16xi32>
      %gather3A_1569 = tpu.vector_load_idx %arg10[%mul3A_1568] : memref<16xf32, #tpu.memory_space<vmem>>[vector<16xi32>], vector<16xf32>,
      %mul3A_1570 = arith.constant 1024 : i32
      %mul3A_1571 = arith.muli %arg1, %mul3A_1570 : i32
      %mul3A_1572 = arith.constant 8 : i32
      %mul3A_1573 = arith.muli %scan3A_1394, %mul3A_1572 : i32
      %add3A_1574 = arith.constant 6 : i32
      %add3A_1575 = arith.addi %mul3A_1573, %add3A_1574 : i32
      %mul3A_1576 = arith.constant 16 : i32
      %mul3A_1577 = arith.muli %add3A_1575, %mul3A_1576 : i32
      %add3A_1578 = arith.addi %mul3A_1571, %mul3A_1577 : i32
      %add3A_1579 = vector.broadcast %add3A_1578 : i32 to vector<16xi32>
      %add3A_1580 = arith.addi %add3A_1579, %iota3A : vector<16xi32>
      %masked_sort3A_1581 = arith.constant dense<true> : vector<16xi1>
      %masked_sort3A_1582, %masked_sort3A_1583, %masked_sort3A_1584 = tpu.sort %scan3A_1402#6, %add3A_1580 masked %masked_sort3A_1581 {descending = true} : (vector<16xf32>, vector<16xi32>, vector<16xi1>) -> (vector<16xi1>, vector<16xf32>, vector<16xi32>)
      %gt3A_1585 = arith.cmpf ogt, %masked_sort3A_1583, %masked_sort3A_1562 : vector<16xf32>
      %select_n3A_1586 = arith.select %gt3A_1585, %masked_sort3A_1583, %masked_sort3A_1562 : vector<16xi1>, vector<16xf32>
      %select_n3A_1587 = arith.select %gt3A_1585, %masked_sort3A_1584, %masked_sort3A_1563 : vector<16xi1>, vector<16xi32>
      %masked_sort3A_1588 = arith.constant dense<true> : vector<16xi1>
      %masked_sort3A_1589, %masked_sort3A_1590, %masked_sort3A_1591 = tpu.sort %select_n3A_1586, %select_n3A_1587 masked %masked_sort3A_1588 : (vector<16xf32>, vector<16xi32>, vector<16xi1>) -> (vector<16xi1>, vector<16xf32>, vector<16xi32>)
      %swap3A_1592 = arith.constant 0 : index
      %swap3A_1593 = tpu.vector_load %arg10[%swap3A_1592] {strides = array<i32>} : memref<16xf32, #tpu.memory_space<vmem>>, vector<16xf32>,
      tpu.vector_store %arg10[%swap3A_1592], %masked_sort3A_1590 {strides = array<i32>} : memref<16xf32, #tpu.memory_space<vmem>>, vector<16xf32>,
      %mul3A_1594 = arith.constant 0 : i32
      %mul3A_1595 = vector.broadcast %mul3A_1594 : i32 to vector<16xi32>
      %mul3A_1596 = arith.muli %iota3A, %mul3A_1595 : vector<16xi32>
      %gather3A_1597 = tpu.vector_load_idx %arg10[%mul3A_1596] : memref<16xf32, #tpu.memory_space<vmem>>[vector<16xi32>], vector<16xf32>,
      %mul3A_1598 = arith.constant 1024 : i32
      %mul3A_1599 = arith.muli %arg1, %mul3A_1598 : i32
      %mul3A_1600 = arith.constant 8 : i32
      %mul3A_1601 = arith.muli %scan3A_1394, %mul3A_1600 : i32
      %add3A_1602 = arith.constant 7 : i32
      %add3A_1603 = arith.addi %mul3A_1601, %add3A_1602 : i32
      %mul3A_1604 = arith.constant 16 : i32
      %mul3A_1605 = arith.muli %add3A_1603, %mul3A_1604 : i32
      %add3A_1606 = arith.addi %mul3A_1599, %mul3A_1605 : i32
      %add3A_1607 = vector.broadcast %add3A_1606 : i32 to vector<16xi32>
      %add3A_1608 = arith.addi %add3A_1607, %iota3A : vector<16xi32>
      %masked_sort3A_1609 = arith.constant dense<true> : vector<16xi1>
      %masked_sort3A_1610, %masked_sort3A_1611, %masked_sort3A_1612 = tpu.sort %scan3A_1402#7, %add3A_1608 masked %masked_sort3A_1609 {descending = true} : (vector<16xf32>, vector<16xi32>, vector<16xi1>) -> (vector<16xi1>, vector<16xf32>, vector<16xi32>)
      %gt3A_1613 = arith.cmpf ogt, %masked_sort3A_1611, %masked_sort3A_1590 : vector<16xf32>
      %select_n3A_1614 = arith.select %gt3A_1613, %masked_sort3A_1611, %masked_sort3A_1590 : vector<16xi1>, vector<16xf32>
      %select_n3A_1615 = arith.select %gt3A_1613, %masked_sort3A_1612, %masked_sort3A_1591 : vector<16xi1>, vector<16xi32>
      %masked_sort3A_1616 = arith.constant dense<true> : vector<16xi1>
      %masked_sort3A_1617, %masked_sort3A_1618, %masked_sort3A_1619 = tpu.sort %select_n3A_1614, %select_n3A_1615 masked %masked_sort3A_1616 : (vector<16xf32>, vector<16xi32>, vector<16xi1>) -> (vector<16xi1>, vector<16xf32>, vector<16xi32>)
      %swap3A_1620 = arith.constant 0 : index
      %swap3A_1621 = tpu.vector_load %arg10[%swap3A_1620] {strides = array<i32>} : memref<16xf32, #tpu.memory_space<vmem>>, vector<16xf32>,
      tpu.vector_store %arg10[%swap3A_1620], %masked_sort3A_1618 {strides = array<i32>} : memref<16xf32, #tpu.memory_space<vmem>>, vector<16xf32>,
      %mul3A_1622 = arith.constant 0 : i32
      %mul3A_1623 = vector.broadcast %mul3A_1622 : i32 to vector<16xi32>
      %mul3A_1624 = arith.muli %iota3A, %mul3A_1623 : vector<16xi32>
      %gather3A_1625 = tpu.vector_load_idx %arg10[%mul3A_1624] : memref<16xf32, #tpu.memory_space<vmem>>[vector<16xi32>], vector<16xf32>,
      scf.yield %masked_sort3A_1618, %masked_sort3A_1619, %gather3A_1625 : vector<16xf32>, vector<16xi32>, vector<16xf32>
    }
    %scan3A_1382 = arith.constant 2 : i32
    "tpu.trace_stop"() : () -> ()
    "tpu.trace_start"() <{level = 10 : i32, message = "merge"}> : () -> ()
    %swap3A_1383 = arith.constant 0 : index
    %swap3A_1384 = tpu.vector_load %arg10[%swap3A_1383] {strides = array<i32>} : memref<16xf32, #tpu.memory_space<vmem>>, vector<16xf32>,
    tpu.vector_store %arg10[%swap3A_1383], %scan3A_1381#0 {strides = array<i32>} : memref<16xf32, #tpu.memory_space<vmem>>, vector<16xf32>,
    %swap3A_1385 = arith.constant 0 : index
    %swap3A_1386 = tpu.vector_load %arg15[%swap3A_1385] {strides = array<i32>} : memref<16xi32, #tpu.memory_space<vmem>>, vector<16xi32>,
    tpu.vector_store %arg15[%swap3A_1385], %scan3A_1381#1 {strides = array<i32>} : memref<16xi32, #tpu.memory_space<vmem>>, vector<16xi32>,
    %mul3A_1387 = arith.constant 16 : i32
    %mul3A_1388 = arith.muli %arg1, %mul3A_1387 : i32
    "tpu.region"() ({
      %run_scoped3A = tpu.sem_alloc : memref<!tpu.dma_semaphore, #tpu.memory_space<semaphore_mem>>
      %dma_start3A_1394 = tpu.memref_slice %arg19[%mul3A_1388] : memref<256xf32, #tpu.memory_space<vmem_shared>> -> memref<16xf32, #tpu.memory_space<vmem_shared>>
      %dma_start3A_1395 = tpu.memref_slice %arg19[%mul3A_1388] : memref<256xf32, #tpu.memory_space<vmem_shared>> -> memref<16xf32, #tpu.memory_space<vmem_shared>>
      tpu.enqueue_dma source(%arg10 : memref<16xf32, #tpu.memory_space<vmem>>) target(%dma_start3A_1395 : memref<16xf32, #tpu.memory_space<vmem_shared>>) target_semaphore(%run_scoped3A : memref<!tpu.dma_semaphore, #tpu.memory_space<semaphore_mem>>)
      %dma_wait3A_1396 = tpu.memref_slice %arg19[%mul3A_1388] : memref<256xf32, #tpu.memory_space<vmem_shared>> -> memref<16xf32, #tpu.memory_space<vmem_shared>>
      %dma_wait3A_1397 = tpu.memref_slice %arg19[%mul3A_1388] : memref<256xf32, #tpu.memory_space<vmem_shared>> -> memref<16xf32, #tpu.memory_space<vmem_shared>>
      tpu.wait_dma2 semaphore(%run_scoped3A : memref<!tpu.dma_semaphore, #tpu.memory_space<semaphore_mem>>) src(%arg10 : memref<16xf32, #tpu.memory_space<vmem>>) dst(%dma_wait3A_1397 : memref<16xf32, #tpu.memory_space<vmem_shared>>)
      tpu.yield
    }) : () -> ()
    %mul3A_1389 = arith.constant 16 : i32
    %mul3A_1390 = arith.muli %arg1, %mul3A_1389 : i32
    "tpu.region"() ({
      %run_scoped3A = tpu.sem_alloc : memref<!tpu.dma_semaphore, #tpu.memory_space<semaphore_mem>>
      %dma_start3A_1394 = tpu.memref_slice %arg20[%mul3A_1390] : memref<256xi32, #tpu.memory_space<vmem_shared>> -> memref<16xi32, #tpu.memory_space<vmem_shared>>
      %dma_start3A_1395 = tpu.memref_slice %arg20[%mul3A_1390] : memref<256xi32, #tpu.memory_space<vmem_shared>> -> memref<16xi32, #tpu.memory_space<vmem_shared>>
      tpu.enqueue_dma source(%arg15 : memref<16xi32, #tpu.memory_space<vmem>>) target(%dma_start3A_1395 : memref<16xi32, #tpu.memory_space<vmem_shared>>) target_semaphore(%run_scoped3A : memref<!tpu.dma_semaphore, #tpu.memory_space<semaphore_mem>>)
      %dma_wait3A_1396 = tpu.memref_slice %arg20[%mul3A_1390] : memref<256xi32, #tpu.memory_space<vmem_shared>> -> memref<16xi32, #tpu.memory_space<vmem_shared>>
      %dma_wait3A_1397 = tpu.memref_slice %arg20[%mul3A_1390] : memref<256xi32, #tpu.memory_space<vmem_shared>> -> memref<16xi32, #tpu.memory_space<vmem_shared>>
      tpu.wait_dma2 semaphore(%run_scoped3A : memref<!tpu.dma_semaphore, #tpu.memory_space<semaphore_mem>>) src(%arg15 : memref<16xi32, #tpu.memory_space<vmem>>) dst(%dma_wait3A_1397 : memref<16xi32, #tpu.memory_space<vmem_shared>>)
      tpu.yield
    }) : () -> ()
    %barrier3A_1391 = arith.constant 0 : index
    tpu.barrier barrier_id(%barrier3A_1391)
    %lt3A = arith.constant 4 : i32
    "tpu.trace_stop"() : () -> ()
    %lt3A_1392 = arith.cmpi slt, %arg1, %lt3A : i32
    %convert_element_type3A = arith.extui %lt3A_1392 : i1 to i32
    %cond3A = arith.constant 0 : i32
    %cond3A_1393 = arith.cmpi ne, %convert_element_type3A, %cond3A : i32
    scf.if %cond3A_1393 {
      "tpu.trace_start"() <{level = 10 : i32, message = "gather"}> : () -> ()
      "tpu.region"() ({
        %run_scoped3A = tpu.sem_alloc : memref<!tpu.dma_semaphore, #tpu.memory_space<semaphore_mem>>
        tpu.enqueue_dma source(%arg19 : memref<256xf32, #tpu.memory_space<vmem_shared>>) target(%arg13 : memref<256xf32, #tpu.memory_space<vmem>>) target_semaphore(%run_scoped3A : memref<!tpu.dma_semaphore, #tpu.memory_space<semaphore_mem>>)
        tpu.wait_dma2 semaphore(%run_scoped3A : memref<!tpu.dma_semaphore, #tpu.memory_space<semaphore_mem>>) src(%arg19 : memref<256xf32, #tpu.memory_space<vmem_shared>>) dst(%arg13 : memref<256xf32, #tpu.memory_space<vmem>>)
        tpu.yield
      }) : () -> ()
      "tpu.region"() ({
        %run_scoped3A = tpu.sem_alloc : memref<!tpu.dma_semaphore, #tpu.memory_space<semaphore_mem>>
        tpu.enqueue_dma source(%arg20 : memref<256xi32, #tpu.memory_space<vmem_shared>>) target(%arg14 : memref<256xi32, #tpu.memory_space<vmem>>) target_semaphore(%run_scoped3A : memref<!tpu.dma_semaphore, #tpu.memory_space<semaphore_mem>>)
        tpu.wait_dma2 semaphore(%run_scoped3A : memref<!tpu.dma_semaphore, #tpu.memory_space<semaphore_mem>>) src(%arg20 : memref<256xi32, #tpu.memory_space<vmem_shared>>) dst(%arg14 : memref<256xi32, #tpu.memory_space<vmem>>)
        tpu.yield
      }) : () -> ()
      %broadcast_in_dim3A_1394 = arith.constant 0 : i32
      %broadcast_in_dim3A_1395 = vector.broadcast %broadcast_in_dim3A_1394 : i32 to vector<16xi32>
      %scan3A_1396 = arith.constant 0 : i32
      %scan3A_1397 = arith.constant 16 : i32
      %scan3A_1398 = arith.addi %scan3A_1396, %scan3A_1397 : i32
      %scan3A_1399 = arith.constant 1 : i32
      %scan3A_1400:3 = scf.for %scan3A_1426 = %scan3A_1396 to %scan3A_1398 step %scan3A_1399 iter_args(%scan3A_1427 = %broadcast_in_dim3A_2, %scan3A_1428 = %broadcast_in_dim3A_1395, %scan3A_1429 = %broadcast_in_dim3A_2) -> (vector<16xf32>, vector<16xi32>, vector<16xf32>)  : i32 {
        %mul3A_1430 = arith.constant 16 : i32
        %mul3A_1431 = arith.muli %scan3A_1426, %mul3A_1430 : i32
        %get3A_1432 = arith.index_cast %mul3A_1431 : i32 to index
        %get3A_1433 = tpu.vector_load %arg13[%get3A_1432] {strides = array<i32>} : memref<256xf32, #tpu.memory_space<vmem>>, vector<16xf32>,
        %rev3A_1434 = arith.constant 15 : i32
        %rev3A_1435 = vector.broadcast %rev3A_1434 : i32 to vector<16xi32>
        %rev3A_1436 = tpu.iota {dimensions = array<i32: 0>} : vector<16xi32>
        %rev3A_1437 = arith.subi %rev3A_1435, %rev3A_1436 : vector<16xi32>
        %rev3A_1438 = tpu.dynamic_gather %get3A_1433[%rev3A_1437] in [0] : vector<16xf32>, vector<16xi32> -> vector<16xf32>
        %mul3A_1439 = arith.constant 16 : i32
        %mul3A_1440 = arith.muli %scan3A_1426, %mul3A_1439 : i32
        %get3A_1441 = arith.index_cast %mul3A_1440 : i32 to index
        %get3A_1442 = tpu.vector_load %arg14[%get3A_1441] {strides = array<i32>} : memref<256xi32, #tpu.memory_space<vmem>>, vector<16xi32>,
        %rev3A_1443 = arith.constant 15 : i32
        %rev3A_1444 = vector.broadcast %rev3A_1443 : i32 to vector<16xi32>
        %rev3A_1445 = tpu.iota {dimensions = array<i32: 0>} : vector<16xi32>
        %rev3A_1446 = arith.subi %rev3A_1444, %rev3A_1445 : vector<16xi32>
        %rev3A_1447 = tpu.dynamic_gather %get3A_1442[%rev3A_1446] in [0] : vector<16xi32>, vector<16xi32> -> vector<16xi32>
        %gt3A = arith.cmpf ogt, %rev3A_1438, %scan3A_1427 : vector<16xf32>
        %select_n3A_1448 = arith.select %gt3A, %rev3A_1438, %scan3A_1427 : vector<16xi1>, vector<16xf32>
        %select_n3A_1449 = arith.select %gt3A, %rev3A_1447, %scan3A_1428 : vector<16xi1>, vector<16xi32>
        %masked_sort3A = arith.constant dense<true> : vector<16xi1>
        %masked_sort3A_1450, %masked_sort3A_1451, %masked_sort3A_1452 = tpu.sort %select_n3A_1448, %select_n3A_1449 masked %masked_sort3A : (vector<16xf32>, vector<16xi32>, vector<16xi1>) -> (vector<16xi1>, vector<16xf32>, vector<16xi32>)
        %swap3A_1453 = arith.constant 0 : index
        %swap3A_1454 = tpu.vector_load %arg10[%swap3A_1453] {strides = array<i32>} : memref<16xf32, #tpu.memory_space<vmem>>, vector<16xf32>,
        tpu.vector_store %arg10[%swap3A_1453], %masked_sort3A_1451 {strides = array<i32>} : memref<16xf32, #tpu.memory_space<vmem>>, vector<16xf32>,
        %mul3A_1455 = arith.constant 0 : i32
        %mul3A_1456 = vector.broadcast %mul3A_1455 : i32 to vector<16xi32>
        %mul3A_1457 = arith.muli %iota3A, %mul3A_1456 : vector<16xi32>
        %gather3A_1458 = tpu.vector_load_idx %arg10[%mul3A_1457] : memref<16xf32, #tpu.memory_space<vmem>>[vector<16xi32>], vector<16xf32>,
        scf.yield %masked_sort3A_1451, %masked_sort3A_1452, %gather3A_1458 : vector<16xf32>, vector<16xi32>, vector<16xf32>
      }
      %scan3A_1401 = arith.constant 16 : i32
      %rev3A = arith.constant 15 : i32
      %rev3A_1402 = vector.broadcast %rev3A : i32 to vector<16xi32>
      %rev3A_1403 = tpu.iota {dimensions = array<i32: 0>} : vector<16xi32>
      %rev3A_1404 = arith.subi %rev3A_1402, %rev3A_1403 : vector<16xi32>
      %rev3A_1405 = tpu.dynamic_gather %scan3A_1400#1[%rev3A_1404] in [0] : vector<16xi32>, vector<16xi32> -> vector<16xi32>
      %swap3A_1406 = arith.constant 0 : index
      %swap3A_1407 = tpu.vector_load %arg15[%swap3A_1406] {strides = array<i32>} : memref<16xi32, #tpu.memory_space<vmem>>, vector<16xi32>,
      tpu.vector_store %arg15[%swap3A_1406], %rev3A_1405 {strides = array<i32>} : memref<16xi32, #tpu.memory_space<vmem>>, vector<16xi32>,
      %mul3A_1408 = arith.constant 8 : i32
      %mul3A_1409 = vector.broadcast %mul3A_1408 : i32 to vector<16xi32>
      %mul3A_1410 = arith.muli %iota3A, %mul3A_1409 : vector<16xi32>
      tpu.vector_store_idx %arg16[%mul3A_1410], %rev3A_1405 : memref<128xi32, #tpu.memory_space<vmem>>[vector<16xi32>], vector<16xi32>,
      %mul3A_1411 = arith.constant 4 : i32
      %mul3A_1412 = arith.muli %arg0, %mul3A_1411 : i32
      %add3A_1413 = arith.addi %mul3A_1412, %arg1 : i32
      %mul3A_1414 = arith.constant 8 : i32
      %mul3A_1415 = arith.muli %add3A_1413, %mul3A_1414 : i32
      %dma_start3A_1416 = tpu.memref_slice %arg16[%mul3A_1415] : memref<128xi32, #tpu.memory_space<vmem>> -> memref<1xi32, #tpu.memory_space<vmem>>
      %dma_start3A_1417 = arith.constant 0 : i32
      %dma_start3A_1418 = arith.constant 0 : i32
      %dma_start3A_1419 = arith.constant 0 : i32
      %dma_start3A_1420 = tpu.memref_slice %arg4[%dma_start3A_1417, %dma_start3A_1418, %dma_start3A_1419] : memref<16384x8x1024xf32, #tpu.memory_space<hbm>> -> memref<16384x8x1024xf32, #tpu.memory_space<hbm>>
      tpu.enqueue_indirect_dma source(%dma_start3A_1420 : memref<16384x8x1024xf32, #tpu.memory_space<hbm>>) target(%arg17 : memref<1x8x1024xf32, #tpu.memory_space<vmem>>) offsets(%dma_start3A_1416 : memref<1xi32, #tpu.memory_space<vmem>>) semaphore(%arg25 : memref<!tpu.dma_semaphore, #tpu.memory_space<semaphore_mem>>)
      %dma_wait3A_1421 = tpu.memref_slice %arg16[%mul3A_1415] : memref<128xi32, #tpu.memory_space<vmem>> -> memref<1xi32, #tpu.memory_space<vmem>>
      %dma_wait3A_1422 = arith.constant 0 : i32
      %dma_wait3A_1423 = arith.constant 0 : i32
      %dma_wait3A_1424 = arith.constant 0 : i32
      %dma_wait3A_1425 = tpu.memref_slice %arg4[%dma_wait3A_1422, %dma_wait3A_1423, %dma_wait3A_1424] : memref<16384x8x1024xf32, #tpu.memory_space<hbm>> -> memref<16384x8x1024xf32, #tpu.memory_space<hbm>>
      tpu.wait_indirect_dma semaphore(%arg25 : memref<!tpu.dma_semaphore, #tpu.memory_space<semaphore_mem>>) src(%dma_wait3A_1425 : memref<16384x8x1024xf32, #tpu.memory_space<hbm>>) dst(%arg17 : memref<1x8x1024xf32, #tpu.memory_space<vmem>>)
      "tpu.region"() ({
        %run_scoped3A = tpu.sem_alloc : memref<!tpu.dma_semaphore, #tpu.memory_space<semaphore_mem>>
        %dma_start3A_1426 = arith.constant 0 : i32
        %dma_start3A_1427 = arith.constant 0 : i32
        %dma_start3A_1428 = tpu.memref_slice %arg6[%add3A_1413, %dma_start3A_1426, %dma_start3A_1427] : memref<8x8x1024xf32, #tpu.memory_space<hbm>> -> memref<1x8x1024xf32, #tpu.memory_space<hbm>>
        %dma_start3A_1429 = arith.constant 0 : i32
        %dma_start3A_1430 = arith.constant 0 : i32
        %dma_start3A_1431 = tpu.memref_slice %arg6[%add3A_1413, %dma_start3A_1429, %dma_start3A_1430] : memref<8x8x1024xf32, #tpu.memory_space<hbm>> -> memref<1x8x1024xf32, #tpu.memory_space<hbm>>
        tpu.enqueue_dma source(%arg17 : memref<1x8x1024xf32, #tpu.memory_space<vmem>>) target(%dma_start3A_1431 : memref<1x8x1024xf32, #tpu.memory_space<hbm>>) target_semaphore(%run_scoped3A : memref<!tpu.dma_semaphore, #tpu.memory_space<semaphore_mem>>)
        %dma_wait3A_1432 = arith.constant 0 : i32
        %dma_wait3A_1433 = arith.constant 0 : i32
        %dma_wait3A_1434 = tpu.memref_slice %arg6[%add3A_1413, %dma_wait3A_1432, %dma_wait3A_1433] : memref<8x8x1024xf32, #tpu.memory_space<hbm>> -> memref<1x8x1024xf32, #tpu.memory_space<hbm>>
        %dma_wait3A_1435 = arith.constant 0 : i32
        %dma_wait3A_1436 = arith.constant 0 : i32
        %dma_wait3A_1437 = tpu.memref_slice %arg6[%add3A_1413, %dma_wait3A_1435, %dma_wait3A_1436] : memref<8x8x1024xf32, #tpu.memory_space<hbm>> -> memref<1x8x1024xf32, #tpu.memory_space<hbm>>
        tpu.wait_dma2 semaphore(%run_scoped3A : memref<!tpu.dma_semaphore, #tpu.memory_space<semaphore_mem>>) src(%arg17 : memref<1x8x1024xf32, #tpu.memory_space<vmem>>) dst(%dma_wait3A_1437 : memref<1x8x1024xf32, #tpu.memory_space<hbm>>)
        tpu.yield
      }) : () -> ()
      "tpu.trace_stop"() : () -> ()
    } else {
    }
    return
  }
}

</mosaic_0001>

<sc_bundles>
// kernel: kernel.3.cloned.1.call-start
scs
__scs_entry_jumppad:
0x0: {  	(pc) =	sbr.rel $0x88, $3  }
0x1: {  	(tag) =	ssettag $0x0;
	lr =	simm.s32 $0x1  }
0x2: {  	[smem:$0x3F9D] =	sst lr;
	_ =	strace $0xD0000000  }
0x3: {  	_ = 	snop  }
0x4: {  	_ = 	snop  }
0x5: {  	_ = 	snop  }
0x6: {  	_ = 	snop  }
0x7: {  	_ = 	snop  }
__scs_overlays_trampoline_lowered:
0x8: {  	[smem:$0x3FAC] =	sst s0  }
0x9: {  	[smem:$0x3FAD] =	sst s1  }
0xa: {  	[smem:$0x3FAE] =	sst s2  }
0xb: {  	[smem:$0x3FAF] =	sst s3  }
0xc: {  	[smem:$0x3FB0] =	sst s4  }
0xd: {  	[smem:$0x3FB1] =	sst s5  }
0xe: {  	[smem:$0x3FB2] =	sst s6  }
0xf: {  	[smem:$0x3FB3] =	sst s7  }
0x10: {  	[smem:$0x3FB4] =	sst s8  }
0x11: {  	[smem:$0x3FB5] =	sst s9;
	s0 =	simm.s32 @!p0 $0x0  }
0x12: {  	s1 =	sld [smem:$0x3F9B];
	s0 =	simm.s32 @p0 $0x1  }
0x13: {  	[smem:$0x3FB6] =	sst s0;
	s0 =	simm.s32 @!p1 $0x0  }
0x14: {  	s2 =	sld [smem:$0x3F9A];
	s0 =	simm.s32 @p1 $0x1  }
0x15: {  	[smem:$0x3FB7] =	sst s0;
	s0 =	simm.s32 @!p2 $0x0  }
0x16: {  	s3 =	sld [smem:$0x3FDB];
	s0 =	simm.s32 @p2 $0x1  }
0x17: {  	s4 =	simm.s32 $0x1BF5;
	[smem:$0x3FB9] =	sst s0  }
0x18: {  	s0 =	sld [smem:$0x3F9C];
	_ =	swait.ge [sflag:s4], $0x0  }
0x19: {  	s7 =	sld [smem:$0x3F9D]  }
0x1a: {  	s8 =	sadd.s32 $0xFFFFE003, lr  }
0x1b: {  	s9 =	sadd.s32 $0xFFFFFEF7, lr;
	s5 =	simm.s32 $0xFFFFFFFF;
	p2 =	slt.u32 s8, $0xFFFFF086  }
0x1c: {  	p1 =	slt.u32 s9, $0xF7A;
	s5 =	simm.s32 @!p2 $0x0  }
0x1d: {  	s5 =	simm.s32 @p1 $0x1;
	p0 =	seq.s32 s7, s2  }
0x1e: {  	s7 =	smul.u32 @!p0 $0xF7A, s2;
	p2 =	seq.s32 @!p0 s5, $0x0  }
0x1f: {  	s9 =	smul.u32 $0xF7A, s1;
	s8 =	simm.s32 @!p0 $0x1BF5;
	p2 =	por !p2, p0  }
0x20: {  	[sflag:s8] =	ssyncset.s32 @!p0 $0xFFFFF086;
	s6 =	sadd.s32 @!p0 s3, s7;
	s7 =	simm.s32 @!p0 $0x108  }
0x21: {  	s3 =	sadd.s32 s3, s9;
	s6 =	sadd.s32 @!p0 $0x88, s6;
	s7 =	simm.s32 @p2 $0x1082  }
0x22: {  	[simem:s7], [sflag:s8] =	dma.local @!p0 [hbm:s6], $0xF7A  }
0x23: {  	s9 =	sor.u32 $0xD0000000, s2;
	s6 =	simm.s32 $0x108;
	_ =	swait.ge @!p0 [sflag:s8], $0x0  }
0x24: {  	s3 =	sadd.s32 $0x88, s3;
	s6 =	simm.s32 @!p1 $0x1082;
	[sflag:s4] =	ssyncset.s32 $0xFFFFF086  }
0x25: {  	[simem:s6], [sflag:s4] =	dma.local [hbm:s3], $0xF7A  }
0x26: {  	[smem:$0x3F9D] =	sst s1;
	(tag) =	ssettag s2;
	_ =	strace s9  }
0x27: {  	s1 =	sld [smem:$0x3FAD]  }
0x28: {  	s2 =	sld [smem:$0x3FAE]  }
0x29: {  	s4 =	sld [smem:$0x3FB0]  }
0x2a: {  	p0 =	seq.s32 s5, $0x0;
	s5 =	sld [smem:$0x3FB1]  }
0x2b: {  	s6 =	sld [smem:$0x3FB2]  }
0x2c: {  	s7 =	sld [smem:$0x3FB3]  }
0x2d: {  	s3 =	simm.s32 $0x108;
	s8 =	sld [smem:$0x3FB4]  }
0x2e: {  	s3 =	simm.s32 @!p0 $0x1082;
	s9 =	sld [smem:$0x3FB5]  }
0x2f: {  	lr =	sadd.s32 s0, s3;
	s0 =	sld [smem:$0x3FAC]  }
0x30: {  	s3 =	sld [smem:$0x3FAF]  }
0x31: {  	[smem:$0x3FB8] =	sst s10  }
0x32: {  	s10 =	sld [smem:$0x3FB6];
	_ =	sdelay $0x3  }
0x33: {  	p0 =	seq.s32 s10, $0x1;
	s10 =	sld [smem:$0x3FB8];
	_ =	sdelay $0x3  }
0x34: {  	[smem:$0x3FB8] =	sst s10  }
0x35: {  	s10 =	sld [smem:$0x3FB7];
	_ =	sdelay $0x3  }
0x36: {  	p1 =	seq.s32 s10, $0x1;
	s10 =	sld [smem:$0x3FB8];
	_ =	sdelay $0x3  }
0x37: {  	[smem:$0x3FB8] =	sst s10  }
0x38: {  	s10 =	sld [smem:$0x3FB9]  }
0x39: {  	_ = 	snop;
	(pc) =	sbr.ind lr, $3  }
0x3a: {  	_ = 	snop  }
0x3b: {  	_ = 	snop  }
0x3c: {  	p2 =	seq.s32 s10, $0x1;
	s10 =	sld [smem:$0x3FB8]  }
0x3d: {  	_ =	shalt  }
0x3e: {  	_ =	shalt  }
0x3f: {  	_ =	shalt  }
0x40: {  	_ =	shalt  }
0x41: {  	_ =	shalt  }
0x42: {  	_ =	shalt  }
0x43: {  	_ =	shalt  }
0x44: {  	_ =	shalt  }
0x45: {  	_ =	shalt  }
0x46: {  	_ =	shalt  }
0x47: {  	_ =	shalt  }
0x48: {  	_ =	shalt  }
0x49: {  	_ =	shalt  }
0x4a: {  	_ =	shalt  }
0x4b: {  	_ =	shalt  }
0x4c: {  	_ =	shalt  }
0x4d: {  	_ =	shalt  }
0x4e: {  	_ =	shalt  }
0x4f: {  	_ =	shalt  }
0x50: {  	_ =	shalt  }
0x51: {  	_ =	shalt  }
0x52: {  	_ =	shalt  }
0x53: {  	_ =	shalt  }
0x54: {  	_ =	shalt  }
0x55: {  	_ =	shalt  }
0x56: {  	_ =	shalt  }
0x57: {  	_ =	shalt  }
0x58: {  	_ =	shalt  }
0x59: {  	_ =	shalt  }
0x5a: {  	_ =	shalt  }
0x5b: {  	_ =	shalt  }
0x5c: {  	_ =	shalt  }
0x5d: {  	_ =	shalt  }
0x5e: {  	_ =	shalt  }
0x5f: {  	_ =	shalt  }
0x60: {  	_ =	shalt  }
0x61: {  	_ =	shalt  }
0x62: {  	_ =	shalt  }
0x63: {  	_ =	shalt  }
0x64: {  	_ =	shalt  }
0x65: {  	_ =	shalt  }
0x66: {  	_ =	shalt  }
0x67: {  	_ =	shalt  }
0x68: {  	_ =	shalt  }
0x69: {  	_ =	shalt  }
0x6a: {  	_ =	shalt  }
0x6b: {  	_ =	shalt  }
0x6c: {  	_ =	shalt  }
0x6d: {  	_ =	shalt  }
0x6e: {  	_ =	shalt  }
0x6f: {  	_ =	shalt  }
0x70: {  	_ =	shalt  }
0x71: {  	_ =	shalt  }
0x72: {  	_ =	shalt  }
0x73: {  	_ =	shalt  }
0x74: {  	_ =	shalt  }
0x75: {  	_ =	shalt  }
0x76: {  	_ =	shalt  }
0x77: {  	_ =	shalt  }
0x78: {  	_ =	shalt  }
0x79: {  	_ =	shalt  }
0x7a: {  	_ =	shalt  }
0x7b: {  	_ =	shalt  }
0x7c: {  	_ =	shalt  }
0x7d: {  	_ =	shalt  }
0x7e: {  	_ =	shalt  }
0x7f: {  	_ =	shalt  }
0x80: {  	_ =	shalt  }
0x81: {  	_ =	shalt  }
0x82: {  	_ =	shalt  }
0x83: {  	_ =	shalt  }
0x84: {  	_ =	shalt  }
0x85: {  	_ =	shalt  }
0x86: {  	_ =	shalt  }
0x87: {  	_ =	shalt  }
.Lfunc_end0:
.L_simem_size_0:
called_computation_lowered:
.L_overlay_start_0:
0x88: {  	s2 =	sld [smem:$0x3FD9]  }
0x89: {  	s3 =	sld [smem:$0x3FFE];
	_ =	sdelay $0x1  }
0x8a: {  	s1 =	srdreg.scid  }
0x8b: {  	s0 =	sand.u32 $0x1, s1  }
0x8c: {  	s17 =	sshll.u32 s0, $0xA;
	s2 =	sadd.s32 s3, s2  }
0x8d: {  	s2 =	sadd.s32 s2, s17  }
0x8e: {  	[smem:$0x3FC4] =	sst s2  }
0x8f: {  	_ = 	snop  }
0x90: {  	s2 =	sld [smem:$0x3FC9]  }
0x91: {  	s18 =	sld [smem:$0x3FC7]  }
0x92: {  	s4 =	sld [smem:$0x3FD0];
	(tm) =	ssettm $0x1  }
0x93: {  	s5 =	sld [smem:$0x3FFB];
	_ =	sdelay $0x3  }
0x94: {  	_ =	strace s5  }
0x95: {  	s5 =	sld [smem:$0x3FFC];
	_ =	sdelay $0x3  }
0x96: {  	_ =	strace s5  }
0x97: {  	s5 =	sld [smem:$0x3FFD];
	_ =	sdelay $0x3  }
0x98: {  	_ =	strace s5  }
0x99: {  	_ =	strace $0x8FFFFFFF  }
0x9a: {  	s19 =	sld [smem:$0x3FDB];
	_ =	sdelay $0x1  }
0x9b: {  	s6 =	simm.s32 $_scs_section_size  }
0x9c: {  	s7 =	simm.s32 $_size__tile_overlayer_lowered;
	s8 =	simm.s32 $_tile_overlayer_lowered  }
0x9d: {  	s22 =	simm.s32 $0x1BFF;
	s21 =	sshll.u32 s8, $0x1;
	s5 =	sadd.s32 s6, s19  }
0x9e: {  	s9 =	simm.s32 $0x0;
	s20 =	sshll.u32 s7, $0x1;
	s7 =	sadd.s32 s21, s5  }
0x9f: {  	[timem:s9], [sflag:s22] =	dma.local [hbm:s7], s20  }
0xa0: {  	_ =	swait.ge [sflag:s22], s20  }
0xa1: {  	s6 =	ssub.s32 $0x0, s20;
	[sflag:s22] =	ssyncset.done $0x0  }
0xa2: {  	[sflag:s22] =	ssyncadd.s32 s6;
	_ =	sdelay $0x1  }
0xa3: {  	s23 =	simm.s32 $0x1B8B  }
0xa4: {  	_ =	swait.ge [sflag:s23], $0x1  }
0xa5: {  	[sflag:s23] =	ssyncset.done $0x0  }
0xa6: {  	s25 =	simm.s32 $0x1B8E;
	s24 =	sld [smem:$0x3FFE];
	[sflag:s23] =	ssyncadd.s32 $0xFFFFFFFF  }
0xa7: {  	s26 =	simm.s32 $execute0_lowered;
	[smem:$0x3FD2] =	sst s25  }
0xa8: {  	s7 =	sshll.u32 s26, $0x1;
	_ =	strace $0x80000046;
	[dreg:$0x1] =	wrdreg $0xFFFFFFFF  }
0xa9: {  	s28 =	simm.s32 $_size_execute0_lowered;
	s5 =	sadd.s32 s5, s7;
	[dreg:$0x0] =	wrdreg $0x0  }
0xaa: {  	s7 =	sshll.u32 s28, $0x1;
	[dreg:$0x2] =	wrdreg s5  }
0xab: {  	[dreg:$0x3] =	wrdreg s7  }
0xac: {  	[dreg:$0x4] =	wrdreg $0xC0  }
0xad: {  	_ =	task [dreg:s9], $0x5FFFF  }
0xae: {  	[dreg:$0x1] =	wrdreg $0xFFFFFFFF  }
0xaf: {  	[dreg:$0x0] =	wrdreg $0x60  }
0xb0: {  	[dreg:$0x2] =	wrdreg s2  }
0xb1: {  	[dreg:$0x3] =	wrdreg s24  }
0xb2: {  	[dreg:$0x4] =	wrdreg s18  }
0xb3: {  	[dreg:$0x5] =	wrdreg s4  }
0xb4: {  	[dreg:$0x6] =	wrdreg $0x13C800  }
0xb5: {  	[dreg:$0x7] =	wrdreg $0x13C900  }
0xb6: {  	[dreg:$0x8] =	wrdreg $0x13CA00  }
0xb7: {  	[dreg:$0x9] =	wrdreg $0x9  }
0xb8: {  	_ =	task.clear_ibuf [dreg:s9], $0xAFFFF;
	_ =	strace $0x90000046  }
0xb9: {  	s29 =	simm.s32 $0x9;
	_ =	strace $0x8000004D  }
0xba: {  	_ =	swait.ge [sflag:s29], $0x1  }
0xbb: {  	[sflag:s29] =	ssyncadd.s32 $0xFFFFFFFF  }
0xbc: {  	_ =	strace $0x9000004D  }
0xbd: {  	_ =	sfence  }
0xbe: {  	s30 =	sld [smem:$0x0];
	_ =	sdelay $0x2  }
0xbf: {  	s31 =	sshll.u32 s1, $0xD;
	s1 =	sshrl.u32 s1, $0x2  }
0xc0: {  	s3 =	sand.u32 $0x4000, s31;
	s1 =	sadd.s32 s1, s30  }
0xc1: {  	s0 =	sor.u32 s3, s0;
	s1 =	sshll.u32 s1, $0x11  }
0xc2: {  	s0 =	sor.u32 s1, s0  }
0xc3: {  	s0 =	sadd.s32 $0x8F2B, s0  }
0xc4: {  	[sflag:s0] =	ssyncadd.remote.s32 $0x1  }
0xc5: {  	_ =	sfence.sel $0xFFFF  }
0xc6: {  	[dreg:$0x0] =	wrdreg $0xFFFFFFFF;
	(pc) =	sbr.abs _section_cstart, $3  }
0xc7: {  	[dreg:$0x1] =	wrdreg $0xFFFFFFFF  }
0xc8: {  	_ =	task.clear_ibuf [dreg:s9], $0x2FFFF;
	_ =	strace $0x9FFFFFFF  }
0xc9: {  	(tm) =	ssettm $0x7FFFFFFF  }
tec
execute0_lowered:
.L_overlay_start_1:
0x0: {  	(tag) =	ssettag $0x1  }
0x1: {  	s0 =	rddreg [dreg:$0x1]  }
0x2: {  	s1 =	rddreg [dreg:$0x3]  }
0x3: {  	s3 =	rddreg [dreg:$0x4]  }
0x4: {  	s6 =	rddreg [dreg:$0x5]  }
0x5: {  	s16 =	rddreg [dreg:$0x6];
	v0 =	vimm.s32 $0xFEDCBA98;
	v1 =	vimm.s32 $0x76543210;
	v2 =	vimm.s32 $0xBA98FEDC  }
0x6: {  	s7 =	simm.s32 $0x0;
	s17 =	stileid.u32;
	s4 =	srdreg.scid;
	v3 =	vimm.s32 $0x32107654;
	v4 =	vimm.s32 $0xDCFE98BA;
	v5 =	vimm.s32 $0x54761032  }
0x7: {  	v6 =	vimm.s32 $0xEFCDAB89;
	v7 =	vimm.s32 $0x67452301;
	s20 =	simm.s32 $0x6;
	s28 =	simm.s32 $0x11480;
	s29 =	simm.s32 $0x1;
	v0 =	vunpack.c.l.s4.s8 v0  }
0x8: {  	s30 =	simm.s32 $0x3;
	s31 =	simm.s32 $0x4;
	[smem:$0x7FF] =	sst s7;
	v1 =	vunpack.c.l.s4.s8 v1;
	v2 =	vunpack.c.l.s4.s8 v2;
	v3 =	vunpack.c.l.s4.s8 v3  }
0x9: {  	s2 =	sshll.u32 s17, $0x9;
	s5 =	sshll.u32 s17, $0xD;
	s4 =	sand.u32 $0x1, s4;
	v4 =	vunpack.c.l.s4.s8 v4;
	v5 =	vunpack.c.l.s4.s8 v5;
	v6 =	vunpack.c.l.s4.s8 v6  }
0xa: {  	s10 =	sshll.u32 s17, $0xA;
	s24 =	sshll.u32 s17, $0x4;
	v7 =	vunpack.c.l.s4.s8 v7;
	p0 =	sgt.u32 s17, $0x3;
	v0 =	vunpack.c.0.s8.s32 v0;
	v2 =	vunpack.c.0.s8.s32 v2  }
0xb: {  	_ =	strace $0x80000047;
	s2 =	sadd.s32 s2, s0;
	s0 =	sadd.s32 s5, s0;
	v3 =	vunpack.c.0.s8.s32 v3;
	v4 =	vunpack.c.0.s8.s32 v4;
	v1 =	vunpack.c.0.s8.s32 v1  }
0xc: {  	s21 =	ssub.s32 $0x2, s4;
	s23 =	sshll.u32 s4, $0x2;
	s14 =	sadd.s32 s24, s3;
	v5 =	vunpack.c.0.s8.s32 v5;
	v6 =	vunpack.c.0.s8.s32 v6;
	v0 =	vand.u32 $0xF, v0  }
0xd: {  	s15 =	sadd.s32 s24, s6;
	s16 =	sadd.s32 s24, s16;
	s5 =	simm.s32 $0x5;
	v7 =	vunpack.c.0.s8.s32 v7;
	v2 =	vcombine.low v3, v2;
	v0 =	vcombine.low v0, v1  }
0xe: {  	s4 =	simm.s32 $0x0;
	s8 =	sadd.s32 $0x20600, s2;
	s9 =	sadd.s32 $0x600, s0;
	v58 =	vcombine.low v5, v4  }
.Ltmp0:
0xf: {  	v63 =	vlaneseq.u32;
	s11 =	sadd.s32 $0xE00, s0;
	s22 =	sshrl.u32 s21, $0x1;
	v59 =	vcombine.low v7, v6;
	v60 =	vand.u32 $0xF, v2;
	[tilespmem:$0x1FFB0] =	vst v0;
	(pc) =	sbr.rel .LBB2_1-.Ltmp0, $4  }
0x10: {  	s12 =	sadd.s32 $0x1600, s0;
	s13 =	sadd.s32 $0x1E00, s0;
	s0 =	sadd.s32 s17, s23;
	v61 =	vand.u32 $0xF, v58;
	[tilespmem:$0x1FFC0] =	vst v60;
	v0 =	vshrl.u32 v63, $0x1  }
0x11: {  	s2 =	ssub.s32 s21, s22;
	s25 =	sshll.u32 s0, $0x3;
	s0 =	sshll.u32 s0, $0xA;
	v62 =	vand.u32 $0xF, v59;
	[tilespmem:$0x1FFD0] =	vst v61;
	v0 =	vmul.u32 $0x80, v0  }
0x12: {  	vm0 =	vmmov $0x1;
	s22 =	simm.s32 $0x1400;
	s26 =	sor.u32 $0x11C00, s25;
	s18 =	sadd.s32 s1, s0;
	[tilespmem:$0x1FFE0] =	vst v62  }
0x13: {  	vm1 =	vcmask $0x310;
	vm2 =	vcmask $0x710;
	vm3 =	vcmask $0xB10;
	s19 =	smax.u32 s2, $0x1;
	[dreg:$0x8] =	wrdreg s26;
	s26 =	simm.s32 $0x11400;
	[tilespmem:$0x1FFF0] =	vst v0  }
.LBB2_23:
0x14: {  	s4 =	sadd.s32 $0x1, s4  }
0x15: {  	p1 =	sne.s32 s4, s19  }
.Ltmp1:
0x16: {  	_ = 	snop;
	(pc) =	sbr.rel @!p1 .LBB2_24-.Ltmp1, $1  }
0x17: {  	_ =	sdelay $0x3  }
.LBB2_1:
0x18: {  	_ =	strace $0x80000048  }
0x19: {  	s0 =	rddreg [dreg:$0x0]  }
0x1a: {  	[tilespmem:s7], [sflag:$0x6] =	stream.linear.gather [hbm4b:s0+s7], $0x400, $0x200038;
	[tilespmem:$0x13CB0] =	vst v63  }
0x1b: {  	_ =	swait.ge [sflag:s20], $0x400  }
0x1c: {  	[sflag:s20] =	ssyncset.done $0x0  }
0x1d: {  	s2 =	simm.s32 $0x400;
	[sflag:s20] =	ssyncadd.s32 $0xFFFFFC00  }
0x1e: {  	[tilespmem:s2], [sflag:$0x6] =	stream.linear.gather [hbm4b:s8+s7], $0x1000, $0x200038;
	[tilespmem:$0x13CB0] =	vst v63  }
0x1f: {  	_ =	swait.ge [sflag:s20], $0x1000  }
0x20: {  	[sflag:s20] =	ssyncset.done $0x0  }
0x21: {  	[sflag:s20] =	ssyncadd.s32 $0xFFFFF000  }
0x22: {  	[tilespmem:s22], [sflag:$0x1] =	stream.linear.gather [hbm4b:s9+s7], $0x4000, $0x200038;
	[tilespmem:$0x13CB0] =	vst v63  }
0x23: {  	s3 =	simm.s32 $0x5400  }
0x24: {  	[tilespmem:s3], [sflag:$0x2] =	stream.linear.gather [hbm4b:s11+s7], $0x4000, $0x200038;
	[tilespmem:$0x13CB0] =	vst v63  }
0x25: {  	s6 =	simm.s32 $0x9400  }
0x26: {  	[tilespmem:s6], [sflag:$0x3] =	stream.linear.gather [hbm4b:s12+s7], $0x4000, $0x200038;
	[tilespmem:$0x13CB0] =	vst v63  }
0x27: {  	s17 =	simm.s32 $0xD400  }
0x28: {  	[tilespmem:s17], [sflag:$0x4] =	stream.linear.gather [hbm4b:s13+s7], $0x4000, $0x200038;
	[tilespmem:$0x13CB0] =	vst v63  }
0x29: {  	_ =	strace $0x90000048  }
0x2a: {  	_ =	strace $0x80000049  }
0x2b: {  	v0 =	vld [tilespmem:$0xC40];
	_ =	sdelay $0x4  }
0x2c: {  	[tilespmem:$0x1F940] =	vst v0;
	v0 =	vld [tilespmem:$0x1040];
	_ =	sdelay $0x4  }
0x2d: {  	[tilespmem:$0x1F950] =	vst v0;
	v0 =	vld [tilespmem:$0x850];
	_ =	sdelay $0x4  }
0x2e: {  	[tilespmem:$0x1F960] =	vst v0;
	v0 =	vld [tilespmem:$0xC50];
	_ =	sdelay $0x4  }
0x2f: {  	[tilespmem:$0x1F970] =	vst v0;
	v0 =	vld [tilespmem:$0x1050];
	_ =	sdelay $0x4  }
0x30: {  	[tilespmem:$0x1F980] =	vst v0;
	v0 =	vld [tilespmem:$0x860];
	_ =	sdelay $0x4  }
0x31: {  	[tilespmem:$0x1F990] =	vst v0;
	v0 =	vld [tilespmem:$0xC60];
	_ =	sdelay $0x4  }
0x32: {  	[tilespmem:$0x1F9A0] =	vst v0;
	v0 =	vld [tilespmem:$0x1060];
	_ =	sdelay $0x4  }
0x33: {  	[tilespmem:$0x1F9B0] =	vst v0;
	v0 =	vld [tilespmem:$0x870];
	_ =	sdelay $0x4  }
0x34: {  	[tilespmem:$0x1F9C0] =	vst v0;
	v0 =	vld [tilespmem:$0xC70];
	_ =	sdelay $0x2  }
0x35: {  	v45 =	vld [tilespmem:$0x0]  }
0x36: {  	v42 =	vld [tilespmem:$0x400]  }
0x37: {  	[tilespmem:$0x1F9D0] =	vst v0;
	v0 =	vld [tilespmem:$0x1070]  }
0x38: {  	v20 =	vld [tilespmem:$0x800]  }
0x39: {  	v25 =	vld [tilespmem:$0xC00]  }
0x3a: {  	v36 =	vld [tilespmem:$0x1000]  }
0x3b: {  	v26 =	vld [tilespmem:$0x10]  }
0x3c: {  	[tilespmem:$0x1F9E0] =	vst v0;
	v0 =	vld [tilespmem:$0x880]  }
0x3d: {  	v51 =	vld [tilespmem:$0x410]  }
0x3e: {  	v23 =	vld [tilespmem:$0x810]  }
0x3f: {  	v28 =	vld [tilespmem:$0xC10]  }
0x40: {  	v38 =	vld [tilespmem:$0x1010]  }
0x41: {  	[tilespmem:$0x1F9F0] =	vst v0;
	v0 =	vld [tilespmem:$0xC80]  }
0x42: {  	v9 =	vld [tilespmem:$0x20]  }
0x43: {  	v10 =	vld [tilespmem:$0x420]  }
0x44: {  	v40 =	vld [tilespmem:$0x820]  }
0x45: {  	v50 =	vld [tilespmem:$0xC20]  }
0x46: {  	[tilespmem:$0x1FA00] =	vst v0;
	v0 =	vld [tilespmem:$0x1080]  }
0x47: {  	v47 =	vld [tilespmem:$0x1020]  }
0x48: {  	v11 =	vld [tilespmem:$0x30]  }
0x49: {  	v8 =	vld [tilespmem:$0x430]  }
0x4a: {  	v57 =	vld [tilespmem:$0x830]  }
0x4b: {  	[tilespmem:$0x1FA10] =	vst v0;
	v0 =	vld [tilespmem:$0x890]  }
0x4c: {  	v60 =	vld [tilespmem:$0xC30]  }
0x4d: {  	v62 =	vld [tilespmem:$0x1030]  }
0x4e: {  	v1 =	vld [tilespmem:$0x40]  }
0x4f: {  	v7 =	vld [tilespmem:$0x440]  }
0x50: {  	[tilespmem:$0x1FA20] =	vst v0;
	v0 =	vld [tilespmem:$0xC90]  }
0x51: {  	v61 =	vld [tilespmem:$0x840]  }
0x52: {  	v14 =	vld [tilespmem:$0x50]  }
0x53: {  	v12 =	vld [tilespmem:$0x450]  }
0x54: {  	v56 =	vld [tilespmem:$0x60]  }
0x55: {  	[tilespmem:$0x1FA30] =	vst v0;
	v0 =	vld [tilespmem:$0x1090]  }
0x56: {  	v13 =	vld [tilespmem:$0x460]  }
0x57: {  	v35 =	vld [tilespmem:$0x70]  }
0x58: {  	v15 =	vld [tilespmem:$0x470]  }
0x59: {  	v21 =	vld [tilespmem:$0x80]  }
0x5a: {  	[tilespmem:$0x1FA40] =	vst v0;
	v0 =	vld [tilespmem:$0x8A0]  }
0x5b: {  	v17 =	vld [tilespmem:$0x480]  }
0x5c: {  	v3 =	vld [tilespmem:$0x90]  }
0x5d: {  	v18 =	vld [tilespmem:$0x490]  }
0x5e: {  	v24 =	vld [tilespmem:$0xA0]  }
0x5f: {  	v19 =	vld [tilespmem:$0x4A0];
	[tilespmem:$0x1FA50] =	vst v0  }
0x60: {  	v0 =	vld [tilespmem:$0xCA0];
	_ =	sdelay $0x4  }
0x61: {  	[tilespmem:$0x1FA60] =	vst v0;
	v0 =	vld [tilespmem:$0x10A0];
	_ =	sdelay $0x4  }
0x62: {  	[tilespmem:$0x1FA70] =	vst v0;
	v0 =	vld [tilespmem:$0x8B0];
	_ =	sdelay $0x4  }
0x63: {  	[tilespmem:$0x1FA90] =	vst v0;
	v0 =	vld [tilespmem:$0xCB0];
	_ =	sdelay $0x4  }
0x64: {  	[tilespmem:$0x1FAA0] =	vst v0;
	v0 =	vld [tilespmem:$0x10B0];
	_ =	sdelay $0x4  }
0x65: {  	[tilespmem:$0x1FAC0] =	vst v0;
	v0 =	vld [tilespmem:$0x8C0];
	_ =	sdelay $0x4  }
0x66: {  	[tilespmem:$0x1FAD0] =	vst v0;
	v0 =	vld [tilespmem:$0xCC0];
	_ =	sdelay $0x4  }
0x67: {  	[tilespmem:$0x1FAF0] =	vst v0;
	v0 =	vld [tilespmem:$0x10C0];
	_ =	sdelay $0x4  }
0x68: {  	[tilespmem:$0x1FB00] =	vst v0;
	v0 =	vld [tilespmem:$0x8D0];
	_ =	sdelay $0x4  }
0x69: {  	[tilespmem:$0x1FB20] =	vst v0;
	v0 =	vld [tilespmem:$0xCD0];
	_ =	sdelay $0x4  }
0x6a: {  	[tilespmem:$0x1FB30] =	vst v0;
	v0 =	vld [tilespmem:$0x10D0];
	_ =	sdelay $0x4  }
0x6b: {  	[tilespmem:$0x1FB50] =	vst v0;
	v0 =	vld [tilespmem:$0x8E0];
	_ =	sdelay $0x4  }
0x6c: {  	[tilespmem:$0x1FB60] =	vst v0;
	v0 =	vld [tilespmem:$0xCE0];
	_ =	sdelay $0x4  }
0x6d: {  	[tilespmem:$0x1FB80] =	vst v0;
	v0 =	vld [tilespmem:$0x10E0];
	_ =	sdelay $0x4  }
0x6e: {  	[tilespmem:$0x1FB90] =	vst v0;
	v0 =	vld [tilespmem:$0x8F0];
	_ =	sdelay $0x4  }
0x6f: {  	[tilespmem:$0x1FBB0] =	vst v0;
	v0 =	vld [tilespmem:$0xCF0];
	_ =	sdelay $0x4  }
0x70: {  	[tilespmem:$0x1FBC0] =	vst v0;
	v0 =	vld [tilespmem:$0x10F0];
	_ =	sdelay $0x4  }
0x71: {  	[tilespmem:$0x1FBE0] =	vst v0;
	v0 =	vld [tilespmem:$0x900];
	_ =	sdelay $0x4  }
0x72: {  	[tilespmem:$0x1FBF0] =	vst v0;
	v0 =	vld [tilespmem:$0xD00];
	_ =	sdelay $0x4  }
0x73: {  	[tilespmem:$0x1FC10] =	vst v0;
	v0 =	vld [tilespmem:$0x1100];
	_ =	sdelay $0x4  }
0x74: {  	[tilespmem:$0x1FC20] =	vst v0;
	v0 =	vld [tilespmem:$0x910];
	_ =	sdelay $0x4  }
0x75: {  	[tilespmem:$0x1FC40] =	vst v0;
	v0 =	vld [tilespmem:$0xD10];
	_ =	sdelay $0x4  }
0x76: {  	[tilespmem:$0x1FC50] =	vst v0;
	v0 =	vld [tilespmem:$0x1110];
	_ =	sdelay $0x4  }
0x77: {  	[tilespmem:$0x1FC70] =	vst v0;
	v0 =	vld [tilespmem:$0x920];
	_ =	sdelay $0x4  }
0x78: {  	[tilespmem:$0x1FC60] =	vst v0;
	v0 =	vld [tilespmem:$0xD20];
	_ =	sdelay $0x4  }
0x79: {  	[tilespmem:$0x1FC80] =	vst v0;
	v0 =	vld [tilespmem:$0x1120];
	_ =	sdelay $0x4  }
0x7a: {  	[tilespmem:$0x1FCB0] =	vst v0;
	v0 =	vld [tilespmem:$0x930];
	_ =	sdelay $0x4  }
0x7b: {  	[tilespmem:$0x1FC90] =	vst v0;
	v0 =	vld [tilespmem:$0xD30];
	_ =	sdelay $0x4  }
0x7c: {  	[tilespmem:$0x1FCC0] =	vst v0;
	v0 =	vld [tilespmem:$0x1130];
	_ =	sdelay $0x4  }
0x7d: {  	[tilespmem:$0x1FCF0] =	vst v0;
	v0 =	vld [tilespmem:$0x540];
	_ =	sdelay $0x4  }
0x7e: {  	[tilespmem:$0x1FA80] =	vst v0;
	v0 =	vld [tilespmem:$0x940];
	_ =	sdelay $0x4  }
0x7f: {  	[tilespmem:$0x1FCA0] =	vst v0;
	v0 =	vld [tilespmem:$0xD40];
	_ =	sdelay $0x4  }
0x80: {  	[tilespmem:$0x1FD00] =	vst v0;
	v0 =	vld [tilespmem:$0x1140];
	_ =	sdelay $0x4  }
0x81: {  	[tilespmem:$0x1FD30] =	vst v0;
	v0 =	vld [tilespmem:$0x550];
	_ =	sdelay $0x4  }
0x82: {  	[tilespmem:$0x1FAB0] =	vst v0;
	v0 =	vld [tilespmem:$0x950];
	_ =	sdelay $0x4  }
0x83: {  	[tilespmem:$0x1FCD0] =	vst v0;
	v0 =	vld [tilespmem:$0xD50];
	_ =	sdelay $0x4  }
0x84: {  	[tilespmem:$0x1FD40] =	vst v0;
	v0 =	vld [tilespmem:$0x1150];
	_ =	sdelay $0x4  }
0x85: {  	[tilespmem:$0x1FD80] =	vst v0;
	v0 =	vld [tilespmem:$0x560];
	_ =	sdelay $0x4  }
0x86: {  	[tilespmem:$0x1FAE0] =	vst v0;
	v0 =	vld [tilespmem:$0x960];
	_ =	sdelay $0x4  }
0x87: {  	[tilespmem:$0x1FCE0] =	vst v0;
	v0 =	vld [tilespmem:$0xD60];
	_ =	sdelay $0x4  }
0x88: {  	[tilespmem:$0x1FD70] =	vst v0;
	v0 =	vld [tilespmem:$0x1160];
	_ =	sdelay $0x4  }
0x89: {  	[tilespmem:$0x1FDE0] =	vst v0;
	v0 =	vld [tilespmem:$0x570];
	_ =	sdelay $0x4  }
0x8a: {  	[tilespmem:$0x1FB10] =	vst v0;
	v0 =	vld [tilespmem:$0x970];
	_ =	sdelay $0x4  }
0x8b: {  	[tilespmem:$0x1FD10] =	vst v0;
	v0 =	vld [tilespmem:$0xD70];
	_ =	sdelay $0x4  }
0x8c: {  	[tilespmem:$0x1FDA0] =	vst v0;
	v0 =	vld [tilespmem:$0x1170];
	_ =	sdelay $0x4  }
0x8d: {  	[tilespmem:$0x1FE40] =	vst v0;
	v0 =	vld [tilespmem:$0x580];
	_ =	sdelay $0x4  }
0x8e: {  	[tilespmem:$0x1FB40] =	vst v0;
	v0 =	vld [tilespmem:$0x980];
	_ =	sdelay $0x4  }
0x8f: {  	[tilespmem:$0x1FD20] =	vst v0;
	v0 =	vld [tilespmem:$0xD80];
	_ =	sdelay $0x4  }
0x90: {  	[tilespmem:$0x1FDD0] =	vst v0;
	v0 =	vld [tilespmem:$0x1180];
	_ =	sdelay $0x4  }
0x91: {  	[tilespmem:$0x1FE70] =	vst v0;
	v0 =	vld [tilespmem:$0x590];
	_ =	sdelay $0x4  }
0x92: {  	[tilespmem:$0x1FB70] =	vst v0;
	v0 =	vld [tilespmem:$0x990];
	_ =	sdelay $0x4  }
0x93: {  	[tilespmem:$0x1FD50] =	vst v0;
	v0 =	vld [tilespmem:$0xD90];
	_ =	sdelay $0x4  }
0x94: {  	[tilespmem:$0x1FE00] =	vst v0;
	v0 =	vld [tilespmem:$0x1190];
	_ =	sdelay $0x4  }
0x95: {  	[tilespmem:$0x1FEA0] =	vst v0;
	v0 =	vld [tilespmem:$0x5A0];
	_ =	sdelay $0x4  }
0x96: {  	[tilespmem:$0x1FBA0] =	vst v0;
	v0 =	vld [tilespmem:$0x9A0];
	_ =	sdelay $0x2  }
0x97: {  	v2 =	vld [tilespmem:$0xB0]  }
0x98: {  	v22 =	vld [tilespmem:$0x4B0]  }
0x99: {  	[tilespmem:$0x1FD60] =	vst v0;
	v0 =	vld [tilespmem:$0xDA0]  }
0x9a: {  	v54 =	vld [tilespmem:$0xC0]  }
0x9b: {  	v27 =	vld [tilespmem:$0x4C0]  }
0x9c: {  	v30 =	vld [tilespmem:$0xD0]  }
0x9d: {  	v32 =	vld [tilespmem:$0x4D0]  }
0x9e: {  	[tilespmem:$0x1FE30] =	vst v0;
	v0 =	vld [tilespmem:$0x11A0]  }
0x9f: {  	v6 =	vld [tilespmem:$0xE0]  }
0xa0: {  	v37 =	vld [tilespmem:$0x4E0]  }
0xa1: {  	v33 =	vld [tilespmem:$0xF0]  }
0xa2: {  	v44 =	vld [tilespmem:$0x4F0]  }
0xa3: {  	[tilespmem:$0x1FED0] =	vst v0;
	v0 =	vld [tilespmem:$0x5B0]  }
0xa4: {  	v16 =	vld [tilespmem:$0x100]  }
0xa5: {  	v53 =	vld [tilespmem:$0x500]  }
0xa6: {  	v41 =	vld [tilespmem:$0x110]  }
0xa7: {  	v55 =	vld [tilespmem:$0x510]  }
0xa8: {  	[tilespmem:$0x1FBD0] =	vst v0;
	v0 =	vld [tilespmem:$0x9B0]  }
0xa9: {  	v46 =	vld [tilespmem:$0x120]  }
0xaa: {  	v59 =	vld [tilespmem:$0x520]  }
0xab: {  	v49 =	vld [tilespmem:$0x130]  }
0xac: {  	v63 =	vld [tilespmem:$0x530]  }
0xad: {  	[tilespmem:$0x1FD90] =	vst v0;
	v0 =	vld [tilespmem:$0xDB0]  }
0xae: {  	v52 =	vld [tilespmem:$0x140]  }
0xaf: {  	v58 =	vld [tilespmem:$0x150]  }
0xb0: {  	v48 =	vld [tilespmem:$0x160]  }
0xb1: {  	v39 =	vld [tilespmem:$0x170]  }
0xb2: {  	v4 =	vld [tilespmem:$0x11B0];
	[tilespmem:$0x1FE50] =	vst v0;
	v0 =	vmul.f32 v42, v45  }
0xb3: {  	v34 =	vld [tilespmem:$0x180]  }
0xb4: {  	v51 =	vmul.f32 v51, v26;
	v29 =	vld [tilespmem:$0x190];
	v0 =	vadd.f32 $0.0e+00, v0  }
0xb5: {  	v31 =	vld [tilespmem:$0x1A0]  }
0xb6: {  	v10 =	vmul.f32 v10, v9;
	v43 =	vld [tilespmem:$0x1B0];
	v0 =	vadd.f32 v51, v0  }
0xb7: {  	[tilespmem:$0x1FF00] =	vst v4;
	v4 =	vld [tilespmem:$0x5C0]  }
0xb8: {  	v8 =	vmul.f32 v8, v11;
	v51 =	vld [tilespmem:$0xDC0];
	v0 =	vadd.f32 v10, v0  }
0xb9: {  	v5 =	vld [tilespmem:$0x11E0]  }
0xba: {  	v0 =	vadd.f32 v8, v0;
	v8 =	vmul.f32 v20, v45;
	v20 =	vld [tilespmem:$0xDD0]  }
0xbb: {  	v10 =	vld [tilespmem:$0x5D0]  }
0xbc: {  	[tilespmem:$0x1FC00] =	vst v4;
	v4 =	vld [tilespmem:$0x9C0]  }
0xbd: {  	v7 =	vmul.f32 v7, v1;
	[tilespmem:$0x1FE60] =	vst v51;
	v51 =	vld [tilespmem:$0x11C0]  }
0xbe: {  	v12 =	vmul.f32 v12, v14;
	v47 =	vmul.f32 v47, v9;
	v42 =	vld [tilespmem:$0x1C0]  }
0xbf: {  	v0 =	vadd.f32 v7, v0;
	v7 =	vld [tilespmem:$0x1E0];
	[tilespmem:$0x1FE80] =	vst v20;
	v20 =	vmul.f32 v23, v26;
	v23 =	vmul.f32 v36, v45  }
0xc0: {  	[tilespmem:$0x1FC30] =	vst v10;
	v10 =	vld [tilespmem:$0x9D0];
	v36 =	vmul.f32 v28, v26;
	v26 =	vmul.f32 v38, v26  }
0xc1: {  	v8 =	vadd.f32 $0.0e+00, v8;
	v38 =	vmul.f32 v40, v9;
	v40 =	vmul.f32 v50, v9;
	v9 =	vld [tilespmem:$0x1F0]  }
0xc2: {  	[tilespmem:$0x1FF30] =	vst v51;
	v51 =	vld [tilespmem:$0x1D0]  }
0xc3: {  	v0 =	vadd.f32 v12, v0;
	v12 =	vmul.f32 v13, v56;
	v8 =	vadd.f32 v20, v8;
	v20 =	vld [tilespmem:$0x9E0]  }
0xc4: {  	v28 =	vadd.f32 $0.0e+00, v23;
	v23 =	vld [tilespmem:$0x9F0]  }
0xc5: {  	v15 =	vmul.f32 v15, v35;
	v0 =	vadd.f32 v12, v0;
	[tilespmem:$0x1FDC0] =	vst v10;
	v10 =	vmul.f32 v25, v45;
	v25 =	vld [tilespmem:$0x11D0]  }
0xc6: {  	v45 =	vld [tilespmem:$0x5E0]  }
0xc7: {  	v50 =	vmul.f32 v17, v21;
	v0 =	vadd.f32 v15, v0;
	v13 =	vadd.f32 v26, v28;
	v26 =	vld [tilespmem:$0x5F0]  }
0xc8: {  	v8 =	vadd.f32 v38, v8;
	v38 =	vmul.f32 v62, v11;
	v62 =	vmul.f32 v22, v2;
	v22 =	vld [tilespmem:$0x1F960]  }
0xc9: {  	v28 =	vmul.f32 v18, v3;
	v18 =	vld [tilespmem:$0x220];
	v10 =	vadd.f32 $0.0e+00, v10  }
0xca: {  	v0 =	vadd.f32 v50, v0;
	v50 =	vld [tilespmem:$0x1F940]  }
0xcb: {  	[tilespmem:$0x1FDF0] =	vst v20;
	v10 =	vadd.f32 v36, v10;
	v36 =	vld [tilespmem:$0xDE0]  }
0xcc: {  	v20 =	vmul.f32 v57, v11;
	[tilespmem:$0x1FF40] =	vst v25;
	v25 =	vmul.f32 v60, v11;
	v11 =	vld [tilespmem:$0x200]  }
0xcd: {  	v60 =	vld [tilespmem:$0x1F950]  }
0xce: {  	v13 =	vadd.f32 v47, v13;
	v10 =	vadd.f32 v40, v10;
	v40 =	vmul.f32 v61, v1;
	v61 =	vld [tilespmem:$0x11F0]  }
0xcf: {  	v47 =	vmul.f32 v19, v24;
	v0 =	vadd.f32 v28, v0;
	v8 =	vadd.f32 v20, v8;
	v20 =	vld [tilespmem:$0xA00]  }
0xd0: {  	[tilespmem:$0x1FE10] =	vst v23;
	v23 =	vmul.f32 v22, v14;
	v22 =	vld [tilespmem:$0x1F9A0]  }
0xd1: {  	v0 =	vadd.f32 v47, v0;
	v12 =	vadd.f32 v25, v10;
	v10 =	vld [tilespmem:$0x600]  }
0xd2: {  	v25 =	vld [tilespmem:$0x1F970]  }
0xd3: {  	v0 =	vadd.f32 v62, v0;
	v62 =	vld [tilespmem:$0x1200]  }
0xd4: {  	v8 =	vadd.f32 v40, v8;
	v40 =	vld [tilespmem:$0x1F980]  }
0xd5: {  	v57 =	vmul.f32 v50, v1;
	[tilespmem:$0x1FE90] =	vst v36;
	v36 =	vld [tilespmem:$0xDF0]  }
0xd6: {  	v1 =	vmul.f32 v60, v1;
	v60 =	vmul.f32 v32, v30;
	v32 =	vld [tilespmem:$0xE10]  }
0xd7: {  	v13 =	vadd.f32 v38, v13;
	v38 =	vmul.f32 v27, v54;
	v12 =	vadd.f32 v57, v12;
	v57 =	vld [tilespmem:$0x1F9E0]  }
0xd8: {  	v8 =	vadd.f32 v23, v8;
	v23 =	vmul.f32 v22, v56;
	v22 =	vld [tilespmem:$0xE60]  }
0xd9: {  	v1 =	vadd.f32 v1, v13;
	v13 =	vadd.f32 v38, v0;
	v0 =	vld [tilespmem:$0x1F990]  }
0xda: {  	v38 =	vld [tilespmem:$0x1210]  }
0xdb: {  	v28 =	vmul.f32 v25, v14;
	v47 =	vmul.f32 v40, v14;
	v14 =	vld [tilespmem:$0x210]  }
0xdc: {  	v25 =	vld [tilespmem:$0x1F9B0]  }
0xdd: {  	v40 =	vld [tilespmem:$0x1F9D0]  }
0xde: {  	[tilespmem:$0x1FEB0] =	vst v36;
	v36 =	vld [tilespmem:$0xE00]  }
0xdf: {  	v13 =	vadd.f32 v60, v13;
	v12 =	vadd.f32 v28, v12;
	v28 =	vmul.f32 v37, v6;
	[tilespmem:$0x1FEE0] =	vst v32;
	v32 =	vld [tilespmem:$0x1FA00]  }
0xe0: {  	v50 =	vmul.f32 v0, v56;
	v0 =	vld [tilespmem:$0x610]  }
0xe1: {  	v17 =	vadd.f32 v28, v13;
	v13 =	vld [tilespmem:$0x620]  }
0xe2: {  	[tilespmem:$0x1FF50] =	vst v38;
	v38 =	vld [tilespmem:$0x1FA10]  }
0xe3: {  	v12 =	vadd.f32 v23, v12;
	v23 =	vld [tilespmem:$0x640]  }
0xe4: {  	v27 =	vmul.f32 v25, v56;
	v56 =	vld [tilespmem:$0xA10]  }
0xe5: {  	v25 =	vld [tilespmem:$0x1F9F0]  }
0xe6: {  	v1 =	vadd.f32 v47, v1;
	v47 =	vmul.f32 v40, v35;
	[tilespmem:$0x1FEC0] =	vst v36;
	v36 =	vld [tilespmem:$0x1F9C0]  }
0xe7: {  	v8 =	vadd.f32 v50, v8;
	v50 =	vmul.f32 v44, v33;
	v44 =	vmul.f32 v55, v41;
	v55 =	vld [tilespmem:$0x1FA30]  }
0xe8: {  	v12 =	vadd.f32 v47, v12;
	v47 =	vld [tilespmem:$0x1220]  }
0xe9: {  	v60 =	vmul.f32 v57, v35;
	v1 =	vadd.f32 v27, v1;
	v17 =	vadd.f32 v50, v17;
	v50 =	vld [tilespmem:$0x1FA20]  }
0xea: {  	v40 =	vmul.f32 v38, v21;
	v38 =	vld [tilespmem:$0x1FA60]  }
0xeb: {  	v28 =	vmul.f32 v53, v16;
	v1 =	vadd.f32 v60, v1;
	v60 =	vmul.f32 v59, v46;
	v59 =	vld [tilespmem:$0x1FAA0]  }
0xec: {  	v27 =	vmul.f32 v25, v21;
	v25 =	vld [tilespmem:$0x1FA40]  }
0xed: {  	v17 =	vadd.f32 v28, v17;
	v28 =	vld [tilespmem:$0x1FA50]  }
0xee: {  	v37 =	vmul.f32 v36, v35;
	v35 =	vld [tilespmem:$0xA20]  }
0xef: {  	v36 =	vmul.f32 v32, v21;
	v21 =	vld [tilespmem:$0x230]  }
0xf0: {  	v57 =	vmul.f32 v55, v3;
	v55 =	vld [tilespmem:$0x1FA90]  }
0xf1: {  	v19 =	vadd.f32 v44, v17;
	v17 =	vld [tilespmem:$0x630]  }
0xf2: {  	v44 =	vld [tilespmem:$0x1FA70]  }
0xf3: {  	v8 =	vadd.f32 v37, v8;
	v37 =	vld [tilespmem:$0xE20]  }
0xf4: {  	v12 =	vadd.f32 v36, v12;
	v36 =	vmul.f32 v63, v49;
	v63 =	vld [tilespmem:$0x1230]  }
0xf5: {  	v53 =	vmul.f32 v50, v3;
	v50 =	vld [tilespmem:$0x1FA80]  }
0xf6: {  	v1 =	vadd.f32 v40, v1;
	v40 =	vmul.f32 v38, v24;
	v38 =	vld [tilespmem:$0xE40]  }
0xf7: {  	v19 =	vadd.f32 v60, v19;
	v60 =	vmul.f32 v59, v2;
	v59 =	vld [tilespmem:$0x1FB10]  }
0xf8: {  	v8 =	vadd.f32 v27, v8;
	v27 =	vmul.f32 v25, v3;
	v3 =	vld [tilespmem:$0xA30]  }
0xf9: {  	v25 =	vld [tilespmem:$0x650]  }
0xfa: {  	v19 =	vadd.f32 v36, v19;
	v36 =	vld [tilespmem:$0x1FAD0]  }
0xfb: {  	v12 =	vadd.f32 v57, v12;
	v57 =	vmul.f32 v55, v2;
	v55 =	vld [tilespmem:$0x1FB00]  }
0xfc: {  	[tilespmem:$0x1FF60] =	vst v47;
	v32 =	vmul.f32 v28, v24;
	v47 =	vmul.f32 v44, v24;
	v24 =	vld [tilespmem:$0x240]  }
0xfd: {  	v1 =	vadd.f32 v27, v1;
	v27 =	vld [tilespmem:$0x1FAB0]  }
0xfe: {  	v15 =	vadd.f32 v40, v12;
	v12 =	vld [tilespmem:$0xA40]  }
0xff: {  	v40 =	vld [tilespmem:$0x1FAE0]  }
0x100: {  	v8 =	vadd.f32 v53, v8;
	[tilespmem:$0x1FEF0] =	vst v37;
	v37 =	vld [tilespmem:$0xE30]  }
0x101: {  	v53 =	vmul.f32 v50, v52;
	v50 =	vld [tilespmem:$0x1FAF0]  }
0x102: {  	v8 =	vadd.f32 v32, v8;
	v32 =	vld [tilespmem:$0x1FAC0]  }
0x103: {  	v1 =	vadd.f32 v47, v1;
	v47 =	vld [tilespmem:$0x1240]  }
0x104: {  	v15 =	vadd.f32 v60, v15;
	v60 =	vmul.f32 v59, v39;
	v59 =	vld [tilespmem:$0x1FB70]  }
0x105: {  	v8 =	vadd.f32 v57, v8;
	v57 =	vmul.f32 v55, v54;
	v55 =	vld [tilespmem:$0x1FB60]  }
0x106: {  	v28 =	vmul.f32 v27, v58;
	v27 =	vld [tilespmem:$0x250]  }
0x107: {  	v44 =	vmul.f32 v40, v48;
	v40 =	vld [tilespmem:$0x1FB40]  }
0x108: {  	v19 =	vadd.f32 v53, v19;
	[tilespmem:$0x1FF10] =	vst v37;
	v37 =	vmul.f32 v36, v54;
	v53 =	vmul.f32 v50, v54;
	v54 =	vld [tilespmem:$0xE50]  }
0x109: {  	v2 =	vmul.f32 v32, v2;
	v32 =	vld [tilespmem:$0x1FB20]  }
0x10a: {  	[tilespmem:$0x1FF70] =	vst v47;
	v47 =	vld [tilespmem:$0x1FB50]  }
0x10b: {  	v19 =	vadd.f32 v28, v19;
	v15 =	vadd.f32 v53, v15;
	v53 =	vld [tilespmem:$0x1250]  }
0x10c: {  	v1 =	vadd.f32 v2, v1;
	v2 =	vadd.f32 v37, v8;
	v37 =	vld [tilespmem:$0x1FB30]  }
0x10d: {  	v19 =	vadd.f32 v44, v19;
	v8 =	vld [tilespmem:$0xA50]  }
0x10e: {  	v44 =	vmul.f32 v40, v34;
	v40 =	vld [tilespmem:$0x1FBB0]  }
0x10f: {  	v19 =	vadd.f32 v60, v19;
	v60 =	vmul.f32 v59, v29;
	v59 =	vld [tilespmem:$0x1FBE0];
	v36 =	vmul.f32 v32, v30  }
0x110: {  	v1 =	vadd.f32 v57, v1;
	v32 =	vld [tilespmem:$0x1FB80]  }
0x111: {  	v57 =	vmul.f32 v55, v6;
	v50 =	vmul.f32 v47, v30;
	v47 =	vld [tilespmem:$0x1FBC0];
	v2 =	vadd.f32 v36, v2  }
0x112: {  	[tilespmem:$0x1FF80] =	vst v53;
	v53 =	vld [tilespmem:$0x1FBD0]  }
0x113: {  	[tilespmem:$0x1FE20] =	vst v20;
	v20 =	vadd.f32 v57, v2;
	v2 =	vld [tilespmem:$0x1FBA0]  }
0x114: {  	[tilespmem:$0x1FF20] =	vst v38;
	v38 =	vmul.f32 v37, v30;
	v30 =	vld [tilespmem:$0x260]  }
0x115: {  	v19 =	vadd.f32 v44, v19;
	v37 =	vld [tilespmem:$0x1FB90]  }
0x116: {  	v1 =	vadd.f32 v50, v1;
	v57 =	vld [tilespmem:$0x1260]  }
0x117: {  	v19 =	vadd.f32 v60, v19;
	v36 =	vmul.f32 v32, v6;
	v55 =	vmul.f32 v53, v43;
	v53 =	vld [tilespmem:$0x1FC10]  }
0x118: {  	v15 =	vadd.f32 v38, v15;
	v50 =	vmul.f32 v47, v33;
	v47 =	vld [tilespmem:$0x1FC00];
	v38 =	vmul.f32 v2, v31  }
0x119: {  	v44 =	vmul.f32 v40, v33;
	v40 =	vld [tilespmem:$0x1FBF0]  }
0x11a: {  	v60 =	vmul.f32 v59, v33;
	v59 =	vld [tilespmem:$0x1FC30];
	v15 =	vadd.f32 v36, v15;
	v19 =	vadd.f32 v38, v19  }
0x11b: {  	v32 =	vld [tilespmem:$0x660];
	v6 =	vmul.f32 v37, v6  }
0x11c: {  	v33 =	vld [tilespmem:$0x270];
	v28 =	vadd.f32 v50, v15;
	v19 =	vadd.f32 v55, v19;
	v55 =	vmul.f32 v53, v16  }
0x11d: {  	v1 =	vadd.f32 v6, v1;
	[tilespmem:$0x1FF90] =	vst v57;
	v57 =	vld [tilespmem:$0x1FC20];
	v50 =	vmul.f32 v47, v42  }
0x11e: {  	v6 =	vadd.f32 v44, v20;
	v20 =	vadd.f32 v55, v28;
	v55 =	vld [tilespmem:$0x1FC50]  }
0x11f: {  	v19 =	vadd.f32 v50, v19;
	v50 =	vld [tilespmem:$0x1FC40]  }
0x120: {  	v37 =	vld [tilespmem:$0x280]  }
0x121: {  	v36 =	vld [tilespmem:$0x680]  }
0x122: {  	v44 =	vmul.f32 v40, v16;
	v1 =	vadd.f32 v60, v1;
	v60 =	vmul.f32 v59, v51;
	v59 =	vld [tilespmem:$0x1270]  }
0x123: {  	v16 =	vmul.f32 v57, v16;
	v57 =	vmul.f32 v55, v41;
	v55 =	vld [tilespmem:$0x1FC70]  }
0x124: {  	v47 =	vmul.f32 v45, v7;
	v60 =	vadd.f32 v60, v19;
	v53 =	vmul.f32 v50, v41;
	v50 =	vld [tilespmem:$0x1FC60]  }
0x125: {  	v2 =	vld [tilespmem:$0xA60]  }
0x126: {  	v20 =	vadd.f32 v57, v20;
	v57 =	vadd.f32 v47, v60;
	v47 =	vld [tilespmem:$0x1FC90]  }
0x127: {  	v6 =	vadd.f32 v44, v6;
	[tilespmem:$0x1FFA0] =	vst v59;
	v59 =	vld [tilespmem:$0x1FC80]  }
0x128: {  	v41 =	vmul.f32 v55, v41;
	v55 =	vld [tilespmem:$0x1FCA0]  }
0x129: {  	v15 =	vld [tilespmem:$0xA70];
	v6 =	vadd.f32 v53, v6;
	v53 =	vmul.f32 v50, v46  }
0x12a: {  	v40 =	vld [tilespmem:$0xE70]  }
0x12b: {  	v26 =	vmul.f32 v26, v9;
	v38 =	vld [tilespmem:$0x670];
	v6 =	vadd.f32 v53, v6;
	v50 =	vmul.f32 v47, v49  }
0x12c: {  	v44 =	vld [tilespmem:$0x690];
	v1 =	vadd.f32 v16, v1;
	v60 =	vmul.f32 v59, v46  }
0x12d: {  	v16 =	vld [tilespmem:$0xE80];
	v26 =	vadd.f32 v26, v57;
	v6 =	vadd.f32 v50, v6;
	v57 =	vmul.f32 v55, v52  }
0x12e: {  	v59 =	vld [tilespmem:$0x1FCB0]  }
0x12f: {  	v28 =	vadd.f32 v60, v20;
	v53 =	vmul.f32 v10, v11;
	v60 =	vadd.f32 v57, v6;
	v57 =	vld [tilespmem:$0x1FCD0]  }
0x130: {  	v19 =	vld [tilespmem:$0xA80]  }
0x131: {  	v26 =	vadd.f32 v53, v26;
	v53 =	vld [tilespmem:$0x1FCC0]  }
0x132: {  	v50 =	vld [tilespmem:$0x1FCE0]  }
0x133: {  	v0 =	vmul.f32 v0, v14;
	v20 =	vld [tilespmem:$0xA90]  }
0x134: {  	v45 =	vmul.f32 v59, v46;
	v59 =	vmul.f32 v57, v58;
	v57 =	vld [tilespmem:$0x1FD00]  }
0x135: {  	v10 =	vld [tilespmem:$0x1280]  }
0x136: {  	v13 =	vmul.f32 v13, v18;
	v1 =	vadd.f32 v41, v1;
	v41 =	vld [tilespmem:$0x290];
	v0 =	vadd.f32 v0, v26  }
0x137: {  	v46 =	vld [tilespmem:$0x2A0];
	v55 =	vmul.f32 v53, v49;
	v53 =	vmul.f32 v50, v48;
	v60 =	vadd.f32 v59, v60  }
0x138: {  	v6 =	vld [tilespmem:$0xE90];
	v0 =	vadd.f32 v13, v0;
	v13 =	vmul.f32 v17, v21  }
0x139: {  	v26 =	vadd.f32 v55, v28;
	v28 =	vadd.f32 v53, v60;
	v60 =	vld [tilespmem:$0x1FD10];
	v59 =	vmul.f32 v57, v52  }
0x13a: {  	v0 =	vadd.f32 v13, v0;
	v55 =	vld [tilespmem:$0x1FCF0];
	v57 =	vmul.f32 v23, v24  }
0x13b: {  	v23 =	vadd.f32 v59, v26;
	v59 =	vld [tilespmem:$0x1FD20]  }
0x13c: {  	v0 =	vadd.f32 v57, v0;
	v57 =	vld [tilespmem:$0x1FD40]  }
0x13d: {  	v17 =	vld [tilespmem:$0xAA0]  }
0x13e: {  	[tilespmem:$0x1FDB0] =	vst v4;
	v50 =	vld [tilespmem:$0x6A0];
	v4 =	vmul.f32 v60, v39  }
0x13f: {  	v1 =	vadd.f32 v45, v1;
	v47 =	vmul.f32 v55, v49;
	v49 =	vld [tilespmem:$0x2B0]  }
0x140: {  	v55 =	vld [tilespmem:$0x1FD30];
	v28 =	vadd.f32 v4, v28;
	v60 =	vmul.f32 v59, v34  }
0x141: {  	v1 =	vadd.f32 v47, v1;
	v47 =	vld [tilespmem:$0x6B0];
	v59 =	vmul.f32 v57, v58  }
0x142: {  	v13 =	vmul.f32 v25, v27;
	v25 =	vadd.f32 v60, v28;
	v60 =	vld [tilespmem:$0x1FD50]  }
0x143: {  	v23 =	vadd.f32 v59, v23;
	v59 =	vld [tilespmem:$0x1FD60]  }
0x144: {  	v26 =	vld [tilespmem:$0xAB0]  }
0x145: {  	v53 =	vmul.f32 v55, v52;
	v52 =	vld [tilespmem:$0x2C0];
	v0 =	vadd.f32 v13, v0;
	v57 =	vmul.f32 v32, v30  }
0x146: {  	v55 =	vld [tilespmem:$0x2D0]  }
0x147: {  	v0 =	vadd.f32 v57, v0;
	v57 =	vld [tilespmem:$0x1FD70];
	v4 =	vmul.f32 v60, v29  }
0x148: {  	v60 =	vmul.f32 v59, v31;
	v59 =	vld [tilespmem:$0x1FD80]  }
0x149: {  	v1 =	vadd.f32 v53, v1;
	v53 =	vld [tilespmem:$0x6C0];
	v25 =	vadd.f32 v4, v25  }
0x14a: {  	v32 =	vld [tilespmem:$0xAD0]  }
0x14b: {  	v25 =	vadd.f32 v60, v25;
	v60 =	vld [tilespmem:$0x1FD90]  }
0x14c: {  	v38 =	vmul.f32 v38, v33;
	v28 =	vld [tilespmem:$0xAC0]  }
0x14d: {  	v13 =	vmul.f32 v57, v48;
	v45 =	vmul.f32 v59, v58;
	v58 =	vld [tilespmem:$0x1FDA0]  }
0x14e: {  	v0 =	vadd.f32 v38, v0;
	v38 =	vld [tilespmem:$0xAF0]  }
0x14f: {  	v13 =	vadd.f32 v13, v23;
	v23 =	vmul.f32 v36, v37;
	v1 =	vadd.f32 v45, v1;
	v45 =	vld [tilespmem:$0x1FDD0]  }
0x150: {  	v16 =	vmul.f32 v16, v37;
	v4 =	vmul.f32 v60, v43;
	v60 =	vld [tilespmem:$0x1FDB0]  }
0x151: {  	v19 =	vmul.f32 v19, v37;
	v57 =	vld [tilespmem:$0x1FDC0];
	v0 =	vadd.f32 v23, v0;
	v23 =	vmul.f32 v44, v41  }
0x152: {  	v10 =	vmul.f32 v10, v37;
	v37 =	vld [tilespmem:$0x1320];
	v36 =	vmul.f32 v58, v39  }
0x153: {  	v44 =	vld [tilespmem:$0x6E0];
	v0 =	vadd.f32 v23, v0  }
0x154: {  	v13 =	vadd.f32 v36, v13;
	v23 =	vmul.f32 v45, v34;
	v45 =	vmul.f32 v50, v46;
	v50 =	vld [tilespmem:$0x1FDE0]  }
0x155: {  	v59 =	vld [tilespmem:$0x6D0];
	v25 =	vadd.f32 v4, v25;
	v4 =	vmul.f32 v60, v42  }
0x156: {  	v13 =	vadd.f32 v23, v13;
	v23 =	vmul.f32 v47, v49;
	v47 =	vld [tilespmem:$0x1FE00]  }
0x157: {  	v58 =	vld [tilespmem:$0x2E0];
	v60 =	vmul.f32 v57, v51;
	v36 =	vadd.f32 v4, v25  }
0x158: {  	v57 =	vld [tilespmem:$0x2F0];
	v0 =	vadd.f32 v45, v0  }
0x159: {  	v50 =	vmul.f32 v50, v48;
	v36 =	vadd.f32 v60, v36;
	v60 =	vld [tilespmem:$0x1FDF0]  }
0x15a: {  	v0 =	vadd.f32 v23, v0;
	v48 =	vld [tilespmem:$0x1FE10]  }
0x15b: {  	v45 =	vmul.f32 v47, v29;
	v1 =	vadd.f32 v50, v1;
	v50 =	vmul.f32 v53, v52;
	v47 =	vld [tilespmem:$0x1FE20]  }
0x15c: {  	v25 =	vld [tilespmem:$0xAE0]  }
0x15d: {  	v0 =	vadd.f32 v50, v0;
	v50 =	vld [tilespmem:$0x1FE30]  }
0x15e: {  	v53 =	vld [tilespmem:$0x700];
	v4 =	vmul.f32 v60, v7  }
0x15f: {  	v13 =	vadd.f32 v45, v13;
	v60 =	vld [tilespmem:$0x6F0]  }
0x160: {  	v45 =	vmul.f32 v47, v11;
	v47 =	vld [tilespmem:$0xB00];
	v36 =	vadd.f32 v4, v36;
	v4 =	vmul.f32 v48, v9  }
0x161: {  	v48 =	vld [tilespmem:$0x300]  }
0x162: {  	v59 =	vmul.f32 v59, v55;
	v23 =	vmul.f32 v50, v31;
	v36 =	vadd.f32 v4, v36;
	v4 =	vld [tilespmem:$0x1FE40]  }
0x163: {  	v50 =	vld [tilespmem:$0x310]  }
0x164: {  	v44 =	vmul.f32 v44, v58;
	v13 =	vadd.f32 v23, v13;
	v23 =	vadd.f32 v59, v0;
	v0 =	vld [tilespmem:$0x1FE50]  }
0x165: {  	v59 =	vld [tilespmem:$0xB10]  }
0x166: {  	v60 =	vmul.f32 v60, v57;
	v23 =	vadd.f32 v44, v23;
	v44 =	vld [tilespmem:$0x720]  }
0x167: {  	v36 =	vadd.f32 v45, v36;
	v39 =	vmul.f32 v4, v39;
	v4 =	vmul.f32 v56, v14;
	v56 =	vld [tilespmem:$0x710]  }
0x168: {  	v23 =	vadd.f32 v60, v23;
	v60 =	vld [tilespmem:$0x1FE60]  }
0x169: {  	v53 =	vmul.f32 v53, v48;
	v36 =	vadd.f32 v4, v36;
	v4 =	vmul.f32 v0, v43;
	v0 =	vld [tilespmem:$0x320]  }
0x16a: {  	v35 =	vmul.f32 v35, v18;
	v1 =	vadd.f32 v39, v1;
	v39 =	vld [tilespmem:$0x330]  }
0x16b: {  	v23 =	vadd.f32 v53, v23;
	v53 =	vld [tilespmem:$0x740]  }
0x16c: {  	v35 =	vadd.f32 v35, v36;
	v36 =	vld [tilespmem:$0xB20]  }
0x16d: {  	v3 =	vmul.f32 v3, v21;
	v13 =	vadd.f32 v4, v13;
	v4 =	vld [tilespmem:$0x1FE70]  }
0x16e: {  	v45 =	vmul.f32 v60, v42;
	v60 =	vld [tilespmem:$0x730]  }
0x16f: {  	v12 =	vmul.f32 v12, v24;
	v35 =	vadd.f32 v3, v35;
	v3 =	vld [tilespmem:$0x340]  }
0x170: {  	v13 =	vadd.f32 v45, v13;
	v45 =	vmul.f32 v56, v50;
	v56 =	vld [tilespmem:$0x1FE80]  }
0x171: {  	v8 =	vmul.f32 v8, v27;
	v12 =	vadd.f32 v12, v35;
	v35 =	vld [tilespmem:$0x750]  }
0x172: {  	v34 =	vmul.f32 v4, v34;
	v23 =	vadd.f32 v45, v23;
	v45 =	vld [tilespmem:$0x770]  }
0x173: {  	v2 =	vmul.f32 v2, v30;
	v12 =	vadd.f32 v8, v12;
	v8 =	vld [tilespmem:$0x360]  }
0x174: {  	v34 =	vadd.f32 v34, v1;
	v1 =	vld [tilespmem:$0x350]  }
0x175: {  	v15 =	vmul.f32 v15, v33;
	v4 =	vmul.f32 v56, v51;
	v56 =	vld [tilespmem:$0x1FE90];
	v12 =	vadd.f32 v2, v12  }
0x176: {  	v2 =	vld [tilespmem:$0x370]  }
0x177: {  	v13 =	vadd.f32 v4, v13;
	v4 =	vld [tilespmem:$0x1FEA0];
	v12 =	vadd.f32 v15, v12  }
0x178: {  	v44 =	vmul.f32 v44, v0;
	v15 =	vld [tilespmem:$0x390]  }
0x179: {  	v12 =	vadd.f32 v19, v12;
	v19 =	vmul.f32 v20, v41;
	v20 =	vld [tilespmem:$0x780]  }
0x17a: {  	v23 =	vadd.f32 v44, v23;
	v44 =	vmul.f32 v56, v7;
	v56 =	vld [tilespmem:$0x760]  }
0x17b: {  	v60 =	vmul.f32 v60, v39;
	v7 =	vmul.f32 v5, v7;
	v5 =	vld [tilespmem:$0x1FFC0]  }
0x17c: {  	v17 =	vmul.f32 v17, v46;
	v19 =	vadd.f32 v19, v12;
	v12 =	vld [tilespmem:$0x3A0]  }
0x17d: {  	v44 =	vadd.f32 v44, v13;
	v13 =	vadd.f32 v60, v23;
	v23 =	vmul.f32 v53, v3;
	v53 =	vld [tilespmem:$0x1FEB0]  }
0x17e: {  	v26 =	vmul.f32 v26, v49;
	v17 =	vadd.f32 v17, v19;
	v19 =	vld [tilespmem:$0x3C0]  }
0x17f: {  	v29 =	vmul.f32 v4, v29;
	v4 =	vmul.f32 v35, v1;
	v23 =	vadd.f32 v23, v13;
	v13 =	vld [tilespmem:$0x380]  }
0x180: {  	v17 =	vadd.f32 v26, v17;
	v26 =	vmul.f32 v28, v52;
	v28 =	vld [tilespmem:$0x7B0]  }
0x181: {  	v23 =	vadd.f32 v4, v23;
	v4 =	vld [tilespmem:$0x1FED0]  }
0x182: {  	v60 =	vmul.f32 v53, v9;
	v53 =	vld [tilespmem:$0x1FEC0]  }
0x183: {  	v26 =	vadd.f32 v26, v17;
	v17 =	vld [tilespmem:$0x3D0]  }
0x184: {  	v9 =	vmul.f32 v61, v9;
	v61 =	vld [tilespmem:$0xEE0];
	v35 =	vadd.f32 v60, v44;
	v60 =	vmul.f32 v56, v8  }
0x185: {  	v32 =	vmul.f32 v32, v55;
	v44 =	vld [tilespmem:$0x7A0]  }
0x186: {  	v56 =	vmul.f32 v45, v2;
	v23 =	vadd.f32 v60, v23;
	v60 =	vld [tilespmem:$0x1FEE0]  }
0x187: {  	v25 =	vmul.f32 v25, v58;
	v29 =	vadd.f32 v29, v34;
	v45 =	vld [tilespmem:$0x7C0];
	v26 =	vadd.f32 v32, v26  }
0x188: {  	v34 =	vmul.f32 v53, v11;
	v53 =	vld [tilespmem:$0x790];
	v23 =	vadd.f32 v56, v23;
	v56 =	vmul.f32 v20, v13  }
0x189: {  	v25 =	vadd.f32 v25, v26;
	v26 =	vld [tilespmem:$0x3F0]  }
0x18a: {  	v23 =	vadd.f32 v56, v23;
	v56 =	vld [tilespmem:$0x1FF00]  }
0x18b: {  	v31 =	vmul.f32 v4, v31;
	v4 =	vmul.f32 v60, v14;
	v60 =	vld [tilespmem:$0x1FEF0]  }
0x18c: {  	v34 =	vadd.f32 v34, v35;
	v35 =	vld [tilespmem:$0x1FF10]  }
0x18d: {  	v11 =	vmul.f32 v62, v11;
	v62 =	vld [tilespmem:$0x1FF60];
	v53 =	vmul.f32 v53, v15  }
0x18e: {  	v20 =	vld [tilespmem:$0x3B0]  }
0x18f: {  	v23 =	vadd.f32 v53, v23;
	v53 =	vmul.f32 v38, v57;
	v38 =	vld [tilespmem:$0x7E0]  }
0x190: {  	v34 =	vadd.f32 v4, v34;
	v43 =	vmul.f32 v56, v43;
	v56 =	vld [tilespmem:$0x1FF20];
	v4 =	vmul.f32 v60, v18  }
0x191: {  	v60 =	vmul.f32 v44, v12;
	v44 =	vmul.f32 v35, v21;
	v35 =	vld [tilespmem:$0x7D0]  }
0x192: {  	v29 =	vadd.f32 v31, v29;
	v18 =	vmul.f32 v62, v18;
	v62 =	vld [tilespmem:$0xF50]  }
0x193: {  	v21 =	vmul.f32 v63, v21;
	v63 =	vld [tilespmem:$0xF60]  }
0x194: {  	v29 =	vadd.f32 v43, v29;
	v43 =	vld [tilespmem:$0xEF0]  }
0x195: {  	v28 =	vmul.f32 v28, v20;
	v31 =	vadd.f32 v4, v34;
	v34 =	vadd.f32 v60, v23;
	v4 =	vld [tilespmem:$0x1FF30]  }
0x196: {  	v23 =	vld [tilespmem:$0x3E0]  }
0x197: {  	v31 =	vadd.f32 v44, v31;
	v28 =	vadd.f32 v28, v34;
	v34 =	vmul.f32 v56, v24;
	v56 =	vld [tilespmem:$0x7F0]  }
0x198: {  	v25 =	vadd.f32 v53, v25;
	v60 =	vmul.f32 v45, v19;
	v44 =	vld [tilespmem:$0xB70]  }
0x199: {  	v53 =	vmul.f32 v47, v48;
	v35 =	vmul.f32 v35, v17;
	v31 =	vadd.f32 v34, v31;
	v34 =	vld [tilespmem:$0xB30]  }
0x19a: {  	v28 =	vadd.f32 v60, v28;
	v60 =	vmul.f32 v54, v27;
	v54 =	vld [tilespmem:$0x1FF40];
	v42 =	vmul.f32 v4, v42  }
0x19b: {  	v32 =	vadd.f32 v53, v25;
	v4 =	vmul.f32 v59, v50;
	v59 =	vmul.f32 v40, v33;
	v40 =	vld [tilespmem:$0xBE0]  }
0x19c: {  	v28 =	vadd.f32 v35, v28;
	v35 =	vld [tilespmem:$0xB40]  }
0x19d: {  	v38 =	vmul.f32 v38, v23;
	v32 =	vadd.f32 v4, v32;
	v4 =	vld [tilespmem:$0x1FFB0]  }
0x19e: {  	v36 =	vmul.f32 v36, v0;
	v31 =	vadd.f32 v60, v31;
	v60 =	vld [tilespmem:$0xB60]  }
0x19f: {  	v22 =	vmul.f32 v22, v30;
	v29 =	vadd.f32 v42, v29;
	v28 =	vadd.f32 v38, v28;
	v38 =	vld [tilespmem:$0xB50]  }
0x1a0: {  	v42 =	vld [tilespmem:$0xEA0];
	v53 =	vmul.f32 v56, v26;
	v32 =	vadd.f32 v36, v32;
	v34 =	vmul.f32 v34, v39  }
0x1a1: {  	v22 =	vadd.f32 v22, v31;
	v56 =	vmul.f32 v54, v51;
	v36 =	vld [tilespmem:$0xEB0]  }
0x1a2: {  	v51 =	vld [tilespmem:$0xB80];
	v28 =	vadd.f32 v53, v28;
	v32 =	vadd.f32 v34, v32;
	v35 =	vmul.f32 v35, v3  }
0x1a3: {  	v22 =	vadd.f32 v59, v22;
	v59 =	vld [tilespmem:$0xB90]  }
0x1a4: {  	v34 =	vld [tilespmem:$0xEC0];
	[tilespmem:$0x11400] =	vst v28;
	v32 =	vadd.f32 v35, v32;
	v45 =	vmul.f32 v38, v1  }
0x1a5: {  	v29 =	vadd.f32 v56, v29;
	v47 =	vld.idx.msk [tilespmem:v4+s26+$0x0], $0xffff  }
0x1a6: {  	v54 =	vmul.f32 v60, v8;
	v56 =	vmul.f32 v42, v46;
	v42 =	vld [tilespmem:$0xBA0];
	v53 =	vadd.f32 v45, v32  }
0x1a7: {  	v6 =	vmul.f32 v6, v41;
	v16 =	vadd.f32 v16, v22;
	v7 =	vadd.f32 v7, v29;
	v32 =	vld [tilespmem:$0xED0]  }
0x1a8: {  	v31 =	vmul.f32 v44, v2;
	v60 =	vadd.f32 v54, v53;
	v53 =	vld [tilespmem:$0x1FF50]  }
0x1a9: {  	v6 =	vadd.f32 v6, v16;
	v22 =	vmul.f32 v51, v13;
	v7 =	vadd.f32 v9, v7;
	v45 =	vld [tilespmem:$0xBB0]  }
0x1aa: {  	v9 =	vadd.f32 v31, v60;
	v60 =	vmul.f32 v61, v58;
	v61 =	vld [tilespmem:$0xBD0];
	v28 =	vadd.f32 v47, v28  }
0x1ab: {  	v36 =	vmul.f32 v36, v49;
	v47 =	vmul.f32 v59, v15;
	v59 =	vld [tilespmem:$0xF00]  }
0x1ac: {  	v6 =	vadd.f32 v56, v6;
	v54 =	vmul.f32 v32, v55;
	v32 =	vld [tilespmem:$0x1FFD0];
	v9 =	vadd.f32 v22, v9;
	[tilespmem:$0x11400] =	vst v28  }
0x1ad: {  	v7 =	vadd.f32 v11, v7;
	v14 =	vmul.f32 v53, v14;
	v51 =	vld.idx.msk [tilespmem:v5+s26+$0x0], $0xffff  }
0x1ae: {  	v44 =	vmul.f32 v34, v52;
	v6 =	vadd.f32 v36, v6;
	v9 =	vadd.f32 v47, v9;
	v47 =	vld [tilespmem:$0x1FF70]  }
0x1af: {  	v56 =	vld [tilespmem:$0xBC0];
	v7 =	vadd.f32 v14, v7  }
0x1b0: {  	v35 =	vmul.f32 v42, v12;
	v6 =	vadd.f32 v44, v6;
	v11 =	vmul.f32 v59, v48;
	v59 =	vld [tilespmem:$0x1FF80]  }
0x1b1: {  	v42 =	vld [tilespmem:$0xF20];
	v34 =	vmul.f32 v45, v20;
	v7 =	vadd.f32 v18, v7  }
0x1b2: {  	v6 =	vadd.f32 v54, v6;
	v16 =	vmul.f32 v61, v17;
	v61 =	vld [tilespmem:$0x1FF90];
	v9 =	vadd.f32 v35, v9  }
0x1b3: {  	v36 =	vld [tilespmem:$0xF10];
	v22 =	vadd.f32 v51, v28;
	v7 =	vadd.f32 v21, v7;
	v21 =	vmul.f32 v47, v24  }
0x1b4: {  	v38 =	vmul.f32 v43, v57;
	v44 =	vld [tilespmem:$0xBF0];
	v43 =	vmul.f32 v56, v19;
	v6 =	vadd.f32 v60, v6  }
0x1b5: {  	v54 =	vld [tilespmem:$0xF30];
	v9 =	vadd.f32 v34, v9;
	[tilespmem:$0x11400] =	vst v22;
	v7 =	vadd.f32 v21, v7;
	v27 =	vmul.f32 v59, v27  }
0x1b6: {  	v6 =	vadd.f32 v38, v6;
	v45 =	vld.idx.msk [tilespmem:v32+s26+$0x0], $0xffff  }
0x1b7: {  	v9 =	vadd.f32 v43, v9;
	v7 =	vadd.f32 v27, v7;
	v27 =	vmul.f32 v61, v30;
	v30 =	vld [tilespmem:$0x1FFE0]  }
0x1b8: {  	v53 =	vmul.f32 v36, v50;
	v35 =	vld [tilespmem:$0x1FFA0];
	v6 =	vadd.f32 v11, v6  }
0x1b9: {  	v60 =	vld [tilespmem:$0xF40];
	v28 =	vmul.f32 v40, v23;
	v9 =	vadd.f32 v16, v9  }
0x1ba: {  	v25 =	vld [tilespmem:$0x1290];
	v18 =	vmul.f32 v42, v0;
	v24 =	vadd.f32 v53, v6  }
0x1bb: {  	v56 =	vld [tilespmem:$0x12B0];
	v14 =	vmul.f32 v44, v26;
	v9 =	vadd.f32 v28, v9  }
0x1bc: {  	v51 =	vld [tilespmem:$0x12A0];
	v16 =	vmul.f32 v54, v39;
	v18 =	vadd.f32 v18, v24;
	v6 =	vadd.f32 v45, v22  }
0x1bd: {  	v40 =	vld [tilespmem:$0xF70];
	v36 =	vmul.f32 v35, v33;
	v34 =	vadd.f32 v27, v7;
	v9 =	vadd.f32 v14, v9  }
0x1be: {  	v47 =	vld [tilespmem:$0x12E0];
	v38 =	vmul.f32 v60, v3;
	v16 =	vadd.f32 v16, v18;
	[tilespmem:$0x11400] =	vst v6  }
0x1bf: {  	v24 =	vadd.f32 v36, v34;
	v7 =	vld.idx.msk [tilespmem:v30+s26+$0x0], $0xffff;
	[tilespmem:$0x11400] =	vst v9  }
0x1c0: {  	v29 =	vmul.f32 v62, v1;
	v16 =	vadd.f32 v38, v16;
	v42 =	vld.idx.msk [tilespmem:v4+s26+$0x0], $0xffff  }
0x1c1: {  	v44 =	vmul.f32 v25, v41;
	v45 =	vld [tilespmem:$0xF80];
	v10 =	vadd.f32 v10, v24  }
0x1c2: {  	v14 =	vmul.f32 v63, v8;
	v22 =	vld [tilespmem:$0x12C0];
	v16 =	vadd.f32 v29, v16  }
0x1c3: {  	v11 =	vmul.f32 v51, v46;
	v51 =	vld [tilespmem:$0xF90];
	v10 =	vadd.f32 v44, v10  }
0x1c4: {  	v43 =	vld [tilespmem:$0x12D0];
	v54 =	vmul.f32 v40, v2;
	v14 =	vadd.f32 v14, v16  }
0x1c5: {  	v56 =	vmul.f32 v56, v49;
	v59 =	vld [tilespmem:$0xFA0];
	v10 =	vadd.f32 v11, v10;
	v9 =	vadd.f32 v42, v9  }
0x1c6: {  	v60 =	vld [tilespmem:$0xFB0];
	v25 =	vmul.f32 v45, v13;
	v14 =	vadd.f32 v54, v14  }
0x1c7: {  	v53 =	vld [tilespmem:$0x12F0];
	v61 =	vmul.f32 v22, v52;
	v10 =	vadd.f32 v56, v10;
	[tilespmem:$0x11400] =	vst v9  }
0x1c8: {  	v24 =	vmul.f32 v51, v15;
	v14 =	vadd.f32 v25, v14;
	v62 =	vld.idx.msk [tilespmem:v5+s26+$0x0], $0xffff  }
0x1c9: {  	v33 =	vld [tilespmem:$0xFC0];
	v31 =	vmul.f32 v43, v55;
	v10 =	vadd.f32 v61, v10  }
0x1ca: {  	v63 =	vld [tilespmem:$0x1300];
	v21 =	vmul.f32 v59, v12;
	v14 =	vadd.f32 v24, v14  }
0x1cb: {  	v35 =	vmul.f32 v47, v58;
	v36 =	vld [tilespmem:$0xFD0];
	v10 =	vadd.f32 v31, v10  }
0x1cc: {  	v34 =	vld [tilespmem:$0x1310];
	v38 =	vmul.f32 v60, v20;
	v14 =	vadd.f32 v21, v14  }
0x1cd: {  	v41 =	vld [tilespmem:$0xFE0];
	v40 =	vmul.f32 v53, v57;
	v10 =	vadd.f32 v35, v10;
	v9 =	vadd.f32 v62, v9  }
0x1ce: {  	v47 =	vld [tilespmem:$0x1330];
	v18 =	vmul.f32 v33, v19;
	v14 =	vadd.f32 v38, v14  }
0x1cf: {  	v43 =	vmul.f32 v63, v48;
	v42 =	vld [tilespmem:$0xFF0];
	v10 =	vadd.f32 v40, v10;
	[tilespmem:$0x11400] =	vst v9  }
0x1d0: {  	v45 =	vmul.f32 v36, v17;
	v14 =	vadd.f32 v18, v14;
	v44 =	vld.idx.msk [tilespmem:v32+s26+$0x0], $0xffff  }
0x1d1: {  	v46 =	vmul.f32 v34, v50;
	v10 =	vadd.f32 v43, v10  }
0x1d2: {  	v16 =	vmul.f32 v41, v23;
	v48 =	vld [tilespmem:$0x1340];
	v14 =	vadd.f32 v45, v14  }
0x1d3: {  	v0 =	vmul.f32 v37, v0;
	v10 =	vadd.f32 v46, v10  }
0x1d4: {  	v50 =	vld [tilespmem:$0x1350];
	v49 =	vmul.f32 v42, v26;
	v14 =	vadd.f32 v16, v14  }
0x1d5: {  	v51 =	vmul.f32 v47, v39;
	v0 =	vadd.f32 v0, v10;
	v9 =	vadd.f32 v44, v9  }
0x1d6: {  	v52 =	vld [tilespmem:$0x1360];
	v14 =	vadd.f32 v49, v14  }
0x1d7: {  	v54 =	vld [tilespmem:$0x1370];
	v3 =	vmul.f32 v48, v3;
	v0 =	vadd.f32 v51, v0;
	[tilespmem:$0x11400] =	vst v9  }
0x1d8: {  	v53 =	vld.idx.msk [tilespmem:v30+s26+$0x0], $0xffff;
	[tilespmem:$0x11400] =	vst v14  }
0x1d9: {  	v1 =	vmul.f32 v50, v1;
	v0 =	vadd.f32 v3, v0;
	v55 =	vld.idx.msk [tilespmem:v4+s26+$0x0], $0xffff  }
0x1da: {  	v3 =	vld [tilespmem:$0x1380]  }
0x1db: {  	v0 =	vadd.f32 v1, v0;
	v1 =	vmul.f32 v52, v8  }
0x1dc: {  	v56 =	vld [tilespmem:$0x1390]  }
0x1dd: {  	v0 =	vadd.f32 v1, v0;
	v1 =	vmul.f32 v54, v2  }
0x1de: {  	v57 =	vld [tilespmem:$0x13A0];
	v2 =	vadd.f32 v55, v14  }
0x1df: {  	v0 =	vadd.f32 v1, v0;
	v1 =	vmul.f32 v3, v13  }
0x1e0: {  	v3 =	vld [tilespmem:$0x13B0];
	[tilespmem:$0x11400] =	vst v2  }
0x1e1: {  	v0 =	vadd.f32 v1, v0;
	v1 =	vmul.f32 v56, v15;
	v58 =	vld.idx.msk [tilespmem:v5+s26+$0x0], $0xffff  }
0x1e2: {  	v59 =	vld [tilespmem:$0x13C0]  }
0x1e3: {  	v0 =	vadd.f32 v1, v0;
	v1 =	vmul.f32 v57, v12  }
0x1e4: {  	v60 =	vld [tilespmem:$0x13D0]  }
0x1e5: {  	v0 =	vadd.f32 v1, v0;
	v1 =	vmul.f32 v3, v20  }
0x1e6: {  	v3 =	vld [tilespmem:$0x13E0];
	v2 =	vadd.f32 v58, v2  }
0x1e7: {  	v0 =	vadd.f32 v1, v0;
	v1 =	vmul.f32 v59, v19  }
0x1e8: {  	v61 =	vld [tilespmem:$0x13F0];
	[tilespmem:$0x11400] =	vst v2  }
0x1e9: {  	v0 =	vadd.f32 v1, v0;
	v1 =	vmul.f32 v60, v17;
	v62 =	vld.idx.msk [tilespmem:v32+s26+$0x0], $0xffff;
	_ =	sdelay $0x1  }
0x1ea: {  	v0 =	vadd.f32 v1, v0;
	v1 =	vmul.f32 v3, v23;
	_ =	sdelay $0x1  }
0x1eb: {  	v0 =	vadd.f32 v1, v0;
	v1 =	vmul.f32 v61, v26  }
0x1ec: {  	v2 =	vadd.f32 v62, v2  }
0x1ed: {  	v0 =	vadd.f32 v1, v0  }
0x1ee: {  	[tilespmem:$0x11400] =	vst v2  }
0x1ef: {  	v1 =	vld.idx.msk [tilespmem:v30+s26+$0x0], $0xffff;
	[tilespmem:$0x11400] =	vst v0  }
0x1f0: {  	v3 =	vld.idx.msk [tilespmem:v4+s26+$0x0], $0xffff;
	_ =	sdelay $0x4  }
0x1f1: {  	v0 =	vadd.f32 v3, v0;
	_ =	sdelay $0x1  }
0x1f2: {  	[tilespmem:$0x11400] =	vst v0  }
0x1f3: {  	v3 =	vld.idx.msk [tilespmem:v5+s26+$0x0], $0xffff;
	_ =	sdelay $0x4  }
0x1f4: {  	v0 =	vadd.f32 v3, v0;
	_ =	sdelay $0x1  }
0x1f5: {  	[tilespmem:$0x11400] =	vst v0  }
0x1f6: {  	v3 =	vld.idx.msk [tilespmem:v32+s26+$0x0], $0xffff;
	_ =	sdelay $0x4  }
0x1f7: {  	v0 =	vadd.f32 v3, v0;
	_ =	sdelay $0x1  }
0x1f8: {  	[tilespmem:$0x11400] =	vst v0  }
0x1f9: {  	v3 =	vld.idx.msk [tilespmem:v30+s26+$0x0], $0xffff;
	_ =	sdelay $0x1  }
0x1fa: {  	v6 =	vadd.f32 v7, v6  }
0x1fb: {  	v63 =	vadd.f32 v53, v9  }
0x1fc: {  	v6 =	vnsel vm0, $0x0, v6;
	v1 =	vadd.f32 v1, v2  }
0x1fd: {  	v2 =	vsel vm1, v6, v63;
	v0 =	vadd.f32 v3, v0  }
0x1fe: {  	v1 =	vsel vm2, v2, v1  }
0x1ff: {  	v0 =	vsel vm3, v1, v0  }
0x200: {  	[tilespmem:$0x11400] =	vst v0  }
0x201: {  	[spmem:s14] =	stream.linear.scatter [tilespmem:s26], [sflag:$0x6], $0x10, $0x200038;
	[tilespmem:$0x13CB0] =	vst v63  }
0x202: {  	s21 =	sand.u32 $0x3, s7;
	s6 =	sand.u32 $0xF0, s7;
	_ =	swait.ge [sflag:s20], $0x10  }
0x203: {  	s0 =	sor.u32 s21, s6;
	[sflag:s20] =	ssyncset.done $0x0  }
0x204: {  	v0 =	vmov s0;
	[sflag:s20] =	ssyncadd.s32 $0xFFFFFFF0  }
0x205: {  	v0 =	vbroadcast v0, $0x0;
	[bflag:$0x0] =	sbarrier.arrive $0xFFFF  }
0x206: {  	s24 =	simm.s32 $0x1;
	s25 =	simm.s32 $0x4;
	s23 =	rddreg [dreg:$0x4]  }
0x207: {  	[tilespmem:s28], [sflag:$0x6] =	stream.linear.gather [spmem:s23], $0x100, $0x200038;
	[tilespmem:$0x13CB0] =	vst v63  }
0x208: {  	s6 =	sand.u32 $0xF0, s25;
	s0 =	sand.u32 $0x3, s24;
	_ =	swait.ge [sflag:s20], $0x100  }
0x209: {  	s6 =	sor.u32 s0, s6;
	[sflag:s20] =	ssyncset.done $0x0  }
0x20a: {  	v2 =	vmov s6;
	[sflag:s20] =	ssyncadd.s32 $0xFFFFFF00  }
0x20b: {  	v1 =	vld.idx.msk [tilespmem:v0+s28+$0x0], $0xffff;
	v0 =	vbroadcast v2, $0x0;
	_ =	sdelay $0x2  }
0x20c: {  	s21 =	simm.s32 $0x2;
	s0 =	simm.s32 $0x11580;
	s6 =	simm.s32 $0x8  }
0x20d: {  	s24 =	sand.u32 $0xF0, s6;
	s23 =	sand.u32 $0x3, s21;
	s21 =	simm.s32 $0x3  }
.LBB2_2:
0x20e: {  	p1 =	sne.s32 s21, $0x3F;
	s23 =	sor.u32 s23, s24;
	[tilespmem:s0+$0x0] =	vst v1  }
0x20f: {  	v2 =	vmov s23;
	v1 =	vld.idx.msk [tilespmem:v0+s28+$0x0], $0xffff  }
.Ltmp2:
0x210: {  	v0 =	vbroadcast v2, $0x0;
	(pc) =	sbr.rel @p1 .LBB2_2-.Ltmp2, $3  }
0x211: {  	_ =	sdelay $0x1  }
0x212: {  	s6 =	sadd.s32 $0x4, s6;
	s0 =	sadd.s32 $0x10, s0  }
0x213: {  	s23 =	sand.u32 $0x3, s21;
	s24 =	sand.u32 $0xF0, s6;
	s21 =	sadd.s32 $0x1, s21  }
0x214: {  	_ =	sdelay $0x1  }
0x215: {  	s6 =	sor.u32 s23, s24  }
0x216: {  	[tilespmem:s0+$0x0] =	vst v1;
	v1 =	vmov s6  }
0x217: {  	v0 =	vld.idx.msk [tilespmem:v0+s28+$0x0], $0xffff;
	v1 =	vbroadcast v1, $0x0;
	_ =	sdelay $0x3  }
0x218: {  	s25 =	sadd.s32 $0x10, s0  }
0x219: {  	[tilespmem:s25+$0x0] =	vst v0  }
0x21a: {  	v0 =	vld.idx.msk [tilespmem:v1+s28+$0x0], $0xffff;
	_ =	sdelay $0x3  }
0x21b: {  	s0 =	sadd.s32 $0x10, s25  }
0x21c: {  	[tilespmem:s0+$0x0] =	vst v0  }
0x21d: {  	_ =	strace $0x90000049  }
0x21e: {  	_ =	strace $0x8000004A  }
0x21f: {  	_ =	swait.ge [sflag:s29], $0x4000  }
0x220: {  	p2 =	por $0x1, $0x1;
	[sflag:s29] =	ssyncset.done $0x0  }
0x221: {  	v8 =	vlaneseq.u32;
	s6 =	simm.s32 $0x0;
	v1 =	vimm.f32 $-Inf;
	v0 =	vimm.s32 $0x0;
	s0 =	simm.s32 $0x0;
	[sflag:s29] =	ssyncadd.s32 $0xFFFFC000  }
.LBB2_4:
0x222: {  	[tilespmem:$0x1F8C0] =	vst v0;
	v0 =	vand.u32 $0x1, v8  }
0x223: {  	v6 =	vmul.u32 $0x40, v0;
	v0 =	vld [tilespmem:$0x1FFF0];
	_ =	sdelay $0x3  }
0x224: {  	s23 =	sshll.u32 s0, $0xD  }
0x225: {  	s24 =	sor.u32 $0x800, s23;
	v20 =	vor.u32 s6, v6;
	v3 =	vor.u32 s23, v0  }
0x226: {  	s21 =	simm.s32 $0x115A0;
	s25 =	sor.u32 $0x400, s23;
	v17 =	vor.u32 s24, v0;
	v7 =	vor.u32 v3, v20  }
0x227: {  	s1 =	simm.s32 $0x1;
	v11 =	vld [tilespmem:s21+$0x10];
	v18 =	vor.u32 s25, v0;
	v14 =	vor.u32 v17, v20  }
0x228: {  	v33 =	vimm.f32 $0.0e+00;
	v12 =	vld [tilespmem:s21+$0x0];
	s3 =	sor.u32 $0x1400, s23;
	v22 =	vor.u32 s1, v6;
	v15 =	vor.u32 v18, v20  }
0x229: {  	[tilespmem:$0x1F8B0] =	vst v1;
	s2 =	simm.s32 $0x2;
	v13 =	vld [tilespmem:s21+$0xFFFFFFF0];
	v1 =	vmov s24;
	v23 =	vor.u32 s3, v0;
	v25 =	vor.u32 v18, v22  }
0x22a: {  	v62 =	vmul.u32 $0x40, v8;
	v16 =	vld [tilespmem:s21+$0xFFFFFFE0];
	[tilespmem:$0x1F8D0] =	vst v1;
	v1 =	vor.u32 s2, v6;
	v34 =	vor.u32 v23, v22  }
0x22b: {  	v59 =	vimm.f32 $0.0e+00;
	s17 =	sor.u32 $0xC00, s23;
	v4 =	vmov s25;
	v36 =	vor.u32 v18, v1;
	v30 =	vld.idx.msk [tilespmem:v7+s22+$0x0], $0xffff  }
0x22c: {  	v2 =	vmov s17;
	v5 =	vmov s3;
	v41 =	vor.u32 v3, v1;
	v43 =	vld.idx.msk [tilespmem:v14+s22+$0x0], $0xffff  }
0x22d: {  	[tilespmem:$0x1F8E0] =	vst v2;
	v2 =	vmov s23;
	s25 =	sor.u32 $0x1C00, s23;
	v21 =	vor.u32 s17, v0;
	s17 =	sor.u32 $0x1000, s23;
	v42 =	vor.u32 v23, v1;
	v37 =	vld.idx.msk [tilespmem:v15+s22+$0x0], $0xffff  }
0x22e: {  	[tilespmem:$0x1F8F0] =	vst v2;
	s23 =	sor.u32 $0x1800, s23;
	v10 =	vor.u32 s25, v0;
	v2 =	vmov s17;
	v46 =	vor.u32 v21, v22;
	v47 =	vld.idx.msk [tilespmem:v25+s22+$0x0], $0xffff  }
0x22f: {  	v27 =	vor.u32 s17, v0;
	v29 =	vor.u32 s23, v0;
	v54 =	vor.u32 v3, v22;
	v38 =	vld.idx.msk [tilespmem:v34+s22+$0x0], $0xffff  }
0x230: {  	v0 =	vmov s23;
	v35 =	vor.u32 v21, v20;
	v28 =	vor.u32 v10, v20;
	v53 =	vld.idx.msk [tilespmem:v36+s22+$0x0], $0xffff  }
0x231: {  	v32 =	vor.u32 v23, v20;
	v45 =	vor.u32 v17, v1;
	v49 =	vor.u32 v10, v22;
	v51 =	vld.idx.msk [tilespmem:v41+s22+$0x0], $0xffff  }
0x232: {  	v56 =	vor.u32 v17, v22;
	v40 =	vor.u32 v29, v22;
	v7 =	vor.u32 v21, v1;
	v42 =	vld.idx.msk [tilespmem:v42+s22+$0x0], $0xffff  }
0x233: {  	[tilespmem:$0x1F900] =	vst v0;
	v0 =	vmov s25;
	s25 =	simm.s32 $0x3;
	v44 =	vor.u32 v27, v22;
	v50 =	vor.u32 v27, v1;
	v52 =	vld.idx.msk [tilespmem:v46+s22+$0x0], $0xffff  }
0x234: {  	v22 =	vimm.f32 $0.0e+00;
	v34 =	vor.u32 v29, v20;
	v36 =	vor.u32 s25, v62;
	v60 =	vld.idx.msk [tilespmem:v54+s22+$0x0], $0xffff  }
0x235: {  	[tilespmem:$0x1F930] =	vst v62;
	v54 =	vimm.f32 $0.0e+00;
	v25 =	vld.idx.msk [tilespmem:v28+s22+$0x0], $0xffff;
	v28 =	vor.u32 v27, v20;
	v20 =	vor.u32 v29, v1  }
0x236: {  	v58 =	vor.u32 v4, v36;
	v46 =	vor.u32 v5, v36;
	v41 =	vld.idx.msk [tilespmem:v49+s22+$0x0], $0xffff;
	v55 =	vmul.f32 v37, v16  }
0x237: {  	[tilespmem:$0x1F920] =	vst v4;
	v48 =	vor.u32 v2, v36;
	v49 =	vimm.f32 $0.0e+00;
	v39 =	vld.idx.msk [tilespmem:v7+s22+$0x0], $0xffff;
	v57 =	vmul.f32 v30, v16  }
0x238: {  	p1 =	por p2, p2;
	v26 =	vmovc v5;
	s23 =	simm.s32 $0x4;
	v31 =	vmovc v2;
	[tilespmem:$0x1F910] =	vst v0;
	v30 =	vld.idx.msk [tilespmem:v40+s22+$0x0], $0xffff;
	v37 =	vimm.f32 $0.0e+00;
	v40 =	vimm.f32 $0.0e+00;
	v55 =	vadd.f32 v55, v33  }
.LBB2_5:
0x239: {  	v0 =	vld [tilespmem:$0x1F8D0]  }
0x23a: {  	v34 =	vld.idx.msk [tilespmem:v34+s22+$0x0], $0xffff  }
0x23b: {  	v32 =	vld.idx.msk [tilespmem:v32+s22+$0x0], $0xffff  }
0x23c: {  	v35 =	vld.idx.msk [tilespmem:v35+s22+$0x0], $0xffff  }
0x23d: {  	v50 =	vld.idx.msk [tilespmem:v50+s22+$0x0], $0xffff  }
0x23e: {  	v61 =	vor.u32 v0, v36;
	v0 =	vld [tilespmem:$0x1F8E0]  }
0x23f: {  	v46 =	vld.idx.msk [tilespmem:v46+s22+$0x0], $0xffff  }
0x240: {  	v25 =	vmul.f32 v25, v16;
	v1 =	vor.u32 v10, v1;
	v53 =	vmul.f32 v53, v12;
	v58 =	vld.idx.msk [tilespmem:v58+s22+$0x0], $0xffff  }
0x241: {  	v57 =	vadd.f32 v57, v59;
	v28 =	vld.idx.msk [tilespmem:v28+s22+$0x0], $0xffff;
	v43 =	vmul.f32 v43, v16;
	v60 =	vmul.f32 v60, v13  }
0x242: {  	v48 =	vld.idx.msk [tilespmem:v48+s22+$0x0], $0xffff;
	v25 =	vadd.f32 v25, v33;
	v38 =	vmul.f32 v38, v13;
	v47 =	vmul.f32 v47, v13  }
0x243: {  	s24 =	smov.u32 s23;
	v41 =	vmul.f32 v41, v13;
	v59 =	vmul.f32 v52, v13;
	v62 =	vor.u32 v0, v36;
	v0 =	vld [tilespmem:$0x1F900]  }
0x244: {  	v45 =	vld.idx.msk [tilespmem:v45+s22+$0x0], $0xffff;
	v52 =	vor.u32 s24, v6;
	v34 =	vmul.f32 v34, v16;
	v32 =	vmul.f32 v32, v16  }
0x245: {  	v33 =	vld.idx.msk [tilespmem:v44+s22+$0x0], $0xffff;
	v35 =	vmul.f32 v35, v16;
	v57 =	vadd.f32 v60, v57;
	v47 =	vadd.f32 v47, v55  }
0x246: {  	v41 =	vadd.f32 v41, v25;
	v25 =	vadd.f32 v43, v54;
	v60 =	vld.idx.msk [tilespmem:v56+s22+$0x0], $0xffff;
	v55 =	vor.u32 v3, v52  }
0x247: {  	v16 =	vmul.f32 v28, v16;
	v54 =	vld.idx.msk [tilespmem:v1+s22+$0x0], $0xffff;
	v22 =	vadd.f32 v32, v22;
	v56 =	vadd.f32 v35, v49  }
0x248: {  	v49 =	vmul.f32 v50, v12;
	v50 =	vmul.f32 v30, v13;
	v63 =	vor.u32 v0, v36;
	v0 =	vld [tilespmem:$0x1F8F0]  }
0x249: {  	s21 =	sadd.s32 $0x40, s21;
	v30 =	vld.idx.msk [tilespmem:v20+s22+$0x0], $0xffff;
	v20 =	vmul.f32 v58, v11;
	v40 =	vadd.f32 v16, v40;
	v58 =	vor.u32 v18, v52  }
0x24a: {  	v39 =	vmul.f32 v39, v12;
	s1 =	sadd.s32 $0x1, s24;
	v16 =	vld [tilespmem:s21+$0xFFFFFFE0];
	v22 =	vadd.f32 v38, v22;
	v38 =	vadd.f32 v59, v56  }
0x24b: {  	v42 =	vmul.f32 v42, v12;
	v46 =	vmul.f32 v46, v11;
	v56 =	vor.u32 s1, v6;
	v55 =	vld.idx.msk [tilespmem:v55+s22+$0x0], $0xffff  }
0x24c: {  	v47 =	vadd.f32 v53, v47;
	v53 =	vld.idx.msk [tilespmem:v62+s22+$0x0], $0xffff;
	v62 =	vadd.f32 v39, v38;
	v39 =	vor.u32 v18, v56  }
0x24d: {  	s17 =	sadd.s32 $0x2, s24;
	v22 =	vadd.f32 v42, v22;
	v38 =	vor.u32 v10, v52;
	v44 =	vor.u32 v0, v36;
	v0 =	vld [tilespmem:$0x1F910]  }
0x24e: {  	v1 =	vor.u32 s17, v6;
	v58 =	vld.idx.msk [tilespmem:v58+s22+$0x0], $0xffff  }
0x24f: {  	v5 =	vor.u32 v21, v1;
	v22 =	vadd.f32 v46, v22;
	v46 =	vld [tilespmem:s21+$0x0]  }
0x250: {  	v37 =	vadd.f32 v34, v37;
	v4 =	vor.u32 v23, v56;
	v34 =	vmul.f32 v60, v13;
	v43 =	vld.idx.msk [tilespmem:v63+s22+$0x0], $0xffff  }
0x251: {  	v7 =	vor.u32 v18, v1;
	v60 =	vadd.f32 v20, v47;
	v47 =	vld.idx.msk [tilespmem:v39+s22+$0x0], $0xffff  }
0x252: {  	v59 =	vadd.f32 v34, v25;
	v25 =	vld.idx.msk [tilespmem:v38+s22+$0x0], $0xffff;
	v36 =	vor.u32 v0, v36  }
0x253: {  	v51 =	vmul.f32 v51, v12;
	v44 =	vld.idx.msk [tilespmem:v44+s22+$0x0], $0xffff  }
0x254: {  	v28 =	vor.u32 v27, v52;
	v33 =	vmul.f32 v33, v13;
	v19 =	vor.u32 v3, v1;
	v39 =	vld.idx.msk [tilespmem:v5+s22+$0x0], $0xffff  }
0x255: {  	v45 =	vmul.f32 v45, v12;
	v35 =	vor.u32 v21, v52;
	v32 =	vor.u32 v23, v52;
	v38 =	vld.idx.msk [tilespmem:v4+s22+$0x0], $0xffff  }
0x256: {  	v33 =	vadd.f32 v33, v40;
	v20 =	vor.u32 v17, v52;
	v14 =	vmul.f32 v53, v11;
	v53 =	vld.idx.msk [tilespmem:v7+s22+$0x0], $0xffff  }
0x257: {  	v9 =	vor.u32 v21, v56;
	v15 =	vor.u32 v10, v56;
	v2 =	vor.u32 v3, v56;
	v36 =	vld.idx.msk [tilespmem:v36+s22+$0x0], $0xffff  }
0x258: {  	v5 =	vadd.f32 v51, v57;
	v4 =	vadd.f32 v49, v33;
	v42 =	vmul.f32 v44, v11;
	v44 =	vld.idx.msk [tilespmem:v61+s22+$0x0], $0xffff  }
0x259: {  	v24 =	vmul.f32 v30, v12;
	v7 =	vadd.f32 v45, v59;
	v51 =	vld.idx.msk [tilespmem:v19+s22+$0x0], $0xffff;
	v49 =	vadd.f32 v14, v62  }
0x25a: {  	v62 =	vld [tilespmem:$0x1F930];
	v0 =	vor.u32 v23, v1;
	v59 =	vadd.f32 v42, v5;
	v5 =	vmul.f32 v58, v16  }
0x25b: {  	v34 =	vor.u32 v29, v52;
	v57 =	vmul.f32 v55, v16;
	v8 =	vmul.f32 v43, v11;
	v43 =	vld.idx.msk [tilespmem:v20+s22+$0x0], $0xffff  }
0x25c: {  	v61 =	vld [tilespmem:s21+$0x10];
	v58 =	vadd.f32 v50, v37;
	v55 =	vadd.f32 v5, v60;
	v63 =	vmul.f32 v36, v11  }
0x25d: {  	v60 =	vld.idx.msk [tilespmem:v2+s22+$0x0], $0xffff;
	v36 =	vor.u32 v29, v56;
	v52 =	vmul.f32 v44, v11;
	v11 =	vmul.f32 v48, v11  }
0x25e: {  	p2 =	sne.s32 s23, $0x3C;
	v12 =	vmul.f32 v54, v12;
	v2 =	vld [tilespmem:$0x1F920]  }
.Ltmp3:
0x25f: {  	v45 =	vor.u32 v17, v1;
	v42 =	vld.idx.msk [tilespmem:v0+s22+$0x0], $0xffff;
	v0 =	vadd.f32 v24, v58;
	v40 =	vadd.f32 v11, v4;
	(pc) =	sbr.rel @p2 .LBB2_5-.Ltmp3, $4  }
0x260: {  	v20 =	vor.u32 v29, v1;
	v4 =	vadd.f32 v12, v41;
	v54 =	vadd.f32 v52, v7;
	v52 =	vld.idx.msk [tilespmem:v9+s22+$0x0], $0xffff  }
0x261: {  	s25 =	sadd.s32 $0x3, s24;
	v50 =	vor.u32 v27, v1;
	v44 =	vor.u32 v27, v56;
	v56 =	vor.u32 v17, v56;
	v41 =	vld.idx.msk [tilespmem:v15+s22+$0x0], $0xffff  }
0x262: {  	v37 =	vadd.f32 v8, v0;
	v12 =	vmovc v46;
	v33 =	vadd.f32 v63, v4;
	v30 =	vld.idx.msk [tilespmem:v36+s22+$0x0], $0xffff;
	v36 =	vor.u32 s25, v62  }
0x263: {  	s23 =	sadd.s32 $0x4, s23;
	v13 =	vld [tilespmem:s21+$0xFFFFFFF0];
	v11 =	vmovc v61;
	v58 =	vor.u32 v2, v36;
	v46 =	vor.u32 v26, v36;
	v48 =	vor.u32 v31, v36  }
0x264: {  	v0 =	vld [tilespmem:$0x1F8F0];
	_ =	sdelay $0x4  }
0x265: {  	v0 =	vor.u32 v0, v36;
	_ =	sdelay $0x4  }
0x266: {  	v0 =	vld.idx.msk [tilespmem:v0+s22+$0x0], $0xffff  }
0x267: {  	v2 =	vadd.f32 v57, v59;
	v3 =	vmul.f32 v60, v13;
	_ =	sdelay $0x1  }
0x268: {  	v2 =	vadd.f32 v3, v2;
	v3 =	vmul.f32 v51, v12;
	_ =	sdelay $0x1  }
0x269: {  	v2 =	vadd.f32 v3, v2;
	v0 =	vmul.f32 v0, v11  }
0x26a: {  	s0 =	sshll.u32 s0, $0x7  }
0x26b: {  	v8 =	vlaneseq.u32;
	s0 =	sor.u32 s10, s0;
	v0 =	vadd.f32 v0, v2  }
0x26c: {  	v2 =	vor.u32 s0, v8  }
0x26d: {  	(xrf1) =	vsort.dscd.msk.f32 $0xffff, v0, v2;
	_ =	sdelay $0x8  }
0x26e: {  	v0 =	vld.idx.msk [tilespmem:v58+s22+$0x0], $0xffff  }
0x26f: {  	v5 =	vld [tilespmem:$0x1F8B0];
	v3 =	vmul.f32 v53, v12;
	v2 =	vmul.f32 v47, v13;
	_ =	sdelay $0x1  }
0x270: {  	v2 =	vadd.f32 v2, v55;
	_ =	sdelay $0x1  }
0x271: {  	v2 =	vadd.f32 v3, v2;
	v0 =	vmul.f32 v0, v11;
	v3, v4, _ =	vpop (xrf1)  }
0x272: {  	vm4 =	vgt.f32 v3, v5  }
0x273: {  	v0 =	vadd.f32 v0, v2;
	v2 =	vsel vm4, v3, v5;
	v3 =	vld [tilespmem:$0x1F8C0];
	_ =	sdelay $0x4  }
0x274: {  	s1 =	sor.u32 $0x10, s0;
	v3 =	vsel vm4, v4, v3  }
0x275: {  	(xrf1) =	vsort.ascd.msk.f32 $0xffff, v2, v3;
	v2 =	vor.u32 s1, v8  }
0x276: {  	(xrf1) =	vsort.dscd.msk.f32 $0xffff, v0, v2;
	v0 =	vld [tilespmem:$0x1F8D0];
	_ =	sdelay $0x4  }
0x277: {  	v3 =	vld.idx.msk [tilespmem:v45+s22+$0x0], $0xffff;
	v0 =	vor.u32 v0, v36  }
0x278: {  	v2 =	vld.idx.msk [tilespmem:v56+s22+$0x0], $0xffff;
	_ =	sdelay $0x1  }
0x279: {  	v4 =	vmul.f32 v43, v16;
	_ =	sdelay $0x1  }
0x27a: {  	v4 =	vadd.f32 v4, v54;
	v0 =	vld.idx.msk [tilespmem:v0+s22+$0x0], $0xffff  }
0x27b: {  	v3 =	vmul.f32 v3, v12;
	v2 =	vmul.f32 v2, v13;
	_ =	sdelay $0x1  }
0x27c: {  	v2 =	vadd.f32 v2, v4  }
0x27d: {  	v4, v5, _ =	vpop (xrf1)  }
0x27e: {  	v2 =	vadd.f32 v3, v2;
	v3, v7, _ =	vpop (xrf1);
	v0 =	vmul.f32 v0, v11  }
0x27f: {  	vm4 =	vgt.f32 v3, v4  }
0x280: {  	s17 =	sor.u32 $0x20, s0;
	v0 =	vadd.f32 v0, v2;
	v2 =	vsel vm4, v3, v4;
	v3 =	vsel vm4, v7, v5  }
0x281: {  	(xrf1) =	vsort.ascd.msk.f32 $0xffff, v2, v3;
	v2 =	vor.u32 s17, v8  }
0x282: {  	(xrf1) =	vsort.dscd.msk.f32 $0xffff, v0, v2;
	v2 =	vld [tilespmem:$0x1F8E0];
	_ =	sdelay $0x3  }
0x283: {  	v0 =	vld.idx.msk [tilespmem:v35+s22+$0x0], $0xffff  }
0x284: {  	v2 =	vor.u32 v2, v36;
	_ =	sdelay $0x3  }
0x285: {  	v0 =	vmul.f32 v0, v16  }
0x286: {  	v3 =	vmul.f32 v52, v13;
	v2 =	vld.idx.msk [tilespmem:v2+s22+$0x0], $0xffff  }
0x287: {  	v4 =	vmul.f32 v39, v12;
	v0 =	vadd.f32 v0, v49;
	_ =	sdelay $0x1  }
0x288: {  	v0 =	vadd.f32 v3, v0  }
0x289: {  	v3, v5, _ =	vpop (xrf1)  }
0x28a: {  	v0 =	vadd.f32 v4, v0;
	v4, v7, _ =	vpop (xrf1);
	v2 =	vmul.f32 v2, v11  }
0x28b: {  	vm4 =	vgt.f32 v4, v3  }
0x28c: {  	s21 =	sor.u32 $0x30, s0;
	v0 =	vadd.f32 v2, v0;
	v2 =	vsel vm4, v4, v3;
	v3 =	vsel vm4, v7, v5  }
0x28d: {  	(xrf1) =	vsort.ascd.msk.f32 $0xffff, v2, v3;
	v2 =	vor.u32 s21, v8  }
0x28e: {  	(xrf1) =	vsort.dscd.msk.f32 $0xffff, v0, v2;
	_ =	sdelay $0x2  }
0x28f: {  	v0 =	vld.idx.msk [tilespmem:v28+s22+$0x0], $0xffff  }
0x290: {  	v2 =	vld.idx.msk [tilespmem:v44+s22+$0x0], $0xffff  }
0x291: {  	v3 =	vld.idx.msk [tilespmem:v50+s22+$0x0], $0xffff;
	_ =	sdelay $0x2  }
0x292: {  	v0 =	vmul.f32 v0, v16  }
0x293: {  	v4 =	vld.idx.msk [tilespmem:v48+s22+$0x0], $0xffff;
	v2 =	vmul.f32 v2, v13  }
0x294: {  	v3 =	vmul.f32 v3, v12;
	v0 =	vadd.f32 v0, v40;
	_ =	sdelay $0x1  }
0x295: {  	v0 =	vadd.f32 v2, v0  }
0x296: {  	v2, v5, _ =	vpop (xrf1)  }
0x297: {  	v4 =	vmul.f32 v4, v11;
	v0 =	vadd.f32 v3, v0;
	v3, v7, _ =	vpop (xrf1)  }
0x298: {  	vm4 =	vgt.f32 v3, v2  }
0x299: {  	s23 =	sor.u32 $0x40, s0;
	v0 =	vadd.f32 v4, v0;
	v2 =	vsel vm4, v3, v2;
	v3 =	vsel vm4, v7, v5  }
0x29a: {  	(xrf1) =	vsort.ascd.msk.f32 $0xffff, v2, v3;
	v2 =	vor.u32 s23, v8  }
0x29b: {  	(xrf1) =	vsort.dscd.msk.f32 $0xffff, v0, v2;
	_ =	sdelay $0x2  }
0x29c: {  	v0 =	vld.idx.msk [tilespmem:v32+s22+$0x0], $0xffff;
	_ =	sdelay $0x4  }
0x29d: {  	v0 =	vmul.f32 v0, v16  }
0x29e: {  	v3 =	vmul.f32 v38, v13;
	v2 =	vld.idx.msk [tilespmem:v46+s22+$0x0], $0xffff  }
0x29f: {  	v4 =	vmul.f32 v42, v12;
	v0 =	vadd.f32 v0, v22;
	_ =	sdelay $0x1  }
0x2a0: {  	v0 =	vadd.f32 v3, v0  }
0x2a1: {  	v3, v5, _ =	vpop (xrf1)  }
0x2a2: {  	v2 =	vmul.f32 v2, v11;
	v0 =	vadd.f32 v4, v0;
	v4, v7, _ =	vpop (xrf1)  }
0x2a3: {  	vm4 =	vgt.f32 v4, v3  }
0x2a4: {  	s24 =	sor.u32 $0x50, s0;
	v0 =	vadd.f32 v2, v0;
	v2 =	vsel vm4, v4, v3;
	v3 =	vsel vm4, v7, v5  }
0x2a5: {  	(xrf1) =	vsort.ascd.msk.f32 $0xffff, v2, v3;
	v2 =	vor.u32 s24, v8  }
0x2a6: {  	(xrf1) =	vsort.dscd.msk.f32 $0xffff, v0, v2;
	v2 =	vld [tilespmem:$0x1F900];
	_ =	sdelay $0x3  }
0x2a7: {  	v0 =	vld.idx.msk [tilespmem:v34+s22+$0x0], $0xffff  }
0x2a8: {  	v2 =	vor.u32 v2, v36  }
0x2a9: {  	v3 =	vld.idx.msk [tilespmem:v20+s22+$0x0], $0xffff;
	_ =	sdelay $0x2  }
0x2aa: {  	v0 =	vmul.f32 v0, v16  }
0x2ab: {  	v4 =	vmul.f32 v30, v13;
	v2 =	vld.idx.msk [tilespmem:v2+s22+$0x0], $0xffff  }
0x2ac: {  	v3 =	vmul.f32 v3, v12;
	v0 =	vadd.f32 v0, v37;
	_ =	sdelay $0x1  }
0x2ad: {  	v0 =	vadd.f32 v4, v0  }
0x2ae: {  	v4, v5, _ =	vpop (xrf1)  }
0x2af: {  	v0 =	vadd.f32 v3, v0;
	v3, v7, _ =	vpop (xrf1);
	v2 =	vmul.f32 v2, v11  }
0x2b0: {  	vm4 =	vgt.f32 v3, v4  }
0x2b1: {  	s25 =	sor.u32 $0x60, s0;
	v0 =	vadd.f32 v2, v0;
	v2 =	vsel vm4, v3, v4;
	v3 =	vsel vm4, v7, v5  }
0x2b2: {  	(xrf1) =	vsort.ascd.msk.f32 $0xffff, v2, v3;
	v2 =	vor.u32 s25, v8  }
0x2b3: {  	(xrf1) =	vsort.dscd.msk.f32 $0xffff, v0, v2;
	v0 =	vor.u32 v10, v1;
	v1 =	vld [tilespmem:$0x1F910];
	_ =	sdelay $0x4  }
0x2b4: {  	v1 =	vor.u32 v1, v36;
	_ =	sdelay $0x1  }
0x2b5: {  	v2 =	vmul.f32 v25, v16  }
0x2b6: {  	v0 =	vld.idx.msk [tilespmem:v0+s22+$0x0], $0xffff  }
0x2b7: {  	v3 =	vmul.f32 v41, v13;
	v2 =	vadd.f32 v2, v33  }
0x2b8: {  	v1 =	vld.idx.msk [tilespmem:v1+s22+$0x0], $0xffff  }
0x2b9: {  	v2 =	vadd.f32 v3, v2;
	_ =	sdelay $0x1  }
0x2ba: {  	v0 =	vmul.f32 v0, v12  }
0x2bb: {  	v3, v4, _ =	vpop (xrf1)  }
0x2bc: {  	v0 =	vadd.f32 v0, v2;
	v2, v5, _ =	vpop (xrf1);
	v1 =	vmul.f32 v1, v11  }
0x2bd: {  	vm4 =	vgt.f32 v2, v3  }
0x2be: {  	s0 =	sor.u32 $0x70, s0;
	v0 =	vadd.f32 v1, v0;
	v1 =	vsel vm4, v2, v3;
	v2 =	vsel vm4, v5, v4  }
0x2bf: {  	(xrf1) =	vsort.ascd.msk.f32 $0xffff, v1, v2;
	v1 =	vor.u32 s0, v8  }
0x2c0: {  	(xrf1) =	vsort.dscd.msk.f32 $0xffff, v0, v1;
	_ =	sdelay $0xc  }
0x2c1: {  	v0, v1, _ =	vpop (xrf1)  }
0x2c2: {  	v2, v3, _ =	vpop (xrf1)  }
0x2c3: {  	vm4 =	vgt.f32 v2, v0  }
0x2c4: {  	v0 =	vsel vm4, v2, v0;
	v1 =	vsel vm4, v3, v1  }
0x2c5: {  	(xrf1) =	vsort.ascd.msk.f32 $0xffff, v0, v1;
	_ =	sdelay $0xa  }
.Ltmp4:
0x2c6: {  	_ = 	snop;
	(pc) =	sbr.rel @p1 .LBB2_4-.Ltmp4, $3  }
0x2c7: {  	_ =	sdelay $0x1  }
0x2c8: {  	v1, v0, _ =	vpop (xrf1)  }
0x2c9: {  	p2 =	por $0x0, $0x0;
	s0 =	simm.s32 $0x1;
	[tilespmem:$0x11400] =	vst v1  }
0x2ca: {  	s6 =	simm.s32 $0x2  }
0x2cb: {  	_ =	swait.ge [sflag:s6], $0x4000  }
0x2cc: {  	[sflag:s6] =	ssyncset.done $0x0  }
0x2cd: {  	p2 =	por $0x0, $0x0;
	[sflag:s6] =	ssyncadd.s32 $0xFFFFC000  }
.LBB2_8:
0x2ce: {  	v22 =	vld [tilespmem:$0x1FFF0];
	_ =	sdelay $0x3  }
0x2cf: {  	s0 =	sshll.u32 s6, $0xD;
	s1 =	simm.s32 $0x1  }
0x2d0: {  	[tilespmem:$0x1F8C0] =	vst v0;
	s21 =	sor.u32 $0x400, s0;
	v4 =	vor.u32 s1, v6;
	v0 =	vor.u32 s0, v22  }
0x2d1: {  	[tilespmem:$0x1F8B0] =	vst v1;
	s24 =	simm.s32 $0x115A0;
	s1 =	sor.u32 $0x1C00, s0;
	v1 =	vor.u32 s21, v22;
	v3 =	vor.u32 v0, v4  }
0x2d2: {  	s25 =	simm.s32 $0x2;
	s23 =	sor.u32 $0x800, s0;
	v8 =	vld [tilespmem:s24+$0xFFFFFFE0];
	v12 =	vor.u32 s1, v22;
	v5 =	vor.u32 v1, v4  }
0x2d3: {  	v7 =	vor.u32 s25, v6;
	v10 =	vld [tilespmem:s24+$0x0];
	v2 =	vor.u32 s23, v22;
	v9 =	vor.u32 v12, v4  }
0x2d4: {  	v11 =	vld [tilespmem:s24+$0x10];
	v14 =	vor.u32 v2, v7  }
0x2d5: {  	v36 =	vld [tilespmem:s24+$0xFFFFFFF0];
	v15 =	vor.u32 v0, v7  }
0x2d6: {  	s17 =	simm.s32 $0x3;
	s3 =	sor.u32 $0x1800, s0;
	v17 =	vor.u32 v2, v4;
	v31 =	vld.idx.msk [tilespmem:v3+s22+$0x0], $0xffff  }
0x2d7: {  	v33 =	vor.u32 s17, v62;
	s17 =	simm.s32 $0x0;
	v16 =	vor.u32 s3, v22;
	v18 =	vor.u32 v1, v7;
	v5 =	vld.idx.msk [tilespmem:v5+s22+$0x0], $0xffff  }
0x2d8: {  	v32 =	vor.u32 s17, v6;
	v23 =	vor.u32 v16, v4;
	v9 =	vld.idx.msk [tilespmem:v9+s22+$0x0], $0xffff  }
0x2d9: {  	v38 =	vor.u32 v0, v32;
	v25 =	vld.idx.msk [tilespmem:v14+s22+$0x0], $0xffff  }
0x2da: {  	v40 =	vor.u32 v1, v32;
	v26 =	vld.idx.msk [tilespmem:v15+s22+$0x0], $0xffff  }
0x2db: {  	v42 =	vor.u32 v2, v32;
	v34 =	vld.idx.msk [tilespmem:v17+s22+$0x0], $0xffff  }
0x2dc: {  	v15 =	vor.u32 v12, v7;
	v27 =	vld.idx.msk [tilespmem:v18+s22+$0x0], $0xffff  }
0x2dd: {  	s25 =	sor.u32 $0x1000, s0;
	v46 =	vor.u32 v12, v32;
	v3 =	vmov s23;
	v41 =	vld.idx.msk [tilespmem:v23+s22+$0x0], $0xffff  }
0x2de: {  	s2 =	sor.u32 $0x1400, s0;
	v14 =	vor.u32 s25, v22;
	v38 =	vld.idx.msk [tilespmem:v38+s22+$0x0], $0xffff;
	v19 =	vor.u32 v3, v33  }
0x2df: {  	v30 =	vimm.f32 $0.0e+00;
	v17 =	vor.u32 s2, v22;
	v40 =	vld.idx.msk [tilespmem:v40+s22+$0x0], $0xffff;
	v21 =	vor.u32 v14, v4  }
0x2e0: {  	v54 =	vmov s3;
	v51 =	vor.u32 v16, v32;
	s23 =	sor.u32 $0xC00, s0;
	v53 =	vld.idx.msk [tilespmem:v42+s22+$0x0], $0xffff;
	v28 =	vor.u32 v17, v4  }
0x2e1: {  	v18 =	vmov s21;
	v13 =	vor.u32 s23, v22;
	v35 =	vor.u32 v14, v7;
	v15 =	vld.idx.msk [tilespmem:v15+s22+$0x0], $0xffff  }
0x2e2: {  	v52 =	vor.u32 v14, v32;
	v47 =	vmul.f32 v27, v10;
	v27 =	vmul.f32 v9, v36;
	v9 =	vld.idx.msk [tilespmem:v46+s22+$0x0], $0xffff  }
0x2e3: {  	v42 =	vor.u32 v54, v33;
	[tilespmem:$0x1F880] =	vst v3;
	v3 =	vmov s0;
	v20 =	vor.u32 v13, v7;
	v37 =	vld.idx.msk [tilespmem:v19+s22+$0x0], $0xffff  }
0x2e4: {  	v22 =	vmov s2;
	v45 =	vor.u32 v17, v7;
	v48 =	vor.u32 v13, v32;
	v39 =	vld.idx.msk [tilespmem:v21+s22+$0x0], $0xffff  }
0x2e5: {  	v60 =	vor.u32 v18, v33;
	v4 =	vor.u32 v13, v4;
	v50 =	vor.u32 v3, v33;
	v43 =	vld.idx.msk [tilespmem:v28+s22+$0x0], $0xffff  }
0x2e6: {  	v7 =	vor.u32 v16, v7;
	v58 =	vmul.f32 v26, v10;
	v38 =	vmul.f32 v38, v8;
	v44 =	vld.idx.msk [tilespmem:v35+s22+$0x0], $0xffff  }
0x2e7: {  	v40 =	vmul.f32 v40, v8;
	v5 =	vmul.f32 v5, v36;
	v28 =	vor.u32 v17, v32;
	v61 =	vld.idx.msk [tilespmem:v52+s22+$0x0], $0xffff  }
0x2e8: {  	v57 =	vmul.f32 v53, v8;
	v21 =	vmov s25;
	v29 =	vld.idx.msk [tilespmem:v20+s22+$0x0], $0xffff;
	v20 =	vmov s1  }
0x2e9: {  	v32 =	vmul.f32 v25, v10;
	v35 =	vor.u32 v21, v33;
	v59 =	vld.idx.msk [tilespmem:v48+s22+$0x0], $0xffff;
	v38 =	vadd.f32 v38, v30  }
0x2ea: {  	v19 =	vmov s23;
	v46 =	vld.idx.msk [tilespmem:v4+s22+$0x0], $0xffff;
	v4 =	vadd.f32 v40, v30;
	v55 =	vadd.f32 v57, v30;
	[tilespmem:$0x1F890] =	vst v20  }
0x2eb: {  	v49 =	vor.u32 v20, v33;
	v15 =	vmul.f32 v15, v10;
	v20 =	vmovc v54;
	v54 =	vmul.f32 v34, v36  }
0x2ec: {  	[tilespmem:$0x1F8A0] =	vst v3;
	v40 =	vimm.f32 $0.0e+00;
	v9 =	vmul.f32 v9, v8;
	v56 =	vld.idx.msk [tilespmem:v28+s22+$0x0], $0xffff;
	v28 =	vmul.f32 v37, v11  }
0x2ed: {  	v26 =	vmul.f32 v44, v10;
	v44 =	vor.u32 v19, v33;
	v37 =	vld.idx.msk [tilespmem:v51+s22+$0x0], $0xffff;
	v51 =	vmul.f32 v31, v36  }
0x2ee: {  	v48 =	vld.idx.msk [tilespmem:v45+s22+$0x0], $0xffff;
	v31 =	vmul.f32 v41, v36;
	v45 =	vmul.f32 v43, v36;
	v41 =	vadd.f32 v5, v4  }
0x2ef: {  	v57 =	vld.idx.msk [tilespmem:v50+s22+$0x0], $0xffff;
	v25 =	vmul.f32 v29, v10;
	v29 =	vor.u32 v22, v33;
	v63 =	vadd.f32 v51, v38  }
0x2f0: {  	v24 =	vmovc v22;
	v23 =	vmovc v21;
	v50 =	vmul.f32 v59, v8;
	v33 =	vimm.f32 $0.0e+00;
	v34 =	vld.idx.msk [tilespmem:v49+s22+$0x0], $0xffff;
	v38 =	vadd.f32 v9, v30  }
0x2f1: {  	v51 =	vmul.f32 v61, v8;
	v49 =	vld.idx.msk [tilespmem:v7+s22+$0x0], $0xffff;
	v53 =	vadd.f32 v58, v63;
	v52 =	vmul.f32 v56, v8  }
0x2f2: {  	p1 =	por p2, p2;
	s21 =	simm.s32 $0x115E0;
	s0 =	simm.s32 $0x4;
	v21 =	vmovc v18;
	v22 =	vmovc v19;
	v43 =	vmul.f32 v37, v8;
	v37 =	vmul.f32 v39, v36;
	v56 =	vld.idx.msk [tilespmem:v60+s22+$0x0], $0xffff;
	v39 =	vimm.f32 $0.0e+00  }
.LBB2_9:
0x2f3: {  	v4 =	vadd.f32 v52, v30  }
0x2f4: {  	v8 =	vld.idx.msk [tilespmem:v35+s22+$0x0], $0xffff;
	v5 =	vadd.f32 v54, v55;
	v47 =	vadd.f32 v47, v41  }
0x2f5: {  	s1 =	sadd.s32 $0x1, s0;
	v35 =	vld.idx.msk [tilespmem:v42+s22+$0x0], $0xffff;
	v33 =	vadd.f32 v43, v33;
	v39 =	vadd.f32 v51, v39  }
0x2f6: {  	s2 =	sadd.s32 $0x2, s0;
	v44 =	vld.idx.msk [tilespmem:v44+s22+$0x0], $0xffff;
	v9 =	vor.u32 s1, v6;
	v27 =	vadd.f32 v27, v38;
	v40 =	vadd.f32 v50, v40  }
0x2f7: {  	v29 =	vld.idx.msk [tilespmem:v29+s22+$0x0], $0xffff;
	v7 =	vmul.f32 v46, v36;
	v46 =	vor.u32 s2, v6;
	v61 =	vor.u32 v0, v9  }
0x2f8: {  	v3 =	vld [tilespmem:$0x1F880];
	v63 =	vor.u32 v12, v9;
	v60 =	vor.u32 v2, v9;
	v36 =	vor.u32 v16, v9  }
0x2f9: {  	v41 =	vld [tilespmem:s21+$0xFFFFFFE0];
	v52 =	vor.u32 v13, v46;
	v4 =	vadd.f32 v45, v4;
	v5 =	vadd.f32 v32, v5  }
0x2fa: {  	s3 =	sadd.s32 $0x3, s0;
	v31 =	vadd.f32 v31, v33;
	v30 =	vmul.f32 v48, v10;
	v43 =	vmul.f32 v49, v10;
	v10 =	vld [tilespmem:s21+$0x0]  }
0x2fb: {  	v42 =	vor.u32 s3, v62;
	v62 =	vor.u32 v1, v9;
	v54 =	vmul.f32 v57, v11;
	v57 =	vld [tilespmem:s21+$0x10]  }
0x2fc: {  	v33 =	vor.u32 v12, v46;
	v45 =	vmul.f32 v56, v11;
	v56 =	vor.u32 v2, v46;
	v38 =	vld.idx.msk [tilespmem:v61+s22+$0x0], $0xffff  }
0x2fd: {  	v15 =	vadd.f32 v15, v27;
	v27 =	vor.u32 v14, v9;
	v49 =	vor.u32 v0, v46;
	v50 =	vld.idx.msk [tilespmem:v63+s22+$0x0], $0xffff  }
0x2fe: {  	v58 =	vor.u32 v17, v46;
	v19 =	vor.u32 v16, v46;
	v63 =	vor.u32 v3, v42;
	v3 =	vld [tilespmem:$0x1F890]  }
0x2ff: {  	v7 =	vadd.f32 v7, v40;
	v8 =	vmul.f32 v8, v11;
	v55 =	vmul.f32 v29, v11;
	v52 =	vld.idx.msk [tilespmem:v52+s22+$0x0], $0xffff  }
0x300: {  	v29 =	vor.u32 v17, v9;
	v40 =	vmul.f32 v44, v11;
	v61 =	vmul.f32 v34, v11;
	v34 =	vld.idx.msk [tilespmem:v62+s22+$0x0], $0xffff  }
0x301: {  	v9 =	vor.u32 v13, v9;
	v5 =	vadd.f32 v28, v5;
	v45 =	vadd.f32 v45, v47;
	v56 =	vld.idx.msk [tilespmem:v56+s22+$0x0], $0xffff  }
0x302: {  	s23 =	smov.u32 s0;
	v35 =	vmul.f32 v35, v11;
	v4 =	vadd.f32 v30, v4;
	v30 =	vadd.f32 v43, v31;
	v44 =	vld.idx.msk [tilespmem:v49+s22+$0x0], $0xffff  }
0x303: {  	v31 =	vor.u32 s23, v6;
	v7 =	vadd.f32 v25, v7;
	v49 =	vadd.f32 v54, v53;
	v53 =	vld.idx.msk [tilespmem:v60+s22+$0x0], $0xffff  }
0x304: {  	v43 =	vor.u32 v1, v31;
	v59 =	vadd.f32 v61, v15;
	v15 =	vadd.f32 v37, v39;
	v37 =	vld.idx.msk [tilespmem:v33+s22+$0x0], $0xffff  }
0x305: {  	v47 =	vor.u32 v14, v46;
	v28 =	vor.u32 v0, v31;
	v11 =	vmov v57;
	v57 =	vld.idx.msk [tilespmem:v27+s22+$0x0], $0xffff  }
0x306: {  	v40 =	vadd.f32 v40, v7;
	v7 =	vor.u32 v16, v31;
	v62 =	vor.u32 v1, v46;
	v46 =	vld.idx.msk [tilespmem:v9+s22+$0x0], $0xffff  }
0x307: {  	v51 =	vld.idx.msk [tilespmem:v63+s22+$0x0], $0xffff  }
0x308: {  	v15 =	vadd.f32 v26, v15;
	v60 =	vor.u32 v3, v42;
	v3 =	vld [tilespmem:$0x1F8A0]  }
0x309: {  	v33 =	vadd.f32 v35, v30;
	v30 =	vadd.f32 v55, v4;
	v4 =	vld.idx.msk [tilespmem:v43+s22+$0x0], $0xffff  }
0x30a: {  	v39 =	vadd.f32 v8, v15;
	v8 =	vld.idx.msk [tilespmem:v28+s22+$0x0], $0xffff  }
0x30b: {  	v27 =	vor.u32 v17, v31;
	v7 =	vld.idx.msk [tilespmem:v7+s22+$0x0], $0xffff  }
0x30c: {  	v26 =	vor.u32 v2, v31;
	v48 =	vld.idx.msk [tilespmem:v62+s22+$0x0], $0xffff  }
0x30d: {  	v54 =	vor.u32 v13, v31;
	v62 =	vld.idx.msk [tilespmem:v36+s22+$0x0], $0xffff  }
0x30e: {  	v63 =	vor.u32 v14, v31;
	v31 =	vor.u32 v12, v31;
	v32 =	vmul.f32 v56, v10;
	v56 =	vld.idx.msk [tilespmem:v47+s22+$0x0], $0xffff  }
0x30f: {  	v36 =	vld [tilespmem:s21+$0xFFFFFFF0]  }
0x310: {  	v25 =	vmul.f32 v52, v10;
	v52 =	vld.idx.msk [tilespmem:v27+s22+$0x0], $0xffff  }
0x311: {  	v35 =	vor.u32 v23, v42;
	v15 =	vmul.f32 v37, v10;
	v18 =	vmul.f32 v44, v10;
	v37 =	vld.idx.msk [tilespmem:v26+s22+$0x0], $0xffff  }
0x312: {  	v61 =	vor.u32 v3, v42;
	v3 =	vld.idx.msk [tilespmem:v29+s22+$0x0], $0xffff;
	v28 =	vmul.f32 v51, v11;
	v4 =	vmul.f32 v4, v41  }
0x313: {  	v44 =	vor.u32 v22, v42;
	v43 =	vld.idx.msk [tilespmem:v31+s22+$0x0], $0xffff;
	v8 =	vmul.f32 v8, v41;
	v47 =	vmul.f32 v48, v10  }
0x314: {  	v29 =	vor.u32 v24, v42;
	v51 =	vld.idx.msk [tilespmem:v63+s22+$0x0], $0xffff;
	v27 =	vmul.f32 v50, v36;
	v26 =	vmul.f32 v56, v10  }
0x315: {  	v50 =	vld.idx.msk [tilespmem:v54+s22+$0x0], $0xffff;
	v38 =	vmul.f32 v38, v36;
	v63 =	vmul.f32 v34, v36;
	v56 =	vor.u32 v21, v42  }
0x316: {  	p2 =	sne.s32 s0, $0x3C;
	v31 =	vmul.f32 v62, v36;
	v62 =	vld [tilespmem:$0x1F930];
	v42 =	vor.u32 v20, v42;
	v54 =	vmul.f32 v53, v36  }
.Ltmp5:
0x317: {  	v48 =	vld.idx.msk [tilespmem:v58+s22+$0x0], $0xffff;
	v52 =	vmul.f32 v52, v41;
	v8 =	vadd.f32 v8, v49;
	v9 =	vmul.f32 v37, v41;
	(pc) =	sbr.rel @p2 .LBB2_9-.Ltmp5, $4  }
0x318: {  	v4 =	vadd.f32 v4, v45;
	v34 =	vld.idx.msk [tilespmem:v60+s22+$0x0], $0xffff;
	v37 =	vmul.f32 v57, v36;
	v49 =	vmul.f32 v43, v41  }
0x319: {  	v8 =	vadd.f32 v38, v8;
	v45 =	vmul.f32 v3, v36;
	v43 =	vmul.f32 v7, v41;
	v57 =	vld.idx.msk [tilespmem:v61+s22+$0x0], $0xffff  }
0x31a: {  	v51 =	vmul.f32 v51, v41;
	v55 =	vadd.f32 v9, v5;
	v38 =	vadd.f32 v49, v59;
	v56 =	vld.idx.msk [tilespmem:v56+s22+$0x0], $0xffff  }
0x31b: {  	s0 =	sadd.s32 $0x4, s0;
	s21 =	sadd.s32 $0x40, s21;
	v50 =	vmul.f32 v50, v41;
	v41 =	vadd.f32 v63, v4;
	v53 =	vadd.f32 v18, v8;
	v49 =	vld.idx.msk [tilespmem:v19+s22+$0x0], $0xffff  }
0x31c: {  	_ =	sdelay $0x1  }
0x31d: {  	v0 =	vmul.f32 v57, v11  }
0x31e: {  	s0 =	sshll.u32 s6, $0x7  }
0x31f: {  	v7 =	vlaneseq.u32;
	s0 =	sor.u32 s10, s0;
	v0 =	vadd.f32 v0, v53  }
0x320: {  	v1 =	vor.u32 s0, v7  }
0x321: {  	(xrf1) =	vsort.dscd.msk.f32 $0xffff, v0, v1;
	_ =	sdelay $0x9  }
0x322: {  	v4 =	vld [tilespmem:$0x1F8B0];
	_ =	sdelay $0x3  }
0x323: {  	v0 =	vadd.f32 v47, v41;
	v1 =	vmul.f32 v56, v11;
	v2, v3, _ =	vpop (xrf1)  }
0x324: {  	vm4 =	vgt.f32 v2, v4  }
0x325: {  	v0 =	vadd.f32 v1, v0;
	v1 =	vsel vm4, v2, v4;
	v2 =	vld [tilespmem:$0x1F8C0];
	_ =	sdelay $0x4  }
0x326: {  	s1 =	sor.u32 $0x10, s0;
	v2 =	vsel vm4, v3, v2  }
0x327: {  	(xrf1) =	vsort.ascd.msk.f32 $0xffff, v1, v2;
	v1 =	vor.u32 s1, v7  }
0x328: {  	(xrf1) =	vsort.dscd.msk.f32 $0xffff, v0, v1;
	_ =	sdelay $0xb  }
0x329: {  	v0 =	vadd.f32 v54, v55  }
0x32a: {  	v1, v2, _ =	vpop (xrf1)  }
0x32b: {  	v0 =	vadd.f32 v32, v0;
	v3, v4, _ =	vpop (xrf1)  }
0x32c: {  	vm4 =	vgt.f32 v3, v1  }
0x32d: {  	s17 =	sor.u32 $0x20, s0;
	v0 =	vadd.f32 v28, v0;
	v1 =	vsel vm4, v3, v1;
	v2 =	vsel vm4, v4, v2  }
0x32e: {  	(xrf1) =	vsort.ascd.msk.f32 $0xffff, v1, v2;
	v1 =	vor.u32 s17, v7  }
0x32f: {  	(xrf1) =	vsort.dscd.msk.f32 $0xffff, v0, v1;
	_ =	sdelay $0x8  }
0x330: {  	v2 =	vadd.f32 v50, v40;
	v0 =	vld.idx.msk [tilespmem:v44+s22+$0x0], $0xffff  }
0x331: {  	v1 =	vmul.f32 v46, v36;
	_ =	sdelay $0x1  }
0x332: {  	v1 =	vadd.f32 v1, v2  }
0x333: {  	v2, v3, _ =	vpop (xrf1)  }
0x334: {  	v1 =	vadd.f32 v25, v1;
	v0 =	vmul.f32 v0, v11;
	v4, v5, _ =	vpop (xrf1)  }
0x335: {  	vm4 =	vgt.f32 v4, v2  }
0x336: {  	s21 =	sor.u32 $0x30, s0;
	v0 =	vadd.f32 v0, v1;
	v1 =	vsel vm4, v4, v2;
	v2 =	vsel vm4, v5, v3  }
0x337: {  	(xrf1) =	vsort.ascd.msk.f32 $0xffff, v1, v2;
	v1 =	vor.u32 s21, v7  }
0x338: {  	(xrf1) =	vsort.dscd.msk.f32 $0xffff, v0, v1;
	_ =	sdelay $0x8  }
0x339: {  	v0 =	vld.idx.msk [tilespmem:v35+s22+$0x0], $0xffff  }
0x33a: {  	v1 =	vadd.f32 v51, v39;
	_ =	sdelay $0x1  }
0x33b: {  	v1 =	vadd.f32 v37, v1  }
0x33c: {  	v2, v3, _ =	vpop (xrf1)  }
0x33d: {  	v1 =	vadd.f32 v26, v1;
	v0 =	vmul.f32 v0, v11;
	v4, v5, _ =	vpop (xrf1)  }
0x33e: {  	vm4 =	vgt.f32 v4, v2  }
0x33f: {  	s23 =	sor.u32 $0x40, s0;
	v0 =	vadd.f32 v0, v1;
	v1 =	vsel vm4, v4, v2;
	v2 =	vsel vm4, v5, v3  }
0x340: {  	(xrf1) =	vsort.ascd.msk.f32 $0xffff, v1, v2;
	v1 =	vor.u32 s23, v7  }
0x341: {  	(xrf1) =	vsort.dscd.msk.f32 $0xffff, v0, v1;
	_ =	sdelay $0x8  }
0x342: {  	v0 =	vld.idx.msk [tilespmem:v29+s22+$0x0], $0xffff  }
0x343: {  	v2 =	vmul.f32 v48, v10;
	v1 =	vadd.f32 v52, v30;
	_ =	sdelay $0x1  }
0x344: {  	v1 =	vadd.f32 v45, v1  }
0x345: {  	v3, v4, _ =	vpop (xrf1)  }
0x346: {  	v1 =	vadd.f32 v2, v1;
	v0 =	vmul.f32 v0, v11;
	v2, v5, _ =	vpop (xrf1)  }
0x347: {  	vm4 =	vgt.f32 v2, v3  }
0x348: {  	s24 =	sor.u32 $0x50, s0;
	v0 =	vadd.f32 v0, v1;
	v1 =	vsel vm4, v2, v3;
	v2 =	vsel vm4, v5, v4  }
0x349: {  	(xrf1) =	vsort.ascd.msk.f32 $0xffff, v1, v2;
	v1 =	vor.u32 s24, v7  }
0x34a: {  	(xrf1) =	vsort.dscd.msk.f32 $0xffff, v0, v1;
	_ =	sdelay $0x8  }
0x34b: {  	v0 =	vld.idx.msk [tilespmem:v42+s22+$0x0], $0xffff  }
0x34c: {  	v2 =	vmul.f32 v49, v10;
	v1 =	vadd.f32 v43, v33;
	_ =	sdelay $0x1  }
0x34d: {  	v1 =	vadd.f32 v31, v1  }
0x34e: {  	v3, v4, _ =	vpop (xrf1)  }
0x34f: {  	v1 =	vadd.f32 v2, v1;
	v0 =	vmul.f32 v0, v11;
	v2, v5, _ =	vpop (xrf1)  }
0x350: {  	vm4 =	vgt.f32 v2, v3  }
0x351: {  	s25 =	sor.u32 $0x60, s0;
	v0 =	vadd.f32 v0, v1;
	v1 =	vsel vm4, v2, v3;
	v2 =	vsel vm4, v5, v4  }
0x352: {  	(xrf1) =	vsort.ascd.msk.f32 $0xffff, v1, v2;
	v1 =	vor.u32 s25, v7  }
0x353: {  	(xrf1) =	vsort.dscd.msk.f32 $0xffff, v0, v1;
	_ =	sdelay $0xb  }
0x354: {  	v0 =	vadd.f32 v27, v38  }
0x355: {  	v1, v2, _ =	vpop (xrf1)  }
0x356: {  	v3 =	vmul.f32 v34, v11;
	v0 =	vadd.f32 v15, v0;
	v4, v5, _ =	vpop (xrf1)  }
0x357: {  	vm4 =	vgt.f32 v4, v1  }
0x358: {  	s0 =	sor.u32 $0x70, s0;
	v0 =	vadd.f32 v3, v0;
	v1 =	vsel vm4, v4, v1;
	v2 =	vsel vm4, v5, v2  }
0x359: {  	(xrf1) =	vsort.ascd.msk.f32 $0xffff, v1, v2;
	v1 =	vor.u32 s0, v7  }
0x35a: {  	(xrf1) =	vsort.dscd.msk.f32 $0xffff, v0, v1;
	_ =	sdelay $0xc  }
0x35b: {  	v0, v1, _ =	vpop (xrf1)  }
0x35c: {  	v2, v3, _ =	vpop (xrf1)  }
0x35d: {  	vm4 =	vgt.f32 v2, v0  }
0x35e: {  	v0 =	vsel vm4, v2, v0;
	v1 =	vsel vm4, v3, v1  }
0x35f: {  	(xrf1) =	vsort.ascd.msk.f32 $0xffff, v0, v1;
	_ =	sdelay $0xa  }
.Ltmp6:
0x360: {  	_ = 	snop;
	(pc) =	sbr.rel @!p1 .LBB2_8-.Ltmp6, $3  }
0x361: {  	_ =	sdelay $0x1  }
0x362: {  	v1, v0, _ =	vpop (xrf1)  }
0x363: {  	s6 =	simm.s32 $0x3;
	p2 =	por $0x1, $0x1;
	[tilespmem:$0x11400] =	vst v1  }
0x364: {  	_ =	swait.ge [sflag:s30], $0x4000  }
0x365: {  	[sflag:s30] =	ssyncset.done $0x0  }
0x366: {  	s6 =	simm.s32 $0x4;
	p2 =	por $0x0, $0x0;
	[sflag:s30] =	ssyncadd.s32 $0xFFFFC000  }
.LBB2_12:
0x367: {  	v22 =	vld [tilespmem:$0x1FFF0];
	_ =	sdelay $0x3  }
0x368: {  	s0 =	sshll.u32 s6, $0xD;
	s1 =	simm.s32 $0x1  }
0x369: {  	[tilespmem:$0x1F8C0] =	vst v0;
	s2 =	sor.u32 $0x400, s0;
	v4 =	vor.u32 s1, v6;
	v0 =	vor.u32 s0, v22  }
0x36a: {  	[tilespmem:$0x1F8B0] =	vst v1;
	s17 =	simm.s32 $0x115A0;
	s1 =	sor.u32 $0x1C00, s0;
	v1 =	vor.u32 s2, v22;
	v3 =	vor.u32 v0, v4  }
0x36b: {  	s21 =	simm.s32 $0x2;
	s3 =	sor.u32 $0x800, s0;
	v8 =	vld [tilespmem:s17+$0xFFFFFFE0];
	v12 =	vor.u32 s1, v22;
	v5 =	vor.u32 v1, v4  }
0x36c: {  	v7 =	vor.u32 s21, v6;
	v10 =	vld [tilespmem:s17+$0x0];
	v2 =	vor.u32 s3, v22;
	v9 =	vor.u32 v12, v4  }
0x36d: {  	v11 =	vld [tilespmem:s17+$0x10];
	v14 =	vor.u32 v2, v7  }
0x36e: {  	v36 =	vld [tilespmem:s17+$0xFFFFFFF0];
	v15 =	vor.u32 v0, v7  }
0x36f: {  	s25 =	simm.s32 $0x3;
	s23 =	sor.u32 $0x1800, s0;
	v17 =	vor.u32 v2, v4;
	v31 =	vld.idx.msk [tilespmem:v3+s22+$0x0], $0xffff  }
0x370: {  	v33 =	vor.u32 s25, v62;
	s25 =	simm.s32 $0x0;
	v16 =	vor.u32 s23, v22;
	v18 =	vor.u32 v1, v7;
	v5 =	vld.idx.msk [tilespmem:v5+s22+$0x0], $0xffff  }
0x371: {  	v32 =	vor.u32 s25, v6;
	v23 =	vor.u32 v16, v4;
	v9 =	vld.idx.msk [tilespmem:v9+s22+$0x0], $0xffff  }
0x372: {  	v38 =	vor.u32 v0, v32;
	v25 =	vld.idx.msk [tilespmem:v14+s22+$0x0], $0xffff  }
0x373: {  	v40 =	vor.u32 v1, v32;
	v26 =	vld.idx.msk [tilespmem:v15+s22+$0x0], $0xffff  }
0x374: {  	v42 =	vor.u32 v2, v32;
	v34 =	vld.idx.msk [tilespmem:v17+s22+$0x0], $0xffff  }
0x375: {  	v15 =	vor.u32 v12, v7;
	v27 =	vld.idx.msk [tilespmem:v18+s22+$0x0], $0xffff  }
0x376: {  	s21 =	sor.u32 $0x1000, s0;
	v46 =	vor.u32 v12, v32;
	v3 =	vmov s3;
	v41 =	vld.idx.msk [tilespmem:v23+s22+$0x0], $0xffff  }
0x377: {  	s24 =	sor.u32 $0x1400, s0;
	v14 =	vor.u32 s21, v22;
	v38 =	vld.idx.msk [tilespmem:v38+s22+$0x0], $0xffff;
	v19 =	vor.u32 v3, v33  }
0x378: {  	v30 =	vimm.f32 $0.0e+00;
	v17 =	vor.u32 s24, v22;
	v40 =	vld.idx.msk [tilespmem:v40+s22+$0x0], $0xffff;
	v21 =	vor.u32 v14, v4  }
0x379: {  	v54 =	vmov s23;
	v51 =	vor.u32 v16, v32;
	s3 =	sor.u32 $0xC00, s0;
	v53 =	vld.idx.msk [tilespmem:v42+s22+$0x0], $0xffff;
	v28 =	vor.u32 v17, v4  }
0x37a: {  	v18 =	vmov s2;
	v13 =	vor.u32 s3, v22;
	v35 =	vor.u32 v14, v7;
	v15 =	vld.idx.msk [tilespmem:v15+s22+$0x0], $0xffff  }
0x37b: {  	v52 =	vor.u32 v14, v32;
	v47 =	vmul.f32 v27, v10;
	v27 =	vmul.f32 v9, v36;
	v9 =	vld.idx.msk [tilespmem:v46+s22+$0x0], $0xffff  }
0x37c: {  	v42 =	vor.u32 v54, v33;
	[tilespmem:$0x1F850] =	vst v3;
	v3 =	vmov s0;
	v20 =	vor.u32 v13, v7;
	v37 =	vld.idx.msk [tilespmem:v19+s22+$0x0], $0xffff  }
0x37d: {  	v22 =	vmov s24;
	v45 =	vor.u32 v17, v7;
	v48 =	vor.u32 v13, v32;
	v39 =	vld.idx.msk [tilespmem:v21+s22+$0x0], $0xffff  }
0x37e: {  	v60 =	vor.u32 v18, v33;
	v4 =	vor.u32 v13, v4;
	v50 =	vor.u32 v3, v33;
	v43 =	vld.idx.msk [tilespmem:v28+s22+$0x0], $0xffff  }
0x37f: {  	v7 =	vor.u32 v16, v7;
	v58 =	vmul.f32 v26, v10;
	v38 =	vmul.f32 v38, v8;
	v44 =	vld.idx.msk [tilespmem:v35+s22+$0x0], $0xffff  }
0x380: {  	v40 =	vmul.f32 v40, v8;
	v5 =	vmul.f32 v5, v36;
	v28 =	vor.u32 v17, v32;
	v61 =	vld.idx.msk [tilespmem:v52+s22+$0x0], $0xffff  }
0x381: {  	v57 =	vmul.f32 v53, v8;
	v21 =	vmov s21;
	v29 =	vld.idx.msk [tilespmem:v20+s22+$0x0], $0xffff;
	v20 =	vmov s1  }
0x382: {  	v32 =	vmul.f32 v25, v10;
	v35 =	vor.u32 v21, v33;
	v59 =	vld.idx.msk [tilespmem:v48+s22+$0x0], $0xffff;
	v38 =	vadd.f32 v38, v30  }
0x383: {  	v19 =	vmov s3;
	v46 =	vld.idx.msk [tilespmem:v4+s22+$0x0], $0xffff;
	v4 =	vadd.f32 v40, v30;
	v55 =	vadd.f32 v57, v30;
	[tilespmem:$0x1F860] =	vst v20  }
0x384: {  	v49 =	vor.u32 v20, v33;
	v15 =	vmul.f32 v15, v10;
	v20 =	vmovc v54;
	v54 =	vmul.f32 v34, v36  }
0x385: {  	[tilespmem:$0x1F870] =	vst v3;
	v40 =	vimm.f32 $0.0e+00;
	v9 =	vmul.f32 v9, v8;
	v56 =	vld.idx.msk [tilespmem:v28+s22+$0x0], $0xffff;
	v28 =	vmul.f32 v37, v11  }
0x386: {  	v26 =	vmul.f32 v44, v10;
	v44 =	vor.u32 v19, v33;
	v37 =	vld.idx.msk [tilespmem:v51+s22+$0x0], $0xffff;
	v51 =	vmul.f32 v31, v36  }
0x387: {  	v48 =	vld.idx.msk [tilespmem:v45+s22+$0x0], $0xffff;
	v31 =	vmul.f32 v41, v36;
	v45 =	vmul.f32 v43, v36;
	v41 =	vadd.f32 v5, v4  }
0x388: {  	v57 =	vld.idx.msk [tilespmem:v50+s22+$0x0], $0xffff;
	v25 =	vmul.f32 v29, v10;
	v29 =	vor.u32 v22, v33;
	v63 =	vadd.f32 v51, v38  }
0x389: {  	v24 =	vmovc v22;
	v23 =	vmovc v21;
	v50 =	vmul.f32 v59, v8;
	v33 =	vimm.f32 $0.0e+00;
	v34 =	vld.idx.msk [tilespmem:v49+s22+$0x0], $0xffff;
	v38 =	vadd.f32 v9, v30  }
0x38a: {  	v51 =	vmul.f32 v61, v8;
	v49 =	vld.idx.msk [tilespmem:v7+s22+$0x0], $0xffff;
	v53 =	vadd.f32 v58, v63;
	v52 =	vmul.f32 v56, v8  }
0x38b: {  	p1 =	por p2, p2;
	s0 =	simm.s32 $0x4;
	s21 =	simm.s32 $0x115E0;
	v21 =	vmovc v18;
	v22 =	vmovc v19;
	v43 =	vmul.f32 v37, v8;
	v37 =	vmul.f32 v39, v36;
	v56 =	vld.idx.msk [tilespmem:v60+s22+$0x0], $0xffff;
	v39 =	vimm.f32 $0.0e+00  }
.LBB2_13:
0x38c: {  	v4 =	vadd.f32 v52, v30  }
0x38d: {  	v8 =	vld.idx.msk [tilespmem:v35+s22+$0x0], $0xffff;
	v5 =	vadd.f32 v54, v55;
	v47 =	vadd.f32 v47, v41  }
0x38e: {  	s1 =	sadd.s32 $0x1, s0;
	v35 =	vld.idx.msk [tilespmem:v42+s22+$0x0], $0xffff;
	v33 =	vadd.f32 v43, v33;
	v39 =	vadd.f32 v51, v39  }
0x38f: {  	s2 =	sadd.s32 $0x2, s0;
	v44 =	vld.idx.msk [tilespmem:v44+s22+$0x0], $0xffff;
	v9 =	vor.u32 s1, v6;
	v27 =	vadd.f32 v27, v38;
	v40 =	vadd.f32 v50, v40  }
0x390: {  	v29 =	vld.idx.msk [tilespmem:v29+s22+$0x0], $0xffff;
	v7 =	vmul.f32 v46, v36;
	v46 =	vor.u32 s2, v6;
	v61 =	vor.u32 v0, v9  }
0x391: {  	v3 =	vld [tilespmem:$0x1F850];
	v63 =	vor.u32 v12, v9;
	v60 =	vor.u32 v2, v9;
	v36 =	vor.u32 v16, v9  }
0x392: {  	v41 =	vld [tilespmem:s21+$0xFFFFFFE0];
	v52 =	vor.u32 v13, v46;
	v4 =	vadd.f32 v45, v4;
	v5 =	vadd.f32 v32, v5  }
0x393: {  	s3 =	sadd.s32 $0x3, s0;
	v31 =	vadd.f32 v31, v33;
	v30 =	vmul.f32 v48, v10;
	v43 =	vmul.f32 v49, v10;
	v10 =	vld [tilespmem:s21+$0x0]  }
0x394: {  	v42 =	vor.u32 s3, v62;
	v62 =	vor.u32 v1, v9;
	v54 =	vmul.f32 v57, v11;
	v57 =	vld [tilespmem:s21+$0x10]  }
0x395: {  	v33 =	vor.u32 v12, v46;
	v45 =	vmul.f32 v56, v11;
	v56 =	vor.u32 v2, v46;
	v38 =	vld.idx.msk [tilespmem:v61+s22+$0x0], $0xffff  }
0x396: {  	v15 =	vadd.f32 v15, v27;
	v27 =	vor.u32 v14, v9;
	v49 =	vor.u32 v0, v46;
	v50 =	vld.idx.msk [tilespmem:v63+s22+$0x0], $0xffff  }
0x397: {  	v58 =	vor.u32 v17, v46;
	v19 =	vor.u32 v16, v46;
	v63 =	vor.u32 v3, v42;
	v3 =	vld [tilespmem:$0x1F860]  }
0x398: {  	v7 =	vadd.f32 v7, v40;
	v8 =	vmul.f32 v8, v11;
	v55 =	vmul.f32 v29, v11;
	v52 =	vld.idx.msk [tilespmem:v52+s22+$0x0], $0xffff  }
0x399: {  	v29 =	vor.u32 v17, v9;
	v40 =	vmul.f32 v44, v11;
	v61 =	vmul.f32 v34, v11;
	v34 =	vld.idx.msk [tilespmem:v62+s22+$0x0], $0xffff  }
0x39a: {  	v9 =	vor.u32 v13, v9;
	v5 =	vadd.f32 v28, v5;
	v45 =	vadd.f32 v45, v47;
	v56 =	vld.idx.msk [tilespmem:v56+s22+$0x0], $0xffff  }
0x39b: {  	s23 =	smov.u32 s0;
	v35 =	vmul.f32 v35, v11;
	v4 =	vadd.f32 v30, v4;
	v30 =	vadd.f32 v43, v31;
	v44 =	vld.idx.msk [tilespmem:v49+s22+$0x0], $0xffff  }
0x39c: {  	v31 =	vor.u32 s23, v6;
	v7 =	vadd.f32 v25, v7;
	v49 =	vadd.f32 v54, v53;
	v53 =	vld.idx.msk [tilespmem:v60+s22+$0x0], $0xffff  }
0x39d: {  	v43 =	vor.u32 v1, v31;
	v59 =	vadd.f32 v61, v15;
	v15 =	vadd.f32 v37, v39;
	v37 =	vld.idx.msk [tilespmem:v33+s22+$0x0], $0xffff  }
0x39e: {  	v47 =	vor.u32 v14, v46;
	v28 =	vor.u32 v0, v31;
	v11 =	vmov v57;
	v57 =	vld.idx.msk [tilespmem:v27+s22+$0x0], $0xffff  }
0x39f: {  	v40 =	vadd.f32 v40, v7;
	v7 =	vor.u32 v16, v31;
	v62 =	vor.u32 v1, v46;
	v46 =	vld.idx.msk [tilespmem:v9+s22+$0x0], $0xffff  }
0x3a0: {  	v51 =	vld.idx.msk [tilespmem:v63+s22+$0x0], $0xffff  }
0x3a1: {  	v15 =	vadd.f32 v26, v15;
	v60 =	vor.u32 v3, v42;
	v3 =	vld [tilespmem:$0x1F870]  }
0x3a2: {  	v33 =	vadd.f32 v35, v30;
	v30 =	vadd.f32 v55, v4;
	v4 =	vld.idx.msk [tilespmem:v43+s22+$0x0], $0xffff  }
0x3a3: {  	v39 =	vadd.f32 v8, v15;
	v8 =	vld.idx.msk [tilespmem:v28+s22+$0x0], $0xffff  }
0x3a4: {  	v27 =	vor.u32 v17, v31;
	v7 =	vld.idx.msk [tilespmem:v7+s22+$0x0], $0xffff  }
0x3a5: {  	v26 =	vor.u32 v2, v31;
	v48 =	vld.idx.msk [tilespmem:v62+s22+$0x0], $0xffff  }
0x3a6: {  	v54 =	vor.u32 v13, v31;
	v62 =	vld.idx.msk [tilespmem:v36+s22+$0x0], $0xffff  }
0x3a7: {  	v63 =	vor.u32 v14, v31;
	v31 =	vor.u32 v12, v31;
	v32 =	vmul.f32 v56, v10;
	v56 =	vld.idx.msk [tilespmem:v47+s22+$0x0], $0xffff  }
0x3a8: {  	v36 =	vld [tilespmem:s21+$0xFFFFFFF0]  }
0x3a9: {  	v25 =	vmul.f32 v52, v10;
	v52 =	vld.idx.msk [tilespmem:v27+s22+$0x0], $0xffff  }
0x3aa: {  	v35 =	vor.u32 v23, v42;
	v15 =	vmul.f32 v37, v10;
	v18 =	vmul.f32 v44, v10;
	v37 =	vld.idx.msk [tilespmem:v26+s22+$0x0], $0xffff  }
0x3ab: {  	v61 =	vor.u32 v3, v42;
	v3 =	vld.idx.msk [tilespmem:v29+s22+$0x0], $0xffff;
	v28 =	vmul.f32 v51, v11;
	v4 =	vmul.f32 v4, v41  }
0x3ac: {  	v44 =	vor.u32 v22, v42;
	v43 =	vld.idx.msk [tilespmem:v31+s22+$0x0], $0xffff;
	v8 =	vmul.f32 v8, v41;
	v47 =	vmul.f32 v48, v10  }
0x3ad: {  	v29 =	vor.u32 v24, v42;
	v51 =	vld.idx.msk [tilespmem:v63+s22+$0x0], $0xffff;
	v27 =	vmul.f32 v50, v36;
	v26 =	vmul.f32 v56, v10  }
0x3ae: {  	v50 =	vld.idx.msk [tilespmem:v54+s22+$0x0], $0xffff;
	v38 =	vmul.f32 v38, v36;
	v63 =	vmul.f32 v34, v36;
	v56 =	vor.u32 v21, v42  }
0x3af: {  	p2 =	sne.s32 s0, $0x3C;
	v31 =	vmul.f32 v62, v36;
	v62 =	vld [tilespmem:$0x1F930];
	v42 =	vor.u32 v20, v42;
	v54 =	vmul.f32 v53, v36  }
.Ltmp7:
0x3b0: {  	v48 =	vld.idx.msk [tilespmem:v58+s22+$0x0], $0xffff;
	v52 =	vmul.f32 v52, v41;
	v8 =	vadd.f32 v8, v49;
	v9 =	vmul.f32 v37, v41;
	(pc) =	sbr.rel @p2 .LBB2_13-.Ltmp7, $4  }
0x3b1: {  	v4 =	vadd.f32 v4, v45;
	v34 =	vld.idx.msk [tilespmem:v60+s22+$0x0], $0xffff;
	v37 =	vmul.f32 v57, v36;
	v49 =	vmul.f32 v43, v41  }
0x3b2: {  	v8 =	vadd.f32 v38, v8;
	v45 =	vmul.f32 v3, v36;
	v43 =	vmul.f32 v7, v41;
	v57 =	vld.idx.msk [tilespmem:v61+s22+$0x0], $0xffff  }
0x3b3: {  	v51 =	vmul.f32 v51, v41;
	v55 =	vadd.f32 v9, v5;
	v38 =	vadd.f32 v49, v59;
	v56 =	vld.idx.msk [tilespmem:v56+s22+$0x0], $0xffff  }
0x3b4: {  	s0 =	sadd.s32 $0x4, s0;
	s21 =	sadd.s32 $0x40, s21;
	v50 =	vmul.f32 v50, v41;
	v41 =	vadd.f32 v63, v4;
	v53 =	vadd.f32 v18, v8;
	v49 =	vld.idx.msk [tilespmem:v19+s22+$0x0], $0xffff  }
0x3b5: {  	_ =	sdelay $0x1  }
0x3b6: {  	v0 =	vmul.f32 v57, v11  }
0x3b7: {  	s0 =	sshll.u32 s6, $0x7  }
0x3b8: {  	v7 =	vlaneseq.u32;
	s0 =	sor.u32 s10, s0;
	v0 =	vadd.f32 v0, v53  }
0x3b9: {  	v1 =	vor.u32 s0, v7  }
0x3ba: {  	(xrf1) =	vsort.dscd.msk.f32 $0xffff, v0, v1;
	_ =	sdelay $0x9  }
0x3bb: {  	v4 =	vld [tilespmem:$0x1F8B0];
	_ =	sdelay $0x3  }
0x3bc: {  	v0 =	vadd.f32 v47, v41;
	v1 =	vmul.f32 v56, v11;
	v2, v3, _ =	vpop (xrf1)  }
0x3bd: {  	vm4 =	vgt.f32 v2, v4  }
0x3be: {  	v0 =	vadd.f32 v1, v0;
	v1 =	vsel vm4, v2, v4;
	v2 =	vld [tilespmem:$0x1F8C0];
	_ =	sdelay $0x4  }
0x3bf: {  	s1 =	sor.u32 $0x10, s0;
	v2 =	vsel vm4, v3, v2  }
0x3c0: {  	(xrf1) =	vsort.ascd.msk.f32 $0xffff, v1, v2;
	v1 =	vor.u32 s1, v7  }
0x3c1: {  	(xrf1) =	vsort.dscd.msk.f32 $0xffff, v0, v1;
	_ =	sdelay $0xb  }
0x3c2: {  	v0 =	vadd.f32 v54, v55  }
0x3c3: {  	v1, v2, _ =	vpop (xrf1)  }
0x3c4: {  	v0 =	vadd.f32 v32, v0;
	v3, v4, _ =	vpop (xrf1)  }
0x3c5: {  	vm4 =	vgt.f32 v3, v1  }
0x3c6: {  	s17 =	sor.u32 $0x20, s0;
	v0 =	vadd.f32 v28, v0;
	v1 =	vsel vm4, v3, v1;
	v2 =	vsel vm4, v4, v2  }
0x3c7: {  	(xrf1) =	vsort.ascd.msk.f32 $0xffff, v1, v2;
	v1 =	vor.u32 s17, v7  }
0x3c8: {  	(xrf1) =	vsort.dscd.msk.f32 $0xffff, v0, v1;
	_ =	sdelay $0x8  }
0x3c9: {  	v2 =	vadd.f32 v50, v40;
	v0 =	vld.idx.msk [tilespmem:v44+s22+$0x0], $0xffff  }
0x3ca: {  	v1 =	vmul.f32 v46, v36;
	_ =	sdelay $0x1  }
0x3cb: {  	v1 =	vadd.f32 v1, v2  }
0x3cc: {  	v2, v3, _ =	vpop (xrf1)  }
0x3cd: {  	v1 =	vadd.f32 v25, v1;
	v0 =	vmul.f32 v0, v11;
	v4, v5, _ =	vpop (xrf1)  }
0x3ce: {  	vm4 =	vgt.f32 v4, v2  }
0x3cf: {  	s21 =	sor.u32 $0x30, s0;
	v0 =	vadd.f32 v0, v1;
	v1 =	vsel vm4, v4, v2;
	v2 =	vsel vm4, v5, v3  }
0x3d0: {  	(xrf1) =	vsort.ascd.msk.f32 $0xffff, v1, v2;
	v1 =	vor.u32 s21, v7  }
0x3d1: {  	(xrf1) =	vsort.dscd.msk.f32 $0xffff, v0, v1;
	_ =	sdelay $0x8  }
0x3d2: {  	v0 =	vld.idx.msk [tilespmem:v35+s22+$0x0], $0xffff  }
0x3d3: {  	v1 =	vadd.f32 v51, v39;
	_ =	sdelay $0x1  }
0x3d4: {  	v1 =	vadd.f32 v37, v1  }
0x3d5: {  	v2, v3, _ =	vpop (xrf1)  }
0x3d6: {  	v1 =	vadd.f32 v26, v1;
	v0 =	vmul.f32 v0, v11;
	v4, v5, _ =	vpop (xrf1)  }
0x3d7: {  	vm4 =	vgt.f32 v4, v2  }
0x3d8: {  	s23 =	sor.u32 $0x40, s0;
	v0 =	vadd.f32 v0, v1;
	v1 =	vsel vm4, v4, v2;
	v2 =	vsel vm4, v5, v3  }
0x3d9: {  	(xrf1) =	vsort.ascd.msk.f32 $0xffff, v1, v2;
	v1 =	vor.u32 s23, v7  }
0x3da: {  	(xrf1) =	vsort.dscd.msk.f32 $0xffff, v0, v1;
	_ =	sdelay $0x8  }
0x3db: {  	v0 =	vld.idx.msk [tilespmem:v29+s22+$0x0], $0xffff  }
0x3dc: {  	v2 =	vmul.f32 v48, v10;
	v1 =	vadd.f32 v52, v30;
	_ =	sdelay $0x1  }
0x3dd: {  	v1 =	vadd.f32 v45, v1  }
0x3de: {  	v3, v4, _ =	vpop (xrf1)  }
0x3df: {  	v1 =	vadd.f32 v2, v1;
	v0 =	vmul.f32 v0, v11;
	v2, v5, _ =	vpop (xrf1)  }
0x3e0: {  	vm4 =	vgt.f32 v2, v3  }
0x3e1: {  	s24 =	sor.u32 $0x50, s0;
	v0 =	vadd.f32 v0, v1;
	v1 =	vsel vm4, v2, v3;
	v2 =	vsel vm4, v5, v4  }
0x3e2: {  	(xrf1) =	vsort.ascd.msk.f32 $0xffff, v1, v2;
	v1 =	vor.u32 s24, v7  }
0x3e3: {  	(xrf1) =	vsort.dscd.msk.f32 $0xffff, v0, v1;
	_ =	sdelay $0x8  }
0x3e4: {  	v0 =	vld.idx.msk [tilespmem:v42+s22+$0x0], $0xffff  }
0x3e5: {  	v2 =	vmul.f32 v49, v10;
	v1 =	vadd.f32 v43, v33;
	_ =	sdelay $0x1  }
0x3e6: {  	v1 =	vadd.f32 v31, v1  }
0x3e7: {  	v3, v4, _ =	vpop (xrf1)  }
0x3e8: {  	v1 =	vadd.f32 v2, v1;
	v0 =	vmul.f32 v0, v11;
	v2, v5, _ =	vpop (xrf1)  }
0x3e9: {  	vm4 =	vgt.f32 v2, v3  }
0x3ea: {  	s25 =	sor.u32 $0x60, s0;
	v0 =	vadd.f32 v0, v1;
	v1 =	vsel vm4, v2, v3;
	v2 =	vsel vm4, v5, v4  }
0x3eb: {  	(xrf1) =	vsort.ascd.msk.f32 $0xffff, v1, v2;
	v1 =	vor.u32 s25, v7  }
0x3ec: {  	(xrf1) =	vsort.dscd.msk.f32 $0xffff, v0, v1;
	_ =	sdelay $0xb  }
0x3ed: {  	v0 =	vadd.f32 v27, v38  }
0x3ee: {  	v1, v2, _ =	vpop (xrf1)  }
0x3ef: {  	v3 =	vmul.f32 v34, v11;
	v0 =	vadd.f32 v15, v0;
	v4, v5, _ =	vpop (xrf1)  }
0x3f0: {  	vm4 =	vgt.f32 v4, v1  }
0x3f1: {  	s0 =	sor.u32 $0x70, s0;
	v0 =	vadd.f32 v3, v0;
	v1 =	vsel vm4, v4, v1;
	v2 =	vsel vm4, v5, v2  }
0x3f2: {  	(xrf1) =	vsort.ascd.msk.f32 $0xffff, v1, v2;
	v1 =	vor.u32 s0, v7  }
0x3f3: {  	(xrf1) =	vsort.dscd.msk.f32 $0xffff, v0, v1;
	_ =	sdelay $0xc  }
0x3f4: {  	v0, v1, _ =	vpop (xrf1)  }
0x3f5: {  	v2, v3, _ =	vpop (xrf1)  }
0x3f6: {  	vm4 =	vgt.f32 v2, v0  }
0x3f7: {  	v0 =	vsel vm4, v2, v0;
	v1 =	vsel vm4, v3, v1  }
0x3f8: {  	(xrf1) =	vsort.ascd.msk.f32 $0xffff, v0, v1;
	_ =	sdelay $0xa  }
.Ltmp8:
0x3f9: {  	_ = 	snop;
	(pc) =	sbr.rel @!p1 .LBB2_12-.Ltmp8, $3  }
0x3fa: {  	_ =	sdelay $0x1  }
0x3fb: {  	v1, v0, _ =	vpop (xrf1)  }
0x3fc: {  	s6 =	simm.s32 $0x5;
	p2 =	por $0x1, $0x1;
	[tilespmem:$0x11400] =	vst v1  }
0x3fd: {  	_ =	swait.ge [sflag:s31], $0x4000  }
0x3fe: {  	[sflag:s31] =	ssyncset.done $0x0  }
0x3ff: {  	s6 =	simm.s32 $0x6;
	p2 =	por $0x0, $0x0;
	[sflag:s31] =	ssyncadd.s32 $0xFFFFC000  }
.LBB2_16:
0x400: {  	v22 =	vld [tilespmem:$0x1FFF0];
	_ =	sdelay $0x3  }
0x401: {  	s0 =	sshll.u32 s6, $0xD;
	s1 =	simm.s32 $0x1  }
0x402: {  	[tilespmem:$0x1F8C0] =	vst v0;
	s2 =	sor.u32 $0x400, s0;
	v4 =	vor.u32 s1, v6;
	v0 =	vor.u32 s0, v22  }
0x403: {  	[tilespmem:$0x1F8B0] =	vst v1;
	s17 =	simm.s32 $0x115A0;
	s1 =	sor.u32 $0x1C00, s0;
	v1 =	vor.u32 s2, v22;
	v3 =	vor.u32 v0, v4  }
0x404: {  	s21 =	simm.s32 $0x2;
	s3 =	sor.u32 $0x800, s0;
	v8 =	vld [tilespmem:s17+$0xFFFFFFE0];
	v12 =	vor.u32 s1, v22;
	v5 =	vor.u32 v1, v4  }
0x405: {  	v7 =	vor.u32 s21, v6;
	v10 =	vld [tilespmem:s17+$0x0];
	v2 =	vor.u32 s3, v22;
	v9 =	vor.u32 v12, v4  }
0x406: {  	v11 =	vld [tilespmem:s17+$0x10];
	v14 =	vor.u32 v2, v7  }
0x407: {  	v36 =	vld [tilespmem:s17+$0xFFFFFFF0];
	v15 =	vor.u32 v0, v7  }
0x408: {  	s25 =	simm.s32 $0x3;
	s23 =	sor.u32 $0x1800, s0;
	v17 =	vor.u32 v2, v4;
	v31 =	vld.idx.msk [tilespmem:v3+s22+$0x0], $0xffff  }
0x409: {  	v33 =	vor.u32 s25, v62;
	s25 =	simm.s32 $0x0;
	v16 =	vor.u32 s23, v22;
	v18 =	vor.u32 v1, v7;
	v5 =	vld.idx.msk [tilespmem:v5+s22+$0x0], $0xffff  }
0x40a: {  	v32 =	vor.u32 s25, v6;
	v23 =	vor.u32 v16, v4;
	v9 =	vld.idx.msk [tilespmem:v9+s22+$0x0], $0xffff  }
0x40b: {  	v38 =	vor.u32 v0, v32;
	v25 =	vld.idx.msk [tilespmem:v14+s22+$0x0], $0xffff  }
0x40c: {  	v40 =	vor.u32 v1, v32;
	v26 =	vld.idx.msk [tilespmem:v15+s22+$0x0], $0xffff  }
0x40d: {  	v42 =	vor.u32 v2, v32;
	v34 =	vld.idx.msk [tilespmem:v17+s22+$0x0], $0xffff  }
0x40e: {  	v15 =	vor.u32 v12, v7;
	v27 =	vld.idx.msk [tilespmem:v18+s22+$0x0], $0xffff  }
0x40f: {  	s21 =	sor.u32 $0x1000, s0;
	v46 =	vor.u32 v12, v32;
	v3 =	vmov s3;
	v41 =	vld.idx.msk [tilespmem:v23+s22+$0x0], $0xffff  }
0x410: {  	s24 =	sor.u32 $0x1400, s0;
	v14 =	vor.u32 s21, v22;
	v38 =	vld.idx.msk [tilespmem:v38+s22+$0x0], $0xffff;
	v19 =	vor.u32 v3, v33  }
0x411: {  	v30 =	vimm.f32 $0.0e+00;
	v17 =	vor.u32 s24, v22;
	v40 =	vld.idx.msk [tilespmem:v40+s22+$0x0], $0xffff;
	v21 =	vor.u32 v14, v4  }
0x412: {  	v54 =	vmov s23;
	v51 =	vor.u32 v16, v32;
	s3 =	sor.u32 $0xC00, s0;
	v53 =	vld.idx.msk [tilespmem:v42+s22+$0x0], $0xffff;
	v28 =	vor.u32 v17, v4  }
0x413: {  	v18 =	vmov s2;
	v13 =	vor.u32 s3, v22;
	v35 =	vor.u32 v14, v7;
	v15 =	vld.idx.msk [tilespmem:v15+s22+$0x0], $0xffff  }
0x414: {  	v52 =	vor.u32 v14, v32;
	v47 =	vmul.f32 v27, v10;
	v27 =	vmul.f32 v9, v36;
	v9 =	vld.idx.msk [tilespmem:v46+s22+$0x0], $0xffff  }
0x415: {  	v42 =	vor.u32 v54, v33;
	[tilespmem:$0x1F820] =	vst v3;
	v3 =	vmov s0;
	v20 =	vor.u32 v13, v7;
	v37 =	vld.idx.msk [tilespmem:v19+s22+$0x0], $0xffff  }
0x416: {  	v22 =	vmov s24;
	v45 =	vor.u32 v17, v7;
	v48 =	vor.u32 v13, v32;
	v39 =	vld.idx.msk [tilespmem:v21+s22+$0x0], $0xffff  }
0x417: {  	v60 =	vor.u32 v18, v33;
	v4 =	vor.u32 v13, v4;
	v50 =	vor.u32 v3, v33;
	v43 =	vld.idx.msk [tilespmem:v28+s22+$0x0], $0xffff  }
0x418: {  	v7 =	vor.u32 v16, v7;
	v58 =	vmul.f32 v26, v10;
	v38 =	vmul.f32 v38, v8;
	v44 =	vld.idx.msk [tilespmem:v35+s22+$0x0], $0xffff  }
0x419: {  	v40 =	vmul.f32 v40, v8;
	v5 =	vmul.f32 v5, v36;
	v28 =	vor.u32 v17, v32;
	v61 =	vld.idx.msk [tilespmem:v52+s22+$0x0], $0xffff  }
0x41a: {  	v57 =	vmul.f32 v53, v8;
	v21 =	vmov s21;
	v29 =	vld.idx.msk [tilespmem:v20+s22+$0x0], $0xffff;
	v20 =	vmov s1  }
0x41b: {  	v32 =	vmul.f32 v25, v10;
	v35 =	vor.u32 v21, v33;
	v59 =	vld.idx.msk [tilespmem:v48+s22+$0x0], $0xffff;
	v38 =	vadd.f32 v38, v30  }
0x41c: {  	v19 =	vmov s3;
	v46 =	vld.idx.msk [tilespmem:v4+s22+$0x0], $0xffff;
	v4 =	vadd.f32 v40, v30;
	v55 =	vadd.f32 v57, v30;
	[tilespmem:$0x1F830] =	vst v20  }
0x41d: {  	v49 =	vor.u32 v20, v33;
	v15 =	vmul.f32 v15, v10;
	v20 =	vmovc v54;
	v54 =	vmul.f32 v34, v36  }
0x41e: {  	[tilespmem:$0x1F840] =	vst v3;
	v40 =	vimm.f32 $0.0e+00;
	v9 =	vmul.f32 v9, v8;
	v56 =	vld.idx.msk [tilespmem:v28+s22+$0x0], $0xffff;
	v28 =	vmul.f32 v37, v11  }
0x41f: {  	v26 =	vmul.f32 v44, v10;
	v44 =	vor.u32 v19, v33;
	v37 =	vld.idx.msk [tilespmem:v51+s22+$0x0], $0xffff;
	v51 =	vmul.f32 v31, v36  }
0x420: {  	v48 =	vld.idx.msk [tilespmem:v45+s22+$0x0], $0xffff;
	v31 =	vmul.f32 v41, v36;
	v45 =	vmul.f32 v43, v36;
	v41 =	vadd.f32 v5, v4  }
0x421: {  	v57 =	vld.idx.msk [tilespmem:v50+s22+$0x0], $0xffff;
	v25 =	vmul.f32 v29, v10;
	v29 =	vor.u32 v22, v33;
	v63 =	vadd.f32 v51, v38  }
0x422: {  	v24 =	vmovc v22;
	v23 =	vmovc v21;
	v50 =	vmul.f32 v59, v8;
	v33 =	vimm.f32 $0.0e+00;
	v34 =	vld.idx.msk [tilespmem:v49+s22+$0x0], $0xffff;
	v38 =	vadd.f32 v9, v30  }
0x423: {  	v51 =	vmul.f32 v61, v8;
	v49 =	vld.idx.msk [tilespmem:v7+s22+$0x0], $0xffff;
	v53 =	vadd.f32 v58, v63;
	v52 =	vmul.f32 v56, v8  }
0x424: {  	p1 =	por p2, p2;
	s0 =	simm.s32 $0x4;
	s21 =	simm.s32 $0x115E0;
	v21 =	vmovc v18;
	v22 =	vmovc v19;
	v43 =	vmul.f32 v37, v8;
	v37 =	vmul.f32 v39, v36;
	v56 =	vld.idx.msk [tilespmem:v60+s22+$0x0], $0xffff;
	v39 =	vimm.f32 $0.0e+00  }
.LBB2_17:
0x425: {  	v4 =	vadd.f32 v52, v30  }
0x426: {  	v8 =	vld.idx.msk [tilespmem:v35+s22+$0x0], $0xffff;
	v5 =	vadd.f32 v54, v55;
	v47 =	vadd.f32 v47, v41  }
0x427: {  	s1 =	sadd.s32 $0x1, s0;
	v35 =	vld.idx.msk [tilespmem:v42+s22+$0x0], $0xffff;
	v33 =	vadd.f32 v43, v33;
	v39 =	vadd.f32 v51, v39  }
0x428: {  	s2 =	sadd.s32 $0x2, s0;
	v44 =	vld.idx.msk [tilespmem:v44+s22+$0x0], $0xffff;
	v9 =	vor.u32 s1, v6;
	v27 =	vadd.f32 v27, v38;
	v40 =	vadd.f32 v50, v40  }
0x429: {  	v29 =	vld.idx.msk [tilespmem:v29+s22+$0x0], $0xffff;
	v7 =	vmul.f32 v46, v36;
	v46 =	vor.u32 s2, v6;
	v61 =	vor.u32 v0, v9  }
0x42a: {  	v3 =	vld [tilespmem:$0x1F820];
	v63 =	vor.u32 v12, v9;
	v60 =	vor.u32 v2, v9;
	v36 =	vor.u32 v16, v9  }
0x42b: {  	v41 =	vld [tilespmem:s21+$0xFFFFFFE0];
	v52 =	vor.u32 v13, v46;
	v4 =	vadd.f32 v45, v4;
	v5 =	vadd.f32 v32, v5  }
0x42c: {  	s3 =	sadd.s32 $0x3, s0;
	v31 =	vadd.f32 v31, v33;
	v30 =	vmul.f32 v48, v10;
	v43 =	vmul.f32 v49, v10;
	v10 =	vld [tilespmem:s21+$0x0]  }
0x42d: {  	v42 =	vor.u32 s3, v62;
	v62 =	vor.u32 v1, v9;
	v54 =	vmul.f32 v57, v11;
	v57 =	vld [tilespmem:s21+$0x10]  }
0x42e: {  	v33 =	vor.u32 v12, v46;
	v45 =	vmul.f32 v56, v11;
	v56 =	vor.u32 v2, v46;
	v38 =	vld.idx.msk [tilespmem:v61+s22+$0x0], $0xffff  }
0x42f: {  	v15 =	vadd.f32 v15, v27;
	v27 =	vor.u32 v14, v9;
	v49 =	vor.u32 v0, v46;
	v50 =	vld.idx.msk [tilespmem:v63+s22+$0x0], $0xffff  }
0x430: {  	v58 =	vor.u32 v17, v46;
	v19 =	vor.u32 v16, v46;
	v63 =	vor.u32 v3, v42;
	v3 =	vld [tilespmem:$0x1F830]  }
0x431: {  	v7 =	vadd.f32 v7, v40;
	v8 =	vmul.f32 v8, v11;
	v55 =	vmul.f32 v29, v11;
	v52 =	vld.idx.msk [tilespmem:v52+s22+$0x0], $0xffff  }
0x432: {  	v29 =	vor.u32 v17, v9;
	v40 =	vmul.f32 v44, v11;
	v61 =	vmul.f32 v34, v11;
	v34 =	vld.idx.msk [tilespmem:v62+s22+$0x0], $0xffff  }
0x433: {  	v9 =	vor.u32 v13, v9;
	v5 =	vadd.f32 v28, v5;
	v45 =	vadd.f32 v45, v47;
	v56 =	vld.idx.msk [tilespmem:v56+s22+$0x0], $0xffff  }
0x434: {  	s23 =	smov.u32 s0;
	v35 =	vmul.f32 v35, v11;
	v4 =	vadd.f32 v30, v4;
	v30 =	vadd.f32 v43, v31;
	v44 =	vld.idx.msk [tilespmem:v49+s22+$0x0], $0xffff  }
0x435: {  	v31 =	vor.u32 s23, v6;
	v7 =	vadd.f32 v25, v7;
	v49 =	vadd.f32 v54, v53;
	v53 =	vld.idx.msk [tilespmem:v60+s22+$0x0], $0xffff  }
0x436: {  	v43 =	vor.u32 v1, v31;
	v59 =	vadd.f32 v61, v15;
	v15 =	vadd.f32 v37, v39;
	v37 =	vld.idx.msk [tilespmem:v33+s22+$0x0], $0xffff  }
0x437: {  	v47 =	vor.u32 v14, v46;
	v28 =	vor.u32 v0, v31;
	v11 =	vmov v57;
	v57 =	vld.idx.msk [tilespmem:v27+s22+$0x0], $0xffff  }
0x438: {  	v40 =	vadd.f32 v40, v7;
	v7 =	vor.u32 v16, v31;
	v62 =	vor.u32 v1, v46;
	v46 =	vld.idx.msk [tilespmem:v9+s22+$0x0], $0xffff  }
0x439: {  	v51 =	vld.idx.msk [tilespmem:v63+s22+$0x0], $0xffff  }
0x43a: {  	v15 =	vadd.f32 v26, v15;
	v60 =	vor.u32 v3, v42;
	v3 =	vld [tilespmem:$0x1F840]  }
0x43b: {  	v33 =	vadd.f32 v35, v30;
	v30 =	vadd.f32 v55, v4;
	v4 =	vld.idx.msk [tilespmem:v43+s22+$0x0], $0xffff  }
0x43c: {  	v39 =	vadd.f32 v8, v15;
	v8 =	vld.idx.msk [tilespmem:v28+s22+$0x0], $0xffff  }
0x43d: {  	v27 =	vor.u32 v17, v31;
	v7 =	vld.idx.msk [tilespmem:v7+s22+$0x0], $0xffff  }
0x43e: {  	v26 =	vor.u32 v2, v31;
	v48 =	vld.idx.msk [tilespmem:v62+s22+$0x0], $0xffff  }
0x43f: {  	v54 =	vor.u32 v13, v31;
	v62 =	vld.idx.msk [tilespmem:v36+s22+$0x0], $0xffff  }
0x440: {  	v63 =	vor.u32 v14, v31;
	v31 =	vor.u32 v12, v31;
	v32 =	vmul.f32 v56, v10;
	v56 =	vld.idx.msk [tilespmem:v47+s22+$0x0], $0xffff  }
0x441: {  	v36 =	vld [tilespmem:s21+$0xFFFFFFF0]  }
0x442: {  	v25 =	vmul.f32 v52, v10;
	v52 =	vld.idx.msk [tilespmem:v27+s22+$0x0], $0xffff  }
0x443: {  	v35 =	vor.u32 v23, v42;
	v15 =	vmul.f32 v37, v10;
	v18 =	vmul.f32 v44, v10;
	v37 =	vld.idx.msk [tilespmem:v26+s22+$0x0], $0xffff  }
0x444: {  	v61 =	vor.u32 v3, v42;
	v3 =	vld.idx.msk [tilespmem:v29+s22+$0x0], $0xffff;
	v28 =	vmul.f32 v51, v11;
	v4 =	vmul.f32 v4, v41  }
0x445: {  	v44 =	vor.u32 v22, v42;
	v43 =	vld.idx.msk [tilespmem:v31+s22+$0x0], $0xffff;
	v8 =	vmul.f32 v8, v41;
	v47 =	vmul.f32 v48, v10  }
0x446: {  	v29 =	vor.u32 v24, v42;
	v51 =	vld.idx.msk [tilespmem:v63+s22+$0x0], $0xffff;
	v27 =	vmul.f32 v50, v36;
	v26 =	vmul.f32 v56, v10  }
0x447: {  	v50 =	vld.idx.msk [tilespmem:v54+s22+$0x0], $0xffff;
	v38 =	vmul.f32 v38, v36;
	v63 =	vmul.f32 v34, v36;
	v56 =	vor.u32 v21, v42  }
0x448: {  	p2 =	sne.s32 s0, $0x3C;
	v31 =	vmul.f32 v62, v36;
	v62 =	vld [tilespmem:$0x1F930];
	v42 =	vor.u32 v20, v42;
	v54 =	vmul.f32 v53, v36  }
.Ltmp9:
0x449: {  	v48 =	vld.idx.msk [tilespmem:v58+s22+$0x0], $0xffff;
	v52 =	vmul.f32 v52, v41;
	v8 =	vadd.f32 v8, v49;
	v9 =	vmul.f32 v37, v41;
	(pc) =	sbr.rel @p2 .LBB2_17-.Ltmp9, $4  }
0x44a: {  	v4 =	vadd.f32 v4, v45;
	v34 =	vld.idx.msk [tilespmem:v60+s22+$0x0], $0xffff;
	v37 =	vmul.f32 v57, v36;
	v49 =	vmul.f32 v43, v41  }
0x44b: {  	v8 =	vadd.f32 v38, v8;
	v45 =	vmul.f32 v3, v36;
	v43 =	vmul.f32 v7, v41;
	v57 =	vld.idx.msk [tilespmem:v61+s22+$0x0], $0xffff  }
0x44c: {  	v51 =	vmul.f32 v51, v41;
	v55 =	vadd.f32 v9, v5;
	v38 =	vadd.f32 v49, v59;
	v56 =	vld.idx.msk [tilespmem:v56+s22+$0x0], $0xffff  }
0x44d: {  	s0 =	sadd.s32 $0x4, s0;
	s21 =	sadd.s32 $0x40, s21;
	v50 =	vmul.f32 v50, v41;
	v41 =	vadd.f32 v63, v4;
	v53 =	vadd.f32 v18, v8;
	v49 =	vld.idx.msk [tilespmem:v19+s22+$0x0], $0xffff  }
0x44e: {  	_ =	sdelay $0x1  }
0x44f: {  	v0 =	vmul.f32 v57, v11  }
0x450: {  	s0 =	sshll.u32 s6, $0x7  }
0x451: {  	v7 =	vlaneseq.u32;
	s0 =	sor.u32 s10, s0;
	v0 =	vadd.f32 v0, v53  }
0x452: {  	v1 =	vor.u32 s0, v7  }
0x453: {  	(xrf1) =	vsort.dscd.msk.f32 $0xffff, v0, v1;
	_ =	sdelay $0x9  }
0x454: {  	v4 =	vld [tilespmem:$0x1F8B0];
	_ =	sdelay $0x3  }
0x455: {  	v0 =	vadd.f32 v47, v41;
	v1 =	vmul.f32 v56, v11;
	v2, v3, _ =	vpop (xrf1)  }
0x456: {  	vm4 =	vgt.f32 v2, v4  }
0x457: {  	v0 =	vadd.f32 v1, v0;
	v1 =	vsel vm4, v2, v4;
	v2 =	vld [tilespmem:$0x1F8C0];
	_ =	sdelay $0x4  }
0x458: {  	s1 =	sor.u32 $0x10, s0;
	v2 =	vsel vm4, v3, v2  }
0x459: {  	(xrf1) =	vsort.ascd.msk.f32 $0xffff, v1, v2;
	v1 =	vor.u32 s1, v7  }
0x45a: {  	(xrf1) =	vsort.dscd.msk.f32 $0xffff, v0, v1;
	_ =	sdelay $0xb  }
0x45b: {  	v0 =	vadd.f32 v54, v55  }
0x45c: {  	v1, v2, _ =	vpop (xrf1)  }
0x45d: {  	v0 =	vadd.f32 v32, v0;
	v3, v4, _ =	vpop (xrf1)  }
0x45e: {  	vm4 =	vgt.f32 v3, v1  }
0x45f: {  	s17 =	sor.u32 $0x20, s0;
	v0 =	vadd.f32 v28, v0;
	v1 =	vsel vm4, v3, v1;
	v2 =	vsel vm4, v4, v2  }
0x460: {  	(xrf1) =	vsort.ascd.msk.f32 $0xffff, v1, v2;
	v1 =	vor.u32 s17, v7  }
0x461: {  	(xrf1) =	vsort.dscd.msk.f32 $0xffff, v0, v1;
	_ =	sdelay $0x8  }
0x462: {  	v2 =	vadd.f32 v50, v40;
	v0 =	vld.idx.msk [tilespmem:v44+s22+$0x0], $0xffff  }
0x463: {  	v1 =	vmul.f32 v46, v36;
	_ =	sdelay $0x1  }
0x464: {  	v1 =	vadd.f32 v1, v2  }
0x465: {  	v2, v3, _ =	vpop (xrf1)  }
0x466: {  	v1 =	vadd.f32 v25, v1;
	v0 =	vmul.f32 v0, v11;
	v4, v5, _ =	vpop (xrf1)  }
0x467: {  	vm4 =	vgt.f32 v4, v2  }
0x468: {  	s21 =	sor.u32 $0x30, s0;
	v0 =	vadd.f32 v0, v1;
	v1 =	vsel vm4, v4, v2;
	v2 =	vsel vm4, v5, v3  }
0x469: {  	(xrf1) =	vsort.ascd.msk.f32 $0xffff, v1, v2;
	v1 =	vor.u32 s21, v7  }
0x46a: {  	(xrf1) =	vsort.dscd.msk.f32 $0xffff, v0, v1;
	_ =	sdelay $0x8  }
0x46b: {  	v0 =	vld.idx.msk [tilespmem:v35+s22+$0x0], $0xffff  }
0x46c: {  	v1 =	vadd.f32 v51, v39;
	_ =	sdelay $0x1  }
0x46d: {  	v1 =	vadd.f32 v37, v1  }
0x46e: {  	v2, v3, _ =	vpop (xrf1)  }
0x46f: {  	v1 =	vadd.f32 v26, v1;
	v0 =	vmul.f32 v0, v11;
	v4, v5, _ =	vpop (xrf1)  }
0x470: {  	vm4 =	vgt.f32 v4, v2  }
0x471: {  	s23 =	sor.u32 $0x40, s0;
	v0 =	vadd.f32 v0, v1;
	v1 =	vsel vm4, v4, v2;
	v2 =	vsel vm4, v5, v3  }
0x472: {  	(xrf1) =	vsort.ascd.msk.f32 $0xffff, v1, v2;
	v1 =	vor.u32 s23, v7  }
0x473: {  	(xrf1) =	vsort.dscd.msk.f32 $0xffff, v0, v1;
	_ =	sdelay $0x8  }
0x474: {  	v0 =	vld.idx.msk [tilespmem:v29+s22+$0x0], $0xffff  }
0x475: {  	v2 =	vmul.f32 v48, v10;
	v1 =	vadd.f32 v52, v30;
	_ =	sdelay $0x1  }
0x476: {  	v1 =	vadd.f32 v45, v1  }
0x477: {  	v3, v4, _ =	vpop (xrf1)  }
0x478: {  	v1 =	vadd.f32 v2, v1;
	v0 =	vmul.f32 v0, v11;
	v2, v5, _ =	vpop (xrf1)  }
0x479: {  	vm4 =	vgt.f32 v2, v3  }
0x47a: {  	s24 =	sor.u32 $0x50, s0;
	v0 =	vadd.f32 v0, v1;
	v1 =	vsel vm4, v2, v3;
	v2 =	vsel vm4, v5, v4  }
0x47b: {  	(xrf1) =	vsort.ascd.msk.f32 $0xffff, v1, v2;
	v1 =	vor.u32 s24, v7  }
0x47c: {  	(xrf1) =	vsort.dscd.msk.f32 $0xffff, v0, v1;
	_ =	sdelay $0x8  }
0x47d: {  	v0 =	vld.idx.msk [tilespmem:v42+s22+$0x0], $0xffff  }
0x47e: {  	v2 =	vmul.f32 v49, v10;
	v1 =	vadd.f32 v43, v33;
	_ =	sdelay $0x1  }
0x47f: {  	v1 =	vadd.f32 v31, v1  }
0x480: {  	v3, v4, _ =	vpop (xrf1)  }
0x481: {  	v1 =	vadd.f32 v2, v1;
	v0 =	vmul.f32 v0, v11;
	v2, v5, _ =	vpop (xrf1)  }
0x482: {  	vm4 =	vgt.f32 v2, v3  }
0x483: {  	s25 =	sor.u32 $0x60, s0;
	v0 =	vadd.f32 v0, v1;
	v1 =	vsel vm4, v2, v3;
	v2 =	vsel vm4, v5, v4  }
0x484: {  	(xrf1) =	vsort.ascd.msk.f32 $0xffff, v1, v2;
	v1 =	vor.u32 s25, v7  }
0x485: {  	(xrf1) =	vsort.dscd.msk.f32 $0xffff, v0, v1;
	_ =	sdelay $0xb  }
0x486: {  	v0 =	vadd.f32 v27, v38  }
0x487: {  	v1, v2, _ =	vpop (xrf1)  }
0x488: {  	v3 =	vmul.f32 v34, v11;
	v0 =	vadd.f32 v15, v0;
	v4, v5, _ =	vpop (xrf1)  }
0x489: {  	vm4 =	vgt.f32 v4, v1  }
0x48a: {  	s0 =	sor.u32 $0x70, s0;
	v0 =	vadd.f32 v3, v0;
	v1 =	vsel vm4, v4, v1;
	v2 =	vsel vm4, v5, v2  }
0x48b: {  	(xrf1) =	vsort.ascd.msk.f32 $0xffff, v1, v2;
	v1 =	vor.u32 s0, v7  }
0x48c: {  	(xrf1) =	vsort.dscd.msk.f32 $0xffff, v0, v1;
	_ =	sdelay $0xc  }
0x48d: {  	v0, v1, _ =	vpop (xrf1)  }
0x48e: {  	v2, v3, _ =	vpop (xrf1)  }
0x48f: {  	vm4 =	vgt.f32 v2, v0  }
0x490: {  	v0 =	vsel vm4, v2, v0;
	v1 =	vsel vm4, v3, v1  }
0x491: {  	(xrf1) =	vsort.ascd.msk.f32 $0xffff, v0, v1;
	_ =	sdelay $0xa  }
.Ltmp10:
0x492: {  	_ = 	snop;
	(pc) =	sbr.rel @!p1 .LBB2_16-.Ltmp10, $3  }
0x493: {  	_ =	sdelay $0x1  }
0x494: {  	v1, v0, _ =	vpop (xrf1)  }
0x495: {  	s6 =	simm.s32 $0x7;
	p2 =	por $0x1, $0x1;
	[tilespmem:$0x11400] =	vst v1  }
0x496: {  	_ =	strace $0x9000004A  }
0x497: {  	_ =	strace $0x8000004B;
	[tilespmem:$0x11400] =	vst v1  }
0x498: {  	[tilespmem:$0x11B80] =	vst v0  }
0x499: {  	[spmem:s15] =	stream.linear.scatter [tilespmem:s26], [sflag:$0x6], $0x10, $0x200038;
	[tilespmem:$0x13CB0] =	vst v63  }
0x49a: {  	_ =	swait.ge [sflag:s20], $0x10  }
0x49b: {  	[sflag:s20] =	ssyncset.done $0x0  }
0x49c: {  	s0 =	simm.s32 $0x11B80;
	[sflag:s20] =	ssyncadd.s32 $0xFFFFFFF0  }
0x49d: {  	[spmem:s16] =	stream.linear.scatter [tilespmem:s0], [sflag:$0x6], $0x10, $0x200038;
	[tilespmem:$0x13CB0] =	vst v63  }
.Ltmp11:
0x49e: {  	_ =	swait.ge [sflag:s20], $0x10;
	(pc) =	sbr.rel @p0 .LBB2_23-.Ltmp11, $4  }
0x49f: {  	[sflag:s20] =	ssyncset.done $0x0  }
0x4a0: {  	[sflag:s20] =	ssyncadd.s32 $0xFFFFFFF0  }
0x4a1: {  	[bflag:$0x0] =	sbarrier.arrive $0xFFFF  }
0x4a2: {  	_ =	strace $0x9000004B  }
0x4a3: {  	_ =	strace $0x8000004C  }
0x4a4: {  	s1 =	simm.s32 $0x11980;
	s0 =	rddreg [dreg:$0x5]  }
0x4a5: {  	[tilespmem:s1], [sflag:$0x6] =	stream.linear.gather [spmem:s0], $0x100, $0x200038;
	[tilespmem:$0x13CB0] =	vst v63  }
0x4a6: {  	_ =	swait.ge [sflag:s20], $0x100  }
0x4a7: {  	[sflag:s20] =	ssyncset.done $0x0  }
0x4a8: {  	[sflag:s20] =	ssyncadd.s32 $0xFFFFFF00  }
0x4a9: {  	s25 =	simm.s32 $0x11A80;
	s24 =	rddreg [dreg:$0x6]  }
0x4aa: {  	[tilespmem:s25], [sflag:$0x6] =	stream.linear.gather [spmem:s24], $0x100, $0x200038;
	[tilespmem:$0x13CB0] =	vst v63  }
0x4ab: {  	_ =	swait.ge [sflag:s20], $0x100  }
0x4ac: {  	[sflag:s20] =	ssyncset.done $0x0  }
0x4ad: {  	v2 =	vimm.f32 $-Inf;
	v1 =	vimm.s32 $0x0;
	s6 =	simm.s32 $0x0;
	s0 =	simm.s32 $0x40;
	[sflag:s20] =	ssyncadd.s32 $0xFFFFFF00  }
.LBB2_21:
0x4ae: {  	p1 =	sne.s32 s0, $0x3C0;
	v3 =	vld [tilespmem:s6+$0x11980]  }
0x4af: {  	v4 =	vld [tilespmem:s6+$0x11A80]  }
0x4b0: {  	v0 =	vmul.u32 $0xFFFFFFFF, v7;
	_ =	sdelay $0x1  }
0x4b1: {  	v0 =	vadd.s32 $0xF, v0  }
0x4b2: {  	v3 =	vperm.xlane v3, v0  }
0x4b3: {  	v4 =	vperm.xlane v4, v0  }
0x4b4: {  	vm4 =	vgt.f32 v3, v2  }
0x4b5: {  	v2 =	vsel vm4, v3, v2;
	v1 =	vsel vm4, v4, v1  }
0x4b6: {  	(xrf1) =	vsort.ascd.msk.f32 $0xffff, v2, v1;
	_ =	sdelay $0xa  }
.Ltmp12:
0x4b7: {  	(pc) =	sbr.rel @p1 .LBB2_21-.Ltmp12, $3  }
0x4b8: {  	_ =	sdelay $0x1  }
0x4b9: {  	v2, v1, _ =	vpop (xrf1)  }
0x4ba: {  	s6 =	sshra.s32 s0, $0x2;
	s0 =	sadd.s32 $0x40, s0;
	[tilespmem:$0x11400] =	vst v2  }
0x4bb: {  	v3 =	vld [tilespmem:s6+$0x11980]  }
0x4bc: {  	v4 =	vld [tilespmem:s6+$0x11A80];
	_ =	sdelay $0x3  }
0x4bd: {  	v3 =	vperm.xlane v3, v0  }
0x4be: {  	v4 =	vperm.xlane v4, v0  }
0x4bf: {  	vm4 =	vgt.f32 v3, v2  }
0x4c0: {  	v2 =	vsel vm4, v3, v2;
	v1 =	vsel vm4, v4, v1  }
0x4c1: {  	(xrf1) =	vsort.ascd.msk.f32 $0xffff, v2, v1;
	_ =	sdelay $0xb  }
0x4c2: {  	v62 =	vmul.u32 $0x8, v7;
	_ =	sdelay $0x1  }
0x4c3: {  	v2, v3, _ =	vpop (xrf1)  }
0x4c4: {  	v63 =	vperm.xlane v3, v0  }
0x4c5: {  	[tilespmem:$0x11400] =	vst v2  }
0x4c6: {  	s0 =	simm.s32 $0x11C00;
	[tilespmem:$0x11B80] =	vst v63  }
0x4c7: {  	s24 =	rddreg [dreg:$0x8];
	[tilespmem:v62+s0+$0x0] =	vst.idx.msk $0xffff, v63  }
0x4c8: {  	v0 =	vld.msk [tilespmem:s24+$0x0], $0x1;
	_ =	sdelay $0x4  }
0x4c9: {  	v0 =	vshll.u32 v0, $0xD  }
0x4ca: {  	v0 =	vperm.xlane v0, v7;
	_ =	sdelay $0x4  }
0x4cb: {  	s25 =	rddreg [dreg:$0x2];
	s1 =	simm.s32 $0x11C80  }
0x4cc: {  	[tilespmem:s1], [sflag:$0x5] =	stream.indirect_vreg.gather [hbm4b:s25+s7], $0x2000, v0, vm0, $0x200038;
	[tilespmem:$0x13CB0] =	vst v63  }
0x4cd: {  	_ =	swait.ge [sflag:s5], $0x2000  }
0x4ce: {  	[sflag:s5] =	ssyncset.done $0x0  }
0x4cf: {  	[sflag:s5] =	ssyncadd.s32 $0xFFFFE000  }
0x4d0: {  	[hbm4b:s18+s7] =	stream.linear.scatter [tilespmem:s1], [sflag:$0x6], $0x2000, $0x200038;
	[tilespmem:$0x13CB0] =	vst v63  }
.Ltmp13:
0x4d1: {  	_ = 	snop;
	(pc) =	sbr.rel .LBB2_23-.Ltmp13, $4  }
0x4d2: {  	_ =	swait.ge [sflag:s20], $0x2000  }
0x4d3: {  	[sflag:s20] =	ssyncset.done $0x0  }
0x4d4: {  	[sflag:s20] =	ssyncadd.s32 $0xFFFFE000  }
0x4d5: {  	_ =	strace $0x9000004C  }
.LBB2_24:
0x4d6: {  	_ =	sfence.sel $0x180000  }
0x4d7: {  	[bflag:$0x0] =	sbarrier.arrive $0xFFFF  }
0x4d8: {  	_ =	strace $0x90000047  }
0x4d9: {  	s0 =	stileid.u32;
	[bflag:$0x2] =	sbarrier.arrive $0xFFFF  }
0x4da: {  	p0 =	sne.s32 s0, $0x0;
	s0 =	rddreg [dreg:$0x7]  }
0x4db: {  	s0 =	sadd.s32 @!p0 $0x100000, s0  }
0x4dc: {  	[sflag:s0] =	ssyncadd.tile.s32 @!p0 $0x1;
	_ =	shalt  }
.Lfunc_end2:
_tile_overlayer_lowered:
.L_overlay_start_2:
0x4dd: {  	(tag) =	ssettag $0x2  }
0x4de: {  	s0 =	rddreg [dreg:$0x0];
	s2 =	stileid.u32  }
0x4df: {  	s1 =	rddreg [dreg:$0x1];
	p0 =	sne.s32 s2, $0x0  }
0x4e0: {  	s3 =	rddreg [dreg:$0x2];
	[bflag:$0x3] =	sbarrier.arrive $0xFFFF;
	s2 =	simm.s32 @!p0 $0x1C06  }
0x4e1: {  	[timem:s3], [sflag:s2] =	dma.local @!p0 [hbm:s0], s1  }
0x4e2: {  	s0 =	simm.s32 @!p0 $0x6  }
0x4e3: {  	_ =	swait.ge @!p0 [sflag:s0], s1  }
0x4e4: {  	s1 =	ssub.s32 @!p0 $0x0, s1;
	[sflag:s0] =	ssyncset.done @!p0 $0x0  }
0x4e5: {  	[sflag:s0] =	ssyncadd.s32 @!p0 s1  }
0x4e6: {  	[bflag:$0x3] =	sbarrier.arrive $0xFFFF  }
0x4e7: {  	_ =	shalt  }

</sc_bundles>
